<compile_context>
chip_gen: v7x
topology: tpu7x:2x2x1
jax: 0.10.2.dev20260603
libtpu: 0.0.44.dev20260713+nightly
codegen_flags: <defaults>
</compile_context>

<pallas_src>
import jax
import jax.numpy as jnp
from jax import lax
from jax.experimental import pallas as pl
from jax.experimental.pallas import tpu as pltpu
from jax.experimental.pallas import tpu_sc as plsc

_E = 320000
_D = 128
_DE = 16
_DOUT = 2 * _D + _DE
_B = 80
_NBUF = 4
_NW = 32
_EB = 2560
_UNITS = (2, 25, 32, 32, 32, 2)


def _gather_body(e_off, units, table_hbm, src_hbm, dst_hbm, a_hbm, b_hbm, *scratch):
    sidx = scratch[0:_NBUF]
    didx = scratch[_NBUF:2 * _NBUF]
    srows = scratch[2 * _NBUF:3 * _NBUF]
    drows = scratch[3 * _NBUF:4 * _NBUF]
    semi = scratch[4 * _NBUF:5 * _NBUF]
    semg = scratch[5 * _NBUF:6 * _NBUF]
    semw = scratch[6 * _NBUF:7 * _NBUF]

    wid = lax.axis_index("s") * 2 + lax.axis_index("c")
    nchunks = units
    nouter = nchunks // _NBUF
    start = wid * nchunks
    src_off = e_off

    def drain_writes(b):
        pltpu.make_async_copy(srows[b], a_hbm.at[pl.ds(start * _B, _B)], semw[b]).wait()
        pltpu.make_async_copy(drows[b], b_hbm.at[pl.ds(start * _B, _B)], semw[b]).wait()

    def outer(j, carry):
        def base(b):
            return (start + j * _NBUF + b) * _B

        ins = []
        for b in range(_NBUF):
            c0 = pltpu.async_copy(src_hbm.at[pl.ds(src_off + base(b), _B)], sidx[b], semi[b])
            c1 = pltpu.async_copy(dst_hbm.at[pl.ds(src_off + base(b), _B)], didx[b], semi[b])
            ins.append((c0, c1))
        gat = []
        for b in range(_NBUF):
            @pl.when(j > 0)
            def _retire(b=b):
                drain_writes(b)

            for c in ins[b]:
                c.wait()
            g0 = pltpu.async_copy(table_hbm.at[sidx[b]], srows[b], semg[b])
            g1 = pltpu.async_copy(table_hbm.at[didx[b]], drows[b], semg[b])
            gat.append((g0, g1))
        for b in range(_NBUF):
            for g in gat[b]:
                g.wait()
            pltpu.async_copy(srows[b], a_hbm.at[pl.ds(base(b), _B)], semw[b])
            pltpu.async_copy(drows[b], b_hbm.at[pl.ds(base(b), _B)], semw[b])
        return carry

    lax.fori_loop(0, nouter, outer, 0)

    if nouter > 0:
        for b in range(_NBUF):
            drain_writes(b)

    for t in range(nouter * _NBUF, nchunks):
        tb = (start + t) * _B
        pltpu.sync_copy(src_hbm.at[pl.ds(src_off + tb, _B)], sidx[0])
        pltpu.sync_copy(dst_hbm.at[pl.ds(src_off + tb, _B)], didx[0])
        pltpu.async_copy(table_hbm.at[sidx[0]], srows[0], semg[0]).wait()
        pltpu.async_copy(table_hbm.at[didx[0]], drows[0], semg[0]).wait()
        pltpu.sync_copy(srows[0], a_hbm.at[pl.ds(tb, _B)])
        pltpu.sync_copy(drows[0], b_hbm.at[pl.ds(tb, _B)])


def _sc_gather_slice(slice_idx, e_off, units, hidden_states_in, src, dst):
    mesh = plsc.VectorSubcoreMesh(core_axis_name="c", subcore_axis_name="s")
    scratch = (
        [pltpu.VMEM((_B,), jnp.int32) for _ in range(_NBUF)]
        + [pltpu.VMEM((_B,), jnp.int32) for _ in range(_NBUF)]
        + [pltpu.VMEM((_B, _D), jnp.float32) for _ in range(_NBUF)]
        + [pltpu.VMEM((_B, _D), jnp.float32) for _ in range(_NBUF)]
        + [pltpu.SemaphoreType.DMA for _ in range(3 * _NBUF)]
    )
    es = units * _EB
    f = pl.kernel(
        lambda *args: _gather_body(e_off, units, *args),
        out_type=(
            jax.ShapeDtypeStruct((es, _D), jnp.float32),
            jax.ShapeDtypeStruct((es, _D), jnp.float32),
        ),
        mesh=mesh,
        scratch_types=scratch,
        name=f"sc_gather_s{slice_idx}",
    )
    return f(hidden_states_in, src, dst)


def _assemble_body(a_ref, b_ref, eft_ref, out_ref):
    out_ref[pl.ds(0, _D), :] = jnp.transpose(a_ref[...])
    out_ref[pl.ds(_D, _D), :] = jnp.transpose(b_ref[...])
    out_ref[pl.ds(2 * _D, _DE), :] = eft_ref[...]


def _assemble_body_aliased(tt_ref, a_ref, b_ref, eft_ref, out_ref):
    del tt_ref
    _assemble_body(a_ref, b_ref, eft_ref, out_ref)


def _tc_assemble_slice(slice_idx, u_off, units, tt, a, b, eft):
    nblk = units
    data_specs = [
        pl.BlockSpec((_EB, _D), lambda i: (i, 0)),
        pl.BlockSpec((_EB, _D), lambda i: (i, 0)),
        pl.BlockSpec((_DE, _EB), lambda i, u=u_off: (0, u + i)),
    ]
    common = dict(
        grid=(nblk,),
        out_specs=pl.BlockSpec((_DOUT, _EB), lambda i, u=u_off: (0, u + i)),
        out_shape=jax.ShapeDtypeStruct((_DOUT, _E), jnp.float32),
        name=f"tc_assemble_s{slice_idx}",
    )
    if tt is None:
        return pl.pallas_call(_assemble_body, in_specs=data_specs, **common)(a, b, eft)
    return pl.pallas_call(
        _assemble_body_aliased,
        in_specs=[pl.BlockSpec(memory_space=pl.ANY)] + data_specs,
        input_output_aliases={0: 0},
        **common,
    )(tt, a, b, eft)


def kernel(hidden_states_in, edges, edge_features):
    edges32 = edges.astype(jnp.int32)
    src = edges32[:, 0]
    dst = edges32[:, 1]
    eft = edge_features.T
    offs = []
    u0 = 0
    for u in _UNITS:
        offs.append(u0)
        u0 += u
    parts = [
        _sc_gather_slice(s, offs[s] * _EB, _UNITS[s], hidden_states_in, src, dst)
        for s in range(len(_UNITS))
    ]
    tt = None
    for s, (a, b) in enumerate(parts):
        tt = _tc_assemble_slice(s, offs[s], _UNITS[s], tt, a, b, eft)
    return tt.T

# --- scband reference (transcript-rebuilt; emitter-appended) ---
"""Pipeline reference for scband-message-passing-70892730188383 (READ-ONLY COPY).

The authoritative reference and input builder live on the scoring server;
editing this copy changes nothing except your own understanding.
"""

import jax, jax.numpy as jnp
import numpy as np

N_NODES = 10000
N_EDGES = 320000
D_FEAT = 128
D_EDGE = 16

def setup_inputs(seed: int = 0) -> dict:
    key = jax.random.key(seed)
    k1, k2, k3 = jax.random.split(key, 3)
    hidden_states_in = jax.random.normal(k1, (N_NODES, D_FEAT), dtype=jnp.float32)
    edges = jax.random.randint(k2, (N_EDGES, 2), 0, N_NODES, dtype=jnp.int64)
    edge_features = jax.random.normal(k3, (N_EDGES, D_EDGE), dtype=jnp.float32)
    return {"hidden_states_in": hidden_states_in, "edges": edges, "edge_features": edge_features}

def reference(hidden_states_in, edges, edge_features):
    # tf.gather(hidden_states_in, edges): [E, 2, d_feat]
    features = jnp.take(hidden_states_in, edges, axis=0)
    # reshape to [E, 2*d_feat]
    features = jnp.reshape(features, (-1, 2 * D_FEAT))
    # concat edge features -> [E, 2*d_feat + d_edge]
    features = jnp.concatenate([features, edge_features], axis=1)
    # edge_function is identity in the base class
    return features

if __name__ == "__main__":
    import jax
    _d = setup_inputs()
    print(jax.jit(kernel)(*tuple(_d.values())))

</pallas_src>

<mosaic_0001>
#map = affine_map<(d0, d1) -> (0, 0)>
#map1 = affine_map<(d0, d1) -> (0)>
module attributes {stable_mosaic.version = 14 : i64} {
  func.func @sc_gather_s2(%arg0: i32, %arg1: i32, %arg2: memref<10000x128xf32, #tpu.memory_space<hbm>>, %arg3: memref<320000xi32, #tpu.memory_space<hbm>>, %arg4: memref<320000xi32, #tpu.memory_space<hbm>>, %arg5: memref<81920x128xf32, #tpu.memory_space<hbm>>, %arg6: memref<81920x128xf32, #tpu.memory_space<hbm>>, %arg7: memref<80xi32, #tpu.memory_space<vmem>>, %arg8: memref<80xi32, #tpu.memory_space<vmem>>, %arg9: memref<80xi32, #tpu.memory_space<vmem>>, %arg10: memref<80xi32, #tpu.memory_space<vmem>>, %arg11: memref<80xi32, #tpu.memory_space<vmem>>, %arg12: memref<80xi32, #tpu.memory_space<vmem>>, %arg13: memref<80xi32, #tpu.memory_space<vmem>>, %arg14: memref<80xi32, #tpu.memory_space<vmem>>, %arg15: memref<80x128xf32, #tpu.memory_space<vmem>>, %arg16: memref<80x128xf32, #tpu.memory_space<vmem>>, %arg17: memref<80x128xf32, #tpu.memory_space<vmem>>, %arg18: memref<80x128xf32, #tpu.memory_space<vmem>>, %arg19: memref<80x128xf32, #tpu.memory_space<vmem>>, %arg20: memref<80x128xf32, #tpu.memory_space<vmem>>, %arg21: memref<80x128xf32, #tpu.memory_space<vmem>>, %arg22: memref<80x128xf32, #tpu.memory_space<vmem>>, %arg23: memref<!tpu.dma_semaphore, #tpu.memory_space<semaphore_mem>>, %arg24: memref<!tpu.dma_semaphore, #tpu.memory_space<semaphore_mem>>, %arg25: memref<!tpu.dma_semaphore, #tpu.memory_space<semaphore_mem>>, %arg26: memref<!tpu.dma_semaphore, #tpu.memory_space<semaphore_mem>>, %arg27: memref<!tpu.dma_semaphore, #tpu.memory_space<semaphore_mem>>, %arg28: memref<!tpu.dma_semaphore, #tpu.memory_space<semaphore_mem>>, %arg29: memref<!tpu.dma_semaphore, #tpu.memory_space<semaphore_mem>>, %arg30: memref<!tpu.dma_semaphore, #tpu.memory_space<semaphore_mem>>, %arg31: memref<!tpu.dma_semaphore, #tpu.memory_space<semaphore_mem>>, %arg32: memref<!tpu.dma_semaphore, #tpu.memory_space<semaphore_mem>>, %arg33: memref<!tpu.dma_semaphore, #tpu.memory_space<semaphore_mem>>, %arg34: memref<!tpu.dma_semaphore, #tpu.memory_space<semaphore_mem>>) attributes {dimension_semantics = [#tpu.dimension_semantics<core_parallel>, #tpu.dimension_semantics<subcore_parallel>], iteration_bounds = array<i64: 2, 16>, scalar_prefetch = 0 : i64, scratch_operands = 28 : i64, tpu.core_type = #tpu.core_type<sc_vector_subcore>, window_params = [{transform_indices = #map}, {transform_indices = #map1}, {transform_indices = #map1}, {transform_indices = #map}, {transform_indices = #map}]} {
    %mul3A = arith.constant 2 : i32
    %mul3A_0 = arith.muli %arg1, %mul3A : i32
    %add3A = arith.addi %mul3A_0, %arg0 : i32
    %mul3A_1 = arith.constant 32 : i32
    %mul3A_2 = arith.muli %add3A, %mul3A_1 : i32
    %scan3A = arith.constant 0 : i32
    %scan3A_3 = arith.constant 0 : i32
    %scan3A_4 = arith.constant 8 : i32
    %scan3A_5 = arith.addi %scan3A_3, %scan3A_4 : i32
    %scan3A_6 = arith.constant 1 : i32
    scf.for %scan3A_55 = %scan3A_3 to %scan3A_5 step %scan3A_6  : i32 {
      %mul3A_56 = arith.constant 4 : i32
      %mul3A_57 = arith.muli %scan3A_55, %mul3A_56 : i32
      %add3A_58 = arith.addi %mul3A_2, %mul3A_57 : i32
      %add3A_59 = arith.constant 0 : i32
      %add3A_60 = arith.addi %add3A_58, %add3A_59 : i32
      %mul3A_61 = arith.constant 80 : i32
      %mul3A_62 = arith.muli %add3A_60, %mul3A_61 : i32
      %add3A_63 = arith.constant 69120 : i32
      %add3A_64 = arith.addi %add3A_63, %mul3A_62 : i32
      %dma_start3A = tpu.memref_slice %arg3[%add3A_64] : memref<320000xi32, #tpu.memory_space<hbm>> -> memref<80xi32, #tpu.memory_space<hbm>>
      %dma_start3A_65 = tpu.memref_slice %arg3[%add3A_64] : memref<320000xi32, #tpu.memory_space<hbm>> -> memref<80xi32, #tpu.memory_space<hbm>>
      tpu.enqueue_dma source(%dma_start3A_65 : memref<80xi32, #tpu.memory_space<hbm>>) target(%arg7 : memref<80xi32, #tpu.memory_space<vmem>>) target_semaphore(%arg23 : memref<!tpu.dma_semaphore, #tpu.memory_space<semaphore_mem>>)
      %mul3A_66 = arith.constant 4 : i32
      %mul3A_67 = arith.muli %scan3A_55, %mul3A_66 : i32
      %add3A_68 = arith.addi %mul3A_2, %mul3A_67 : i32
      %add3A_69 = arith.constant 0 : i32
      %add3A_70 = arith.addi %add3A_68, %add3A_69 : i32
      %mul3A_71 = arith.constant 80 : i32
      %mul3A_72 = arith.muli %add3A_70, %mul3A_71 : i32
      %add3A_73 = arith.constant 69120 : i32
      %add3A_74 = arith.addi %add3A_73, %mul3A_72 : i32
      %dma_start3A_75 = tpu.memref_slice %arg4[%add3A_74] : memref<320000xi32, #tpu.memory_space<hbm>> -> memref<80xi32, #tpu.memory_space<hbm>>
      %dma_start3A_76 = tpu.memref_slice %arg4[%add3A_74] : memref<320000xi32, #tpu.memory_space<hbm>> -> memref<80xi32, #tpu.memory_space<hbm>>
      tpu.enqueue_dma source(%dma_start3A_76 : memref<80xi32, #tpu.memory_space<hbm>>) target(%arg11 : memref<80xi32, #tpu.memory_space<vmem>>) target_semaphore(%arg23 : memref<!tpu.dma_semaphore, #tpu.memory_space<semaphore_mem>>)
      %mul3A_77 = arith.constant 4 : i32
      %mul3A_78 = arith.muli %scan3A_55, %mul3A_77 : i32
      %add3A_79 = arith.addi %mul3A_2, %mul3A_78 : i32
      %add3A_80 = arith.constant 1 : i32
      %add3A_81 = arith.addi %add3A_79, %add3A_80 : i32
      %mul3A_82 = arith.constant 80 : i32
      %mul3A_83 = arith.muli %add3A_81, %mul3A_82 : i32
      %add3A_84 = arith.constant 69120 : i32
      %add3A_85 = arith.addi %add3A_84, %mul3A_83 : i32
      %dma_start3A_86 = tpu.memref_slice %arg3[%add3A_85] : memref<320000xi32, #tpu.memory_space<hbm>> -> memref<80xi32, #tpu.memory_space<hbm>>
      %dma_start3A_87 = tpu.memref_slice %arg3[%add3A_85] : memref<320000xi32, #tpu.memory_space<hbm>> -> memref<80xi32, #tpu.memory_space<hbm>>
      tpu.enqueue_dma source(%dma_start3A_87 : memref<80xi32, #tpu.memory_space<hbm>>) target(%arg8 : memref<80xi32, #tpu.memory_space<vmem>>) target_semaphore(%arg24 : memref<!tpu.dma_semaphore, #tpu.memory_space<semaphore_mem>>)
      %mul3A_88 = arith.constant 4 : i32
      %mul3A_89 = arith.muli %scan3A_55, %mul3A_88 : i32
      %add3A_90 = arith.addi %mul3A_2, %mul3A_89 : i32
      %add3A_91 = arith.constant 1 : i32
      %add3A_92 = arith.addi %add3A_90, %add3A_91 : i32
      %mul3A_93 = arith.constant 80 : i32
      %mul3A_94 = arith.muli %add3A_92, %mul3A_93 : i32
      %add3A_95 = arith.constant 69120 : i32
      %add3A_96 = arith.addi %add3A_95, %mul3A_94 : i32
      %dma_start3A_97 = tpu.memref_slice %arg4[%add3A_96] : memref<320000xi32, #tpu.memory_space<hbm>> -> memref<80xi32, #tpu.memory_space<hbm>>
      %dma_start3A_98 = tpu.memref_slice %arg4[%add3A_96] : memref<320000xi32, #tpu.memory_space<hbm>> -> memref<80xi32, #tpu.memory_space<hbm>>
      tpu.enqueue_dma source(%dma_start3A_98 : memref<80xi32, #tpu.memory_space<hbm>>) target(%arg12 : memref<80xi32, #tpu.memory_space<vmem>>) target_semaphore(%arg24 : memref<!tpu.dma_semaphore, #tpu.memory_space<semaphore_mem>>)
      %mul3A_99 = arith.constant 4 : i32
      %mul3A_100 = arith.muli %scan3A_55, %mul3A_99 : i32
      %add3A_101 = arith.addi %mul3A_2, %mul3A_100 : i32
      %add3A_102 = arith.constant 2 : i32
      %add3A_103 = arith.addi %add3A_101, %add3A_102 : i32
      %mul3A_104 = arith.constant 80 : i32
      %mul3A_105 = arith.muli %add3A_103, %mul3A_104 : i32
      %add3A_106 = arith.constant 69120 : i32
      %add3A_107 = arith.addi %add3A_106, %mul3A_105 : i32
      %dma_start3A_108 = tpu.memref_slice %arg3[%add3A_107] : memref<320000xi32, #tpu.memory_space<hbm>> -> memref<80xi32, #tpu.memory_space<hbm>>
      %dma_start3A_109 = tpu.memref_slice %arg3[%add3A_107] : memref<320000xi32, #tpu.memory_space<hbm>> -> memref<80xi32, #tpu.memory_space<hbm>>
      tpu.enqueue_dma source(%dma_start3A_109 : memref<80xi32, #tpu.memory_space<hbm>>) target(%arg9 : memref<80xi32, #tpu.memory_space<vmem>>) target_semaphore(%arg25 : memref<!tpu.dma_semaphore, #tpu.memory_space<semaphore_mem>>)
      %mul3A_110 = arith.constant 4 : i32
      %mul3A_111 = arith.muli %scan3A_55, %mul3A_110 : i32
      %add3A_112 = arith.addi %mul3A_2, %mul3A_111 : i32
      %add3A_113 = arith.constant 2 : i32
      %add3A_114 = arith.addi %add3A_112, %add3A_113 : i32
      %mul3A_115 = arith.constant 80 : i32
      %mul3A_116 = arith.muli %add3A_114, %mul3A_115 : i32
      %add3A_117 = arith.constant 69120 : i32
      %add3A_118 = arith.addi %add3A_117, %mul3A_116 : i32
      %dma_start3A_119 = tpu.memref_slice %arg4[%add3A_118] : memref<320000xi32, #tpu.memory_space<hbm>> -> memref<80xi32, #tpu.memory_space<hbm>>
      %dma_start3A_120 = tpu.memref_slice %arg4[%add3A_118] : memref<320000xi32, #tpu.memory_space<hbm>> -> memref<80xi32, #tpu.memory_space<hbm>>
      tpu.enqueue_dma source(%dma_start3A_120 : memref<80xi32, #tpu.memory_space<hbm>>) target(%arg13 : memref<80xi32, #tpu.memory_space<vmem>>) target_semaphore(%arg25 : memref<!tpu.dma_semaphore, #tpu.memory_space<semaphore_mem>>)
      %mul3A_121 = arith.constant 4 : i32
      %mul3A_122 = arith.muli %scan3A_55, %mul3A_121 : i32
      %add3A_123 = arith.addi %mul3A_2, %mul3A_122 : i32
      %add3A_124 = arith.constant 3 : i32
      %add3A_125 = arith.addi %add3A_123, %add3A_124 : i32
      %mul3A_126 = arith.constant 80 : i32
      %mul3A_127 = arith.muli %add3A_125, %mul3A_126 : i32
      %add3A_128 = arith.constant 69120 : i32
      %add3A_129 = arith.addi %add3A_128, %mul3A_127 : i32
      %dma_start3A_130 = tpu.memref_slice %arg3[%add3A_129] : memref<320000xi32, #tpu.memory_space<hbm>> -> memref<80xi32, #tpu.memory_space<hbm>>
      %dma_start3A_131 = tpu.memref_slice %arg3[%add3A_129] : memref<320000xi32, #tpu.memory_space<hbm>> -> memref<80xi32, #tpu.memory_space<hbm>>
      tpu.enqueue_dma source(%dma_start3A_131 : memref<80xi32, #tpu.memory_space<hbm>>) target(%arg10 : memref<80xi32, #tpu.memory_space<vmem>>) target_semaphore(%arg26 : memref<!tpu.dma_semaphore, #tpu.memory_space<semaphore_mem>>)
      %mul3A_132 = arith.constant 4 : i32
      %mul3A_133 = arith.muli %scan3A_55, %mul3A_132 : i32
      %add3A_134 = arith.addi %mul3A_2, %mul3A_133 : i32
      %add3A_135 = arith.constant 3 : i32
      %add3A_136 = arith.addi %add3A_134, %add3A_135 : i32
      %mul3A_137 = arith.constant 80 : i32
      %mul3A_138 = arith.muli %add3A_136, %mul3A_137 : i32
      %add3A_139 = arith.constant 69120 : i32
      %add3A_140 = arith.addi %add3A_139, %mul3A_138 : i32
      %dma_start3A_141 = tpu.memref_slice %arg4[%add3A_140] : memref<320000xi32, #tpu.memory_space<hbm>> -> memref<80xi32, #tpu.memory_space<hbm>>
      %dma_start3A_142 = tpu.memref_slice %arg4[%add3A_140] : memref<320000xi32, #tpu.memory_space<hbm>> -> memref<80xi32, #tpu.memory_space<hbm>>
      tpu.enqueue_dma source(%dma_start3A_142 : memref<80xi32, #tpu.memory_space<hbm>>) target(%arg14 : memref<80xi32, #tpu.memory_space<vmem>>) target_semaphore(%arg26 : memref<!tpu.dma_semaphore, #tpu.memory_space<semaphore_mem>>)
      %gt3A = arith.constant 0 : i32
      %gt3A_143 = arith.cmpi sgt, %scan3A_55, %gt3A : i32
      %convert_element_type3A = arith.extui %gt3A_143 : i1 to i32
      %cond3A = arith.constant 0 : i32
      %cond3A_144 = arith.cmpi ne, %convert_element_type3A, %cond3A : i32
      scf.if %cond3A_144 {
        %mul3A_312 = arith.constant 80 : i32
        %mul3A_313 = arith.muli %mul3A_2, %mul3A_312 : i32
        %dma_wait3A_314 = arith.constant 0 : i32
        %dma_wait3A_315 = tpu.memref_slice %arg5[%mul3A_313, %dma_wait3A_314] : memref<81920x128xf32, #tpu.memory_space<hbm>> -> memref<80x128xf32, #tpu.memory_space<hbm>>
        %dma_wait3A_316 = arith.constant 0 : i32
        %dma_wait3A_317 = tpu.memref_slice %arg5[%mul3A_313, %dma_wait3A_316] : memref<81920x128xf32, #tpu.memory_space<hbm>> -> memref<80x128xf32, #tpu.memory_space<hbm>>
        tpu.wait_dma2 semaphore(%arg31 : memref<!tpu.dma_semaphore, #tpu.memory_space<semaphore_mem>>) src(%arg15 : memref<80x128xf32, #tpu.memory_space<vmem>>) dst(%dma_wait3A_317 : memref<80x128xf32, #tpu.memory_space<hbm>>)
        %mul3A_318 = arith.constant 80 : i32
        %mul3A_319 = arith.muli %mul3A_2, %mul3A_318 : i32
        %dma_wait3A_320 = arith.constant 0 : i32
        %dma_wait3A_321 = tpu.memref_slice %arg6[%mul3A_319, %dma_wait3A_320] : memref<81920x128xf32, #tpu.memory_space<hbm>> -> memref<80x128xf32, #tpu.memory_space<hbm>>
        %dma_wait3A_322 = arith.constant 0 : i32
        %dma_wait3A_323 = tpu.memref_slice %arg6[%mul3A_319, %dma_wait3A_322] : memref<81920x128xf32, #tpu.memory_space<hbm>> -> memref<80x128xf32, #tpu.memory_space<hbm>>
        tpu.wait_dma2 semaphore(%arg31 : memref<!tpu.dma_semaphore, #tpu.memory_space<semaphore_mem>>) src(%arg19 : memref<80x128xf32, #tpu.memory_space<vmem>>) dst(%dma_wait3A_323 : memref<80x128xf32, #tpu.memory_space<hbm>>)
      } else {
      }
      %dma_wait3A_145 = tpu.memref_slice %arg3[%add3A_64] : memref<320000xi32, #tpu.memory_space<hbm>> -> memref<80xi32, #tpu.memory_space<hbm>>
      %dma_wait3A_146 = tpu.memref_slice %arg3[%add3A_64] : memref<320000xi32, #tpu.memory_space<hbm>> -> memref<80xi32, #tpu.memory_space<hbm>>
      tpu.wait_dma2 semaphore(%arg23 : memref<!tpu.dma_semaphore, #tpu.memory_space<semaphore_mem>>) src(%dma_wait3A_146 : memref<80xi32, #tpu.memory_space<hbm>>) dst(%arg7 : memref<80xi32, #tpu.memory_space<vmem>>)
      %dma_wait3A_147 = tpu.memref_slice %arg4[%add3A_74] : memref<320000xi32, #tpu.memory_space<hbm>> -> memref<80xi32, #tpu.memory_space<hbm>>
      %dma_wait3A_148 = tpu.memref_slice %arg4[%add3A_74] : memref<320000xi32, #tpu.memory_space<hbm>> -> memref<80xi32, #tpu.memory_space<hbm>>
      tpu.wait_dma2 semaphore(%arg23 : memref<!tpu.dma_semaphore, #tpu.memory_space<semaphore_mem>>) src(%dma_wait3A_148 : memref<80xi32, #tpu.memory_space<hbm>>) dst(%arg11 : memref<80xi32, #tpu.memory_space<vmem>>)
      %dma_start3A_149 = arith.constant 0 : i32
      %dma_start3A_150 = arith.constant 0 : i32
      %dma_start3A_151 = tpu.memref_slice %arg2[%dma_start3A_149, %dma_start3A_150] : memref<10000x128xf32, #tpu.memory_space<hbm>> -> memref<10000x128xf32, #tpu.memory_space<hbm>>
      tpu.enqueue_indirect_dma source(%dma_start3A_151 : memref<10000x128xf32, #tpu.memory_space<hbm>>) target(%arg15 : memref<80x128xf32, #tpu.memory_space<vmem>>) offsets(%arg7 : memref<80xi32, #tpu.memory_space<vmem>>) semaphore(%arg27 : memref<!tpu.dma_semaphore, #tpu.memory_space<semaphore_mem>>)
      %dma_start3A_152 = arith.constant 0 : i32
      %dma_start3A_153 = arith.constant 0 : i32
      %dma_start3A_154 = tpu.memref_slice %arg2[%dma_start3A_152, %dma_start3A_153] : memref<10000x128xf32, #tpu.memory_space<hbm>> -> memref<10000x128xf32, #tpu.memory_space<hbm>>
      tpu.enqueue_indirect_dma source(%dma_start3A_154 : memref<10000x128xf32, #tpu.memory_space<hbm>>) target(%arg19 : memref<80x128xf32, #tpu.memory_space<vmem>>) offsets(%arg11 : memref<80xi32, #tpu.memory_space<vmem>>) semaphore(%arg27 : memref<!tpu.dma_semaphore, #tpu.memory_space<semaphore_mem>>)
      %gt3A_155 = arith.constant 0 : i32
      %gt3A_156 = arith.cmpi sgt, %scan3A_55, %gt3A_155 : i32
      %convert_element_type3A_157 = arith.extui %gt3A_156 : i1 to i32
      %cond3A_158 = arith.constant 0 : i32
      %cond3A_159 = arith.cmpi ne, %convert_element_type3A_157, %cond3A_158 : i32
      scf.if %cond3A_159 {
        %mul3A_312 = arith.constant 80 : i32
        %mul3A_313 = arith.muli %mul3A_2, %mul3A_312 : i32
        %dma_wait3A_314 = arith.constant 0 : i32
        %dma_wait3A_315 = tpu.memref_slice %arg5[%mul3A_313, %dma_wait3A_314] : memref<81920x128xf32, #tpu.memory_space<hbm>> -> memref<80x128xf32, #tpu.memory_space<hbm>>
        %dma_wait3A_316 = arith.constant 0 : i32
        %dma_wait3A_317 = tpu.memref_slice %arg5[%mul3A_313, %dma_wait3A_316] : memref<81920x128xf32, #tpu.memory_space<hbm>> -> memref<80x128xf32, #tpu.memory_space<hbm>>
        tpu.wait_dma2 semaphore(%arg32 : memref<!tpu.dma_semaphore, #tpu.memory_space<semaphore_mem>>) src(%arg16 : memref<80x128xf32, #tpu.memory_space<vmem>>) dst(%dma_wait3A_317 : memref<80x128xf32, #tpu.memory_space<hbm>>)
        %mul3A_318 = arith.constant 80 : i32
        %mul3A_319 = arith.muli %mul3A_2, %mul3A_318 : i32
        %dma_wait3A_320 = arith.constant 0 : i32
        %dma_wait3A_321 = tpu.memref_slice %arg6[%mul3A_319, %dma_wait3A_320] : memref<81920x128xf32, #tpu.memory_space<hbm>> -> memref<80x128xf32, #tpu.memory_space<hbm>>
        %dma_wait3A_322 = arith.constant 0 : i32
        %dma_wait3A_323 = tpu.memref_slice %arg6[%mul3A_319, %dma_wait3A_322] : memref<81920x128xf32, #tpu.memory_space<hbm>> -> memref<80x128xf32, #tpu.memory_space<hbm>>
        tpu.wait_dma2 semaphore(%arg32 : memref<!tpu.dma_semaphore, #tpu.memory_space<semaphore_mem>>) src(%arg20 : memref<80x128xf32, #tpu.memory_space<vmem>>) dst(%dma_wait3A_323 : memref<80x128xf32, #tpu.memory_space<hbm>>)
      } else {
      }
      %dma_wait3A_160 = tpu.memref_slice %arg3[%add3A_85] : memref<320000xi32, #tpu.memory_space<hbm>> -> memref<80xi32, #tpu.memory_space<hbm>>
      %dma_wait3A_161 = tpu.memref_slice %arg3[%add3A_85] : memref<320000xi32, #tpu.memory_space<hbm>> -> memref<80xi32, #tpu.memory_space<hbm>>
      tpu.wait_dma2 semaphore(%arg24 : memref<!tpu.dma_semaphore, #tpu.memory_space<semaphore_mem>>) src(%dma_wait3A_161 : memref<80xi32, #tpu.memory_space<hbm>>) dst(%arg8 : memref<80xi32, #tpu.memory_space<vmem>>)
      %dma_wait3A_162 = tpu.memref_slice %arg4[%add3A_96] : memref<320000xi32, #tpu.memory_space<hbm>> -> memref<80xi32, #tpu.memory_space<hbm>>
      %dma_wait3A_163 = tpu.memref_slice %arg4[%add3A_96] : memref<320000xi32, #tpu.memory_space<hbm>> -> memref<80xi32, #tpu.memory_space<hbm>>
      tpu.wait_dma2 semaphore(%arg24 : memref<!tpu.dma_semaphore, #tpu.memory_space<semaphore_mem>>) src(%dma_wait3A_163 : memref<80xi32, #tpu.memory_space<hbm>>) dst(%arg12 : memref<80xi32, #tpu.memory_space<vmem>>)
      %dma_start3A_164 = arith.constant 0 : i32
      %dma_start3A_165 = arith.constant 0 : i32
      %dma_start3A_166 = tpu.memref_slice %arg2[%dma_start3A_164, %dma_start3A_165] : memref<10000x128xf32, #tpu.memory_space<hbm>> -> memref<10000x128xf32, #tpu.memory_space<hbm>>
      tpu.enqueue_indirect_dma source(%dma_start3A_166 : memref<10000x128xf32, #tpu.memory_space<hbm>>) target(%arg16 : memref<80x128xf32, #tpu.memory_space<vmem>>) offsets(%arg8 : memref<80xi32, #tpu.memory_space<vmem>>) semaphore(%arg28 : memref<!tpu.dma_semaphore, #tpu.memory_space<semaphore_mem>>)
      %dma_start3A_167 = arith.constant 0 : i32
      %dma_start3A_168 = arith.constant 0 : i32
      %dma_start3A_169 = tpu.memref_slice %arg2[%dma_start3A_167, %dma_start3A_168] : memref<10000x128xf32, #tpu.memory_space<hbm>> -> memref<10000x128xf32, #tpu.memory_space<hbm>>
      tpu.enqueue_indirect_dma source(%dma_start3A_169 : memref<10000x128xf32, #tpu.memory_space<hbm>>) target(%arg20 : memref<80x128xf32, #tpu.memory_space<vmem>>) offsets(%arg12 : memref<80xi32, #tpu.memory_space<vmem>>) semaphore(%arg28 : memref<!tpu.dma_semaphore, #tpu.memory_space<semaphore_mem>>)
      %gt3A_170 = arith.constant 0 : i32
      %gt3A_171 = arith.cmpi sgt, %scan3A_55, %gt3A_170 : i32
      %convert_element_type3A_172 = arith.extui %gt3A_171 : i1 to i32
      %cond3A_173 = arith.constant 0 : i32
      %cond3A_174 = arith.cmpi ne, %convert_element_type3A_172, %cond3A_173 : i32
      scf.if %cond3A_174 {
        %mul3A_312 = arith.constant 80 : i32
        %mul3A_313 = arith.muli %mul3A_2, %mul3A_312 : i32
        %dma_wait3A_314 = arith.constant 0 : i32
        %dma_wait3A_315 = tpu.memref_slice %arg5[%mul3A_313, %dma_wait3A_314] : memref<81920x128xf32, #tpu.memory_space<hbm>> -> memref<80x128xf32, #tpu.memory_space<hbm>>
        %dma_wait3A_316 = arith.constant 0 : i32
        %dma_wait3A_317 = tpu.memref_slice %arg5[%mul3A_313, %dma_wait3A_316] : memref<81920x128xf32, #tpu.memory_space<hbm>> -> memref<80x128xf32, #tpu.memory_space<hbm>>
        tpu.wait_dma2 semaphore(%arg33 : memref<!tpu.dma_semaphore, #tpu.memory_space<semaphore_mem>>) src(%arg17 : memref<80x128xf32, #tpu.memory_space<vmem>>) dst(%dma_wait3A_317 : memref<80x128xf32, #tpu.memory_space<hbm>>)
        %mul3A_318 = arith.constant 80 : i32
        %mul3A_319 = arith.muli %mul3A_2, %mul3A_318 : i32
        %dma_wait3A_320 = arith.constant 0 : i32
        %dma_wait3A_321 = tpu.memref_slice %arg6[%mul3A_319, %dma_wait3A_320] : memref<81920x128xf32, #tpu.memory_space<hbm>> -> memref<80x128xf32, #tpu.memory_space<hbm>>
        %dma_wait3A_322 = arith.constant 0 : i32
        %dma_wait3A_323 = tpu.memref_slice %arg6[%mul3A_319, %dma_wait3A_322] : memref<81920x128xf32, #tpu.memory_space<hbm>> -> memref<80x128xf32, #tpu.memory_space<hbm>>
        tpu.wait_dma2 semaphore(%arg33 : memref<!tpu.dma_semaphore, #tpu.memory_space<semaphore_mem>>) src(%arg21 : memref<80x128xf32, #tpu.memory_space<vmem>>) dst(%dma_wait3A_323 : memref<80x128xf32, #tpu.memory_space<hbm>>)
      } else {
      }
      %dma_wait3A_175 = tpu.memref_slice %arg3[%add3A_107] : memref<320000xi32, #tpu.memory_space<hbm>> -> memref<80xi32, #tpu.memory_space<hbm>>
      %dma_wait3A_176 = tpu.memref_slice %arg3[%add3A_107] : memref<320000xi32, #tpu.memory_space<hbm>> -> memref<80xi32, #tpu.memory_space<hbm>>
      tpu.wait_dma2 semaphore(%arg25 : memref<!tpu.dma_semaphore, #tpu.memory_space<semaphore_mem>>) src(%dma_wait3A_176 : memref<80xi32, #tpu.memory_space<hbm>>) dst(%arg9 : memref<80xi32, #tpu.memory_space<vmem>>)
      %dma_wait3A_177 = tpu.memref_slice %arg4[%add3A_118] : memref<320000xi32, #tpu.memory_space<hbm>> -> memref<80xi32, #tpu.memory_space<hbm>>
      %dma_wait3A_178 = tpu.memref_slice %arg4[%add3A_118] : memref<320000xi32, #tpu.memory_space<hbm>> -> memref<80xi32, #tpu.memory_space<hbm>>
      tpu.wait_dma2 semaphore(%arg25 : memref<!tpu.dma_semaphore, #tpu.memory_space<semaphore_mem>>) src(%dma_wait3A_178 : memref<80xi32, #tpu.memory_space<hbm>>) dst(%arg13 : memref<80xi32, #tpu.memory_space<vmem>>)
      %dma_start3A_179 = arith.constant 0 : i32
      %dma_start3A_180 = arith.constant 0 : i32
      %dma_start3A_181 = tpu.memref_slice %arg2[%dma_start3A_179, %dma_start3A_180] : memref<10000x128xf32, #tpu.memory_space<hbm>> -> memref<10000x128xf32, #tpu.memory_space<hbm>>
      tpu.enqueue_indirect_dma source(%dma_start3A_181 : memref<10000x128xf32, #tpu.memory_space<hbm>>) target(%arg17 : memref<80x128xf32, #tpu.memory_space<vmem>>) offsets(%arg9 : memref<80xi32, #tpu.memory_space<vmem>>) semaphore(%arg29 : memref<!tpu.dma_semaphore, #tpu.memory_space<semaphore_mem>>)
      %dma_start3A_182 = arith.constant 0 : i32
      %dma_start3A_183 = arith.constant 0 : i32
      %dma_start3A_184 = tpu.memref_slice %arg2[%dma_start3A_182, %dma_start3A_183] : memref<10000x128xf32, #tpu.memory_space<hbm>> -> memref<10000x128xf32, #tpu.memory_space<hbm>>
      tpu.enqueue_indirect_dma source(%dma_start3A_184 : memref<10000x128xf32, #tpu.memory_space<hbm>>) target(%arg21 : memref<80x128xf32, #tpu.memory_space<vmem>>) offsets(%arg13 : memref<80xi32, #tpu.memory_space<vmem>>) semaphore(%arg29 : memref<!tpu.dma_semaphore, #tpu.memory_space<semaphore_mem>>)
      %gt3A_185 = arith.constant 0 : i32
      %gt3A_186 = arith.cmpi sgt, %scan3A_55, %gt3A_185 : i32
      %convert_element_type3A_187 = arith.extui %gt3A_186 : i1 to i32
      %cond3A_188 = arith.constant 0 : i32
      %cond3A_189 = arith.cmpi ne, %convert_element_type3A_187, %cond3A_188 : i32
      scf.if %cond3A_189 {
        %mul3A_312 = arith.constant 80 : i32
        %mul3A_313 = arith.muli %mul3A_2, %mul3A_312 : i32
        %dma_wait3A_314 = arith.constant 0 : i32
        %dma_wait3A_315 = tpu.memref_slice %arg5[%mul3A_313, %dma_wait3A_314] : memref<81920x128xf32, #tpu.memory_space<hbm>> -> memref<80x128xf32, #tpu.memory_space<hbm>>
        %dma_wait3A_316 = arith.constant 0 : i32
        %dma_wait3A_317 = tpu.memref_slice %arg5[%mul3A_313, %dma_wait3A_316] : memref<81920x128xf32, #tpu.memory_space<hbm>> -> memref<80x128xf32, #tpu.memory_space<hbm>>
        tpu.wait_dma2 semaphore(%arg34 : memref<!tpu.dma_semaphore, #tpu.memory_space<semaphore_mem>>) src(%arg18 : memref<80x128xf32, #tpu.memory_space<vmem>>) dst(%dma_wait3A_317 : memref<80x128xf32, #tpu.memory_space<hbm>>)
        %mul3A_318 = arith.constant 80 : i32
        %mul3A_319 = arith.muli %mul3A_2, %mul3A_318 : i32
        %dma_wait3A_320 = arith.constant 0 : i32
        %dma_wait3A_321 = tpu.memref_slice %arg6[%mul3A_319, %dma_wait3A_320] : memref<81920x128xf32, #tpu.memory_space<hbm>> -> memref<80x128xf32, #tpu.memory_space<hbm>>
        %dma_wait3A_322 = arith.constant 0 : i32
        %dma_wait3A_323 = tpu.memref_slice %arg6[%mul3A_319, %dma_wait3A_322] : memref<81920x128xf32, #tpu.memory_space<hbm>> -> memref<80x128xf32, #tpu.memory_space<hbm>>
        tpu.wait_dma2 semaphore(%arg34 : memref<!tpu.dma_semaphore, #tpu.memory_space<semaphore_mem>>) src(%arg22 : memref<80x128xf32, #tpu.memory_space<vmem>>) dst(%dma_wait3A_323 : memref<80x128xf32, #tpu.memory_space<hbm>>)
      } else {
      }
      %dma_wait3A_190 = tpu.memref_slice %arg3[%add3A_129] : memref<320000xi32, #tpu.memory_space<hbm>> -> memref<80xi32, #tpu.memory_space<hbm>>
      %dma_wait3A_191 = tpu.memref_slice %arg3[%add3A_129] : memref<320000xi32, #tpu.memory_space<hbm>> -> memref<80xi32, #tpu.memory_space<hbm>>
      tpu.wait_dma2 semaphore(%arg26 : memref<!tpu.dma_semaphore, #tpu.memory_space<semaphore_mem>>) src(%dma_wait3A_191 : memref<80xi32, #tpu.memory_space<hbm>>) dst(%arg10 : memref<80xi32, #tpu.memory_space<vmem>>)
      %dma_wait3A_192 = tpu.memref_slice %arg4[%add3A_140] : memref<320000xi32, #tpu.memory_space<hbm>> -> memref<80xi32, #tpu.memory_space<hbm>>
      %dma_wait3A_193 = tpu.memref_slice %arg4[%add3A_140] : memref<320000xi32, #tpu.memory_space<hbm>> -> memref<80xi32, #tpu.memory_space<hbm>>
      tpu.wait_dma2 semaphore(%arg26 : memref<!tpu.dma_semaphore, #tpu.memory_space<semaphore_mem>>) src(%dma_wait3A_193 : memref<80xi32, #tpu.memory_space<hbm>>) dst(%arg14 : memref<80xi32, #tpu.memory_space<vmem>>)
      %dma_start3A_194 = arith.constant 0 : i32
      %dma_start3A_195 = arith.constant 0 : i32
      %dma_start3A_196 = tpu.memref_slice %arg2[%dma_start3A_194, %dma_start3A_195] : memref<10000x128xf32, #tpu.memory_space<hbm>> -> memref<10000x128xf32, #tpu.memory_space<hbm>>
      tpu.enqueue_indirect_dma source(%dma_start3A_196 : memref<10000x128xf32, #tpu.memory_space<hbm>>) target(%arg18 : memref<80x128xf32, #tpu.memory_space<vmem>>) offsets(%arg10 : memref<80xi32, #tpu.memory_space<vmem>>) semaphore(%arg30 : memref<!tpu.dma_semaphore, #tpu.memory_space<semaphore_mem>>)
      %dma_start3A_197 = arith.constant 0 : i32
      %dma_start3A_198 = arith.constant 0 : i32
      %dma_start3A_199 = tpu.memref_slice %arg2[%dma_start3A_197, %dma_start3A_198] : memref<10000x128xf32, #tpu.memory_space<hbm>> -> memref<10000x128xf32, #tpu.memory_space<hbm>>
      tpu.enqueue_indirect_dma source(%dma_start3A_199 : memref<10000x128xf32, #tpu.memory_space<hbm>>) target(%arg22 : memref<80x128xf32, #tpu.memory_space<vmem>>) offsets(%arg14 : memref<80xi32, #tpu.memory_space<vmem>>) semaphore(%arg30 : memref<!tpu.dma_semaphore, #tpu.memory_space<semaphore_mem>>)
      %dma_wait3A_200 = arith.constant 0 : i32
      %dma_wait3A_201 = arith.constant 0 : i32
      %dma_wait3A_202 = tpu.memref_slice %arg2[%dma_wait3A_200, %dma_wait3A_201] : memref<10000x128xf32, #tpu.memory_space<hbm>> -> memref<10000x128xf32, #tpu.memory_space<hbm>>
      tpu.wait_indirect_dma semaphore(%arg27 : memref<!tpu.dma_semaphore, #tpu.memory_space<semaphore_mem>>) src(%dma_wait3A_202 : memref<10000x128xf32, #tpu.memory_space<hbm>>) dst(%arg15 : memref<80x128xf32, #tpu.memory_space<vmem>>)
      %dma_wait3A_203 = arith.constant 0 : i32
      %dma_wait3A_204 = arith.constant 0 : i32
      %dma_wait3A_205 = tpu.memref_slice %arg2[%dma_wait3A_203, %dma_wait3A_204] : memref<10000x128xf32, #tpu.memory_space<hbm>> -> memref<10000x128xf32, #tpu.memory_space<hbm>>
      tpu.wait_indirect_dma semaphore(%arg27 : memref<!tpu.dma_semaphore, #tpu.memory_space<semaphore_mem>>) src(%dma_wait3A_205 : memref<10000x128xf32, #tpu.memory_space<hbm>>) dst(%arg19 : memref<80x128xf32, #tpu.memory_space<vmem>>)
      %mul3A_206 = arith.constant 4 : i32
      %mul3A_207 = arith.muli %scan3A_55, %mul3A_206 : i32
      %add3A_208 = arith.addi %mul3A_2, %mul3A_207 : i32
      %add3A_209 = arith.constant 0 : i32
      %add3A_210 = arith.addi %add3A_208, %add3A_209 : i32
      %mul3A_211 = arith.constant 80 : i32
      %mul3A_212 = arith.muli %add3A_210, %mul3A_211 : i32
      %dma_start3A_213 = arith.constant 0 : i32
      %dma_start3A_214 = tpu.memref_slice %arg5[%mul3A_212, %dma_start3A_213] : memref<81920x128xf32, #tpu.memory_space<hbm>> -> memref<80x128xf32, #tpu.memory_space<hbm>>
      %dma_start3A_215 = arith.constant 0 : i32
      %dma_start3A_216 = tpu.memref_slice %arg5[%mul3A_212, %dma_start3A_215] : memref<81920x128xf32, #tpu.memory_space<hbm>> -> memref<80x128xf32, #tpu.memory_space<hbm>>
      tpu.enqueue_dma source(%arg15 : memref<80x128xf32, #tpu.memory_space<vmem>>) target(%dma_start3A_216 : memref<80x128xf32, #tpu.memory_space<hbm>>) target_semaphore(%arg31 : memref<!tpu.dma_semaphore, #tpu.memory_space<semaphore_mem>>)
      %mul3A_217 = arith.constant 4 : i32
      %mul3A_218 = arith.muli %scan3A_55, %mul3A_217 : i32
      %add3A_219 = arith.addi %mul3A_2, %mul3A_218 : i32
      %add3A_220 = arith.constant 0 : i32
      %add3A_221 = arith.addi %add3A_219, %add3A_220 : i32
      %mul3A_222 = arith.constant 80 : i32
      %mul3A_223 = arith.muli %add3A_221, %mul3A_222 : i32
      %dma_start3A_224 = arith.constant 0 : i32
      %dma_start3A_225 = tpu.memref_slice %arg6[%mul3A_223, %dma_start3A_224] : memref<81920x128xf32, #tpu.memory_space<hbm>> -> memref<80x128xf32, #tpu.memory_space<hbm>>
      %dma_start3A_226 = arith.constant 0 : i32
      %dma_start3A_227 = tpu.memref_slice %arg6[%mul3A_223, %dma_start3A_226] : memref<81920x128xf32, #tpu.memory_space<hbm>> -> memref<80x128xf32, #tpu.memory_space<hbm>>
      tpu.enqueue_dma source(%arg19 : memref<80x128xf32, #tpu.memory_space<vmem>>) target(%dma_start3A_227 : memref<80x128xf32, #tpu.memory_space<hbm>>) target_semaphore(%arg31 : memref<!tpu.dma_semaphore, #tpu.memory_space<semaphore_mem>>)
      %dma_wait3A_228 = arith.constant 0 : i32
      %dma_wait3A_229 = arith.constant 0 : i32
      %dma_wait3A_230 = tpu.memref_slice %arg2[%dma_wait3A_228, %dma_wait3A_229] : memref<10000x128xf32, #tpu.memory_space<hbm>> -> memref<10000x128xf32, #tpu.memory_space<hbm>>
      tpu.wait_indirect_dma semaphore(%arg28 : memref<!tpu.dma_semaphore, #tpu.memory_space<semaphore_mem>>) src(%dma_wait3A_230 : memref<10000x128xf32, #tpu.memory_space<hbm>>) dst(%arg16 : memref<80x128xf32, #tpu.memory_space<vmem>>)
      %dma_wait3A_231 = arith.constant 0 : i32
      %dma_wait3A_232 = arith.constant 0 : i32
      %dma_wait3A_233 = tpu.memref_slice %arg2[%dma_wait3A_231, %dma_wait3A_232] : memref<10000x128xf32, #tpu.memory_space<hbm>> -> memref<10000x128xf32, #tpu.memory_space<hbm>>
      tpu.wait_indirect_dma semaphore(%arg28 : memref<!tpu.dma_semaphore, #tpu.memory_space<semaphore_mem>>) src(%dma_wait3A_233 : memref<10000x128xf32, #tpu.memory_space<hbm>>) dst(%arg20 : memref<80x128xf32, #tpu.memory_space<vmem>>)
      %mul3A_234 = arith.constant 4 : i32
      %mul3A_235 = arith.muli %scan3A_55, %mul3A_234 : i32
      %add3A_236 = arith.addi %mul3A_2, %mul3A_235 : i32
      %add3A_237 = arith.constant 1 : i32
      %add3A_238 = arith.addi %add3A_236, %add3A_237 : i32
      %mul3A_239 = arith.constant 80 : i32
      %mul3A_240 = arith.muli %add3A_238, %mul3A_239 : i32
      %dma_start3A_241 = arith.constant 0 : i32
      %dma_start3A_242 = tpu.memref_slice %arg5[%mul3A_240, %dma_start3A_241] : memref<81920x128xf32, #tpu.memory_space<hbm>> -> memref<80x128xf32, #tpu.memory_space<hbm>>
      %dma_start3A_243 = arith.constant 0 : i32
      %dma_start3A_244 = tpu.memref_slice %arg5[%mul3A_240, %dma_start3A_243] : memref<81920x128xf32, #tpu.memory_space<hbm>> -> memref<80x128xf32, #tpu.memory_space<hbm>>
      tpu.enqueue_dma source(%arg16 : memref<80x128xf32, #tpu.memory_space<vmem>>) target(%dma_start3A_244 : memref<80x128xf32, #tpu.memory_space<hbm>>) target_semaphore(%arg32 : memref<!tpu.dma_semaphore, #tpu.memory_space<semaphore_mem>>)
      %mul3A_245 = arith.constant 4 : i32
      %mul3A_246 = arith.muli %scan3A_55, %mul3A_245 : i32
      %add3A_247 = arith.addi %mul3A_2, %mul3A_246 : i32
      %add3A_248 = arith.constant 1 : i32
      %add3A_249 = arith.addi %add3A_247, %add3A_248 : i32
      %mul3A_250 = arith.constant 80 : i32
      %mul3A_251 = arith.muli %add3A_249, %mul3A_250 : i32
      %dma_start3A_252 = arith.constant 0 : i32
      %dma_start3A_253 = tpu.memref_slice %arg6[%mul3A_251, %dma_start3A_252] : memref<81920x128xf32, #tpu.memory_space<hbm>> -> memref<80x128xf32, #tpu.memory_space<hbm>>
      %dma_start3A_254 = arith.constant 0 : i32
      %dma_start3A_255 = tpu.memref_slice %arg6[%mul3A_251, %dma_start3A_254] : memref<81920x128xf32, #tpu.memory_space<hbm>> -> memref<80x128xf32, #tpu.memory_space<hbm>>
      tpu.enqueue_dma source(%arg20 : memref<80x128xf32, #tpu.memory_space<vmem>>) target(%dma_start3A_255 : memref<80x128xf32, #tpu.memory_space<hbm>>) target_semaphore(%arg32 : memref<!tpu.dma_semaphore, #tpu.memory_space<semaphore_mem>>)
      %dma_wait3A_256 = arith.constant 0 : i32
      %dma_wait3A_257 = arith.constant 0 : i32
      %dma_wait3A_258 = tpu.memref_slice %arg2[%dma_wait3A_256, %dma_wait3A_257] : memref<10000x128xf32, #tpu.memory_space<hbm>> -> memref<10000x128xf32, #tpu.memory_space<hbm>>
      tpu.wait_indirect_dma semaphore(%arg29 : memref<!tpu.dma_semaphore, #tpu.memory_space<semaphore_mem>>) src(%dma_wait3A_258 : memref<10000x128xf32, #tpu.memory_space<hbm>>) dst(%arg17 : memref<80x128xf32, #tpu.memory_space<vmem>>)
      %dma_wait3A_259 = arith.constant 0 : i32
      %dma_wait3A_260 = arith.constant 0 : i32
      %dma_wait3A_261 = tpu.memref_slice %arg2[%dma_wait3A_259, %dma_wait3A_260] : memref<10000x128xf32, #tpu.memory_space<hbm>> -> memref<10000x128xf32, #tpu.memory_space<hbm>>
      tpu.wait_indirect_dma semaphore(%arg29 : memref<!tpu.dma_semaphore, #tpu.memory_space<semaphore_mem>>) src(%dma_wait3A_261 : memref<10000x128xf32, #tpu.memory_space<hbm>>) dst(%arg21 : memref<80x128xf32, #tpu.memory_space<vmem>>)
      %mul3A_262 = arith.constant 4 : i32
      %mul3A_263 = arith.muli %scan3A_55, %mul3A_262 : i32
      %add3A_264 = arith.addi %mul3A_2, %mul3A_263 : i32
      %add3A_265 = arith.constant 2 : i32
      %add3A_266 = arith.addi %add3A_264, %add3A_265 : i32
      %mul3A_267 = arith.constant 80 : i32
      %mul3A_268 = arith.muli %add3A_266, %mul3A_267 : i32
      %dma_start3A_269 = arith.constant 0 : i32
      %dma_start3A_270 = tpu.memref_slice %arg5[%mul3A_268, %dma_start3A_269] : memref<81920x128xf32, #tpu.memory_space<hbm>> -> memref<80x128xf32, #tpu.memory_space<hbm>>
      %dma_start3A_271 = arith.constant 0 : i32
      %dma_start3A_272 = tpu.memref_slice %arg5[%mul3A_268, %dma_start3A_271] : memref<81920x128xf32, #tpu.memory_space<hbm>> -> memref<80x128xf32, #tpu.memory_space<hbm>>
      tpu.enqueue_dma source(%arg17 : memref<80x128xf32, #tpu.memory_space<vmem>>) target(%dma_start3A_272 : memref<80x128xf32, #tpu.memory_space<hbm>>) target_semaphore(%arg33 : memref<!tpu.dma_semaphore, #tpu.memory_space<semaphore_mem>>)
      %mul3A_273 = arith.constant 4 : i32
      %mul3A_274 = arith.muli %scan3A_55, %mul3A_273 : i32
      %add3A_275 = arith.addi %mul3A_2, %mul3A_274 : i32
      %add3A_276 = arith.constant 2 : i32
      %add3A_277 = arith.addi %add3A_275, %add3A_276 : i32
      %mul3A_278 = arith.constant 80 : i32
      %mul3A_279 = arith.muli %add3A_277, %mul3A_278 : i32
      %dma_start3A_280 = arith.constant 0 : i32
      %dma_start3A_281 = tpu.memref_slice %arg6[%mul3A_279, %dma_start3A_280] : memref<81920x128xf32, #tpu.memory_space<hbm>> -> memref<80x128xf32, #tpu.memory_space<hbm>>
      %dma_start3A_282 = arith.constant 0 : i32
      %dma_start3A_283 = tpu.memref_slice %arg6[%mul3A_279, %dma_start3A_282] : memref<81920x128xf32, #tpu.memory_space<hbm>> -> memref<80x128xf32, #tpu.memory_space<hbm>>
      tpu.enqueue_dma source(%arg21 : memref<80x128xf32, #tpu.memory_space<vmem>>) target(%dma_start3A_283 : memref<80x128xf32, #tpu.memory_space<hbm>>) target_semaphore(%arg33 : memref<!tpu.dma_semaphore, #tpu.memory_space<semaphore_mem>>)
      %dma_wait3A_284 = arith.constant 0 : i32
      %dma_wait3A_285 = arith.constant 0 : i32
      %dma_wait3A_286 = tpu.memref_slice %arg2[%dma_wait3A_284, %dma_wait3A_285] : memref<10000x128xf32, #tpu.memory_space<hbm>> -> memref<10000x128xf32, #tpu.memory_space<hbm>>
      tpu.wait_indirect_dma semaphore(%arg30 : memref<!tpu.dma_semaphore, #tpu.memory_space<semaphore_mem>>) src(%dma_wait3A_286 : memref<10000x128xf32, #tpu.memory_space<hbm>>) dst(%arg18 : memref<80x128xf32, #tpu.memory_space<vmem>>)
      %dma_wait3A_287 = arith.constant 0 : i32
      %dma_wait3A_288 = arith.constant 0 : i32
      %dma_wait3A_289 = tpu.memref_slice %arg2[%dma_wait3A_287, %dma_wait3A_288] : memref<10000x128xf32, #tpu.memory_space<hbm>> -> memref<10000x128xf32, #tpu.memory_space<hbm>>
      tpu.wait_indirect_dma semaphore(%arg30 : memref<!tpu.dma_semaphore, #tpu.memory_space<semaphore_mem>>) src(%dma_wait3A_289 : memref<10000x128xf32, #tpu.memory_space<hbm>>) dst(%arg22 : memref<80x128xf32, #tpu.memory_space<vmem>>)
      %mul3A_290 = arith.constant 4 : i32
      %mul3A_291 = arith.muli %scan3A_55, %mul3A_290 : i32
      %add3A_292 = arith.addi %mul3A_2, %mul3A_291 : i32
      %add3A_293 = arith.constant 3 : i32
      %add3A_294 = arith.addi %add3A_292, %add3A_293 : i32
      %mul3A_295 = arith.constant 80 : i32
      %mul3A_296 = arith.muli %add3A_294, %mul3A_295 : i32
      %dma_start3A_297 = arith.constant 0 : i32
      %dma_start3A_298 = tpu.memref_slice %arg5[%mul3A_296, %dma_start3A_297] : memref<81920x128xf32, #tpu.memory_space<hbm>> -> memref<80x128xf32, #tpu.memory_space<hbm>>
      %dma_start3A_299 = arith.constant 0 : i32
      %dma_start3A_300 = tpu.memref_slice %arg5[%mul3A_296, %dma_start3A_299] : memref<81920x128xf32, #tpu.memory_space<hbm>> -> memref<80x128xf32, #tpu.memory_space<hbm>>
      tpu.enqueue_dma source(%arg18 : memref<80x128xf32, #tpu.memory_space<vmem>>) target(%dma_start3A_300 : memref<80x128xf32, #tpu.memory_space<hbm>>) target_semaphore(%arg34 : memref<!tpu.dma_semaphore, #tpu.memory_space<semaphore_mem>>)
      %mul3A_301 = arith.constant 4 : i32
      %mul3A_302 = arith.muli %scan3A_55, %mul3A_301 : i32
      %add3A_303 = arith.addi %mul3A_2, %mul3A_302 : i32
      %add3A_304 = arith.constant 3 : i32
      %add3A_305 = arith.addi %add3A_303, %add3A_304 : i32
      %mul3A_306 = arith.constant 80 : i32
      %mul3A_307 = arith.muli %add3A_305, %mul3A_306 : i32
      %dma_start3A_308 = arith.constant 0 : i32
      %dma_start3A_309 = tpu.memref_slice %arg6[%mul3A_307, %dma_start3A_308] : memref<81920x128xf32, #tpu.memory_space<hbm>> -> memref<80x128xf32, #tpu.memory_space<hbm>>
      %dma_start3A_310 = arith.constant 0 : i32
      %dma_start3A_311 = tpu.memref_slice %arg6[%mul3A_307, %dma_start3A_310] : memref<81920x128xf32, #tpu.memory_space<hbm>> -> memref<80x128xf32, #tpu.memory_space<hbm>>
      tpu.enqueue_dma source(%arg22 : memref<80x128xf32, #tpu.memory_space<vmem>>) target(%dma_start3A_311 : memref<80x128xf32, #tpu.memory_space<hbm>>) target_semaphore(%arg34 : memref<!tpu.dma_semaphore, #tpu.memory_space<semaphore_mem>>)
    }
    %scan3A_7 = arith.constant 8 : i32
    %mul3A_8 = arith.constant 80 : i32
    %mul3A_9 = arith.muli %mul3A_2, %mul3A_8 : i32
    %dma_wait3A = arith.constant 0 : i32
    %dma_wait3A_10 = tpu.memref_slice %arg5[%mul3A_9, %dma_wait3A] : memref<81920x128xf32, #tpu.memory_space<hbm>> -> memref<80x128xf32, #tpu.memory_space<hbm>>
    %dma_wait3A_11 = arith.constant 0 : i32
    %dma_wait3A_12 = tpu.memref_slice %arg5[%mul3A_9, %dma_wait3A_11] : memref<81920x128xf32, #tpu.memory_space<hbm>> -> memref<80x128xf32, #tpu.memory_space<hbm>>
    tpu.wait_dma2 semaphore(%arg31 : memref<!tpu.dma_semaphore, #tpu.memory_space<semaphore_mem>>) src(%arg15 : memref<80x128xf32, #tpu.memory_space<vmem>>) dst(%dma_wait3A_12 : memref<80x128xf32, #tpu.memory_space<hbm>>)
    %mul3A_13 = arith.constant 80 : i32
    %mul3A_14 = arith.muli %mul3A_2, %mul3A_13 : i32
    %dma_wait3A_15 = arith.constant 0 : i32
    %dma_wait3A_16 = tpu.memref_slice %arg6[%mul3A_14, %dma_wait3A_15] : memref<81920x128xf32, #tpu.memory_space<hbm>> -> memref<80x128xf32, #tpu.memory_space<hbm>>
    %dma_wait3A_17 = arith.constant 0 : i32
    %dma_wait3A_18 = tpu.memref_slice %arg6[%mul3A_14, %dma_wait3A_17] : memref<81920x128xf32, #tpu.memory_space<hbm>> -> memref<80x128xf32, #tpu.memory_space<hbm>>
    tpu.wait_dma2 semaphore(%arg31 : memref<!tpu.dma_semaphore, #tpu.memory_space<semaphore_mem>>) src(%arg19 : memref<80x128xf32, #tpu.memory_space<vmem>>) dst(%dma_wait3A_18 : memref<80x128xf32, #tpu.memory_space<hbm>>)
    %mul3A_19 = arith.constant 80 : i32
    %mul3A_20 = arith.muli %mul3A_2, %mul3A_19 : i32
    %dma_wait3A_21 = arith.constant 0 : i32
    %dma_wait3A_22 = tpu.memref_slice %arg5[%mul3A_20, %dma_wait3A_21] : memref<81920x128xf32, #tpu.memory_space<hbm>> -> memref<80x128xf32, #tpu.memory_space<hbm>>
    %dma_wait3A_23 = arith.constant 0 : i32
    %dma_wait3A_24 = tpu.memref_slice %arg5[%mul3A_20, %dma_wait3A_23] : memref<81920x128xf32, #tpu.memory_space<hbm>> -> memref<80x128xf32, #tpu.memory_space<hbm>>
    tpu.wait_dma2 semaphore(%arg32 : memref<!tpu.dma_semaphore, #tpu.memory_space<semaphore_mem>>) src(%arg16 : memref<80x128xf32, #tpu.memory_space<vmem>>) dst(%dma_wait3A_24 : memref<80x128xf32, #tpu.memory_space<hbm>>)
    %mul3A_25 = arith.constant 80 : i32
    %mul3A_26 = arith.muli %mul3A_2, %mul3A_25 : i32
    %dma_wait3A_27 = arith.constant 0 : i32
    %dma_wait3A_28 = tpu.memref_slice %arg6[%mul3A_26, %dma_wait3A_27] : memref<81920x128xf32, #tpu.memory_space<hbm>> -> memref<80x128xf32, #tpu.memory_space<hbm>>
    %dma_wait3A_29 = arith.constant 0 : i32
    %dma_wait3A_30 = tpu.memref_slice %arg6[%mul3A_26, %dma_wait3A_29] : memref<81920x128xf32, #tpu.memory_space<hbm>> -> memref<80x128xf32, #tpu.memory_space<hbm>>
    tpu.wait_dma2 semaphore(%arg32 : memref<!tpu.dma_semaphore, #tpu.memory_space<semaphore_mem>>) src(%arg20 : memref<80x128xf32, #tpu.memory_space<vmem>>) dst(%dma_wait3A_30 : memref<80x128xf32, #tpu.memory_space<hbm>>)
    %mul3A_31 = arith.constant 80 : i32
    %mul3A_32 = arith.muli %mul3A_2, %mul3A_31 : i32
    %dma_wait3A_33 = arith.constant 0 : i32
    %dma_wait3A_34 = tpu.memref_slice %arg5[%mul3A_32, %dma_wait3A_33] : memref<81920x128xf32, #tpu.memory_space<hbm>> -> memref<80x128xf32, #tpu.memory_space<hbm>>
    %dma_wait3A_35 = arith.constant 0 : i32
    %dma_wait3A_36 = tpu.memref_slice %arg5[%mul3A_32, %dma_wait3A_35] : memref<81920x128xf32, #tpu.memory_space<hbm>> -> memref<80x128xf32, #tpu.memory_space<hbm>>
    tpu.wait_dma2 semaphore(%arg33 : memref<!tpu.dma_semaphore, #tpu.memory_space<semaphore_mem>>) src(%arg17 : memref<80x128xf32, #tpu.memory_space<vmem>>) dst(%dma_wait3A_36 : memref<80x128xf32, #tpu.memory_space<hbm>>)
    %mul3A_37 = arith.constant 80 : i32
    %mul3A_38 = arith.muli %mul3A_2, %mul3A_37 : i32
    %dma_wait3A_39 = arith.constant 0 : i32
    %dma_wait3A_40 = tpu.memref_slice %arg6[%mul3A_38, %dma_wait3A_39] : memref<81920x128xf32, #tpu.memory_space<hbm>> -> memref<80x128xf32, #tpu.memory_space<hbm>>
    %dma_wait3A_41 = arith.constant 0 : i32
    %dma_wait3A_42 = tpu.memref_slice %arg6[%mul3A_38, %dma_wait3A_41] : memref<81920x128xf32, #tpu.memory_space<hbm>> -> memref<80x128xf32, #tpu.memory_space<hbm>>
    tpu.wait_dma2 semaphore(%arg33 : memref<!tpu.dma_semaphore, #tpu.memory_space<semaphore_mem>>) src(%arg21 : memref<80x128xf32, #tpu.memory_space<vmem>>) dst(%dma_wait3A_42 : memref<80x128xf32, #tpu.memory_space<hbm>>)
    %mul3A_43 = arith.constant 80 : i32
    %mul3A_44 = arith.muli %mul3A_2, %mul3A_43 : i32
    %dma_wait3A_45 = arith.constant 0 : i32
    %dma_wait3A_46 = tpu.memref_slice %arg5[%mul3A_44, %dma_wait3A_45] : memref<81920x128xf32, #tpu.memory_space<hbm>> -> memref<80x128xf32, #tpu.memory_space<hbm>>
    %dma_wait3A_47 = arith.constant 0 : i32
    %dma_wait3A_48 = tpu.memref_slice %arg5[%mul3A_44, %dma_wait3A_47] : memref<81920x128xf32, #tpu.memory_space<hbm>> -> memref<80x128xf32, #tpu.memory_space<hbm>>
    tpu.wait_dma2 semaphore(%arg34 : memref<!tpu.dma_semaphore, #tpu.memory_space<semaphore_mem>>) src(%arg18 : memref<80x128xf32, #tpu.memory_space<vmem>>) dst(%dma_wait3A_48 : memref<80x128xf32, #tpu.memory_space<hbm>>)
    %mul3A_49 = arith.constant 80 : i32
    %mul3A_50 = arith.muli %mul3A_2, %mul3A_49 : i32
    %dma_wait3A_51 = arith.constant 0 : i32
    %dma_wait3A_52 = tpu.memref_slice %arg6[%mul3A_50, %dma_wait3A_51] : memref<81920x128xf32, #tpu.memory_space<hbm>> -> memref<80x128xf32, #tpu.memory_space<hbm>>
    %dma_wait3A_53 = arith.constant 0 : i32
    %dma_wait3A_54 = tpu.memref_slice %arg6[%mul3A_50, %dma_wait3A_53] : memref<81920x128xf32, #tpu.memory_space<hbm>> -> memref<80x128xf32, #tpu.memory_space<hbm>>
    tpu.wait_dma2 semaphore(%arg34 : memref<!tpu.dma_semaphore, #tpu.memory_space<semaphore_mem>>) src(%arg22 : memref<80x128xf32, #tpu.memory_space<vmem>>) dst(%dma_wait3A_54 : memref<80x128xf32, #tpu.memory_space<hbm>>)
    return
  }
}

#map = affine_map<(d0, d1) -> (0, 0)>
#map1 = affine_map<(d0, d1) -> (0)>
module attributes {stable_mosaic.version = 14 : i64} {
  func.func @sc_gather_s1(%arg0: i32, %arg1: i32, %arg2: memref<10000x128xf32, #tpu.memory_space<hbm>>, %arg3: memref<320000xi32, #tpu.memory_space<hbm>>, %arg4: memref<320000xi32, #tpu.memory_space<hbm>>, %arg5: memref<64000x128xf32, #tpu.memory_space<hbm>>, %arg6: memref<64000x128xf32, #tpu.memory_space<hbm>>, %arg7: memref<80xi32, #tpu.memory_space<vmem>>, %arg8: memref<80xi32, #tpu.memory_space<vmem>>, %arg9: memref<80xi32, #tpu.memory_space<vmem>>, %arg10: memref<80xi32, #tpu.memory_space<vmem>>, %arg11: memref<80xi32, #tpu.memory_space<vmem>>, %arg12: memref<80xi32, #tpu.memory_space<vmem>>, %arg13: memref<80xi32, #tpu.memory_space<vmem>>, %arg14: memref<80xi32, #tpu.memory_space<vmem>>, %arg15: memref<80x128xf32, #tpu.memory_space<vmem>>, %arg16: memref<80x128xf32, #tpu.memory_space<vmem>>, %arg17: memref<80x128xf32, #tpu.memory_space<vmem>>, %arg18: memref<80x128xf32, #tpu.memory_space<vmem>>, %arg19: memref<80x128xf32, #tpu.memory_space<vmem>>, %arg20: memref<80x128xf32, #tpu.memory_space<vmem>>, %arg21: memref<80x128xf32, #tpu.memory_space<vmem>>, %arg22: memref<80x128xf32, #tpu.memory_space<vmem>>, %arg23: memref<!tpu.dma_semaphore, #tpu.memory_space<semaphore_mem>>, %arg24: memref<!tpu.dma_semaphore, #tpu.memory_space<semaphore_mem>>, %arg25: memref<!tpu.dma_semaphore, #tpu.memory_space<semaphore_mem>>, %arg26: memref<!tpu.dma_semaphore, #tpu.memory_space<semaphore_mem>>, %arg27: memref<!tpu.dma_semaphore, #tpu.memory_space<semaphore_mem>>, %arg28: memref<!tpu.dma_semaphore, #tpu.memory_space<semaphore_mem>>, %arg29: memref<!tpu.dma_semaphore, #tpu.memory_space<semaphore_mem>>, %arg30: memref<!tpu.dma_semaphore, #tpu.memory_space<semaphore_mem>>, %arg31: memref<!tpu.dma_semaphore, #tpu.memory_space<semaphore_mem>>, %arg32: memref<!tpu.dma_semaphore, #tpu.memory_space<semaphore_mem>>, %arg33: memref<!tpu.dma_semaphore, #tpu.memory_space<semaphore_mem>>, %arg34: memref<!tpu.dma_semaphore, #tpu.memory_space<semaphore_mem>>) attributes {dimension_semantics = [#tpu.dimension_semantics<core_parallel>, #tpu.dimension_semantics<subcore_parallel>], iteration_bounds = array<i64: 2, 16>, scalar_prefetch = 0 : i64, scratch_operands = 28 : i64, tpu.core_type = #tpu.core_type<sc_vector_subcore>, window_params = [{transform_indices = #map}, {transform_indices = #map1}, {transform_indices = #map1}, {transform_indices = #map}, {transform_indices = #map}]} {
    %mul3A = arith.constant 2 : i32
    %mul3A_0 = arith.muli %arg1, %mul3A : i32
    %add3A = arith.addi %mul3A_0, %arg0 : i32
    %mul3A_1 = arith.constant 25 : i32
    %mul3A_2 = arith.muli %add3A, %mul3A_1 : i32
    %scan3A = arith.constant 0 : i32
    %scan3A_3 = arith.constant 0 : i32
    %scan3A_4 = arith.constant 6 : i32
    %scan3A_5 = arith.addi %scan3A_3, %scan3A_4 : i32
    %scan3A_6 = arith.constant 1 : i32
    scf.for %scan3A_74 = %scan3A_3 to %scan3A_5 step %scan3A_6  : i32 {
      %mul3A_75 = arith.constant 4 : i32
      %mul3A_76 = arith.muli %scan3A_74, %mul3A_75 : i32
      %add3A_77 = arith.addi %mul3A_2, %mul3A_76 : i32
      %add3A_78 = arith.constant 0 : i32
      %add3A_79 = arith.addi %add3A_77, %add3A_78 : i32
      %mul3A_80 = arith.constant 80 : i32
      %mul3A_81 = arith.muli %add3A_79, %mul3A_80 : i32
      %add3A_82 = arith.constant 5120 : i32
      %add3A_83 = arith.addi %add3A_82, %mul3A_81 : i32
      %dma_start3A_84 = tpu.memref_slice %arg3[%add3A_83] : memref<320000xi32, #tpu.memory_space<hbm>> -> memref<80xi32, #tpu.memory_space<hbm>>
      %dma_start3A_85 = tpu.memref_slice %arg3[%add3A_83] : memref<320000xi32, #tpu.memory_space<hbm>> -> memref<80xi32, #tpu.memory_space<hbm>>
      tpu.enqueue_dma source(%dma_start3A_85 : memref<80xi32, #tpu.memory_space<hbm>>) target(%arg7 : memref<80xi32, #tpu.memory_space<vmem>>) target_semaphore(%arg23 : memref<!tpu.dma_semaphore, #tpu.memory_space<semaphore_mem>>)
      %mul3A_86 = arith.constant 4 : i32
      %mul3A_87 = arith.muli %scan3A_74, %mul3A_86 : i32
      %add3A_88 = arith.addi %mul3A_2, %mul3A_87 : i32
      %add3A_89 = arith.constant 0 : i32
      %add3A_90 = arith.addi %add3A_88, %add3A_89 : i32
      %mul3A_91 = arith.constant 80 : i32
      %mul3A_92 = arith.muli %add3A_90, %mul3A_91 : i32
      %add3A_93 = arith.constant 5120 : i32
      %add3A_94 = arith.addi %add3A_93, %mul3A_92 : i32
      %dma_start3A_95 = tpu.memref_slice %arg4[%add3A_94] : memref<320000xi32, #tpu.memory_space<hbm>> -> memref<80xi32, #tpu.memory_space<hbm>>
      %dma_start3A_96 = tpu.memref_slice %arg4[%add3A_94] : memref<320000xi32, #tpu.memory_space<hbm>> -> memref<80xi32, #tpu.memory_space<hbm>>
      tpu.enqueue_dma source(%dma_start3A_96 : memref<80xi32, #tpu.memory_space<hbm>>) target(%arg11 : memref<80xi32, #tpu.memory_space<vmem>>) target_semaphore(%arg23 : memref<!tpu.dma_semaphore, #tpu.memory_space<semaphore_mem>>)
      %mul3A_97 = arith.constant 4 : i32
      %mul3A_98 = arith.muli %scan3A_74, %mul3A_97 : i32
      %add3A_99 = arith.addi %mul3A_2, %mul3A_98 : i32
      %add3A_100 = arith.constant 1 : i32
      %add3A_101 = arith.addi %add3A_99, %add3A_100 : i32
      %mul3A_102 = arith.constant 80 : i32
      %mul3A_103 = arith.muli %add3A_101, %mul3A_102 : i32
      %add3A_104 = arith.constant 5120 : i32
      %add3A_105 = arith.addi %add3A_104, %mul3A_103 : i32
      %dma_start3A_106 = tpu.memref_slice %arg3[%add3A_105] : memref<320000xi32, #tpu.memory_space<hbm>> -> memref<80xi32, #tpu.memory_space<hbm>>
      %dma_start3A_107 = tpu.memref_slice %arg3[%add3A_105] : memref<320000xi32, #tpu.memory_space<hbm>> -> memref<80xi32, #tpu.memory_space<hbm>>
      tpu.enqueue_dma source(%dma_start3A_107 : memref<80xi32, #tpu.memory_space<hbm>>) target(%arg8 : memref<80xi32, #tpu.memory_space<vmem>>) target_semaphore(%arg24 : memref<!tpu.dma_semaphore, #tpu.memory_space<semaphore_mem>>)
      %mul3A_108 = arith.constant 4 : i32
      %mul3A_109 = arith.muli %scan3A_74, %mul3A_108 : i32
      %add3A_110 = arith.addi %mul3A_2, %mul3A_109 : i32
      %add3A_111 = arith.constant 1 : i32
      %add3A_112 = arith.addi %add3A_110, %add3A_111 : i32
      %mul3A_113 = arith.constant 80 : i32
      %mul3A_114 = arith.muli %add3A_112, %mul3A_113 : i32
      %add3A_115 = arith.constant 5120 : i32
      %add3A_116 = arith.addi %add3A_115, %mul3A_114 : i32
      %dma_start3A_117 = tpu.memref_slice %arg4[%add3A_116] : memref<320000xi32, #tpu.memory_space<hbm>> -> memref<80xi32, #tpu.memory_space<hbm>>
      %dma_start3A_118 = tpu.memref_slice %arg4[%add3A_116] : memref<320000xi32, #tpu.memory_space<hbm>> -> memref<80xi32, #tpu.memory_space<hbm>>
      tpu.enqueue_dma source(%dma_start3A_118 : memref<80xi32, #tpu.memory_space<hbm>>) target(%arg12 : memref<80xi32, #tpu.memory_space<vmem>>) target_semaphore(%arg24 : memref<!tpu.dma_semaphore, #tpu.memory_space<semaphore_mem>>)
      %mul3A_119 = arith.constant 4 : i32
      %mul3A_120 = arith.muli %scan3A_74, %mul3A_119 : i32
      %add3A_121 = arith.addi %mul3A_2, %mul3A_120 : i32
      %add3A_122 = arith.constant 2 : i32
      %add3A_123 = arith.addi %add3A_121, %add3A_122 : i32
      %mul3A_124 = arith.constant 80 : i32
      %mul3A_125 = arith.muli %add3A_123, %mul3A_124 : i32
      %add3A_126 = arith.constant 5120 : i32
      %add3A_127 = arith.addi %add3A_126, %mul3A_125 : i32
      %dma_start3A_128 = tpu.memref_slice %arg3[%add3A_127] : memref<320000xi32, #tpu.memory_space<hbm>> -> memref<80xi32, #tpu.memory_space<hbm>>
      %dma_start3A_129 = tpu.memref_slice %arg3[%add3A_127] : memref<320000xi32, #tpu.memory_space<hbm>> -> memref<80xi32, #tpu.memory_space<hbm>>
      tpu.enqueue_dma source(%dma_start3A_129 : memref<80xi32, #tpu.memory_space<hbm>>) target(%arg9 : memref<80xi32, #tpu.memory_space<vmem>>) target_semaphore(%arg25 : memref<!tpu.dma_semaphore, #tpu.memory_space<semaphore_mem>>)
      %mul3A_130 = arith.constant 4 : i32
      %mul3A_131 = arith.muli %scan3A_74, %mul3A_130 : i32
      %add3A_132 = arith.addi %mul3A_2, %mul3A_131 : i32
      %add3A_133 = arith.constant 2 : i32
      %add3A_134 = arith.addi %add3A_132, %add3A_133 : i32
      %mul3A_135 = arith.constant 80 : i32
      %mul3A_136 = arith.muli %add3A_134, %mul3A_135 : i32
      %add3A_137 = arith.constant 5120 : i32
      %add3A_138 = arith.addi %add3A_137, %mul3A_136 : i32
      %dma_start3A_139 = tpu.memref_slice %arg4[%add3A_138] : memref<320000xi32, #tpu.memory_space<hbm>> -> memref<80xi32, #tpu.memory_space<hbm>>
      %dma_start3A_140 = tpu.memref_slice %arg4[%add3A_138] : memref<320000xi32, #tpu.memory_space<hbm>> -> memref<80xi32, #tpu.memory_space<hbm>>
      tpu.enqueue_dma source(%dma_start3A_140 : memref<80xi32, #tpu.memory_space<hbm>>) target(%arg13 : memref<80xi32, #tpu.memory_space<vmem>>) target_semaphore(%arg25 : memref<!tpu.dma_semaphore, #tpu.memory_space<semaphore_mem>>)
      %mul3A_141 = arith.constant 4 : i32
      %mul3A_142 = arith.muli %scan3A_74, %mul3A_141 : i32
      %add3A_143 = arith.addi %mul3A_2, %mul3A_142 : i32
      %add3A_144 = arith.constant 3 : i32
      %add3A_145 = arith.addi %add3A_143, %add3A_144 : i32
      %mul3A_146 = arith.constant 80 : i32
      %mul3A_147 = arith.muli %add3A_145, %mul3A_146 : i32
      %add3A_148 = arith.constant 5120 : i32
      %add3A_149 = arith.addi %add3A_148, %mul3A_147 : i32
      %dma_start3A_150 = tpu.memref_slice %arg3[%add3A_149] : memref<320000xi32, #tpu.memory_space<hbm>> -> memref<80xi32, #tpu.memory_space<hbm>>
      %dma_start3A_151 = tpu.memref_slice %arg3[%add3A_149] : memref<320000xi32, #tpu.memory_space<hbm>> -> memref<80xi32, #tpu.memory_space<hbm>>
      tpu.enqueue_dma source(%dma_start3A_151 : memref<80xi32, #tpu.memory_space<hbm>>) target(%arg10 : memref<80xi32, #tpu.memory_space<vmem>>) target_semaphore(%arg26 : memref<!tpu.dma_semaphore, #tpu.memory_space<semaphore_mem>>)
      %mul3A_152 = arith.constant 4 : i32
      %mul3A_153 = arith.muli %scan3A_74, %mul3A_152 : i32
      %add3A_154 = arith.addi %mul3A_2, %mul3A_153 : i32
      %add3A_155 = arith.constant 3 : i32
      %add3A_156 = arith.addi %add3A_154, %add3A_155 : i32
      %mul3A_157 = arith.constant 80 : i32
      %mul3A_158 = arith.muli %add3A_156, %mul3A_157 : i32
      %add3A_159 = arith.constant 5120 : i32
      %add3A_160 = arith.addi %add3A_159, %mul3A_158 : i32
      %dma_start3A_161 = tpu.memref_slice %arg4[%add3A_160] : memref<320000xi32, #tpu.memory_space<hbm>> -> memref<80xi32, #tpu.memory_space<hbm>>
      %dma_start3A_162 = tpu.memref_slice %arg4[%add3A_160] : memref<320000xi32, #tpu.memory_space<hbm>> -> memref<80xi32, #tpu.memory_space<hbm>>
      tpu.enqueue_dma source(%dma_start3A_162 : memref<80xi32, #tpu.memory_space<hbm>>) target(%arg14 : memref<80xi32, #tpu.memory_space<vmem>>) target_semaphore(%arg26 : memref<!tpu.dma_semaphore, #tpu.memory_space<semaphore_mem>>)
      %gt3A = arith.constant 0 : i32
      %gt3A_163 = arith.cmpi sgt, %scan3A_74, %gt3A : i32
      %convert_element_type3A = arith.extui %gt3A_163 : i1 to i32
      %cond3A = arith.constant 0 : i32
      %cond3A_164 = arith.cmpi ne, %convert_element_type3A, %cond3A : i32
      scf.if %cond3A_164 {
        %mul3A_332 = arith.constant 80 : i32
        %mul3A_333 = arith.muli %mul3A_2, %mul3A_332 : i32
        %dma_wait3A_334 = arith.constant 0 : i32
        %dma_wait3A_335 = tpu.memref_slice %arg5[%mul3A_333, %dma_wait3A_334] : memref<64000x128xf32, #tpu.memory_space<hbm>> -> memref<80x128xf32, #tpu.memory_space<hbm>>
        %dma_wait3A_336 = arith.constant 0 : i32
        %dma_wait3A_337 = tpu.memref_slice %arg5[%mul3A_333, %dma_wait3A_336] : memref<64000x128xf32, #tpu.memory_space<hbm>> -> memref<80x128xf32, #tpu.memory_space<hbm>>
        tpu.wait_dma2 semaphore(%arg31 : memref<!tpu.dma_semaphore, #tpu.memory_space<semaphore_mem>>) src(%arg15 : memref<80x128xf32, #tpu.memory_space<vmem>>) dst(%dma_wait3A_337 : memref<80x128xf32, #tpu.memory_space<hbm>>)
        %mul3A_338 = arith.constant 80 : i32
        %mul3A_339 = arith.muli %mul3A_2, %mul3A_338 : i32
        %dma_wait3A_340 = arith.constant 0 : i32
        %dma_wait3A_341 = tpu.memref_slice %arg6[%mul3A_339, %dma_wait3A_340] : memref<64000x128xf32, #tpu.memory_space<hbm>> -> memref<80x128xf32, #tpu.memory_space<hbm>>
        %dma_wait3A_342 = arith.constant 0 : i32
        %dma_wait3A_343 = tpu.memref_slice %arg6[%mul3A_339, %dma_wait3A_342] : memref<64000x128xf32, #tpu.memory_space<hbm>> -> memref<80x128xf32, #tpu.memory_space<hbm>>
        tpu.wait_dma2 semaphore(%arg31 : memref<!tpu.dma_semaphore, #tpu.memory_space<semaphore_mem>>) src(%arg19 : memref<80x128xf32, #tpu.memory_space<vmem>>) dst(%dma_wait3A_343 : memref<80x128xf32, #tpu.memory_space<hbm>>)
      } else {
      }
      %dma_wait3A_165 = tpu.memref_slice %arg3[%add3A_83] : memref<320000xi32, #tpu.memory_space<hbm>> -> memref<80xi32, #tpu.memory_space<hbm>>
      %dma_wait3A_166 = tpu.memref_slice %arg3[%add3A_83] : memref<320000xi32, #tpu.memory_space<hbm>> -> memref<80xi32, #tpu.memory_space<hbm>>
      tpu.wait_dma2 semaphore(%arg23 : memref<!tpu.dma_semaphore, #tpu.memory_space<semaphore_mem>>) src(%dma_wait3A_166 : memref<80xi32, #tpu.memory_space<hbm>>) dst(%arg7 : memref<80xi32, #tpu.memory_space<vmem>>)
      %dma_wait3A_167 = tpu.memref_slice %arg4[%add3A_94] : memref<320000xi32, #tpu.memory_space<hbm>> -> memref<80xi32, #tpu.memory_space<hbm>>
      %dma_wait3A_168 = tpu.memref_slice %arg4[%add3A_94] : memref<320000xi32, #tpu.memory_space<hbm>> -> memref<80xi32, #tpu.memory_space<hbm>>
      tpu.wait_dma2 semaphore(%arg23 : memref<!tpu.dma_semaphore, #tpu.memory_space<semaphore_mem>>) src(%dma_wait3A_168 : memref<80xi32, #tpu.memory_space<hbm>>) dst(%arg11 : memref<80xi32, #tpu.memory_space<vmem>>)
      %dma_start3A_169 = arith.constant 0 : i32
      %dma_start3A_170 = arith.constant 0 : i32
      %dma_start3A_171 = tpu.memref_slice %arg2[%dma_start3A_169, %dma_start3A_170] : memref<10000x128xf32, #tpu.memory_space<hbm>> -> memref<10000x128xf32, #tpu.memory_space<hbm>>
      tpu.enqueue_indirect_dma source(%dma_start3A_171 : memref<10000x128xf32, #tpu.memory_space<hbm>>) target(%arg15 : memref<80x128xf32, #tpu.memory_space<vmem>>) offsets(%arg7 : memref<80xi32, #tpu.memory_space<vmem>>) semaphore(%arg27 : memref<!tpu.dma_semaphore, #tpu.memory_space<semaphore_mem>>)
      %dma_start3A_172 = arith.constant 0 : i32
      %dma_start3A_173 = arith.constant 0 : i32
      %dma_start3A_174 = tpu.memref_slice %arg2[%dma_start3A_172, %dma_start3A_173] : memref<10000x128xf32, #tpu.memory_space<hbm>> -> memref<10000x128xf32, #tpu.memory_space<hbm>>
      tpu.enqueue_indirect_dma source(%dma_start3A_174 : memref<10000x128xf32, #tpu.memory_space<hbm>>) target(%arg19 : memref<80x128xf32, #tpu.memory_space<vmem>>) offsets(%arg11 : memref<80xi32, #tpu.memory_space<vmem>>) semaphore(%arg27 : memref<!tpu.dma_semaphore, #tpu.memory_space<semaphore_mem>>)
      %gt3A_175 = arith.constant 0 : i32
      %gt3A_176 = arith.cmpi sgt, %scan3A_74, %gt3A_175 : i32
      %convert_element_type3A_177 = arith.extui %gt3A_176 : i1 to i32
      %cond3A_178 = arith.constant 0 : i32
      %cond3A_179 = arith.cmpi ne, %convert_element_type3A_177, %cond3A_178 : i32
      scf.if %cond3A_179 {
        %mul3A_332 = arith.constant 80 : i32
        %mul3A_333 = arith.muli %mul3A_2, %mul3A_332 : i32
        %dma_wait3A_334 = arith.constant 0 : i32
        %dma_wait3A_335 = tpu.memref_slice %arg5[%mul3A_333, %dma_wait3A_334] : memref<64000x128xf32, #tpu.memory_space<hbm>> -> memref<80x128xf32, #tpu.memory_space<hbm>>
        %dma_wait3A_336 = arith.constant 0 : i32
        %dma_wait3A_337 = tpu.memref_slice %arg5[%mul3A_333, %dma_wait3A_336] : memref<64000x128xf32, #tpu.memory_space<hbm>> -> memref<80x128xf32, #tpu.memory_space<hbm>>
        tpu.wait_dma2 semaphore(%arg32 : memref<!tpu.dma_semaphore, #tpu.memory_space<semaphore_mem>>) src(%arg16 : memref<80x128xf32, #tpu.memory_space<vmem>>) dst(%dma_wait3A_337 : memref<80x128xf32, #tpu.memory_space<hbm>>)
        %mul3A_338 = arith.constant 80 : i32
        %mul3A_339 = arith.muli %mul3A_2, %mul3A_338 : i32
        %dma_wait3A_340 = arith.constant 0 : i32
        %dma_wait3A_341 = tpu.memref_slice %arg6[%mul3A_339, %dma_wait3A_340] : memref<64000x128xf32, #tpu.memory_space<hbm>> -> memref<80x128xf32, #tpu.memory_space<hbm>>
        %dma_wait3A_342 = arith.constant 0 : i32
        %dma_wait3A_343 = tpu.memref_slice %arg6[%mul3A_339, %dma_wait3A_342] : memref<64000x128xf32, #tpu.memory_space<hbm>> -> memref<80x128xf32, #tpu.memory_space<hbm>>
        tpu.wait_dma2 semaphore(%arg32 : memref<!tpu.dma_semaphore, #tpu.memory_space<semaphore_mem>>) src(%arg20 : memref<80x128xf32, #tpu.memory_space<vmem>>) dst(%dma_wait3A_343 : memref<80x128xf32, #tpu.memory_space<hbm>>)
      } else {
      }
      %dma_wait3A_180 = tpu.memref_slice %arg3[%add3A_105] : memref<320000xi32, #tpu.memory_space<hbm>> -> memref<80xi32, #tpu.memory_space<hbm>>
      %dma_wait3A_181 = tpu.memref_slice %arg3[%add3A_105] : memref<320000xi32, #tpu.memory_space<hbm>> -> memref<80xi32, #tpu.memory_space<hbm>>
      tpu.wait_dma2 semaphore(%arg24 : memref<!tpu.dma_semaphore, #tpu.memory_space<semaphore_mem>>) src(%dma_wait3A_181 : memref<80xi32, #tpu.memory_space<hbm>>) dst(%arg8 : memref<80xi32, #tpu.memory_space<vmem>>)
      %dma_wait3A_182 = tpu.memref_slice %arg4[%add3A_116] : memref<320000xi32, #tpu.memory_space<hbm>> -> memref<80xi32, #tpu.memory_space<hbm>>
      %dma_wait3A_183 = tpu.memref_slice %arg4[%add3A_116] : memref<320000xi32, #tpu.memory_space<hbm>> -> memref<80xi32, #tpu.memory_space<hbm>>
      tpu.wait_dma2 semaphore(%arg24 : memref<!tpu.dma_semaphore, #tpu.memory_space<semaphore_mem>>) src(%dma_wait3A_183 : memref<80xi32, #tpu.memory_space<hbm>>) dst(%arg12 : memref<80xi32, #tpu.memory_space<vmem>>)
      %dma_start3A_184 = arith.constant 0 : i32
      %dma_start3A_185 = arith.constant 0 : i32
      %dma_start3A_186 = tpu.memref_slice %arg2[%dma_start3A_184, %dma_start3A_185] : memref<10000x128xf32, #tpu.memory_space<hbm>> -> memref<10000x128xf32, #tpu.memory_space<hbm>>
      tpu.enqueue_indirect_dma source(%dma_start3A_186 : memref<10000x128xf32, #tpu.memory_space<hbm>>) target(%arg16 : memref<80x128xf32, #tpu.memory_space<vmem>>) offsets(%arg8 : memref<80xi32, #tpu.memory_space<vmem>>) semaphore(%arg28 : memref<!tpu.dma_semaphore, #tpu.memory_space<semaphore_mem>>)
      %dma_start3A_187 = arith.constant 0 : i32
      %dma_start3A_188 = arith.constant 0 : i32
      %dma_start3A_189 = tpu.memref_slice %arg2[%dma_start3A_187, %dma_start3A_188] : memref<10000x128xf32, #tpu.memory_space<hbm>> -> memref<10000x128xf32, #tpu.memory_space<hbm>>
      tpu.enqueue_indirect_dma source(%dma_start3A_189 : memref<10000x128xf32, #tpu.memory_space<hbm>>) target(%arg20 : memref<80x128xf32, #tpu.memory_space<vmem>>) offsets(%arg12 : memref<80xi32, #tpu.memory_space<vmem>>) semaphore(%arg28 : memref<!tpu.dma_semaphore, #tpu.memory_space<semaphore_mem>>)
      %gt3A_190 = arith.constant 0 : i32
      %gt3A_191 = arith.cmpi sgt, %scan3A_74, %gt3A_190 : i32
      %convert_element_type3A_192 = arith.extui %gt3A_191 : i1 to i32
      %cond3A_193 = arith.constant 0 : i32
      %cond3A_194 = arith.cmpi ne, %convert_element_type3A_192, %cond3A_193 : i32
      scf.if %cond3A_194 {
        %mul3A_332 = arith.constant 80 : i32
        %mul3A_333 = arith.muli %mul3A_2, %mul3A_332 : i32
        %dma_wait3A_334 = arith.constant 0 : i32
        %dma_wait3A_335 = tpu.memref_slice %arg5[%mul3A_333, %dma_wait3A_334] : memref<64000x128xf32, #tpu.memory_space<hbm>> -> memref<80x128xf32, #tpu.memory_space<hbm>>
        %dma_wait3A_336 = arith.constant 0 : i32
        %dma_wait3A_337 = tpu.memref_slice %arg5[%mul3A_333, %dma_wait3A_336] : memref<64000x128xf32, #tpu.memory_space<hbm>> -> memref<80x128xf32, #tpu.memory_space<hbm>>
        tpu.wait_dma2 semaphore(%arg33 : memref<!tpu.dma_semaphore, #tpu.memory_space<semaphore_mem>>) src(%arg17 : memref<80x128xf32, #tpu.memory_space<vmem>>) dst(%dma_wait3A_337 : memref<80x128xf32, #tpu.memory_space<hbm>>)
        %mul3A_338 = arith.constant 80 : i32
        %mul3A_339 = arith.muli %mul3A_2, %mul3A_338 : i32
        %dma_wait3A_340 = arith.constant 0 : i32
        %dma_wait3A_341 = tpu.memref_slice %arg6[%mul3A_339, %dma_wait3A_340] : memref<64000x128xf32, #tpu.memory_space<hbm>> -> memref<80x128xf32, #tpu.memory_space<hbm>>
        %dma_wait3A_342 = arith.constant 0 : i32
        %dma_wait3A_343 = tpu.memref_slice %arg6[%mul3A_339, %dma_wait3A_342] : memref<64000x128xf32, #tpu.memory_space<hbm>> -> memref<80x128xf32, #tpu.memory_space<hbm>>
        tpu.wait_dma2 semaphore(%arg33 : memref<!tpu.dma_semaphore, #tpu.memory_space<semaphore_mem>>) src(%arg21 : memref<80x128xf32, #tpu.memory_space<vmem>>) dst(%dma_wait3A_343 : memref<80x128xf32, #tpu.memory_space<hbm>>)
      } else {
      }
      %dma_wait3A_195 = tpu.memref_slice %arg3[%add3A_127] : memref<320000xi32, #tpu.memory_space<hbm>> -> memref<80xi32, #tpu.memory_space<hbm>>
      %dma_wait3A_196 = tpu.memref_slice %arg3[%add3A_127] : memref<320000xi32, #tpu.memory_space<hbm>> -> memref<80xi32, #tpu.memory_space<hbm>>
      tpu.wait_dma2 semaphore(%arg25 : memref<!tpu.dma_semaphore, #tpu.memory_space<semaphore_mem>>) src(%dma_wait3A_196 : memref<80xi32, #tpu.memory_space<hbm>>) dst(%arg9 : memref<80xi32, #tpu.memory_space<vmem>>)
      %dma_wait3A_197 = tpu.memref_slice %arg4[%add3A_138] : memref<320000xi32, #tpu.memory_space<hbm>> -> memref<80xi32, #tpu.memory_space<hbm>>
      %dma_wait3A_198 = tpu.memref_slice %arg4[%add3A_138] : memref<320000xi32, #tpu.memory_space<hbm>> -> memref<80xi32, #tpu.memory_space<hbm>>
      tpu.wait_dma2 semaphore(%arg25 : memref<!tpu.dma_semaphore, #tpu.memory_space<semaphore_mem>>) src(%dma_wait3A_198 : memref<80xi32, #tpu.memory_space<hbm>>) dst(%arg13 : memref<80xi32, #tpu.memory_space<vmem>>)
      %dma_start3A_199 = arith.constant 0 : i32
      %dma_start3A_200 = arith.constant 0 : i32
      %dma_start3A_201 = tpu.memref_slice %arg2[%dma_start3A_199, %dma_start3A_200] : memref<10000x128xf32, #tpu.memory_space<hbm>> -> memref<10000x128xf32, #tpu.memory_space<hbm>>
      tpu.enqueue_indirect_dma source(%dma_start3A_201 : memref<10000x128xf32, #tpu.memory_space<hbm>>) target(%arg17 : memref<80x128xf32, #tpu.memory_space<vmem>>) offsets(%arg9 : memref<80xi32, #tpu.memory_space<vmem>>) semaphore(%arg29 : memref<!tpu.dma_semaphore, #tpu.memory_space<semaphore_mem>>)
      %dma_start3A_202 = arith.constant 0 : i32
      %dma_start3A_203 = arith.constant 0 : i32
      %dma_start3A_204 = tpu.memref_slice %arg2[%dma_start3A_202, %dma_start3A_203] : memref<10000x128xf32, #tpu.memory_space<hbm>> -> memref<10000x128xf32, #tpu.memory_space<hbm>>
      tpu.enqueue_indirect_dma source(%dma_start3A_204 : memref<10000x128xf32, #tpu.memory_space<hbm>>) target(%arg21 : memref<80x128xf32, #tpu.memory_space<vmem>>) offsets(%arg13 : memref<80xi32, #tpu.memory_space<vmem>>) semaphore(%arg29 : memref<!tpu.dma_semaphore, #tpu.memory_space<semaphore_mem>>)
      %gt3A_205 = arith.constant 0 : i32
      %gt3A_206 = arith.cmpi sgt, %scan3A_74, %gt3A_205 : i32
      %convert_element_type3A_207 = arith.extui %gt3A_206 : i1 to i32
      %cond3A_208 = arith.constant 0 : i32
      %cond3A_209 = arith.cmpi ne, %convert_element_type3A_207, %cond3A_208 : i32
      scf.if %cond3A_209 {
        %mul3A_332 = arith.constant 80 : i32
        %mul3A_333 = arith.muli %mul3A_2, %mul3A_332 : i32
        %dma_wait3A_334 = arith.constant 0 : i32
        %dma_wait3A_335 = tpu.memref_slice %arg5[%mul3A_333, %dma_wait3A_334] : memref<64000x128xf32, #tpu.memory_space<hbm>> -> memref<80x128xf32, #tpu.memory_space<hbm>>
        %dma_wait3A_336 = arith.constant 0 : i32
        %dma_wait3A_337 = tpu.memref_slice %arg5[%mul3A_333, %dma_wait3A_336] : memref<64000x128xf32, #tpu.memory_space<hbm>> -> memref<80x128xf32, #tpu.memory_space<hbm>>
        tpu.wait_dma2 semaphore(%arg34 : memref<!tpu.dma_semaphore, #tpu.memory_space<semaphore_mem>>) src(%arg18 : memref<80x128xf32, #tpu.memory_space<vmem>>) dst(%dma_wait3A_337 : memref<80x128xf32, #tpu.memory_space<hbm>>)
        %mul3A_338 = arith.constant 80 : i32
        %mul3A_339 = arith.muli %mul3A_2, %mul3A_338 : i32
        %dma_wait3A_340 = arith.constant 0 : i32
        %dma_wait3A_341 = tpu.memref_slice %arg6[%mul3A_339, %dma_wait3A_340] : memref<64000x128xf32, #tpu.memory_space<hbm>> -> memref<80x128xf32, #tpu.memory_space<hbm>>
        %dma_wait3A_342 = arith.constant 0 : i32
        %dma_wait3A_343 = tpu.memref_slice %arg6[%mul3A_339, %dma_wait3A_342] : memref<64000x128xf32, #tpu.memory_space<hbm>> -> memref<80x128xf32, #tpu.memory_space<hbm>>
        tpu.wait_dma2 semaphore(%arg34 : memref<!tpu.dma_semaphore, #tpu.memory_space<semaphore_mem>>) src(%arg22 : memref<80x128xf32, #tpu.memory_space<vmem>>) dst(%dma_wait3A_343 : memref<80x128xf32, #tpu.memory_space<hbm>>)
      } else {
      }
      %dma_wait3A_210 = tpu.memref_slice %arg3[%add3A_149] : memref<320000xi32, #tpu.memory_space<hbm>> -> memref<80xi32, #tpu.memory_space<hbm>>
      %dma_wait3A_211 = tpu.memref_slice %arg3[%add3A_149] : memref<320000xi32, #tpu.memory_space<hbm>> -> memref<80xi32, #tpu.memory_space<hbm>>
      tpu.wait_dma2 semaphore(%arg26 : memref<!tpu.dma_semaphore, #tpu.memory_space<semaphore_mem>>) src(%dma_wait3A_211 : memref<80xi32, #tpu.memory_space<hbm>>) dst(%arg10 : memref<80xi32, #tpu.memory_space<vmem>>)
      %dma_wait3A_212 = tpu.memref_slice %arg4[%add3A_160] : memref<320000xi32, #tpu.memory_space<hbm>> -> memref<80xi32, #tpu.memory_space<hbm>>
      %dma_wait3A_213 = tpu.memref_slice %arg4[%add3A_160] : memref<320000xi32, #tpu.memory_space<hbm>> -> memref<80xi32, #tpu.memory_space<hbm>>
      tpu.wait_dma2 semaphore(%arg26 : memref<!tpu.dma_semaphore, #tpu.memory_space<semaphore_mem>>) src(%dma_wait3A_213 : memref<80xi32, #tpu.memory_space<hbm>>) dst(%arg14 : memref<80xi32, #tpu.memory_space<vmem>>)
      %dma_start3A_214 = arith.constant 0 : i32
      %dma_start3A_215 = arith.constant 0 : i32
      %dma_start3A_216 = tpu.memref_slice %arg2[%dma_start3A_214, %dma_start3A_215] : memref<10000x128xf32, #tpu.memory_space<hbm>> -> memref<10000x128xf32, #tpu.memory_space<hbm>>
      tpu.enqueue_indirect_dma source(%dma_start3A_216 : memref<10000x128xf32, #tpu.memory_space<hbm>>) target(%arg18 : memref<80x128xf32, #tpu.memory_space<vmem>>) offsets(%arg10 : memref<80xi32, #tpu.memory_space<vmem>>) semaphore(%arg30 : memref<!tpu.dma_semaphore, #tpu.memory_space<semaphore_mem>>)
      %dma_start3A_217 = arith.constant 0 : i32
      %dma_start3A_218 = arith.constant 0 : i32
      %dma_start3A_219 = tpu.memref_slice %arg2[%dma_start3A_217, %dma_start3A_218] : memref<10000x128xf32, #tpu.memory_space<hbm>> -> memref<10000x128xf32, #tpu.memory_space<hbm>>
      tpu.enqueue_indirect_dma source(%dma_start3A_219 : memref<10000x128xf32, #tpu.memory_space<hbm>>) target(%arg22 : memref<80x128xf32, #tpu.memory_space<vmem>>) offsets(%arg14 : memref<80xi32, #tpu.memory_space<vmem>>) semaphore(%arg30 : memref<!tpu.dma_semaphore, #tpu.memory_space<semaphore_mem>>)
      %dma_wait3A_220 = arith.constant 0 : i32
      %dma_wait3A_221 = arith.constant 0 : i32
      %dma_wait3A_222 = tpu.memref_slice %arg2[%dma_wait3A_220, %dma_wait3A_221] : memref<10000x128xf32, #tpu.memory_space<hbm>> -> memref<10000x128xf32, #tpu.memory_space<hbm>>
      tpu.wait_indirect_dma semaphore(%arg27 : memref<!tpu.dma_semaphore, #tpu.memory_space<semaphore_mem>>) src(%dma_wait3A_222 : memref<10000x128xf32, #tpu.memory_space<hbm>>) dst(%arg15 : memref<80x128xf32, #tpu.memory_space<vmem>>)
      %dma_wait3A_223 = arith.constant 0 : i32
      %dma_wait3A_224 = arith.constant 0 : i32
      %dma_wait3A_225 = tpu.memref_slice %arg2[%dma_wait3A_223, %dma_wait3A_224] : memref<10000x128xf32, #tpu.memory_space<hbm>> -> memref<10000x128xf32, #tpu.memory_space<hbm>>
      tpu.wait_indirect_dma semaphore(%arg27 : memref<!tpu.dma_semaphore, #tpu.memory_space<semaphore_mem>>) src(%dma_wait3A_225 : memref<10000x128xf32, #tpu.memory_space<hbm>>) dst(%arg19 : memref<80x128xf32, #tpu.memory_space<vmem>>)
      %mul3A_226 = arith.constant 4 : i32
      %mul3A_227 = arith.muli %scan3A_74, %mul3A_226 : i32
      %add3A_228 = arith.addi %mul3A_2, %mul3A_227 : i32
      %add3A_229 = arith.constant 0 : i32
      %add3A_230 = arith.addi %add3A_228, %add3A_229 : i32
      %mul3A_231 = arith.constant 80 : i32
      %mul3A_232 = arith.muli %add3A_230, %mul3A_231 : i32
      %dma_start3A_233 = arith.constant 0 : i32
      %dma_start3A_234 = tpu.memref_slice %arg5[%mul3A_232, %dma_start3A_233] : memref<64000x128xf32, #tpu.memory_space<hbm>> -> memref<80x128xf32, #tpu.memory_space<hbm>>
      %dma_start3A_235 = arith.constant 0 : i32
      %dma_start3A_236 = tpu.memref_slice %arg5[%mul3A_232, %dma_start3A_235] : memref<64000x128xf32, #tpu.memory_space<hbm>> -> memref<80x128xf32, #tpu.memory_space<hbm>>
      tpu.enqueue_dma source(%arg15 : memref<80x128xf32, #tpu.memory_space<vmem>>) target(%dma_start3A_236 : memref<80x128xf32, #tpu.memory_space<hbm>>) target_semaphore(%arg31 : memref<!tpu.dma_semaphore, #tpu.memory_space<semaphore_mem>>)
      %mul3A_237 = arith.constant 4 : i32
      %mul3A_238 = arith.muli %scan3A_74, %mul3A_237 : i32
      %add3A_239 = arith.addi %mul3A_2, %mul3A_238 : i32
      %add3A_240 = arith.constant 0 : i32
      %add3A_241 = arith.addi %add3A_239, %add3A_240 : i32
      %mul3A_242 = arith.constant 80 : i32
      %mul3A_243 = arith.muli %add3A_241, %mul3A_242 : i32
      %dma_start3A_244 = arith.constant 0 : i32
      %dma_start3A_245 = tpu.memref_slice %arg6[%mul3A_243, %dma_start3A_244] : memref<64000x128xf32, #tpu.memory_space<hbm>> -> memref<80x128xf32, #tpu.memory_space<hbm>>
      %dma_start3A_246 = arith.constant 0 : i32
      %dma_start3A_247 = tpu.memref_slice %arg6[%mul3A_243, %dma_start3A_246] : memref<64000x128xf32, #tpu.memory_space<hbm>> -> memref<80x128xf32, #tpu.memory_space<hbm>>
      tpu.enqueue_dma source(%arg19 : memref<80x128xf32, #tpu.memory_space<vmem>>) target(%dma_start3A_247 : memref<80x128xf32, #tpu.memory_space<hbm>>) target_semaphore(%arg31 : memref<!tpu.dma_semaphore, #tpu.memory_space<semaphore_mem>>)
      %dma_wait3A_248 = arith.constant 0 : i32
      %dma_wait3A_249 = arith.constant 0 : i32
      %dma_wait3A_250 = tpu.memref_slice %arg2[%dma_wait3A_248, %dma_wait3A_249] : memref<10000x128xf32, #tpu.memory_space<hbm>> -> memref<10000x128xf32, #tpu.memory_space<hbm>>
      tpu.wait_indirect_dma semaphore(%arg28 : memref<!tpu.dma_semaphore, #tpu.memory_space<semaphore_mem>>) src(%dma_wait3A_250 : memref<10000x128xf32, #tpu.memory_space<hbm>>) dst(%arg16 : memref<80x128xf32, #tpu.memory_space<vmem>>)
      %dma_wait3A_251 = arith.constant 0 : i32
      %dma_wait3A_252 = arith.constant 0 : i32
      %dma_wait3A_253 = tpu.memref_slice %arg2[%dma_wait3A_251, %dma_wait3A_252] : memref<10000x128xf32, #tpu.memory_space<hbm>> -> memref<10000x128xf32, #tpu.memory_space<hbm>>
      tpu.wait_indirect_dma semaphore(%arg28 : memref<!tpu.dma_semaphore, #tpu.memory_space<semaphore_mem>>) src(%dma_wait3A_253 : memref<10000x128xf32, #tpu.memory_space<hbm>>) dst(%arg20 : memref<80x128xf32, #tpu.memory_space<vmem>>)
      %mul3A_254 = arith.constant 4 : i32
      %mul3A_255 = arith.muli %scan3A_74, %mul3A_254 : i32
      %add3A_256 = arith.addi %mul3A_2, %mul3A_255 : i32
      %add3A_257 = arith.constant 1 : i32
      %add3A_258 = arith.addi %add3A_256, %add3A_257 : i32
      %mul3A_259 = arith.constant 80 : i32
      %mul3A_260 = arith.muli %add3A_258, %mul3A_259 : i32
      %dma_start3A_261 = arith.constant 0 : i32
      %dma_start3A_262 = tpu.memref_slice %arg5[%mul3A_260, %dma_start3A_261] : memref<64000x128xf32, #tpu.memory_space<hbm>> -> memref<80x128xf32, #tpu.memory_space<hbm>>
      %dma_start3A_263 = arith.constant 0 : i32
      %dma_start3A_264 = tpu.memref_slice %arg5[%mul3A_260, %dma_start3A_263] : memref<64000x128xf32, #tpu.memory_space<hbm>> -> memref<80x128xf32, #tpu.memory_space<hbm>>
      tpu.enqueue_dma source(%arg16 : memref<80x128xf32, #tpu.memory_space<vmem>>) target(%dma_start3A_264 : memref<80x128xf32, #tpu.memory_space<hbm>>) target_semaphore(%arg32 : memref<!tpu.dma_semaphore, #tpu.memory_space<semaphore_mem>>)
      %mul3A_265 = arith.constant 4 : i32
      %mul3A_266 = arith.muli %scan3A_74, %mul3A_265 : i32
      %add3A_267 = arith.addi %mul3A_2, %mul3A_266 : i32
      %add3A_268 = arith.constant 1 : i32
      %add3A_269 = arith.addi %add3A_267, %add3A_268 : i32
      %mul3A_270 = arith.constant 80 : i32
      %mul3A_271 = arith.muli %add3A_269, %mul3A_270 : i32
      %dma_start3A_272 = arith.constant 0 : i32
      %dma_start3A_273 = tpu.memref_slice %arg6[%mul3A_271, %dma_start3A_272] : memref<64000x128xf32, #tpu.memory_space<hbm>> -> memref<80x128xf32, #tpu.memory_space<hbm>>
      %dma_start3A_274 = arith.constant 0 : i32
      %dma_start3A_275 = tpu.memref_slice %arg6[%mul3A_271, %dma_start3A_274] : memref<64000x128xf32, #tpu.memory_space<hbm>> -> memref<80x128xf32, #tpu.memory_space<hbm>>
      tpu.enqueue_dma source(%arg20 : memref<80x128xf32, #tpu.memory_space<vmem>>) target(%dma_start3A_275 : memref<80x128xf32, #tpu.memory_space<hbm>>) target_semaphore(%arg32 : memref<!tpu.dma_semaphore, #tpu.memory_space<semaphore_mem>>)
      %dma_wait3A_276 = arith.constant 0 : i32
      %dma_wait3A_277 = arith.constant 0 : i32
      %dma_wait3A_278 = tpu.memref_slice %arg2[%dma_wait3A_276, %dma_wait3A_277] : memref<10000x128xf32, #tpu.memory_space<hbm>> -> memref<10000x128xf32, #tpu.memory_space<hbm>>
      tpu.wait_indirect_dma semaphore(%arg29 : memref<!tpu.dma_semaphore, #tpu.memory_space<semaphore_mem>>) src(%dma_wait3A_278 : memref<10000x128xf32, #tpu.memory_space<hbm>>) dst(%arg17 : memref<80x128xf32, #tpu.memory_space<vmem>>)
      %dma_wait3A_279 = arith.constant 0 : i32
      %dma_wait3A_280 = arith.constant 0 : i32
      %dma_wait3A_281 = tpu.memref_slice %arg2[%dma_wait3A_279, %dma_wait3A_280] : memref<10000x128xf32, #tpu.memory_space<hbm>> -> memref<10000x128xf32, #tpu.memory_space<hbm>>
      tpu.wait_indirect_dma semaphore(%arg29 : memref<!tpu.dma_semaphore, #tpu.memory_space<semaphore_mem>>) src(%dma_wait3A_281 : memref<10000x128xf32, #tpu.memory_space<hbm>>) dst(%arg21 : memref<80x128xf32, #tpu.memory_space<vmem>>)
      %mul3A_282 = arith.constant 4 : i32
      %mul3A_283 = arith.muli %scan3A_74, %mul3A_282 : i32
      %add3A_284 = arith.addi %mul3A_2, %mul3A_283 : i32
      %add3A_285 = arith.constant 2 : i32
      %add3A_286 = arith.addi %add3A_284, %add3A_285 : i32
      %mul3A_287 = arith.constant 80 : i32
      %mul3A_288 = arith.muli %add3A_286, %mul3A_287 : i32
      %dma_start3A_289 = arith.constant 0 : i32
      %dma_start3A_290 = tpu.memref_slice %arg5[%mul3A_288, %dma_start3A_289] : memref<64000x128xf32, #tpu.memory_space<hbm>> -> memref<80x128xf32, #tpu.memory_space<hbm>>
      %dma_start3A_291 = arith.constant 0 : i32
      %dma_start3A_292 = tpu.memref_slice %arg5[%mul3A_288, %dma_start3A_291] : memref<64000x128xf32, #tpu.memory_space<hbm>> -> memref<80x128xf32, #tpu.memory_space<hbm>>
      tpu.enqueue_dma source(%arg17 : memref<80x128xf32, #tpu.memory_space<vmem>>) target(%dma_start3A_292 : memref<80x128xf32, #tpu.memory_space<hbm>>) target_semaphore(%arg33 : memref<!tpu.dma_semaphore, #tpu.memory_space<semaphore_mem>>)
      %mul3A_293 = arith.constant 4 : i32
      %mul3A_294 = arith.muli %scan3A_74, %mul3A_293 : i32
      %add3A_295 = arith.addi %mul3A_2, %mul3A_294 : i32
      %add3A_296 = arith.constant 2 : i32
      %add3A_297 = arith.addi %add3A_295, %add3A_296 : i32
      %mul3A_298 = arith.constant 80 : i32
      %mul3A_299 = arith.muli %add3A_297, %mul3A_298 : i32
      %dma_start3A_300 = arith.constant 0 : i32
      %dma_start3A_301 = tpu.memref_slice %arg6[%mul3A_299, %dma_start3A_300] : memref<64000x128xf32, #tpu.memory_space<hbm>> -> memref<80x128xf32, #tpu.memory_space<hbm>>
      %dma_start3A_302 = arith.constant 0 : i32
      %dma_start3A_303 = tpu.memref_slice %arg6[%mul3A_299, %dma_start3A_302] : memref<64000x128xf32, #tpu.memory_space<hbm>> -> memref<80x128xf32, #tpu.memory_space<hbm>>
      tpu.enqueue_dma source(%arg21 : memref<80x128xf32, #tpu.memory_space<vmem>>) target(%dma_start3A_303 : memref<80x128xf32, #tpu.memory_space<hbm>>) target_semaphore(%arg33 : memref<!tpu.dma_semaphore, #tpu.memory_space<semaphore_mem>>)
      %dma_wait3A_304 = arith.constant 0 : i32
      %dma_wait3A_305 = arith.constant 0 : i32
      %dma_wait3A_306 = tpu.memref_slice %arg2[%dma_wait3A_304, %dma_wait3A_305] : memref<10000x128xf32, #tpu.memory_space<hbm>> -> memref<10000x128xf32, #tpu.memory_space<hbm>>
      tpu.wait_indirect_dma semaphore(%arg30 : memref<!tpu.dma_semaphore, #tpu.memory_space<semaphore_mem>>) src(%dma_wait3A_306 : memref<10000x128xf32, #tpu.memory_space<hbm>>) dst(%arg18 : memref<80x128xf32, #tpu.memory_space<vmem>>)
      %dma_wait3A_307 = arith.constant 0 : i32
      %dma_wait3A_308 = arith.constant 0 : i32
      %dma_wait3A_309 = tpu.memref_slice %arg2[%dma_wait3A_307, %dma_wait3A_308] : memref<10000x128xf32, #tpu.memory_space<hbm>> -> memref<10000x128xf32, #tpu.memory_space<hbm>>
      tpu.wait_indirect_dma semaphore(%arg30 : memref<!tpu.dma_semaphore, #tpu.memory_space<semaphore_mem>>) src(%dma_wait3A_309 : memref<10000x128xf32, #tpu.memory_space<hbm>>) dst(%arg22 : memref<80x128xf32, #tpu.memory_space<vmem>>)
      %mul3A_310 = arith.constant 4 : i32
      %mul3A_311 = arith.muli %scan3A_74, %mul3A_310 : i32
      %add3A_312 = arith.addi %mul3A_2, %mul3A_311 : i32
      %add3A_313 = arith.constant 3 : i32
      %add3A_314 = arith.addi %add3A_312, %add3A_313 : i32
      %mul3A_315 = arith.constant 80 : i32
      %mul3A_316 = arith.muli %add3A_314, %mul3A_315 : i32
      %dma_start3A_317 = arith.constant 0 : i32
      %dma_start3A_318 = tpu.memref_slice %arg5[%mul3A_316, %dma_start3A_317] : memref<64000x128xf32, #tpu.memory_space<hbm>> -> memref<80x128xf32, #tpu.memory_space<hbm>>
      %dma_start3A_319 = arith.constant 0 : i32
      %dma_start3A_320 = tpu.memref_slice %arg5[%mul3A_316, %dma_start3A_319] : memref<64000x128xf32, #tpu.memory_space<hbm>> -> memref<80x128xf32, #tpu.memory_space<hbm>>
      tpu.enqueue_dma source(%arg18 : memref<80x128xf32, #tpu.memory_space<vmem>>) target(%dma_start3A_320 : memref<80x128xf32, #tpu.memory_space<hbm>>) target_semaphore(%arg34 : memref<!tpu.dma_semaphore, #tpu.memory_space<semaphore_mem>>)
      %mul3A_321 = arith.constant 4 : i32
      %mul3A_322 = arith.muli %scan3A_74, %mul3A_321 : i32
      %add3A_323 = arith.addi %mul3A_2, %mul3A_322 : i32
      %add3A_324 = arith.constant 3 : i32
      %add3A_325 = arith.addi %add3A_323, %add3A_324 : i32
      %mul3A_326 = arith.constant 80 : i32
      %mul3A_327 = arith.muli %add3A_325, %mul3A_326 : i32
      %dma_start3A_328 = arith.constant 0 : i32
      %dma_start3A_329 = tpu.memref_slice %arg6[%mul3A_327, %dma_start3A_328] : memref<64000x128xf32, #tpu.memory_space<hbm>> -> memref<80x128xf32, #tpu.memory_space<hbm>>
      %dma_start3A_330 = arith.constant 0 : i32
      %dma_start3A_331 = tpu.memref_slice %arg6[%mul3A_327, %dma_start3A_330] : memref<64000x128xf32, #tpu.memory_space<hbm>> -> memref<80x128xf32, #tpu.memory_space<hbm>>
      tpu.enqueue_dma source(%arg22 : memref<80x128xf32, #tpu.memory_space<vmem>>) target(%dma_start3A_331 : memref<80x128xf32, #tpu.memory_space<hbm>>) target_semaphore(%arg34 : memref<!tpu.dma_semaphore, #tpu.memory_space<semaphore_mem>>)
    }
    %scan3A_7 = arith.constant 6 : i32
    %mul3A_8 = arith.constant 80 : i32
    %mul3A_9 = arith.muli %mul3A_2, %mul3A_8 : i32
    %dma_wait3A = arith.constant 0 : i32
    %dma_wait3A_10 = tpu.memref_slice %arg5[%mul3A_9, %dma_wait3A] : memref<64000x128xf32, #tpu.memory_space<hbm>> -> memref<80x128xf32, #tpu.memory_space<hbm>>
    %dma_wait3A_11 = arith.constant 0 : i32
    %dma_wait3A_12 = tpu.memref_slice %arg5[%mul3A_9, %dma_wait3A_11] : memref<64000x128xf32, #tpu.memory_space<hbm>> -> memref<80x128xf32, #tpu.memory_space<hbm>>
    tpu.wait_dma2 semaphore(%arg31 : memref<!tpu.dma_semaphore, #tpu.memory_space<semaphore_mem>>) src(%arg15 : memref<80x128xf32, #tpu.memory_space<vmem>>) dst(%dma_wait3A_12 : memref<80x128xf32, #tpu.memory_space<hbm>>)
    %mul3A_13 = arith.constant 80 : i32
    %mul3A_14 = arith.muli %mul3A_2, %mul3A_13 : i32
    %dma_wait3A_15 = arith.constant 0 : i32
    %dma_wait3A_16 = tpu.memref_slice %arg6[%mul3A_14, %dma_wait3A_15] : memref<64000x128xf32, #tpu.memory_space<hbm>> -> memref<80x128xf32, #tpu.memory_space<hbm>>
    %dma_wait3A_17 = arith.constant 0 : i32
    %dma_wait3A_18 = tpu.memref_slice %arg6[%mul3A_14, %dma_wait3A_17] : memref<64000x128xf32, #tpu.memory_space<hbm>> -> memref<80x128xf32, #tpu.memory_space<hbm>>
    tpu.wait_dma2 semaphore(%arg31 : memref<!tpu.dma_semaphore, #tpu.memory_space<semaphore_mem>>) src(%arg19 : memref<80x128xf32, #tpu.memory_space<vmem>>) dst(%dma_wait3A_18 : memref<80x128xf32, #tpu.memory_space<hbm>>)
    %mul3A_19 = arith.constant 80 : i32
    %mul3A_20 = arith.muli %mul3A_2, %mul3A_19 : i32
    %dma_wait3A_21 = arith.constant 0 : i32
    %dma_wait3A_22 = tpu.memref_slice %arg5[%mul3A_20, %dma_wait3A_21] : memref<64000x128xf32, #tpu.memory_space<hbm>> -> memref<80x128xf32, #tpu.memory_space<hbm>>
    %dma_wait3A_23 = arith.constant 0 : i32
    %dma_wait3A_24 = tpu.memref_slice %arg5[%mul3A_20, %dma_wait3A_23] : memref<64000x128xf32, #tpu.memory_space<hbm>> -> memref<80x128xf32, #tpu.memory_space<hbm>>
    tpu.wait_dma2 semaphore(%arg32 : memref<!tpu.dma_semaphore, #tpu.memory_space<semaphore_mem>>) src(%arg16 : memref<80x128xf32, #tpu.memory_space<vmem>>) dst(%dma_wait3A_24 : memref<80x128xf32, #tpu.memory_space<hbm>>)
    %mul3A_25 = arith.constant 80 : i32
    %mul3A_26 = arith.muli %mul3A_2, %mul3A_25 : i32
    %dma_wait3A_27 = arith.constant 0 : i32
    %dma_wait3A_28 = tpu.memref_slice %arg6[%mul3A_26, %dma_wait3A_27] : memref<64000x128xf32, #tpu.memory_space<hbm>> -> memref<80x128xf32, #tpu.memory_space<hbm>>
    %dma_wait3A_29 = arith.constant 0 : i32
    %dma_wait3A_30 = tpu.memref_slice %arg6[%mul3A_26, %dma_wait3A_29] : memref<64000x128xf32, #tpu.memory_space<hbm>> -> memref<80x128xf32, #tpu.memory_space<hbm>>
    tpu.wait_dma2 semaphore(%arg32 : memref<!tpu.dma_semaphore, #tpu.memory_space<semaphore_mem>>) src(%arg20 : memref<80x128xf32, #tpu.memory_space<vmem>>) dst(%dma_wait3A_30 : memref<80x128xf32, #tpu.memory_space<hbm>>)
    %mul3A_31 = arith.constant 80 : i32
    %mul3A_32 = arith.muli %mul3A_2, %mul3A_31 : i32
    %dma_wait3A_33 = arith.constant 0 : i32
    %dma_wait3A_34 = tpu.memref_slice %arg5[%mul3A_32, %dma_wait3A_33] : memref<64000x128xf32, #tpu.memory_space<hbm>> -> memref<80x128xf32, #tpu.memory_space<hbm>>
    %dma_wait3A_35 = arith.constant 0 : i32
    %dma_wait3A_36 = tpu.memref_slice %arg5[%mul3A_32, %dma_wait3A_35] : memref<64000x128xf32, #tpu.memory_space<hbm>> -> memref<80x128xf32, #tpu.memory_space<hbm>>
    tpu.wait_dma2 semaphore(%arg33 : memref<!tpu.dma_semaphore, #tpu.memory_space<semaphore_mem>>) src(%arg17 : memref<80x128xf32, #tpu.memory_space<vmem>>) dst(%dma_wait3A_36 : memref<80x128xf32, #tpu.memory_space<hbm>>)
    %mul3A_37 = arith.constant 80 : i32
    %mul3A_38 = arith.muli %mul3A_2, %mul3A_37 : i32
    %dma_wait3A_39 = arith.constant 0 : i32
    %dma_wait3A_40 = tpu.memref_slice %arg6[%mul3A_38, %dma_wait3A_39] : memref<64000x128xf32, #tpu.memory_space<hbm>> -> memref<80x128xf32, #tpu.memory_space<hbm>>
    %dma_wait3A_41 = arith.constant 0 : i32
    %dma_wait3A_42 = tpu.memref_slice %arg6[%mul3A_38, %dma_wait3A_41] : memref<64000x128xf32, #tpu.memory_space<hbm>> -> memref<80x128xf32, #tpu.memory_space<hbm>>
    tpu.wait_dma2 semaphore(%arg33 : memref<!tpu.dma_semaphore, #tpu.memory_space<semaphore_mem>>) src(%arg21 : memref<80x128xf32, #tpu.memory_space<vmem>>) dst(%dma_wait3A_42 : memref<80x128xf32, #tpu.memory_space<hbm>>)
    %mul3A_43 = arith.constant 80 : i32
    %mul3A_44 = arith.muli %mul3A_2, %mul3A_43 : i32
    %dma_wait3A_45 = arith.constant 0 : i32
    %dma_wait3A_46 = tpu.memref_slice %arg5[%mul3A_44, %dma_wait3A_45] : memref<64000x128xf32, #tpu.memory_space<hbm>> -> memref<80x128xf32, #tpu.memory_space<hbm>>
    %dma_wait3A_47 = arith.constant 0 : i32
    %dma_wait3A_48 = tpu.memref_slice %arg5[%mul3A_44, %dma_wait3A_47] : memref<64000x128xf32, #tpu.memory_space<hbm>> -> memref<80x128xf32, #tpu.memory_space<hbm>>
    tpu.wait_dma2 semaphore(%arg34 : memref<!tpu.dma_semaphore, #tpu.memory_space<semaphore_mem>>) src(%arg18 : memref<80x128xf32, #tpu.memory_space<vmem>>) dst(%dma_wait3A_48 : memref<80x128xf32, #tpu.memory_space<hbm>>)
    %mul3A_49 = arith.constant 80 : i32
    %mul3A_50 = arith.muli %mul3A_2, %mul3A_49 : i32
    %dma_wait3A_51 = arith.constant 0 : i32
    %dma_wait3A_52 = tpu.memref_slice %arg6[%mul3A_50, %dma_wait3A_51] : memref<64000x128xf32, #tpu.memory_space<hbm>> -> memref<80x128xf32, #tpu.memory_space<hbm>>
    %dma_wait3A_53 = arith.constant 0 : i32
    %dma_wait3A_54 = tpu.memref_slice %arg6[%mul3A_50, %dma_wait3A_53] : memref<64000x128xf32, #tpu.memory_space<hbm>> -> memref<80x128xf32, #tpu.memory_space<hbm>>
    tpu.wait_dma2 semaphore(%arg34 : memref<!tpu.dma_semaphore, #tpu.memory_space<semaphore_mem>>) src(%arg22 : memref<80x128xf32, #tpu.memory_space<vmem>>) dst(%dma_wait3A_54 : memref<80x128xf32, #tpu.memory_space<hbm>>)
    %add3A_55 = arith.constant 24 : i32
    %add3A_56 = arith.addi %mul3A_2, %add3A_55 : i32
    %mul3A_57 = arith.constant 80 : i32
    %mul3A_58 = arith.muli %add3A_56, %mul3A_57 : i32
    %add3A_59 = arith.constant 5120 : i32
    %add3A_60 = arith.addi %add3A_59, %mul3A_58 : i32
    "tpu.region"() ({
      %run_scoped3A = tpu.sem_alloc : memref<!tpu.dma_semaphore, #tpu.memory_space<semaphore_mem>>
      %dma_start3A_74 = tpu.memref_slice %arg3[%add3A_60] : memref<320000xi32, #tpu.memory_space<hbm>> -> memref<80xi32, #tpu.memory_space<hbm>>
      %dma_start3A_75 = tpu.memref_slice %arg3[%add3A_60] : memref<320000xi32, #tpu.memory_space<hbm>> -> memref<80xi32, #tpu.memory_space<hbm>>
      tpu.enqueue_dma source(%dma_start3A_75 : memref<80xi32, #tpu.memory_space<hbm>>) target(%arg7 : memref<80xi32, #tpu.memory_space<vmem>>) target_semaphore(%run_scoped3A : memref<!tpu.dma_semaphore, #tpu.memory_space<semaphore_mem>>)
      %dma_wait3A_76 = tpu.memref_slice %arg3[%add3A_60] : memref<320000xi32, #tpu.memory_space<hbm>> -> memref<80xi32, #tpu.memory_space<hbm>>
      %dma_wait3A_77 = tpu.memref_slice %arg3[%add3A_60] : memref<320000xi32, #tpu.memory_space<hbm>> -> memref<80xi32, #tpu.memory_space<hbm>>
      tpu.wait_dma2 semaphore(%run_scoped3A : memref<!tpu.dma_semaphore, #tpu.memory_space<semaphore_mem>>) src(%dma_wait3A_77 : memref<80xi32, #tpu.memory_space<hbm>>) dst(%arg7 : memref<80xi32, #tpu.memory_space<vmem>>)
      tpu.yield
    }) : () -> ()
    %add3A_61 = arith.constant 5120 : i32
    %add3A_62 = arith.addi %add3A_61, %mul3A_58 : i32
    "tpu.region"() ({
      %run_scoped3A = tpu.sem_alloc : memref<!tpu.dma_semaphore, #tpu.memory_space<semaphore_mem>>
      %dma_start3A_74 = tpu.memref_slice %arg4[%add3A_62] : memref<320000xi32, #tpu.memory_space<hbm>> -> memref<80xi32, #tpu.memory_space<hbm>>
      %dma_start3A_75 = tpu.memref_slice %arg4[%add3A_62] : memref<320000xi32, #tpu.memory_space<hbm>> -> memref<80xi32, #tpu.memory_space<hbm>>
      tpu.enqueue_dma source(%dma_start3A_75 : memref<80xi32, #tpu.memory_space<hbm>>) target(%arg11 : memref<80xi32, #tpu.memory_space<vmem>>) target_semaphore(%run_scoped3A : memref<!tpu.dma_semaphore, #tpu.memory_space<semaphore_mem>>)
      %dma_wait3A_76 = tpu.memref_slice %arg4[%add3A_62] : memref<320000xi32, #tpu.memory_space<hbm>> -> memref<80xi32, #tpu.memory_space<hbm>>
      %dma_wait3A_77 = tpu.memref_slice %arg4[%add3A_62] : memref<320000xi32, #tpu.memory_space<hbm>> -> memref<80xi32, #tpu.memory_space<hbm>>
      tpu.wait_dma2 semaphore(%run_scoped3A : memref<!tpu.dma_semaphore, #tpu.memory_space<semaphore_mem>>) src(%dma_wait3A_77 : memref<80xi32, #tpu.memory_space<hbm>>) dst(%arg11 : memref<80xi32, #tpu.memory_space<vmem>>)
      tpu.yield
    }) : () -> ()
    %dma_start3A = arith.constant 0 : i32
    %dma_start3A_63 = arith.constant 0 : i32
    %dma_start3A_64 = tpu.memref_slice %arg2[%dma_start3A, %dma_start3A_63] : memref<10000x128xf32, #tpu.memory_space<hbm>> -> memref<10000x128xf32, #tpu.memory_space<hbm>>
    tpu.enqueue_indirect_dma source(%dma_start3A_64 : memref<10000x128xf32, #tpu.memory_space<hbm>>) target(%arg15 : memref<80x128xf32, #tpu.memory_space<vmem>>) offsets(%arg7 : memref<80xi32, #tpu.memory_space<vmem>>) semaphore(%arg27 : memref<!tpu.dma_semaphore, #tpu.memory_space<semaphore_mem>>)
    %dma_wait3A_65 = arith.constant 0 : i32
    %dma_wait3A_66 = arith.constant 0 : i32
    %dma_wait3A_67 = tpu.memref_slice %arg2[%dma_wait3A_65, %dma_wait3A_66] : memref<10000x128xf32, #tpu.memory_space<hbm>> -> memref<10000x128xf32, #tpu.memory_space<hbm>>
    tpu.wait_indirect_dma semaphore(%arg27 : memref<!tpu.dma_semaphore, #tpu.memory_space<semaphore_mem>>) src(%dma_wait3A_67 : memref<10000x128xf32, #tpu.memory_space<hbm>>) dst(%arg15 : memref<80x128xf32, #tpu.memory_space<vmem>>)
    %dma_start3A_68 = arith.constant 0 : i32
    %dma_start3A_69 = arith.constant 0 : i32
    %dma_start3A_70 = tpu.memref_slice %arg2[%dma_start3A_68, %dma_start3A_69] : memref<10000x128xf32, #tpu.memory_space<hbm>> -> memref<10000x128xf32, #tpu.memory_space<hbm>>
    tpu.enqueue_indirect_dma source(%dma_start3A_70 : memref<10000x128xf32, #tpu.memory_space<hbm>>) target(%arg19 : memref<80x128xf32, #tpu.memory_space<vmem>>) offsets(%arg11 : memref<80xi32, #tpu.memory_space<vmem>>) semaphore(%arg27 : memref<!tpu.dma_semaphore, #tpu.memory_space<semaphore_mem>>)
    %dma_wait3A_71 = arith.constant 0 : i32
    %dma_wait3A_72 = arith.constant 0 : i32
    %dma_wait3A_73 = tpu.memref_slice %arg2[%dma_wait3A_71, %dma_wait3A_72] : memref<10000x128xf32, #tpu.memory_space<hbm>> -> memref<10000x128xf32, #tpu.memory_space<hbm>>
    tpu.wait_indirect_dma semaphore(%arg27 : memref<!tpu.dma_semaphore, #tpu.memory_space<semaphore_mem>>) src(%dma_wait3A_73 : memref<10000x128xf32, #tpu.memory_space<hbm>>) dst(%arg19 : memref<80x128xf32, #tpu.memory_space<vmem>>)
    "tpu.region"() ({
      %run_scoped3A = tpu.sem_alloc : memref<!tpu.dma_semaphore, #tpu.memory_space<semaphore_mem>>
      %dma_start3A_74 = arith.constant 0 : i32
      %dma_start3A_75 = tpu.memref_slice %arg5[%mul3A_58, %dma_start3A_74] : memref<64000x128xf32, #tpu.memory_space<hbm>> -> memref<80x128xf32, #tpu.memory_space<hbm>>
      %dma_start3A_76 = arith.constant 0 : i32
      %dma_start3A_77 = tpu.memref_slice %arg5[%mul3A_58, %dma_start3A_76] : memref<64000x128xf32, #tpu.memory_space<hbm>> -> memref<80x128xf32, #tpu.memory_space<hbm>>
      tpu.enqueue_dma source(%arg15 : memref<80x128xf32, #tpu.memory_space<vmem>>) target(%dma_start3A_77 : memref<80x128xf32, #tpu.memory_space<hbm>>) target_semaphore(%run_scoped3A : memref<!tpu.dma_semaphore, #tpu.memory_space<semaphore_mem>>)
      %dma_wait3A_78 = arith.constant 0 : i32
      %dma_wait3A_79 = tpu.memref_slice %arg5[%mul3A_58, %dma_wait3A_78] : memref<64000x128xf32, #tpu.memory_space<hbm>> -> memref<80x128xf32, #tpu.memory_space<hbm>>
      %dma_wait3A_80 = arith.constant 0 : i32
      %dma_wait3A_81 = tpu.memref_slice %arg5[%mul3A_58, %dma_wait3A_80] : memref<64000x128xf32, #tpu.memory_space<hbm>> -> memref<80x128xf32, #tpu.memory_space<hbm>>
      tpu.wait_dma2 semaphore(%run_scoped3A : memref<!tpu.dma_semaphore, #tpu.memory_space<semaphore_mem>>) src(%arg15 : memref<80x128xf32, #tpu.memory_space<vmem>>) dst(%dma_wait3A_81 : memref<80x128xf32, #tpu.memory_space<hbm>>)
      tpu.yield
    }) : () -> ()
    "tpu.region"() ({
      %run_scoped3A = tpu.sem_alloc : memref<!tpu.dma_semaphore, #tpu.memory_space<semaphore_mem>>
      %dma_start3A_74 = arith.constant 0 : i32
      %dma_start3A_75 = tpu.memref_slice %arg6[%mul3A_58, %dma_start3A_74] : memref<64000x128xf32, #tpu.memory_space<hbm>> -> memref<80x128xf32, #tpu.memory_space<hbm>>
      %dma_start3A_76 = arith.constant 0 : i32
      %dma_start3A_77 = tpu.memref_slice %arg6[%mul3A_58, %dma_start3A_76] : memref<64000x128xf32, #tpu.memory_space<hbm>> -> memref<80x128xf32, #tpu.memory_space<hbm>>
      tpu.enqueue_dma source(%arg19 : memref<80x128xf32, #tpu.memory_space<vmem>>) target(%dma_start3A_77 : memref<80x128xf32, #tpu.memory_space<hbm>>) target_semaphore(%run_scoped3A : memref<!tpu.dma_semaphore, #tpu.memory_space<semaphore_mem>>)
      %dma_wait3A_78 = arith.constant 0 : i32
      %dma_wait3A_79 = tpu.memref_slice %arg6[%mul3A_58, %dma_wait3A_78] : memref<64000x128xf32, #tpu.memory_space<hbm>> -> memref<80x128xf32, #tpu.memory_space<hbm>>
      %dma_wait3A_80 = arith.constant 0 : i32
      %dma_wait3A_81 = tpu.memref_slice %arg6[%mul3A_58, %dma_wait3A_80] : memref<64000x128xf32, #tpu.memory_space<hbm>> -> memref<80x128xf32, #tpu.memory_space<hbm>>
      tpu.wait_dma2 semaphore(%run_scoped3A : memref<!tpu.dma_semaphore, #tpu.memory_space<semaphore_mem>>) src(%arg19 : memref<80x128xf32, #tpu.memory_space<vmem>>) dst(%dma_wait3A_81 : memref<80x128xf32, #tpu.memory_space<hbm>>)
      tpu.yield
    }) : () -> ()
    return
  }
}

#map = affine_map<(d0, d1) -> (0, 0)>
#map1 = affine_map<(d0, d1) -> (0)>
module attributes {stable_mosaic.version = 14 : i64} {
  func.func @sc_gather_s0(%arg0: i32, %arg1: i32, %arg2: memref<10000x128xf32, #tpu.memory_space<hbm>>, %arg3: memref<320000xi32, #tpu.memory_space<hbm>>, %arg4: memref<320000xi32, #tpu.memory_space<hbm>>, %arg5: memref<5120x128xf32, #tpu.memory_space<hbm>>, %arg6: memref<5120x128xf32, #tpu.memory_space<hbm>>, %arg7: memref<80xi32, #tpu.memory_space<vmem>>, %arg8: memref<80xi32, #tpu.memory_space<vmem>>, %arg9: memref<80xi32, #tpu.memory_space<vmem>>, %arg10: memref<80xi32, #tpu.memory_space<vmem>>, %arg11: memref<80xi32, #tpu.memory_space<vmem>>, %arg12: memref<80xi32, #tpu.memory_space<vmem>>, %arg13: memref<80xi32, #tpu.memory_space<vmem>>, %arg14: memref<80xi32, #tpu.memory_space<vmem>>, %arg15: memref<80x128xf32, #tpu.memory_space<vmem>>, %arg16: memref<80x128xf32, #tpu.memory_space<vmem>>, %arg17: memref<80x128xf32, #tpu.memory_space<vmem>>, %arg18: memref<80x128xf32, #tpu.memory_space<vmem>>, %arg19: memref<80x128xf32, #tpu.memory_space<vmem>>, %arg20: memref<80x128xf32, #tpu.memory_space<vmem>>, %arg21: memref<80x128xf32, #tpu.memory_space<vmem>>, %arg22: memref<80x128xf32, #tpu.memory_space<vmem>>, %arg23: memref<!tpu.dma_semaphore, #tpu.memory_space<semaphore_mem>>, %arg24: memref<!tpu.dma_semaphore, #tpu.memory_space<semaphore_mem>>, %arg25: memref<!tpu.dma_semaphore, #tpu.memory_space<semaphore_mem>>, %arg26: memref<!tpu.dma_semaphore, #tpu.memory_space<semaphore_mem>>, %arg27: memref<!tpu.dma_semaphore, #tpu.memory_space<semaphore_mem>>, %arg28: memref<!tpu.dma_semaphore, #tpu.memory_space<semaphore_mem>>, %arg29: memref<!tpu.dma_semaphore, #tpu.memory_space<semaphore_mem>>, %arg30: memref<!tpu.dma_semaphore, #tpu.memory_space<semaphore_mem>>, %arg31: memref<!tpu.dma_semaphore, #tpu.memory_space<semaphore_mem>>, %arg32: memref<!tpu.dma_semaphore, #tpu.memory_space<semaphore_mem>>, %arg33: memref<!tpu.dma_semaphore, #tpu.memory_space<semaphore_mem>>, %arg34: memref<!tpu.dma_semaphore, #tpu.memory_space<semaphore_mem>>) attributes {dimension_semantics = [#tpu.dimension_semantics<core_parallel>, #tpu.dimension_semantics<subcore_parallel>], iteration_bounds = array<i64: 2, 16>, scalar_prefetch = 0 : i64, scratch_operands = 28 : i64, tpu.core_type = #tpu.core_type<sc_vector_subcore>, window_params = [{transform_indices = #map}, {transform_indices = #map1}, {transform_indices = #map1}, {transform_indices = #map}, {transform_indices = #map}]} {
    %mul3A = arith.constant 2 : i32
    %mul3A_0 = arith.muli %arg1, %mul3A : i32
    %add3A = arith.addi %mul3A_0, %arg0 : i32
    %mul3A_1 = arith.constant 2 : i32
    %mul3A_2 = arith.muli %add3A, %mul3A_1 : i32
    %scan3A = arith.constant 0 : i32
    %scan3A_3 = arith.constant 0 : i32
    %scan3A_4 = arith.constant 0 : i32
    %scan3A_5 = arith.addi %scan3A_3, %scan3A_4 : i32
    %scan3A_6 = arith.constant 0 : i32
    %add3A_7 = arith.constant 0 : i32
    %add3A_8 = arith.addi %mul3A_2, %add3A_7 : i32
    %mul3A_9 = arith.constant 80 : i32
    %mul3A_10 = arith.muli %add3A_8, %mul3A_9 : i32
    %add3A_11 = arith.constant 0 : i32
    %add3A_12 = arith.addi %add3A_11, %mul3A_10 : i32
    "tpu.region"() ({
      %run_scoped3A = tpu.sem_alloc : memref<!tpu.dma_semaphore, #tpu.memory_space<semaphore_mem>>
      %dma_start3A_45 = tpu.memref_slice %arg3[%add3A_12] : memref<320000xi32, #tpu.memory_space<hbm>> -> memref<80xi32, #tpu.memory_space<hbm>>
      %dma_start3A_46 = tpu.memref_slice %arg3[%add3A_12] : memref<320000xi32, #tpu.memory_space<hbm>> -> memref<80xi32, #tpu.memory_space<hbm>>
      tpu.enqueue_dma source(%dma_start3A_46 : memref<80xi32, #tpu.memory_space<hbm>>) target(%arg7 : memref<80xi32, #tpu.memory_space<vmem>>) target_semaphore(%run_scoped3A : memref<!tpu.dma_semaphore, #tpu.memory_space<semaphore_mem>>)
      %dma_wait3A_47 = tpu.memref_slice %arg3[%add3A_12] : memref<320000xi32, #tpu.memory_space<hbm>> -> memref<80xi32, #tpu.memory_space<hbm>>
      %dma_wait3A_48 = tpu.memref_slice %arg3[%add3A_12] : memref<320000xi32, #tpu.memory_space<hbm>> -> memref<80xi32, #tpu.memory_space<hbm>>
      tpu.wait_dma2 semaphore(%run_scoped3A : memref<!tpu.dma_semaphore, #tpu.memory_space<semaphore_mem>>) src(%dma_wait3A_48 : memref<80xi32, #tpu.memory_space<hbm>>) dst(%arg7 : memref<80xi32, #tpu.memory_space<vmem>>)
      tpu.yield
    }) : () -> ()
    %add3A_13 = arith.constant 0 : i32
    %add3A_14 = arith.addi %add3A_13, %mul3A_10 : i32
    "tpu.region"() ({
      %run_scoped3A = tpu.sem_alloc : memref<!tpu.dma_semaphore, #tpu.memory_space<semaphore_mem>>
      %dma_start3A_45 = tpu.memref_slice %arg4[%add3A_14] : memref<320000xi32, #tpu.memory_space<hbm>> -> memref<80xi32, #tpu.memory_space<hbm>>
      %dma_start3A_46 = tpu.memref_slice %arg4[%add3A_14] : memref<320000xi32, #tpu.memory_space<hbm>> -> memref<80xi32, #tpu.memory_space<hbm>>
      tpu.enqueue_dma source(%dma_start3A_46 : memref<80xi32, #tpu.memory_space<hbm>>) target(%arg11 : memref<80xi32, #tpu.memory_space<vmem>>) target_semaphore(%run_scoped3A : memref<!tpu.dma_semaphore, #tpu.memory_space<semaphore_mem>>)
      %dma_wait3A_47 = tpu.memref_slice %arg4[%add3A_14] : memref<320000xi32, #tpu.memory_space<hbm>> -> memref<80xi32, #tpu.memory_space<hbm>>
      %dma_wait3A_48 = tpu.memref_slice %arg4[%add3A_14] : memref<320000xi32, #tpu.memory_space<hbm>> -> memref<80xi32, #tpu.memory_space<hbm>>
      tpu.wait_dma2 semaphore(%run_scoped3A : memref<!tpu.dma_semaphore, #tpu.memory_space<semaphore_mem>>) src(%dma_wait3A_48 : memref<80xi32, #tpu.memory_space<hbm>>) dst(%arg11 : memref<80xi32, #tpu.memory_space<vmem>>)
      tpu.yield
    }) : () -> ()
    %dma_start3A = arith.constant 0 : i32
    %dma_start3A_15 = arith.constant 0 : i32
    %dma_start3A_16 = tpu.memref_slice %arg2[%dma_start3A, %dma_start3A_15] : memref<10000x128xf32, #tpu.memory_space<hbm>> -> memref<10000x128xf32, #tpu.memory_space<hbm>>
    tpu.enqueue_indirect_dma source(%dma_start3A_16 : memref<10000x128xf32, #tpu.memory_space<hbm>>) target(%arg15 : memref<80x128xf32, #tpu.memory_space<vmem>>) offsets(%arg7 : memref<80xi32, #tpu.memory_space<vmem>>) semaphore(%arg27 : memref<!tpu.dma_semaphore, #tpu.memory_space<semaphore_mem>>)
    %dma_wait3A = arith.constant 0 : i32
    %dma_wait3A_17 = arith.constant 0 : i32
    %dma_wait3A_18 = tpu.memref_slice %arg2[%dma_wait3A, %dma_wait3A_17] : memref<10000x128xf32, #tpu.memory_space<hbm>> -> memref<10000x128xf32, #tpu.memory_space<hbm>>
    tpu.wait_indirect_dma semaphore(%arg27 : memref<!tpu.dma_semaphore, #tpu.memory_space<semaphore_mem>>) src(%dma_wait3A_18 : memref<10000x128xf32, #tpu.memory_space<hbm>>) dst(%arg15 : memref<80x128xf32, #tpu.memory_space<vmem>>)
    %dma_start3A_19 = arith.constant 0 : i32
    %dma_start3A_20 = arith.constant 0 : i32
    %dma_start3A_21 = tpu.memref_slice %arg2[%dma_start3A_19, %dma_start3A_20] : memref<10000x128xf32, #tpu.memory_space<hbm>> -> memref<10000x128xf32, #tpu.memory_space<hbm>>
    tpu.enqueue_indirect_dma source(%dma_start3A_21 : memref<10000x128xf32, #tpu.memory_space<hbm>>) target(%arg19 : memref<80x128xf32, #tpu.memory_space<vmem>>) offsets(%arg11 : memref<80xi32, #tpu.memory_space<vmem>>) semaphore(%arg27 : memref<!tpu.dma_semaphore, #tpu.memory_space<semaphore_mem>>)
    %dma_wait3A_22 = arith.constant 0 : i32
    %dma_wait3A_23 = arith.constant 0 : i32
    %dma_wait3A_24 = tpu.memref_slice %arg2[%dma_wait3A_22, %dma_wait3A_23] : memref<10000x128xf32, #tpu.memory_space<hbm>> -> memref<10000x128xf32, #tpu.memory_space<hbm>>
    tpu.wait_indirect_dma semaphore(%arg27 : memref<!tpu.dma_semaphore, #tpu.memory_space<semaphore_mem>>) src(%dma_wait3A_24 : memref<10000x128xf32, #tpu.memory_space<hbm>>) dst(%arg19 : memref<80x128xf32, #tpu.memory_space<vmem>>)
    "tpu.region"() ({
      %run_scoped3A = tpu.sem_alloc : memref<!tpu.dma_semaphore, #tpu.memory_space<semaphore_mem>>
      %dma_start3A_45 = arith.constant 0 : i32
      %dma_start3A_46 = tpu.memref_slice %arg5[%mul3A_10, %dma_start3A_45] : memref<5120x128xf32, #tpu.memory_space<hbm>> -> memref<80x128xf32, #tpu.memory_space<hbm>>
      %dma_start3A_47 = arith.constant 0 : i32
      %dma_start3A_48 = tpu.memref_slice %arg5[%mul3A_10, %dma_start3A_47] : memref<5120x128xf32, #tpu.memory_space<hbm>> -> memref<80x128xf32, #tpu.memory_space<hbm>>
      tpu.enqueue_dma source(%arg15 : memref<80x128xf32, #tpu.memory_space<vmem>>) target(%dma_start3A_48 : memref<80x128xf32, #tpu.memory_space<hbm>>) target_semaphore(%run_scoped3A : memref<!tpu.dma_semaphore, #tpu.memory_space<semaphore_mem>>)
      %dma_wait3A_49 = arith.constant 0 : i32
      %dma_wait3A_50 = tpu.memref_slice %arg5[%mul3A_10, %dma_wait3A_49] : memref<5120x128xf32, #tpu.memory_space<hbm>> -> memref<80x128xf32, #tpu.memory_space<hbm>>
      %dma_wait3A_51 = arith.constant 0 : i32
      %dma_wait3A_52 = tpu.memref_slice %arg5[%mul3A_10, %dma_wait3A_51] : memref<5120x128xf32, #tpu.memory_space<hbm>> -> memref<80x128xf32, #tpu.memory_space<hbm>>
      tpu.wait_dma2 semaphore(%run_scoped3A : memref<!tpu.dma_semaphore, #tpu.memory_space<semaphore_mem>>) src(%arg15 : memref<80x128xf32, #tpu.memory_space<vmem>>) dst(%dma_wait3A_52 : memref<80x128xf32, #tpu.memory_space<hbm>>)
      tpu.yield
    }) : () -> ()
    "tpu.region"() ({
      %run_scoped3A = tpu.sem_alloc : memref<!tpu.dma_semaphore, #tpu.memory_space<semaphore_mem>>
      %dma_start3A_45 = arith.constant 0 : i32
      %dma_start3A_46 = tpu.memref_slice %arg6[%mul3A_10, %dma_start3A_45] : memref<5120x128xf32, #tpu.memory_space<hbm>> -> memref<80x128xf32, #tpu.memory_space<hbm>>
      %dma_start3A_47 = arith.constant 0 : i32
      %dma_start3A_48 = tpu.memref_slice %arg6[%mul3A_10, %dma_start3A_47] : memref<5120x128xf32, #tpu.memory_space<hbm>> -> memref<80x128xf32, #tpu.memory_space<hbm>>
      tpu.enqueue_dma source(%arg19 : memref<80x128xf32, #tpu.memory_space<vmem>>) target(%dma_start3A_48 : memref<80x128xf32, #tpu.memory_space<hbm>>) target_semaphore(%run_scoped3A : memref<!tpu.dma_semaphore, #tpu.memory_space<semaphore_mem>>)
      %dma_wait3A_49 = arith.constant 0 : i32
      %dma_wait3A_50 = tpu.memref_slice %arg6[%mul3A_10, %dma_wait3A_49] : memref<5120x128xf32, #tpu.memory_space<hbm>> -> memref<80x128xf32, #tpu.memory_space<hbm>>
      %dma_wait3A_51 = arith.constant 0 : i32
      %dma_wait3A_52 = tpu.memref_slice %arg6[%mul3A_10, %dma_wait3A_51] : memref<5120x128xf32, #tpu.memory_space<hbm>> -> memref<80x128xf32, #tpu.memory_space<hbm>>
      tpu.wait_dma2 semaphore(%run_scoped3A : memref<!tpu.dma_semaphore, #tpu.memory_space<semaphore_mem>>) src(%arg19 : memref<80x128xf32, #tpu.memory_space<vmem>>) dst(%dma_wait3A_52 : memref<80x128xf32, #tpu.memory_space<hbm>>)
      tpu.yield
    }) : () -> ()
    %add3A_25 = arith.constant 1 : i32
    %add3A_26 = arith.addi %mul3A_2, %add3A_25 : i32
    %mul3A_27 = arith.constant 80 : i32
    %mul3A_28 = arith.muli %add3A_26, %mul3A_27 : i32
    %add3A_29 = arith.constant 0 : i32
    %add3A_30 = arith.addi %add3A_29, %mul3A_28 : i32
    "tpu.region"() ({
      %run_scoped3A = tpu.sem_alloc : memref<!tpu.dma_semaphore, #tpu.memory_space<semaphore_mem>>
      %dma_start3A_45 = tpu.memref_slice %arg3[%add3A_30] : memref<320000xi32, #tpu.memory_space<hbm>> -> memref<80xi32, #tpu.memory_space<hbm>>
      %dma_start3A_46 = tpu.memref_slice %arg3[%add3A_30] : memref<320000xi32, #tpu.memory_space<hbm>> -> memref<80xi32, #tpu.memory_space<hbm>>
      tpu.enqueue_dma source(%dma_start3A_46 : memref<80xi32, #tpu.memory_space<hbm>>) target(%arg7 : memref<80xi32, #tpu.memory_space<vmem>>) target_semaphore(%run_scoped3A : memref<!tpu.dma_semaphore, #tpu.memory_space<semaphore_mem>>)
      %dma_wait3A_47 = tpu.memref_slice %arg3[%add3A_30] : memref<320000xi32, #tpu.memory_space<hbm>> -> memref<80xi32, #tpu.memory_space<hbm>>
      %dma_wait3A_48 = tpu.memref_slice %arg3[%add3A_30] : memref<320000xi32, #tpu.memory_space<hbm>> -> memref<80xi32, #tpu.memory_space<hbm>>
      tpu.wait_dma2 semaphore(%run_scoped3A : memref<!tpu.dma_semaphore, #tpu.memory_space<semaphore_mem>>) src(%dma_wait3A_48 : memref<80xi32, #tpu.memory_space<hbm>>) dst(%arg7 : memref<80xi32, #tpu.memory_space<vmem>>)
      tpu.yield
    }) : () -> ()
    %add3A_31 = arith.constant 0 : i32
    %add3A_32 = arith.addi %add3A_31, %mul3A_28 : i32
    "tpu.region"() ({
      %run_scoped3A = tpu.sem_alloc : memref<!tpu.dma_semaphore, #tpu.memory_space<semaphore_mem>>
      %dma_start3A_45 = tpu.memref_slice %arg4[%add3A_32] : memref<320000xi32, #tpu.memory_space<hbm>> -> memref<80xi32, #tpu.memory_space<hbm>>
      %dma_start3A_46 = tpu.memref_slice %arg4[%add3A_32] : memref<320000xi32, #tpu.memory_space<hbm>> -> memref<80xi32, #tpu.memory_space<hbm>>
      tpu.enqueue_dma source(%dma_start3A_46 : memref<80xi32, #tpu.memory_space<hbm>>) target(%arg11 : memref<80xi32, #tpu.memory_space<vmem>>) target_semaphore(%run_scoped3A : memref<!tpu.dma_semaphore, #tpu.memory_space<semaphore_mem>>)
      %dma_wait3A_47 = tpu.memref_slice %arg4[%add3A_32] : memref<320000xi32, #tpu.memory_space<hbm>> -> memref<80xi32, #tpu.memory_space<hbm>>
      %dma_wait3A_48 = tpu.memref_slice %arg4[%add3A_32] : memref<320000xi32, #tpu.memory_space<hbm>> -> memref<80xi32, #tpu.memory_space<hbm>>
      tpu.wait_dma2 semaphore(%run_scoped3A : memref<!tpu.dma_semaphore, #tpu.memory_space<semaphore_mem>>) src(%dma_wait3A_48 : memref<80xi32, #tpu.memory_space<hbm>>) dst(%arg11 : memref<80xi32, #tpu.memory_space<vmem>>)
      tpu.yield
    }) : () -> ()
    %dma_start3A_33 = arith.constant 0 : i32
    %dma_start3A_34 = arith.constant 0 : i32
    %dma_start3A_35 = tpu.memref_slice %arg2[%dma_start3A_33, %dma_start3A_34] : memref<10000x128xf32, #tpu.memory_space<hbm>> -> memref<10000x128xf32, #tpu.memory_space<hbm>>
    tpu.enqueue_indirect_dma source(%dma_start3A_35 : memref<10000x128xf32, #tpu.memory_space<hbm>>) target(%arg15 : memref<80x128xf32, #tpu.memory_space<vmem>>) offsets(%arg7 : memref<80xi32, #tpu.memory_space<vmem>>) semaphore(%arg27 : memref<!tpu.dma_semaphore, #tpu.memory_space<semaphore_mem>>)
    %dma_wait3A_36 = arith.constant 0 : i32
    %dma_wait3A_37 = arith.constant 0 : i32
    %dma_wait3A_38 = tpu.memref_slice %arg2[%dma_wait3A_36, %dma_wait3A_37] : memref<10000x128xf32, #tpu.memory_space<hbm>> -> memref<10000x128xf32, #tpu.memory_space<hbm>>
    tpu.wait_indirect_dma semaphore(%arg27 : memref<!tpu.dma_semaphore, #tpu.memory_space<semaphore_mem>>) src(%dma_wait3A_38 : memref<10000x128xf32, #tpu.memory_space<hbm>>) dst(%arg15 : memref<80x128xf32, #tpu.memory_space<vmem>>)
    %dma_start3A_39 = arith.constant 0 : i32
    %dma_start3A_40 = arith.constant 0 : i32
    %dma_start3A_41 = tpu.memref_slice %arg2[%dma_start3A_39, %dma_start3A_40] : memref<10000x128xf32, #tpu.memory_space<hbm>> -> memref<10000x128xf32, #tpu.memory_space<hbm>>
    tpu.enqueue_indirect_dma source(%dma_start3A_41 : memref<10000x128xf32, #tpu.memory_space<hbm>>) target(%arg19 : memref<80x128xf32, #tpu.memory_space<vmem>>) offsets(%arg11 : memref<80xi32, #tpu.memory_space<vmem>>) semaphore(%arg27 : memref<!tpu.dma_semaphore, #tpu.memory_space<semaphore_mem>>)
    %dma_wait3A_42 = arith.constant 0 : i32
    %dma_wait3A_43 = arith.constant 0 : i32
    %dma_wait3A_44 = tpu.memref_slice %arg2[%dma_wait3A_42, %dma_wait3A_43] : memref<10000x128xf32, #tpu.memory_space<hbm>> -> memref<10000x128xf32, #tpu.memory_space<hbm>>
    tpu.wait_indirect_dma semaphore(%arg27 : memref<!tpu.dma_semaphore, #tpu.memory_space<semaphore_mem>>) src(%dma_wait3A_44 : memref<10000x128xf32, #tpu.memory_space<hbm>>) dst(%arg19 : memref<80x128xf32, #tpu.memory_space<vmem>>)
    "tpu.region"() ({
      %run_scoped3A = tpu.sem_alloc : memref<!tpu.dma_semaphore, #tpu.memory_space<semaphore_mem>>
      %dma_start3A_45 = arith.constant 0 : i32
      %dma_start3A_46 = tpu.memref_slice %arg5[%mul3A_28, %dma_start3A_45] : memref<5120x128xf32, #tpu.memory_space<hbm>> -> memref<80x128xf32, #tpu.memory_space<hbm>>
      %dma_start3A_47 = arith.constant 0 : i32
      %dma_start3A_48 = tpu.memref_slice %arg5[%mul3A_28, %dma_start3A_47] : memref<5120x128xf32, #tpu.memory_space<hbm>> -> memref<80x128xf32, #tpu.memory_space<hbm>>
      tpu.enqueue_dma source(%arg15 : memref<80x128xf32, #tpu.memory_space<vmem>>) target(%dma_start3A_48 : memref<80x128xf32, #tpu.memory_space<hbm>>) target_semaphore(%run_scoped3A : memref<!tpu.dma_semaphore, #tpu.memory_space<semaphore_mem>>)
      %dma_wait3A_49 = arith.constant 0 : i32
      %dma_wait3A_50 = tpu.memref_slice %arg5[%mul3A_28, %dma_wait3A_49] : memref<5120x128xf32, #tpu.memory_space<hbm>> -> memref<80x128xf32, #tpu.memory_space<hbm>>
      %dma_wait3A_51 = arith.constant 0 : i32
      %dma_wait3A_52 = tpu.memref_slice %arg5[%mul3A_28, %dma_wait3A_51] : memref<5120x128xf32, #tpu.memory_space<hbm>> -> memref<80x128xf32, #tpu.memory_space<hbm>>
      tpu.wait_dma2 semaphore(%run_scoped3A : memref<!tpu.dma_semaphore, #tpu.memory_space<semaphore_mem>>) src(%arg15 : memref<80x128xf32, #tpu.memory_space<vmem>>) dst(%dma_wait3A_52 : memref<80x128xf32, #tpu.memory_space<hbm>>)
      tpu.yield
    }) : () -> ()
    "tpu.region"() ({
      %run_scoped3A = tpu.sem_alloc : memref<!tpu.dma_semaphore, #tpu.memory_space<semaphore_mem>>
      %dma_start3A_45 = arith.constant 0 : i32
      %dma_start3A_46 = tpu.memref_slice %arg6[%mul3A_28, %dma_start3A_45] : memref<5120x128xf32, #tpu.memory_space<hbm>> -> memref<80x128xf32, #tpu.memory_space<hbm>>
      %dma_start3A_47 = arith.constant 0 : i32
      %dma_start3A_48 = tpu.memref_slice %arg6[%mul3A_28, %dma_start3A_47] : memref<5120x128xf32, #tpu.memory_space<hbm>> -> memref<80x128xf32, #tpu.memory_space<hbm>>
      tpu.enqueue_dma source(%arg19 : memref<80x128xf32, #tpu.memory_space<vmem>>) target(%dma_start3A_48 : memref<80x128xf32, #tpu.memory_space<hbm>>) target_semaphore(%run_scoped3A : memref<!tpu.dma_semaphore, #tpu.memory_space<semaphore_mem>>)
      %dma_wait3A_49 = arith.constant 0 : i32
      %dma_wait3A_50 = tpu.memref_slice %arg6[%mul3A_28, %dma_wait3A_49] : memref<5120x128xf32, #tpu.memory_space<hbm>> -> memref<80x128xf32, #tpu.memory_space<hbm>>
      %dma_wait3A_51 = arith.constant 0 : i32
      %dma_wait3A_52 = tpu.memref_slice %arg6[%mul3A_28, %dma_wait3A_51] : memref<5120x128xf32, #tpu.memory_space<hbm>> -> memref<80x128xf32, #tpu.memory_space<hbm>>
      tpu.wait_dma2 semaphore(%run_scoped3A : memref<!tpu.dma_semaphore, #tpu.memory_space<semaphore_mem>>) src(%arg19 : memref<80x128xf32, #tpu.memory_space<vmem>>) dst(%dma_wait3A_52 : memref<80x128xf32, #tpu.memory_space<hbm>>)
      tpu.yield
    }) : () -> ()
    return
  }
}

#map = affine_map<(d0, d1) -> (0, 0)>
#map1 = affine_map<(d0, d1) -> (0)>
module attributes {stable_mosaic.version = 14 : i64} {
  func.func @sc_gather_s3(%arg0: i32, %arg1: i32, %arg2: memref<10000x128xf32, #tpu.memory_space<hbm>>, %arg3: memref<320000xi32, #tpu.memory_space<hbm>>, %arg4: memref<320000xi32, #tpu.memory_space<hbm>>, %arg5: memref<81920x128xf32, #tpu.memory_space<hbm>>, %arg6: memref<81920x128xf32, #tpu.memory_space<hbm>>, %arg7: memref<80xi32, #tpu.memory_space<vmem>>, %arg8: memref<80xi32, #tpu.memory_space<vmem>>, %arg9: memref<80xi32, #tpu.memory_space<vmem>>, %arg10: memref<80xi32, #tpu.memory_space<vmem>>, %arg11: memref<80xi32, #tpu.memory_space<vmem>>, %arg12: memref<80xi32, #tpu.memory_space<vmem>>, %arg13: memref<80xi32, #tpu.memory_space<vmem>>, %arg14: memref<80xi32, #tpu.memory_space<vmem>>, %arg15: memref<80x128xf32, #tpu.memory_space<vmem>>, %arg16: memref<80x128xf32, #tpu.memory_space<vmem>>, %arg17: memref<80x128xf32, #tpu.memory_space<vmem>>, %arg18: memref<80x128xf32, #tpu.memory_space<vmem>>, %arg19: memref<80x128xf32, #tpu.memory_space<vmem>>, %arg20: memref<80x128xf32, #tpu.memory_space<vmem>>, %arg21: memref<80x128xf32, #tpu.memory_space<vmem>>, %arg22: memref<80x128xf32, #tpu.memory_space<vmem>>, %arg23: memref<!tpu.dma_semaphore, #tpu.memory_space<semaphore_mem>>, %arg24: memref<!tpu.dma_semaphore, #tpu.memory_space<semaphore_mem>>, %arg25: memref<!tpu.dma_semaphore, #tpu.memory_space<semaphore_mem>>, %arg26: memref<!tpu.dma_semaphore, #tpu.memory_space<semaphore_mem>>, %arg27: memref<!tpu.dma_semaphore, #tpu.memory_space<semaphore_mem>>, %arg28: memref<!tpu.dma_semaphore, #tpu.memory_space<semaphore_mem>>, %arg29: memref<!tpu.dma_semaphore, #tpu.memory_space<semaphore_mem>>, %arg30: memref<!tpu.dma_semaphore, #tpu.memory_space<semaphore_mem>>, %arg31: memref<!tpu.dma_semaphore, #tpu.memory_space<semaphore_mem>>, %arg32: memref<!tpu.dma_semaphore, #tpu.memory_space<semaphore_mem>>, %arg33: memref<!tpu.dma_semaphore, #tpu.memory_space<semaphore_mem>>, %arg34: memref<!tpu.dma_semaphore, #tpu.memory_space<semaphore_mem>>) attributes {dimension_semantics = [#tpu.dimension_semantics<core_parallel>, #tpu.dimension_semantics<subcore_parallel>], iteration_bounds = array<i64: 2, 16>, scalar_prefetch = 0 : i64, scratch_operands = 28 : i64, tpu.core_type = #tpu.core_type<sc_vector_subcore>, window_params = [{transform_indices = #map}, {transform_indices = #map1}, {transform_indices = #map1}, {transform_indices = #map}, {transform_indices = #map}]} {
    %mul3A = arith.constant 2 : i32
    %mul3A_0 = arith.muli %arg1, %mul3A : i32
    %add3A = arith.addi %mul3A_0, %arg0 : i32
    %mul3A_1 = arith.constant 32 : i32
    %mul3A_2 = arith.muli %add3A, %mul3A_1 : i32
    %scan3A = arith.constant 0 : i32
    %scan3A_3 = arith.constant 0 : i32
    %scan3A_4 = arith.constant 8 : i32
    %scan3A_5 = arith.addi %scan3A_3, %scan3A_4 : i32
    %scan3A_6 = arith.constant 1 : i32
    scf.for %scan3A_55 = %scan3A_3 to %scan3A_5 step %scan3A_6  : i32 {
      %mul3A_56 = arith.constant 4 : i32
      %mul3A_57 = arith.muli %scan3A_55, %mul3A_56 : i32
      %add3A_58 = arith.addi %mul3A_2, %mul3A_57 : i32
      %add3A_59 = arith.constant 0 : i32
      %add3A_60 = arith.addi %add3A_58, %add3A_59 : i32
      %mul3A_61 = arith.constant 80 : i32
      %mul3A_62 = arith.muli %add3A_60, %mul3A_61 : i32
      %add3A_63 = arith.constant 151040 : i32
      %add3A_64 = arith.addi %add3A_63, %mul3A_62 : i32
      %dma_start3A = tpu.memref_slice %arg3[%add3A_64] : memref<320000xi32, #tpu.memory_space<hbm>> -> memref<80xi32, #tpu.memory_space<hbm>>
      %dma_start3A_65 = tpu.memref_slice %arg3[%add3A_64] : memref<320000xi32, #tpu.memory_space<hbm>> -> memref<80xi32, #tpu.memory_space<hbm>>
      tpu.enqueue_dma source(%dma_start3A_65 : memref<80xi32, #tpu.memory_space<hbm>>) target(%arg7 : memref<80xi32, #tpu.memory_space<vmem>>) target_semaphore(%arg23 : memref<!tpu.dma_semaphore, #tpu.memory_space<semaphore_mem>>)
      %mul3A_66 = arith.constant 4 : i32
      %mul3A_67 = arith.muli %scan3A_55, %mul3A_66 : i32
      %add3A_68 = arith.addi %mul3A_2, %mul3A_67 : i32
      %add3A_69 = arith.constant 0 : i32
      %add3A_70 = arith.addi %add3A_68, %add3A_69 : i32
      %mul3A_71 = arith.constant 80 : i32
      %mul3A_72 = arith.muli %add3A_70, %mul3A_71 : i32
      %add3A_73 = arith.constant 151040 : i32
      %add3A_74 = arith.addi %add3A_73, %mul3A_72 : i32
      %dma_start3A_75 = tpu.memref_slice %arg4[%add3A_74] : memref<320000xi32, #tpu.memory_space<hbm>> -> memref<80xi32, #tpu.memory_space<hbm>>
      %dma_start3A_76 = tpu.memref_slice %arg4[%add3A_74] : memref<320000xi32, #tpu.memory_space<hbm>> -> memref<80xi32, #tpu.memory_space<hbm>>
      tpu.enqueue_dma source(%dma_start3A_76 : memref<80xi32, #tpu.memory_space<hbm>>) target(%arg11 : memref<80xi32, #tpu.memory_space<vmem>>) target_semaphore(%arg23 : memref<!tpu.dma_semaphore, #tpu.memory_space<semaphore_mem>>)
      %mul3A_77 = arith.constant 4 : i32
      %mul3A_78 = arith.muli %scan3A_55, %mul3A_77 : i32
      %add3A_79 = arith.addi %mul3A_2, %mul3A_78 : i32
      %add3A_80 = arith.constant 1 : i32
      %add3A_81 = arith.addi %add3A_79, %add3A_80 : i32
      %mul3A_82 = arith.constant 80 : i32
      %mul3A_83 = arith.muli %add3A_81, %mul3A_82 : i32
      %add3A_84 = arith.constant 151040 : i32
      %add3A_85 = arith.addi %add3A_84, %mul3A_83 : i32
      %dma_start3A_86 = tpu.memref_slice %arg3[%add3A_85] : memref<320000xi32, #tpu.memory_space<hbm>> -> memref<80xi32, #tpu.memory_space<hbm>>
      %dma_start3A_87 = tpu.memref_slice %arg3[%add3A_85] : memref<320000xi32, #tpu.memory_space<hbm>> -> memref<80xi32, #tpu.memory_space<hbm>>
      tpu.enqueue_dma source(%dma_start3A_87 : memref<80xi32, #tpu.memory_space<hbm>>) target(%arg8 : memref<80xi32, #tpu.memory_space<vmem>>) target_semaphore(%arg24 : memref<!tpu.dma_semaphore, #tpu.memory_space<semaphore_mem>>)
      %mul3A_88 = arith.constant 4 : i32
      %mul3A_89 = arith.muli %scan3A_55, %mul3A_88 : i32
      %add3A_90 = arith.addi %mul3A_2, %mul3A_89 : i32
      %add3A_91 = arith.constant 1 : i32
      %add3A_92 = arith.addi %add3A_90, %add3A_91 : i32
      %mul3A_93 = arith.constant 80 : i32
      %mul3A_94 = arith.muli %add3A_92, %mul3A_93 : i32
      %add3A_95 = arith.constant 151040 : i32
      %add3A_96 = arith.addi %add3A_95, %mul3A_94 : i32
      %dma_start3A_97 = tpu.memref_slice %arg4[%add3A_96] : memref<320000xi32, #tpu.memory_space<hbm>> -> memref<80xi32, #tpu.memory_space<hbm>>
      %dma_start3A_98 = tpu.memref_slice %arg4[%add3A_96] : memref<320000xi32, #tpu.memory_space<hbm>> -> memref<80xi32, #tpu.memory_space<hbm>>
      tpu.enqueue_dma source(%dma_start3A_98 : memref<80xi32, #tpu.memory_space<hbm>>) target(%arg12 : memref<80xi32, #tpu.memory_space<vmem>>) target_semaphore(%arg24 : memref<!tpu.dma_semaphore, #tpu.memory_space<semaphore_mem>>)
      %mul3A_99 = arith.constant 4 : i32
      %mul3A_100 = arith.muli %scan3A_55, %mul3A_99 : i32
      %add3A_101 = arith.addi %mul3A_2, %mul3A_100 : i32
      %add3A_102 = arith.constant 2 : i32
      %add3A_103 = arith.addi %add3A_101, %add3A_102 : i32
      %mul3A_104 = arith.constant 80 : i32
      %mul3A_105 = arith.muli %add3A_103, %mul3A_104 : i32
      %add3A_106 = arith.constant 151040 : i32
      %add3A_107 = arith.addi %add3A_106, %mul3A_105 : i32
      %dma_start3A_108 = tpu.memref_slice %arg3[%add3A_107] : memref<320000xi32, #tpu.memory_space<hbm>> -> memref<80xi32, #tpu.memory_space<hbm>>
      %dma_start3A_109 = tpu.memref_slice %arg3[%add3A_107] : memref<320000xi32, #tpu.memory_space<hbm>> -> memref<80xi32, #tpu.memory_space<hbm>>
      tpu.enqueue_dma source(%dma_start3A_109 : memref<80xi32, #tpu.memory_space<hbm>>) target(%arg9 : memref<80xi32, #tpu.memory_space<vmem>>) target_semaphore(%arg25 : memref<!tpu.dma_semaphore, #tpu.memory_space<semaphore_mem>>)
      %mul3A_110 = arith.constant 4 : i32
      %mul3A_111 = arith.muli %scan3A_55, %mul3A_110 : i32
      %add3A_112 = arith.addi %mul3A_2, %mul3A_111 : i32
      %add3A_113 = arith.constant 2 : i32
      %add3A_114 = arith.addi %add3A_112, %add3A_113 : i32
      %mul3A_115 = arith.constant 80 : i32
      %mul3A_116 = arith.muli %add3A_114, %mul3A_115 : i32
      %add3A_117 = arith.constant 151040 : i32
      %add3A_118 = arith.addi %add3A_117, %mul3A_116 : i32
      %dma_start3A_119 = tpu.memref_slice %arg4[%add3A_118] : memref<320000xi32, #tpu.memory_space<hbm>> -> memref<80xi32, #tpu.memory_space<hbm>>
      %dma_start3A_120 = tpu.memref_slice %arg4[%add3A_118] : memref<320000xi32, #tpu.memory_space<hbm>> -> memref<80xi32, #tpu.memory_space<hbm>>
      tpu.enqueue_dma source(%dma_start3A_120 : memref<80xi32, #tpu.memory_space<hbm>>) target(%arg13 : memref<80xi32, #tpu.memory_space<vmem>>) target_semaphore(%arg25 : memref<!tpu.dma_semaphore, #tpu.memory_space<semaphore_mem>>)
      %mul3A_121 = arith.constant 4 : i32
      %mul3A_122 = arith.muli %scan3A_55, %mul3A_121 : i32
      %add3A_123 = arith.addi %mul3A_2, %mul3A_122 : i32
      %add3A_124 = arith.constant 3 : i32
      %add3A_125 = arith.addi %add3A_123, %add3A_124 : i32
      %mul3A_126 = arith.constant 80 : i32
      %mul3A_127 = arith.muli %add3A_125, %mul3A_126 : i32
      %add3A_128 = arith.constant 151040 : i32
      %add3A_129 = arith.addi %add3A_128, %mul3A_127 : i32
      %dma_start3A_130 = tpu.memref_slice %arg3[%add3A_129] : memref<320000xi32, #tpu.memory_space<hbm>> -> memref<80xi32, #tpu.memory_space<hbm>>
      %dma_start3A_131 = tpu.memref_slice %arg3[%add3A_129] : memref<320000xi32, #tpu.memory_space<hbm>> -> memref<80xi32, #tpu.memory_space<hbm>>
      tpu.enqueue_dma source(%dma_start3A_131 : memref<80xi32, #tpu.memory_space<hbm>>) target(%arg10 : memref<80xi32, #tpu.memory_space<vmem>>) target_semaphore(%arg26 : memref<!tpu.dma_semaphore, #tpu.memory_space<semaphore_mem>>)
      %mul3A_132 = arith.constant 4 : i32
      %mul3A_133 = arith.muli %scan3A_55, %mul3A_132 : i32
      %add3A_134 = arith.addi %mul3A_2, %mul3A_133 : i32
      %add3A_135 = arith.constant 3 : i32
      %add3A_136 = arith.addi %add3A_134, %add3A_135 : i32
      %mul3A_137 = arith.constant 80 : i32
      %mul3A_138 = arith.muli %add3A_136, %mul3A_137 : i32
      %add3A_139 = arith.constant 151040 : i32
      %add3A_140 = arith.addi %add3A_139, %mul3A_138 : i32
      %dma_start3A_141 = tpu.memref_slice %arg4[%add3A_140] : memref<320000xi32, #tpu.memory_space<hbm>> -> memref<80xi32, #tpu.memory_space<hbm>>
      %dma_start3A_142 = tpu.memref_slice %arg4[%add3A_140] : memref<320000xi32, #tpu.memory_space<hbm>> -> memref<80xi32, #tpu.memory_space<hbm>>
      tpu.enqueue_dma source(%dma_start3A_142 : memref<80xi32, #tpu.memory_space<hbm>>) target(%arg14 : memref<80xi32, #tpu.memory_space<vmem>>) target_semaphore(%arg26 : memref<!tpu.dma_semaphore, #tpu.memory_space<semaphore_mem>>)
      %gt3A = arith.constant 0 : i32
      %gt3A_143 = arith.cmpi sgt, %scan3A_55, %gt3A : i32
      %convert_element_type3A = arith.extui %gt3A_143 : i1 to i32
      %cond3A = arith.constant 0 : i32
      %cond3A_144 = arith.cmpi ne, %convert_element_type3A, %cond3A : i32
      scf.if %cond3A_144 {
        %mul3A_312 = arith.constant 80 : i32
        %mul3A_313 = arith.muli %mul3A_2, %mul3A_312 : i32
        %dma_wait3A_314 = arith.constant 0 : i32
        %dma_wait3A_315 = tpu.memref_slice %arg5[%mul3A_313, %dma_wait3A_314] : memref<81920x128xf32, #tpu.memory_space<hbm>> -> memref<80x128xf32, #tpu.memory_space<hbm>>
        %dma_wait3A_316 = arith.constant 0 : i32
        %dma_wait3A_317 = tpu.memref_slice %arg5[%mul3A_313, %dma_wait3A_316] : memref<81920x128xf32, #tpu.memory_space<hbm>> -> memref<80x128xf32, #tpu.memory_space<hbm>>
        tpu.wait_dma2 semaphore(%arg31 : memref<!tpu.dma_semaphore, #tpu.memory_space<semaphore_mem>>) src(%arg15 : memref<80x128xf32, #tpu.memory_space<vmem>>) dst(%dma_wait3A_317 : memref<80x128xf32, #tpu.memory_space<hbm>>)
        %mul3A_318 = arith.constant 80 : i32
        %mul3A_319 = arith.muli %mul3A_2, %mul3A_318 : i32
        %dma_wait3A_320 = arith.constant 0 : i32
        %dma_wait3A_321 = tpu.memref_slice %arg6[%mul3A_319, %dma_wait3A_320] : memref<81920x128xf32, #tpu.memory_space<hbm>> -> memref<80x128xf32, #tpu.memory_space<hbm>>
        %dma_wait3A_322 = arith.constant 0 : i32
        %dma_wait3A_323 = tpu.memref_slice %arg6[%mul3A_319, %dma_wait3A_322] : memref<81920x128xf32, #tpu.memory_space<hbm>> -> memref<80x128xf32, #tpu.memory_space<hbm>>
        tpu.wait_dma2 semaphore(%arg31 : memref<!tpu.dma_semaphore, #tpu.memory_space<semaphore_mem>>) src(%arg19 : memref<80x128xf32, #tpu.memory_space<vmem>>) dst(%dma_wait3A_323 : memref<80x128xf32, #tpu.memory_space<hbm>>)
      } else {
      }
      %dma_wait3A_145 = tpu.memref_slice %arg3[%add3A_64] : memref<320000xi32, #tpu.memory_space<hbm>> -> memref<80xi32, #tpu.memory_space<hbm>>
      %dma_wait3A_146 = tpu.memref_slice %arg3[%add3A_64] : memref<320000xi32, #tpu.memory_space<hbm>> -> memref<80xi32, #tpu.memory_space<hbm>>
      tpu.wait_dma2 semaphore(%arg23 : memref<!tpu.dma_semaphore, #tpu.memory_space<semaphore_mem>>) src(%dma_wait3A_146 : memref<80xi32, #tpu.memory_space<hbm>>) dst(%arg7 : memref<80xi32, #tpu.memory_space<vmem>>)
      %dma_wait3A_147 = tpu.memref_slice %arg4[%add3A_74] : memref<320000xi32, #tpu.memory_space<hbm>> -> memref<80xi32, #tpu.memory_space<hbm>>
      %dma_wait3A_148 = tpu.memref_slice %arg4[%add3A_74] : memref<320000xi32, #tpu.memory_space<hbm>> -> memref<80xi32, #tpu.memory_space<hbm>>
      tpu.wait_dma2 semaphore(%arg23 : memref<!tpu.dma_semaphore, #tpu.memory_space<semaphore_mem>>) src(%dma_wait3A_148 : memref<80xi32, #tpu.memory_space<hbm>>) dst(%arg11 : memref<80xi32, #tpu.memory_space<vmem>>)
      %dma_start3A_149 = arith.constant 0 : i32
      %dma_start3A_150 = arith.constant 0 : i32
      %dma_start3A_151 = tpu.memref_slice %arg2[%dma_start3A_149, %dma_start3A_150] : memref<10000x128xf32, #tpu.memory_space<hbm>> -> memref<10000x128xf32, #tpu.memory_space<hbm>>
      tpu.enqueue_indirect_dma source(%dma_start3A_151 : memref<10000x128xf32, #tpu.memory_space<hbm>>) target(%arg15 : memref<80x128xf32, #tpu.memory_space<vmem>>) offsets(%arg7 : memref<80xi32, #tpu.memory_space<vmem>>) semaphore(%arg27 : memref<!tpu.dma_semaphore, #tpu.memory_space<semaphore_mem>>)
      %dma_start3A_152 = arith.constant 0 : i32
      %dma_start3A_153 = arith.constant 0 : i32
      %dma_start3A_154 = tpu.memref_slice %arg2[%dma_start3A_152, %dma_start3A_153] : memref<10000x128xf32, #tpu.memory_space<hbm>> -> memref<10000x128xf32, #tpu.memory_space<hbm>>
      tpu.enqueue_indirect_dma source(%dma_start3A_154 : memref<10000x128xf32, #tpu.memory_space<hbm>>) target(%arg19 : memref<80x128xf32, #tpu.memory_space<vmem>>) offsets(%arg11 : memref<80xi32, #tpu.memory_space<vmem>>) semaphore(%arg27 : memref<!tpu.dma_semaphore, #tpu.memory_space<semaphore_mem>>)
      %gt3A_155 = arith.constant 0 : i32
      %gt3A_156 = arith.cmpi sgt, %scan3A_55, %gt3A_155 : i32
      %convert_element_type3A_157 = arith.extui %gt3A_156 : i1 to i32
      %cond3A_158 = arith.constant 0 : i32
      %cond3A_159 = arith.cmpi ne, %convert_element_type3A_157, %cond3A_158 : i32
      scf.if %cond3A_159 {
        %mul3A_312 = arith.constant 80 : i32
        %mul3A_313 = arith.muli %mul3A_2, %mul3A_312 : i32
        %dma_wait3A_314 = arith.constant 0 : i32
        %dma_wait3A_315 = tpu.memref_slice %arg5[%mul3A_313, %dma_wait3A_314] : memref<81920x128xf32, #tpu.memory_space<hbm>> -> memref<80x128xf32, #tpu.memory_space<hbm>>
        %dma_wait3A_316 = arith.constant 0 : i32
        %dma_wait3A_317 = tpu.memref_slice %arg5[%mul3A_313, %dma_wait3A_316] : memref<81920x128xf32, #tpu.memory_space<hbm>> -> memref<80x128xf32, #tpu.memory_space<hbm>>
        tpu.wait_dma2 semaphore(%arg32 : memref<!tpu.dma_semaphore, #tpu.memory_space<semaphore_mem>>) src(%arg16 : memref<80x128xf32, #tpu.memory_space<vmem>>) dst(%dma_wait3A_317 : memref<80x128xf32, #tpu.memory_space<hbm>>)
        %mul3A_318 = arith.constant 80 : i32
        %mul3A_319 = arith.muli %mul3A_2, %mul3A_318 : i32
        %dma_wait3A_320 = arith.constant 0 : i32
        %dma_wait3A_321 = tpu.memref_slice %arg6[%mul3A_319, %dma_wait3A_320] : memref<81920x128xf32, #tpu.memory_space<hbm>> -> memref<80x128xf32, #tpu.memory_space<hbm>>
        %dma_wait3A_322 = arith.constant 0 : i32
        %dma_wait3A_323 = tpu.memref_slice %arg6[%mul3A_319, %dma_wait3A_322] : memref<81920x128xf32, #tpu.memory_space<hbm>> -> memref<80x128xf32, #tpu.memory_space<hbm>>
        tpu.wait_dma2 semaphore(%arg32 : memref<!tpu.dma_semaphore, #tpu.memory_space<semaphore_mem>>) src(%arg20 : memref<80x128xf32, #tpu.memory_space<vmem>>) dst(%dma_wait3A_323 : memref<80x128xf32, #tpu.memory_space<hbm>>)
      } else {
      }
      %dma_wait3A_160 = tpu.memref_slice %arg3[%add3A_85] : memref<320000xi32, #tpu.memory_space<hbm>> -> memref<80xi32, #tpu.memory_space<hbm>>
      %dma_wait3A_161 = tpu.memref_slice %arg3[%add3A_85] : memref<320000xi32, #tpu.memory_space<hbm>> -> memref<80xi32, #tpu.memory_space<hbm>>
      tpu.wait_dma2 semaphore(%arg24 : memref<!tpu.dma_semaphore, #tpu.memory_space<semaphore_mem>>) src(%dma_wait3A_161 : memref<80xi32, #tpu.memory_space<hbm>>) dst(%arg8 : memref<80xi32, #tpu.memory_space<vmem>>)
      %dma_wait3A_162 = tpu.memref_slice %arg4[%add3A_96] : memref<320000xi32, #tpu.memory_space<hbm>> -> memref<80xi32, #tpu.memory_space<hbm>>
      %dma_wait3A_163 = tpu.memref_slice %arg4[%add3A_96] : memref<320000xi32, #tpu.memory_space<hbm>> -> memref<80xi32, #tpu.memory_space<hbm>>
      tpu.wait_dma2 semaphore(%arg24 : memref<!tpu.dma_semaphore, #tpu.memory_space<semaphore_mem>>) src(%dma_wait3A_163 : memref<80xi32, #tpu.memory_space<hbm>>) dst(%arg12 : memref<80xi32, #tpu.memory_space<vmem>>)
      %dma_start3A_164 = arith.constant 0 : i32
      %dma_start3A_165 = arith.constant 0 : i32
      %dma_start3A_166 = tpu.memref_slice %arg2[%dma_start3A_164, %dma_start3A_165] : memref<10000x128xf32, #tpu.memory_space<hbm>> -> memref<10000x128xf32, #tpu.memory_space<hbm>>
      tpu.enqueue_indirect_dma source(%dma_start3A_166 : memref<10000x128xf32, #tpu.memory_space<hbm>>) target(%arg16 : memref<80x128xf32, #tpu.memory_space<vmem>>) offsets(%arg8 : memref<80xi32, #tpu.memory_space<vmem>>) semaphore(%arg28 : memref<!tpu.dma_semaphore, #tpu.memory_space<semaphore_mem>>)
      %dma_start3A_167 = arith.constant 0 : i32
      %dma_start3A_168 = arith.constant 0 : i32
      %dma_start3A_169 = tpu.memref_slice %arg2[%dma_start3A_167, %dma_start3A_168] : memref<10000x128xf32, #tpu.memory_space<hbm>> -> memref<10000x128xf32, #tpu.memory_space<hbm>>
      tpu.enqueue_indirect_dma source(%dma_start3A_169 : memref<10000x128xf32, #tpu.memory_space<hbm>>) target(%arg20 : memref<80x128xf32, #tpu.memory_space<vmem>>) offsets(%arg12 : memref<80xi32, #tpu.memory_space<vmem>>) semaphore(%arg28 : memref<!tpu.dma_semaphore, #tpu.memory_space<semaphore_mem>>)
      %gt3A_170 = arith.constant 0 : i32
      %gt3A_171 = arith.cmpi sgt, %scan3A_55, %gt3A_170 : i32
      %convert_element_type3A_172 = arith.extui %gt3A_171 : i1 to i32
      %cond3A_173 = arith.constant 0 : i32
      %cond3A_174 = arith.cmpi ne, %convert_element_type3A_172, %cond3A_173 : i32
      scf.if %cond3A_174 {
        %mul3A_312 = arith.constant 80 : i32
        %mul3A_313 = arith.muli %mul3A_2, %mul3A_312 : i32
        %dma_wait3A_314 = arith.constant 0 : i32
        %dma_wait3A_315 = tpu.memref_slice %arg5[%mul3A_313, %dma_wait3A_314] : memref<81920x128xf32, #tpu.memory_space<hbm>> -> memref<80x128xf32, #tpu.memory_space<hbm>>
        %dma_wait3A_316 = arith.constant 0 : i32
        %dma_wait3A_317 = tpu.memref_slice %arg5[%mul3A_313, %dma_wait3A_316] : memref<81920x128xf32, #tpu.memory_space<hbm>> -> memref<80x128xf32, #tpu.memory_space<hbm>>
        tpu.wait_dma2 semaphore(%arg33 : memref<!tpu.dma_semaphore, #tpu.memory_space<semaphore_mem>>) src(%arg17 : memref<80x128xf32, #tpu.memory_space<vmem>>) dst(%dma_wait3A_317 : memref<80x128xf32, #tpu.memory_space<hbm>>)
        %mul3A_318 = arith.constant 80 : i32
        %mul3A_319 = arith.muli %mul3A_2, %mul3A_318 : i32
        %dma_wait3A_320 = arith.constant 0 : i32
        %dma_wait3A_321 = tpu.memref_slice %arg6[%mul3A_319, %dma_wait3A_320] : memref<81920x128xf32, #tpu.memory_space<hbm>> -> memref<80x128xf32, #tpu.memory_space<hbm>>
        %dma_wait3A_322 = arith.constant 0 : i32
        %dma_wait3A_323 = tpu.memref_slice %arg6[%mul3A_319, %dma_wait3A_322] : memref<81920x128xf32, #tpu.memory_space<hbm>> -> memref<80x128xf32, #tpu.memory_space<hbm>>
        tpu.wait_dma2 semaphore(%arg33 : memref<!tpu.dma_semaphore, #tpu.memory_space<semaphore_mem>>) src(%arg21 : memref<80x128xf32, #tpu.memory_space<vmem>>) dst(%dma_wait3A_323 : memref<80x128xf32, #tpu.memory_space<hbm>>)
      } else {
      }
      %dma_wait3A_175 = tpu.memref_slice %arg3[%add3A_107] : memref<320000xi32, #tpu.memory_space<hbm>> -> memref<80xi32, #tpu.memory_space<hbm>>
      %dma_wait3A_176 = tpu.memref_slice %arg3[%add3A_107] : memref<320000xi32, #tpu.memory_space<hbm>> -> memref<80xi32, #tpu.memory_space<hbm>>
      tpu.wait_dma2 semaphore(%arg25 : memref<!tpu.dma_semaphore, #tpu.memory_space<semaphore_mem>>) src(%dma_wait3A_176 : memref<80xi32, #tpu.memory_space<hbm>>) dst(%arg9 : memref<80xi32, #tpu.memory_space<vmem>>)
      %dma_wait3A_177 = tpu.memref_slice %arg4[%add3A_118] : memref<320000xi32, #tpu.memory_space<hbm>> -> memref<80xi32, #tpu.memory_space<hbm>>
      %dma_wait3A_178 = tpu.memref_slice %arg4[%add3A_118] : memref<320000xi32, #tpu.memory_space<hbm>> -> memref<80xi32, #tpu.memory_space<hbm>>
      tpu.wait_dma2 semaphore(%arg25 : memref<!tpu.dma_semaphore, #tpu.memory_space<semaphore_mem>>) src(%dma_wait3A_178 : memref<80xi32, #tpu.memory_space<hbm>>) dst(%arg13 : memref<80xi32, #tpu.memory_space<vmem>>)
      %dma_start3A_179 = arith.constant 0 : i32
      %dma_start3A_180 = arith.constant 0 : i32
      %dma_start3A_181 = tpu.memref_slice %arg2[%dma_start3A_179, %dma_start3A_180] : memref<10000x128xf32, #tpu.memory_space<hbm>> -> memref<10000x128xf32, #tpu.memory_space<hbm>>
      tpu.enqueue_indirect_dma source(%dma_start3A_181 : memref<10000x128xf32, #tpu.memory_space<hbm>>) target(%arg17 : memref<80x128xf32, #tpu.memory_space<vmem>>) offsets(%arg9 : memref<80xi32, #tpu.memory_space<vmem>>) semaphore(%arg29 : memref<!tpu.dma_semaphore, #tpu.memory_space<semaphore_mem>>)
      %dma_start3A_182 = arith.constant 0 : i32
      %dma_start3A_183 = arith.constant 0 : i32
      %dma_start3A_184 = tpu.memref_slice %arg2[%dma_start3A_182, %dma_start3A_183] : memref<10000x128xf32, #tpu.memory_space<hbm>> -> memref<10000x128xf32, #tpu.memory_space<hbm>>
      tpu.enqueue_indirect_dma source(%dma_start3A_184 : memref<10000x128xf32, #tpu.memory_space<hbm>>) target(%arg21 : memref<80x128xf32, #tpu.memory_space<vmem>>) offsets(%arg13 : memref<80xi32, #tpu.memory_space<vmem>>) semaphore(%arg29 : memref<!tpu.dma_semaphore, #tpu.memory_space<semaphore_mem>>)
      %gt3A_185 = arith.constant 0 : i32
      %gt3A_186 = arith.cmpi sgt, %scan3A_55, %gt3A_185 : i32
      %convert_element_type3A_187 = arith.extui %gt3A_186 : i1 to i32
      %cond3A_188 = arith.constant 0 : i32
      %cond3A_189 = arith.cmpi ne, %convert_element_type3A_187, %cond3A_188 : i32
      scf.if %cond3A_189 {
        %mul3A_312 = arith.constant 80 : i32
        %mul3A_313 = arith.muli %mul3A_2, %mul3A_312 : i32
        %dma_wait3A_314 = arith.constant 0 : i32
        %dma_wait3A_315 = tpu.memref_slice %arg5[%mul3A_313, %dma_wait3A_314] : memref<81920x128xf32, #tpu.memory_space<hbm>> -> memref<80x128xf32, #tpu.memory_space<hbm>>
        %dma_wait3A_316 = arith.constant 0 : i32
        %dma_wait3A_317 = tpu.memref_slice %arg5[%mul3A_313, %dma_wait3A_316] : memref<81920x128xf32, #tpu.memory_space<hbm>> -> memref<80x128xf32, #tpu.memory_space<hbm>>
        tpu.wait_dma2 semaphore(%arg34 : memref<!tpu.dma_semaphore, #tpu.memory_space<semaphore_mem>>) src(%arg18 : memref<80x128xf32, #tpu.memory_space<vmem>>) dst(%dma_wait3A_317 : memref<80x128xf32, #tpu.memory_space<hbm>>)
        %mul3A_318 = arith.constant 80 : i32
        %mul3A_319 = arith.muli %mul3A_2, %mul3A_318 : i32
        %dma_wait3A_320 = arith.constant 0 : i32
        %dma_wait3A_321 = tpu.memref_slice %arg6[%mul3A_319, %dma_wait3A_320] : memref<81920x128xf32, #tpu.memory_space<hbm>> -> memref<80x128xf32, #tpu.memory_space<hbm>>
        %dma_wait3A_322 = arith.constant 0 : i32
        %dma_wait3A_323 = tpu.memref_slice %arg6[%mul3A_319, %dma_wait3A_322] : memref<81920x128xf32, #tpu.memory_space<hbm>> -> memref<80x128xf32, #tpu.memory_space<hbm>>
        tpu.wait_dma2 semaphore(%arg34 : memref<!tpu.dma_semaphore, #tpu.memory_space<semaphore_mem>>) src(%arg22 : memref<80x128xf32, #tpu.memory_space<vmem>>) dst(%dma_wait3A_323 : memref<80x128xf32, #tpu.memory_space<hbm>>)
      } else {
      }
      %dma_wait3A_190 = tpu.memref_slice %arg3[%add3A_129] : memref<320000xi32, #tpu.memory_space<hbm>> -> memref<80xi32, #tpu.memory_space<hbm>>
      %dma_wait3A_191 = tpu.memref_slice %arg3[%add3A_129] : memref<320000xi32, #tpu.memory_space<hbm>> -> memref<80xi32, #tpu.memory_space<hbm>>
      tpu.wait_dma2 semaphore(%arg26 : memref<!tpu.dma_semaphore, #tpu.memory_space<semaphore_mem>>) src(%dma_wait3A_191 : memref<80xi32, #tpu.memory_space<hbm>>) dst(%arg10 : memref<80xi32, #tpu.memory_space<vmem>>)
      %dma_wait3A_192 = tpu.memref_slice %arg4[%add3A_140] : memref<320000xi32, #tpu.memory_space<hbm>> -> memref<80xi32, #tpu.memory_space<hbm>>
      %dma_wait3A_193 = tpu.memref_slice %arg4[%add3A_140] : memref<320000xi32, #tpu.memory_space<hbm>> -> memref<80xi32, #tpu.memory_space<hbm>>
      tpu.wait_dma2 semaphore(%arg26 : memref<!tpu.dma_semaphore, #tpu.memory_space<semaphore_mem>>) src(%dma_wait3A_193 : memref<80xi32, #tpu.memory_space<hbm>>) dst(%arg14 : memref<80xi32, #tpu.memory_space<vmem>>)
      %dma_start3A_194 = arith.constant 0 : i32
      %dma_start3A_195 = arith.constant 0 : i32
      %dma_start3A_196 = tpu.memref_slice %arg2[%dma_start3A_194, %dma_start3A_195] : memref<10000x128xf32, #tpu.memory_space<hbm>> -> memref<10000x128xf32, #tpu.memory_space<hbm>>
      tpu.enqueue_indirect_dma source(%dma_start3A_196 : memref<10000x128xf32, #tpu.memory_space<hbm>>) target(%arg18 : memref<80x128xf32, #tpu.memory_space<vmem>>) offsets(%arg10 : memref<80xi32, #tpu.memory_space<vmem>>) semaphore(%arg30 : memref<!tpu.dma_semaphore, #tpu.memory_space<semaphore_mem>>)
      %dma_start3A_197 = arith.constant 0 : i32
      %dma_start3A_198 = arith.constant 0 : i32
      %dma_start3A_199 = tpu.memref_slice %arg2[%dma_start3A_197, %dma_start3A_198] : memref<10000x128xf32, #tpu.memory_space<hbm>> -> memref<10000x128xf32, #tpu.memory_space<hbm>>
      tpu.enqueue_indirect_dma source(%dma_start3A_199 : memref<10000x128xf32, #tpu.memory_space<hbm>>) target(%arg22 : memref<80x128xf32, #tpu.memory_space<vmem>>) offsets(%arg14 : memref<80xi32, #tpu.memory_space<vmem>>) semaphore(%arg30 : memref<!tpu.dma_semaphore, #tpu.memory_space<semaphore_mem>>)
      %dma_wait3A_200 = arith.constant 0 : i32
      %dma_wait3A_201 = arith.constant 0 : i32
      %dma_wait3A_202 = tpu.memref_slice %arg2[%dma_wait3A_200, %dma_wait3A_201] : memref<10000x128xf32, #tpu.memory_space<hbm>> -> memref<10000x128xf32, #tpu.memory_space<hbm>>
      tpu.wait_indirect_dma semaphore(%arg27 : memref<!tpu.dma_semaphore, #tpu.memory_space<semaphore_mem>>) src(%dma_wait3A_202 : memref<10000x128xf32, #tpu.memory_space<hbm>>) dst(%arg15 : memref<80x128xf32, #tpu.memory_space<vmem>>)
      %dma_wait3A_203 = arith.constant 0 : i32
      %dma_wait3A_204 = arith.constant 0 : i32
      %dma_wait3A_205 = tpu.memref_slice %arg2[%dma_wait3A_203, %dma_wait3A_204] : memref<10000x128xf32, #tpu.memory_space<hbm>> -> memref<10000x128xf32, #tpu.memory_space<hbm>>
      tpu.wait_indirect_dma semaphore(%arg27 : memref<!tpu.dma_semaphore, #tpu.memory_space<semaphore_mem>>) src(%dma_wait3A_205 : memref<10000x128xf32, #tpu.memory_space<hbm>>) dst(%arg19 : memref<80x128xf32, #tpu.memory_space<vmem>>)
      %mul3A_206 = arith.constant 4 : i32
      %mul3A_207 = arith.muli %scan3A_55, %mul3A_206 : i32
      %add3A_208 = arith.addi %mul3A_2, %mul3A_207 : i32
      %add3A_209 = arith.constant 0 : i32
      %add3A_210 = arith.addi %add3A_208, %add3A_209 : i32
      %mul3A_211 = arith.constant 80 : i32
      %mul3A_212 = arith.muli %add3A_210, %mul3A_211 : i32
      %dma_start3A_213 = arith.constant 0 : i32
      %dma_start3A_214 = tpu.memref_slice %arg5[%mul3A_212, %dma_start3A_213] : memref<81920x128xf32, #tpu.memory_space<hbm>> -> memref<80x128xf32, #tpu.memory_space<hbm>>
      %dma_start3A_215 = arith.constant 0 : i32
      %dma_start3A_216 = tpu.memref_slice %arg5[%mul3A_212, %dma_start3A_215] : memref<81920x128xf32, #tpu.memory_space<hbm>> -> memref<80x128xf32, #tpu.memory_space<hbm>>
      tpu.enqueue_dma source(%arg15 : memref<80x128xf32, #tpu.memory_space<vmem>>) target(%dma_start3A_216 : memref<80x128xf32, #tpu.memory_space<hbm>>) target_semaphore(%arg31 : memref<!tpu.dma_semaphore, #tpu.memory_space<semaphore_mem>>)
      %mul3A_217 = arith.constant 4 : i32
      %mul3A_218 = arith.muli %scan3A_55, %mul3A_217 : i32
      %add3A_219 = arith.addi %mul3A_2, %mul3A_218 : i32
      %add3A_220 = arith.constant 0 : i32
      %add3A_221 = arith.addi %add3A_219, %add3A_220 : i32
      %mul3A_222 = arith.constant 80 : i32
      %mul3A_223 = arith.muli %add3A_221, %mul3A_222 : i32
      %dma_start3A_224 = arith.constant 0 : i32
      %dma_start3A_225 = tpu.memref_slice %arg6[%mul3A_223, %dma_start3A_224] : memref<81920x128xf32, #tpu.memory_space<hbm>> -> memref<80x128xf32, #tpu.memory_space<hbm>>
      %dma_start3A_226 = arith.constant 0 : i32
      %dma_start3A_227 = tpu.memref_slice %arg6[%mul3A_223, %dma_start3A_226] : memref<81920x128xf32, #tpu.memory_space<hbm>> -> memref<80x128xf32, #tpu.memory_space<hbm>>
      tpu.enqueue_dma source(%arg19 : memref<80x128xf32, #tpu.memory_space<vmem>>) target(%dma_start3A_227 : memref<80x128xf32, #tpu.memory_space<hbm>>) target_semaphore(%arg31 : memref<!tpu.dma_semaphore, #tpu.memory_space<semaphore_mem>>)
      %dma_wait3A_228 = arith.constant 0 : i32
      %dma_wait3A_229 = arith.constant 0 : i32
      %dma_wait3A_230 = tpu.memref_slice %arg2[%dma_wait3A_228, %dma_wait3A_229] : memref<10000x128xf32, #tpu.memory_space<hbm>> -> memref<10000x128xf32, #tpu.memory_space<hbm>>
      tpu.wait_indirect_dma semaphore(%arg28 : memref<!tpu.dma_semaphore, #tpu.memory_space<semaphore_mem>>) src(%dma_wait3A_230 : memref<10000x128xf32, #tpu.memory_space<hbm>>) dst(%arg16 : memref<80x128xf32, #tpu.memory_space<vmem>>)
      %dma_wait3A_231 = arith.constant 0 : i32
      %dma_wait3A_232 = arith.constant 0 : i32
      %dma_wait3A_233 = tpu.memref_slice %arg2[%dma_wait3A_231, %dma_wait3A_232] : memref<10000x128xf32, #tpu.memory_space<hbm>> -> memref<10000x128xf32, #tpu.memory_space<hbm>>
      tpu.wait_indirect_dma semaphore(%arg28 : memref<!tpu.dma_semaphore, #tpu.memory_space<semaphore_mem>>) src(%dma_wait3A_233 : memref<10000x128xf32, #tpu.memory_space<hbm>>) dst(%arg20 : memref<80x128xf32, #tpu.memory_space<vmem>>)
      %mul3A_234 = arith.constant 4 : i32
      %mul3A_235 = arith.muli %scan3A_55, %mul3A_234 : i32
      %add3A_236 = arith.addi %mul3A_2, %mul3A_235 : i32
      %add3A_237 = arith.constant 1 : i32
      %add3A_238 = arith.addi %add3A_236, %add3A_237 : i32
      %mul3A_239 = arith.constant 80 : i32
      %mul3A_240 = arith.muli %add3A_238, %mul3A_239 : i32
      %dma_start3A_241 = arith.constant 0 : i32
      %dma_start3A_242 = tpu.memref_slice %arg5[%mul3A_240, %dma_start3A_241] : memref<81920x128xf32, #tpu.memory_space<hbm>> -> memref<80x128xf32, #tpu.memory_space<hbm>>
      %dma_start3A_243 = arith.constant 0 : i32
      %dma_start3A_244 = tpu.memref_slice %arg5[%mul3A_240, %dma_start3A_243] : memref<81920x128xf32, #tpu.memory_space<hbm>> -> memref<80x128xf32, #tpu.memory_space<hbm>>
      tpu.enqueue_dma source(%arg16 : memref<80x128xf32, #tpu.memory_space<vmem>>) target(%dma_start3A_244 : memref<80x128xf32, #tpu.memory_space<hbm>>) target_semaphore(%arg32 : memref<!tpu.dma_semaphore, #tpu.memory_space<semaphore_mem>>)
      %mul3A_245 = arith.constant 4 : i32
      %mul3A_246 = arith.muli %scan3A_55, %mul3A_245 : i32
      %add3A_247 = arith.addi %mul3A_2, %mul3A_246 : i32
      %add3A_248 = arith.constant 1 : i32
      %add3A_249 = arith.addi %add3A_247, %add3A_248 : i32
      %mul3A_250 = arith.constant 80 : i32
      %mul3A_251 = arith.muli %add3A_249, %mul3A_250 : i32
      %dma_start3A_252 = arith.constant 0 : i32
      %dma_start3A_253 = tpu.memref_slice %arg6[%mul3A_251, %dma_start3A_252] : memref<81920x128xf32, #tpu.memory_space<hbm>> -> memref<80x128xf32, #tpu.memory_space<hbm>>
      %dma_start3A_254 = arith.constant 0 : i32
      %dma_start3A_255 = tpu.memref_slice %arg6[%mul3A_251, %dma_start3A_254] : memref<81920x128xf32, #tpu.memory_space<hbm>> -> memref<80x128xf32, #tpu.memory_space<hbm>>
      tpu.enqueue_dma source(%arg20 : memref<80x128xf32, #tpu.memory_space<vmem>>) target(%dma_start3A_255 : memref<80x128xf32, #tpu.memory_space<hbm>>) target_semaphore(%arg32 : memref<!tpu.dma_semaphore, #tpu.memory_space<semaphore_mem>>)
      %dma_wait3A_256 = arith.constant 0 : i32
      %dma_wait3A_257 = arith.constant 0 : i32
      %dma_wait3A_258 = tpu.memref_slice %arg2[%dma_wait3A_256, %dma_wait3A_257] : memref<10000x128xf32, #tpu.memory_space<hbm>> -> memref<10000x128xf32, #tpu.memory_space<hbm>>
      tpu.wait_indirect_dma semaphore(%arg29 : memref<!tpu.dma_semaphore, #tpu.memory_space<semaphore_mem>>) src(%dma_wait3A_258 : memref<10000x128xf32, #tpu.memory_space<hbm>>) dst(%arg17 : memref<80x128xf32, #tpu.memory_space<vmem>>)
      %dma_wait3A_259 = arith.constant 0 : i32
      %dma_wait3A_260 = arith.constant 0 : i32
      %dma_wait3A_261 = tpu.memref_slice %arg2[%dma_wait3A_259, %dma_wait3A_260] : memref<10000x128xf32, #tpu.memory_space<hbm>> -> memref<10000x128xf32, #tpu.memory_space<hbm>>
      tpu.wait_indirect_dma semaphore(%arg29 : memref<!tpu.dma_semaphore, #tpu.memory_space<semaphore_mem>>) src(%dma_wait3A_261 : memref<10000x128xf32, #tpu.memory_space<hbm>>) dst(%arg21 : memref<80x128xf32, #tpu.memory_space<vmem>>)
      %mul3A_262 = arith.constant 4 : i32
      %mul3A_263 = arith.muli %scan3A_55, %mul3A_262 : i32
      %add3A_264 = arith.addi %mul3A_2, %mul3A_263 : i32
      %add3A_265 = arith.constant 2 : i32
      %add3A_266 = arith.addi %add3A_264, %add3A_265 : i32
      %mul3A_267 = arith.constant 80 : i32
      %mul3A_268 = arith.muli %add3A_266, %mul3A_267 : i32
      %dma_start3A_269 = arith.constant 0 : i32
      %dma_start3A_270 = tpu.memref_slice %arg5[%mul3A_268, %dma_start3A_269] : memref<81920x128xf32, #tpu.memory_space<hbm>> -> memref<80x128xf32, #tpu.memory_space<hbm>>
      %dma_start3A_271 = arith.constant 0 : i32
      %dma_start3A_272 = tpu.memref_slice %arg5[%mul3A_268, %dma_start3A_271] : memref<81920x128xf32, #tpu.memory_space<hbm>> -> memref<80x128xf32, #tpu.memory_space<hbm>>
      tpu.enqueue_dma source(%arg17 : memref<80x128xf32, #tpu.memory_space<vmem>>) target(%dma_start3A_272 : memref<80x128xf32, #tpu.memory_space<hbm>>) target_semaphore(%arg33 : memref<!tpu.dma_semaphore, #tpu.memory_space<semaphore_mem>>)
      %mul3A_273 = arith.constant 4 : i32
      %mul3A_274 = arith.muli %scan3A_55, %mul3A_273 : i32
      %add3A_275 = arith.addi %mul3A_2, %mul3A_274 : i32
      %add3A_276 = arith.constant 2 : i32
      %add3A_277 = arith.addi %add3A_275, %add3A_276 : i32
      %mul3A_278 = arith.constant 80 : i32
      %mul3A_279 = arith.muli %add3A_277, %mul3A_278 : i32
      %dma_start3A_280 = arith.constant 0 : i32
      %dma_start3A_281 = tpu.memref_slice %arg6[%mul3A_279, %dma_start3A_280] : memref<81920x128xf32, #tpu.memory_space<hbm>> -> memref<80x128xf32, #tpu.memory_space<hbm>>
      %dma_start3A_282 = arith.constant 0 : i32
      %dma_start3A_283 = tpu.memref_slice %arg6[%mul3A_279, %dma_start3A_282] : memref<81920x128xf32, #tpu.memory_space<hbm>> -> memref<80x128xf32, #tpu.memory_space<hbm>>
      tpu.enqueue_dma source(%arg21 : memref<80x128xf32, #tpu.memory_space<vmem>>) target(%dma_start3A_283 : memref<80x128xf32, #tpu.memory_space<hbm>>) target_semaphore(%arg33 : memref<!tpu.dma_semaphore, #tpu.memory_space<semaphore_mem>>)
      %dma_wait3A_284 = arith.constant 0 : i32
      %dma_wait3A_285 = arith.constant 0 : i32
      %dma_wait3A_286 = tpu.memref_slice %arg2[%dma_wait3A_284, %dma_wait3A_285] : memref<10000x128xf32, #tpu.memory_space<hbm>> -> memref<10000x128xf32, #tpu.memory_space<hbm>>
      tpu.wait_indirect_dma semaphore(%arg30 : memref<!tpu.dma_semaphore, #tpu.memory_space<semaphore_mem>>) src(%dma_wait3A_286 : memref<10000x128xf32, #tpu.memory_space<hbm>>) dst(%arg18 : memref<80x128xf32, #tpu.memory_space<vmem>>)
      %dma_wait3A_287 = arith.constant 0 : i32
      %dma_wait3A_288 = arith.constant 0 : i32
      %dma_wait3A_289 = tpu.memref_slice %arg2[%dma_wait3A_287, %dma_wait3A_288] : memref<10000x128xf32, #tpu.memory_space<hbm>> -> memref<10000x128xf32, #tpu.memory_space<hbm>>
      tpu.wait_indirect_dma semaphore(%arg30 : memref<!tpu.dma_semaphore, #tpu.memory_space<semaphore_mem>>) src(%dma_wait3A_289 : memref<10000x128xf32, #tpu.memory_space<hbm>>) dst(%arg22 : memref<80x128xf32, #tpu.memory_space<vmem>>)
      %mul3A_290 = arith.constant 4 : i32
      %mul3A_291 = arith.muli %scan3A_55, %mul3A_290 : i32
      %add3A_292 = arith.addi %mul3A_2, %mul3A_291 : i32
      %add3A_293 = arith.constant 3 : i32
      %add3A_294 = arith.addi %add3A_292, %add3A_293 : i32
      %mul3A_295 = arith.constant 80 : i32
      %mul3A_296 = arith.muli %add3A_294, %mul3A_295 : i32
      %dma_start3A_297 = arith.constant 0 : i32
      %dma_start3A_298 = tpu.memref_slice %arg5[%mul3A_296, %dma_start3A_297] : memref<81920x128xf32, #tpu.memory_space<hbm>> -> memref<80x128xf32, #tpu.memory_space<hbm>>
      %dma_start3A_299 = arith.constant 0 : i32
      %dma_start3A_300 = tpu.memref_slice %arg5[%mul3A_296, %dma_start3A_299] : memref<81920x128xf32, #tpu.memory_space<hbm>> -> memref<80x128xf32, #tpu.memory_space<hbm>>
      tpu.enqueue_dma source(%arg18 : memref<80x128xf32, #tpu.memory_space<vmem>>) target(%dma_start3A_300 : memref<80x128xf32, #tpu.memory_space<hbm>>) target_semaphore(%arg34 : memref<!tpu.dma_semaphore, #tpu.memory_space<semaphore_mem>>)
      %mul3A_301 = arith.constant 4 : i32
      %mul3A_302 = arith.muli %scan3A_55, %mul3A_301 : i32
      %add3A_303 = arith.addi %mul3A_2, %mul3A_302 : i32
      %add3A_304 = arith.constant 3 : i32
      %add3A_305 = arith.addi %add3A_303, %add3A_304 : i32
      %mul3A_306 = arith.constant 80 : i32
      %mul3A_307 = arith.muli %add3A_305, %mul3A_306 : i32
      %dma_start3A_308 = arith.constant 0 : i32
      %dma_start3A_309 = tpu.memref_slice %arg6[%mul3A_307, %dma_start3A_308] : memref<81920x128xf32, #tpu.memory_space<hbm>> -> memref<80x128xf32, #tpu.memory_space<hbm>>
      %dma_start3A_310 = arith.constant 0 : i32
      %dma_start3A_311 = tpu.memref_slice %arg6[%mul3A_307, %dma_start3A_310] : memref<81920x128xf32, #tpu.memory_space<hbm>> -> memref<80x128xf32, #tpu.memory_space<hbm>>
      tpu.enqueue_dma source(%arg22 : memref<80x128xf32, #tpu.memory_space<vmem>>) target(%dma_start3A_311 : memref<80x128xf32, #tpu.memory_space<hbm>>) target_semaphore(%arg34 : memref<!tpu.dma_semaphore, #tpu.memory_space<semaphore_mem>>)
    }
    %scan3A_7 = arith.constant 8 : i32
    %mul3A_8 = arith.constant 80 : i32
    %mul3A_9 = arith.muli %mul3A_2, %mul3A_8 : i32
    %dma_wait3A = arith.constant 0 : i32
    %dma_wait3A_10 = tpu.memref_slice %arg5[%mul3A_9, %dma_wait3A] : memref<81920x128xf32, #tpu.memory_space<hbm>> -> memref<80x128xf32, #tpu.memory_space<hbm>>
    %dma_wait3A_11 = arith.constant 0 : i32
    %dma_wait3A_12 = tpu.memref_slice %arg5[%mul3A_9, %dma_wait3A_11] : memref<81920x128xf32, #tpu.memory_space<hbm>> -> memref<80x128xf32, #tpu.memory_space<hbm>>
    tpu.wait_dma2 semaphore(%arg31 : memref<!tpu.dma_semaphore, #tpu.memory_space<semaphore_mem>>) src(%arg15 : memref<80x128xf32, #tpu.memory_space<vmem>>) dst(%dma_wait3A_12 : memref<80x128xf32, #tpu.memory_space<hbm>>)
    %mul3A_13 = arith.constant 80 : i32
    %mul3A_14 = arith.muli %mul3A_2, %mul3A_13 : i32
    %dma_wait3A_15 = arith.constant 0 : i32
    %dma_wait3A_16 = tpu.memref_slice %arg6[%mul3A_14, %dma_wait3A_15] : memref<81920x128xf32, #tpu.memory_space<hbm>> -> memref<80x128xf32, #tpu.memory_space<hbm>>
    %dma_wait3A_17 = arith.constant 0 : i32
    %dma_wait3A_18 = tpu.memref_slice %arg6[%mul3A_14, %dma_wait3A_17] : memref<81920x128xf32, #tpu.memory_space<hbm>> -> memref<80x128xf32, #tpu.memory_space<hbm>>
    tpu.wait_dma2 semaphore(%arg31 : memref<!tpu.dma_semaphore, #tpu.memory_space<semaphore_mem>>) src(%arg19 : memref<80x128xf32, #tpu.memory_space<vmem>>) dst(%dma_wait3A_18 : memref<80x128xf32, #tpu.memory_space<hbm>>)
    %mul3A_19 = arith.constant 80 : i32
    %mul3A_20 = arith.muli %mul3A_2, %mul3A_19 : i32
    %dma_wait3A_21 = arith.constant 0 : i32
    %dma_wait3A_22 = tpu.memref_slice %arg5[%mul3A_20, %dma_wait3A_21] : memref<81920x128xf32, #tpu.memory_space<hbm>> -> memref<80x128xf32, #tpu.memory_space<hbm>>
    %dma_wait3A_23 = arith.constant 0 : i32
    %dma_wait3A_24 = tpu.memref_slice %arg5[%mul3A_20, %dma_wait3A_23] : memref<81920x128xf32, #tpu.memory_space<hbm>> -> memref<80x128xf32, #tpu.memory_space<hbm>>
    tpu.wait_dma2 semaphore(%arg32 : memref<!tpu.dma_semaphore, #tpu.memory_space<semaphore_mem>>) src(%arg16 : memref<80x128xf32, #tpu.memory_space<vmem>>) dst(%dma_wait3A_24 : memref<80x128xf32, #tpu.memory_space<hbm>>)
    %mul3A_25 = arith.constant 80 : i32
    %mul3A_26 = arith.muli %mul3A_2, %mul3A_25 : i32
    %dma_wait3A_27 = arith.constant 0 : i32
    %dma_wait3A_28 = tpu.memref_slice %arg6[%mul3A_26, %dma_wait3A_27] : memref<81920x128xf32, #tpu.memory_space<hbm>> -> memref<80x128xf32, #tpu.memory_space<hbm>>
    %dma_wait3A_29 = arith.constant 0 : i32
    %dma_wait3A_30 = tpu.memref_slice %arg6[%mul3A_26, %dma_wait3A_29] : memref<81920x128xf32, #tpu.memory_space<hbm>> -> memref<80x128xf32, #tpu.memory_space<hbm>>
    tpu.wait_dma2 semaphore(%arg32 : memref<!tpu.dma_semaphore, #tpu.memory_space<semaphore_mem>>) src(%arg20 : memref<80x128xf32, #tpu.memory_space<vmem>>) dst(%dma_wait3A_30 : memref<80x128xf32, #tpu.memory_space<hbm>>)
    %mul3A_31 = arith.constant 80 : i32
    %mul3A_32 = arith.muli %mul3A_2, %mul3A_31 : i32
    %dma_wait3A_33 = arith.constant 0 : i32
    %dma_wait3A_34 = tpu.memref_slice %arg5[%mul3A_32, %dma_wait3A_33] : memref<81920x128xf32, #tpu.memory_space<hbm>> -> memref<80x128xf32, #tpu.memory_space<hbm>>
    %dma_wait3A_35 = arith.constant 0 : i32
    %dma_wait3A_36 = tpu.memref_slice %arg5[%mul3A_32, %dma_wait3A_35] : memref<81920x128xf32, #tpu.memory_space<hbm>> -> memref<80x128xf32, #tpu.memory_space<hbm>>
    tpu.wait_dma2 semaphore(%arg33 : memref<!tpu.dma_semaphore, #tpu.memory_space<semaphore_mem>>) src(%arg17 : memref<80x128xf32, #tpu.memory_space<vmem>>) dst(%dma_wait3A_36 : memref<80x128xf32, #tpu.memory_space<hbm>>)
    %mul3A_37 = arith.constant 80 : i32
    %mul3A_38 = arith.muli %mul3A_2, %mul3A_37 : i32
    %dma_wait3A_39 = arith.constant 0 : i32
    %dma_wait3A_40 = tpu.memref_slice %arg6[%mul3A_38, %dma_wait3A_39] : memref<81920x128xf32, #tpu.memory_space<hbm>> -> memref<80x128xf32, #tpu.memory_space<hbm>>
    %dma_wait3A_41 = arith.constant 0 : i32
    %dma_wait3A_42 = tpu.memref_slice %arg6[%mul3A_38, %dma_wait3A_41] : memref<81920x128xf32, #tpu.memory_space<hbm>> -> memref<80x128xf32, #tpu.memory_space<hbm>>
    tpu.wait_dma2 semaphore(%arg33 : memref<!tpu.dma_semaphore, #tpu.memory_space<semaphore_mem>>) src(%arg21 : memref<80x128xf32, #tpu.memory_space<vmem>>) dst(%dma_wait3A_42 : memref<80x128xf32, #tpu.memory_space<hbm>>)
    %mul3A_43 = arith.constant 80 : i32
    %mul3A_44 = arith.muli %mul3A_2, %mul3A_43 : i32
    %dma_wait3A_45 = arith.constant 0 : i32
    %dma_wait3A_46 = tpu.memref_slice %arg5[%mul3A_44, %dma_wait3A_45] : memref<81920x128xf32, #tpu.memory_space<hbm>> -> memref<80x128xf32, #tpu.memory_space<hbm>>
    %dma_wait3A_47 = arith.constant 0 : i32
    %dma_wait3A_48 = tpu.memref_slice %arg5[%mul3A_44, %dma_wait3A_47] : memref<81920x128xf32, #tpu.memory_space<hbm>> -> memref<80x128xf32, #tpu.memory_space<hbm>>
    tpu.wait_dma2 semaphore(%arg34 : memref<!tpu.dma_semaphore, #tpu.memory_space<semaphore_mem>>) src(%arg18 : memref<80x128xf32, #tpu.memory_space<vmem>>) dst(%dma_wait3A_48 : memref<80x128xf32, #tpu.memory_space<hbm>>)
    %mul3A_49 = arith.constant 80 : i32
    %mul3A_50 = arith.muli %mul3A_2, %mul3A_49 : i32
    %dma_wait3A_51 = arith.constant 0 : i32
    %dma_wait3A_52 = tpu.memref_slice %arg6[%mul3A_50, %dma_wait3A_51] : memref<81920x128xf32, #tpu.memory_space<hbm>> -> memref<80x128xf32, #tpu.memory_space<hbm>>
    %dma_wait3A_53 = arith.constant 0 : i32
    %dma_wait3A_54 = tpu.memref_slice %arg6[%mul3A_50, %dma_wait3A_53] : memref<81920x128xf32, #tpu.memory_space<hbm>> -> memref<80x128xf32, #tpu.memory_space<hbm>>
    tpu.wait_dma2 semaphore(%arg34 : memref<!tpu.dma_semaphore, #tpu.memory_space<semaphore_mem>>) src(%arg22 : memref<80x128xf32, #tpu.memory_space<vmem>>) dst(%dma_wait3A_54 : memref<80x128xf32, #tpu.memory_space<hbm>>)
    return
  }
}

#map = affine_map<(d0, d1) -> (0, 0)>
#map1 = affine_map<(d0, d1) -> (0)>
module attributes {stable_mosaic.version = 14 : i64} {
  func.func @sc_gather_s4(%arg0: i32, %arg1: i32, %arg2: memref<10000x128xf32, #tpu.memory_space<hbm>>, %arg3: memref<320000xi32, #tpu.memory_space<hbm>>, %arg4: memref<320000xi32, #tpu.memory_space<hbm>>, %arg5: memref<81920x128xf32, #tpu.memory_space<hbm>>, %arg6: memref<81920x128xf32, #tpu.memory_space<hbm>>, %arg7: memref<80xi32, #tpu.memory_space<vmem>>, %arg8: memref<80xi32, #tpu.memory_space<vmem>>, %arg9: memref<80xi32, #tpu.memory_space<vmem>>, %arg10: memref<80xi32, #tpu.memory_space<vmem>>, %arg11: memref<80xi32, #tpu.memory_space<vmem>>, %arg12: memref<80xi32, #tpu.memory_space<vmem>>, %arg13: memref<80xi32, #tpu.memory_space<vmem>>, %arg14: memref<80xi32, #tpu.memory_space<vmem>>, %arg15: memref<80x128xf32, #tpu.memory_space<vmem>>, %arg16: memref<80x128xf32, #tpu.memory_space<vmem>>, %arg17: memref<80x128xf32, #tpu.memory_space<vmem>>, %arg18: memref<80x128xf32, #tpu.memory_space<vmem>>, %arg19: memref<80x128xf32, #tpu.memory_space<vmem>>, %arg20: memref<80x128xf32, #tpu.memory_space<vmem>>, %arg21: memref<80x128xf32, #tpu.memory_space<vmem>>, %arg22: memref<80x128xf32, #tpu.memory_space<vmem>>, %arg23: memref<!tpu.dma_semaphore, #tpu.memory_space<semaphore_mem>>, %arg24: memref<!tpu.dma_semaphore, #tpu.memory_space<semaphore_mem>>, %arg25: memref<!tpu.dma_semaphore, #tpu.memory_space<semaphore_mem>>, %arg26: memref<!tpu.dma_semaphore, #tpu.memory_space<semaphore_mem>>, %arg27: memref<!tpu.dma_semaphore, #tpu.memory_space<semaphore_mem>>, %arg28: memref<!tpu.dma_semaphore, #tpu.memory_space<semaphore_mem>>, %arg29: memref<!tpu.dma_semaphore, #tpu.memory_space<semaphore_mem>>, %arg30: memref<!tpu.dma_semaphore, #tpu.memory_space<semaphore_mem>>, %arg31: memref<!tpu.dma_semaphore, #tpu.memory_space<semaphore_mem>>, %arg32: memref<!tpu.dma_semaphore, #tpu.memory_space<semaphore_mem>>, %arg33: memref<!tpu.dma_semaphore, #tpu.memory_space<semaphore_mem>>, %arg34: memref<!tpu.dma_semaphore, #tpu.memory_space<semaphore_mem>>) attributes {dimension_semantics = [#tpu.dimension_semantics<core_parallel>, #tpu.dimension_semantics<subcore_parallel>], iteration_bounds = array<i64: 2, 16>, scalar_prefetch = 0 : i64, scratch_operands = 28 : i64, tpu.core_type = #tpu.core_type<sc_vector_subcore>, window_params = [{transform_indices = #map}, {transform_indices = #map1}, {transform_indices = #map1}, {transform_indices = #map}, {transform_indices = #map}]} {
    %mul3A = arith.constant 2 : i32
    %mul3A_0 = arith.muli %arg1, %mul3A : i32
    %add3A = arith.addi %mul3A_0, %arg0 : i32
    %mul3A_1 = arith.constant 32 : i32
    %mul3A_2 = arith.muli %add3A, %mul3A_1 : i32
    %scan3A = arith.constant 0 : i32
    %scan3A_3 = arith.constant 0 : i32
    %scan3A_4 = arith.constant 8 : i32
    %scan3A_5 = arith.addi %scan3A_3, %scan3A_4 : i32
    %scan3A_6 = arith.constant 1 : i32
    scf.for %scan3A_55 = %scan3A_3 to %scan3A_5 step %scan3A_6  : i32 {
      %mul3A_56 = arith.constant 4 : i32
      %mul3A_57 = arith.muli %scan3A_55, %mul3A_56 : i32
      %add3A_58 = arith.addi %mul3A_2, %mul3A_57 : i32
      %add3A_59 = arith.constant 0 : i32
      %add3A_60 = arith.addi %add3A_58, %add3A_59 : i32
      %mul3A_61 = arith.constant 80 : i32
      %mul3A_62 = arith.muli %add3A_60, %mul3A_61 : i32
      %add3A_63 = arith.constant 232960 : i32
      %add3A_64 = arith.addi %add3A_63, %mul3A_62 : i32
      %dma_start3A = tpu.memref_slice %arg3[%add3A_64] : memref<320000xi32, #tpu.memory_space<hbm>> -> memref<80xi32, #tpu.memory_space<hbm>>
      %dma_start3A_65 = tpu.memref_slice %arg3[%add3A_64] : memref<320000xi32, #tpu.memory_space<hbm>> -> memref<80xi32, #tpu.memory_space<hbm>>
      tpu.enqueue_dma source(%dma_start3A_65 : memref<80xi32, #tpu.memory_space<hbm>>) target(%arg7 : memref<80xi32, #tpu.memory_space<vmem>>) target_semaphore(%arg23 : memref<!tpu.dma_semaphore, #tpu.memory_space<semaphore_mem>>)
      %mul3A_66 = arith.constant 4 : i32
      %mul3A_67 = arith.muli %scan3A_55, %mul3A_66 : i32
      %add3A_68 = arith.addi %mul3A_2, %mul3A_67 : i32
      %add3A_69 = arith.constant 0 : i32
      %add3A_70 = arith.addi %add3A_68, %add3A_69 : i32
      %mul3A_71 = arith.constant 80 : i32
      %mul3A_72 = arith.muli %add3A_70, %mul3A_71 : i32
      %add3A_73 = arith.constant 232960 : i32
      %add3A_74 = arith.addi %add3A_73, %mul3A_72 : i32
      %dma_start3A_75 = tpu.memref_slice %arg4[%add3A_74] : memref<320000xi32, #tpu.memory_space<hbm>> -> memref<80xi32, #tpu.memory_space<hbm>>
      %dma_start3A_76 = tpu.memref_slice %arg4[%add3A_74] : memref<320000xi32, #tpu.memory_space<hbm>> -> memref<80xi32, #tpu.memory_space<hbm>>
      tpu.enqueue_dma source(%dma_start3A_76 : memref<80xi32, #tpu.memory_space<hbm>>) target(%arg11 : memref<80xi32, #tpu.memory_space<vmem>>) target_semaphore(%arg23 : memref<!tpu.dma_semaphore, #tpu.memory_space<semaphore_mem>>)
      %mul3A_77 = arith.constant 4 : i32
      %mul3A_78 = arith.muli %scan3A_55, %mul3A_77 : i32
      %add3A_79 = arith.addi %mul3A_2, %mul3A_78 : i32
      %add3A_80 = arith.constant 1 : i32
      %add3A_81 = arith.addi %add3A_79, %add3A_80 : i32
      %mul3A_82 = arith.constant 80 : i32
      %mul3A_83 = arith.muli %add3A_81, %mul3A_82 : i32
      %add3A_84 = arith.constant 232960 : i32
      %add3A_85 = arith.addi %add3A_84, %mul3A_83 : i32
      %dma_start3A_86 = tpu.memref_slice %arg3[%add3A_85] : memref<320000xi32, #tpu.memory_space<hbm>> -> memref<80xi32, #tpu.memory_space<hbm>>
      %dma_start3A_87 = tpu.memref_slice %arg3[%add3A_85] : memref<320000xi32, #tpu.memory_space<hbm>> -> memref<80xi32, #tpu.memory_space<hbm>>
      tpu.enqueue_dma source(%dma_start3A_87 : memref<80xi32, #tpu.memory_space<hbm>>) target(%arg8 : memref<80xi32, #tpu.memory_space<vmem>>) target_semaphore(%arg24 : memref<!tpu.dma_semaphore, #tpu.memory_space<semaphore_mem>>)
      %mul3A_88 = arith.constant 4 : i32
      %mul3A_89 = arith.muli %scan3A_55, %mul3A_88 : i32
      %add3A_90 = arith.addi %mul3A_2, %mul3A_89 : i32
      %add3A_91 = arith.constant 1 : i32
      %add3A_92 = arith.addi %add3A_90, %add3A_91 : i32
      %mul3A_93 = arith.constant 80 : i32
      %mul3A_94 = arith.muli %add3A_92, %mul3A_93 : i32
      %add3A_95 = arith.constant 232960 : i32
      %add3A_96 = arith.addi %add3A_95, %mul3A_94 : i32
      %dma_start3A_97 = tpu.memref_slice %arg4[%add3A_96] : memref<320000xi32, #tpu.memory_space<hbm>> -> memref<80xi32, #tpu.memory_space<hbm>>
      %dma_start3A_98 = tpu.memref_slice %arg4[%add3A_96] : memref<320000xi32, #tpu.memory_space<hbm>> -> memref<80xi32, #tpu.memory_space<hbm>>
      tpu.enqueue_dma source(%dma_start3A_98 : memref<80xi32, #tpu.memory_space<hbm>>) target(%arg12 : memref<80xi32, #tpu.memory_space<vmem>>) target_semaphore(%arg24 : memref<!tpu.dma_semaphore, #tpu.memory_space<semaphore_mem>>)
      %mul3A_99 = arith.constant 4 : i32
      %mul3A_100 = arith.muli %scan3A_55, %mul3A_99 : i32
      %add3A_101 = arith.addi %mul3A_2, %mul3A_100 : i32
      %add3A_102 = arith.constant 2 : i32
      %add3A_103 = arith.addi %add3A_101, %add3A_102 : i32
      %mul3A_104 = arith.constant 80 : i32
      %mul3A_105 = arith.muli %add3A_103, %mul3A_104 : i32
      %add3A_106 = arith.constant 232960 : i32
      %add3A_107 = arith.addi %add3A_106, %mul3A_105 : i32
      %dma_start3A_108 = tpu.memref_slice %arg3[%add3A_107] : memref<320000xi32, #tpu.memory_space<hbm>> -> memref<80xi32, #tpu.memory_space<hbm>>
      %dma_start3A_109 = tpu.memref_slice %arg3[%add3A_107] : memref<320000xi32, #tpu.memory_space<hbm>> -> memref<80xi32, #tpu.memory_space<hbm>>
      tpu.enqueue_dma source(%dma_start3A_109 : memref<80xi32, #tpu.memory_space<hbm>>) target(%arg9 : memref<80xi32, #tpu.memory_space<vmem>>) target_semaphore(%arg25 : memref<!tpu.dma_semaphore, #tpu.memory_space<semaphore_mem>>)
      %mul3A_110 = arith.constant 4 : i32
      %mul3A_111 = arith.muli %scan3A_55, %mul3A_110 : i32
      %add3A_112 = arith.addi %mul3A_2, %mul3A_111 : i32
      %add3A_113 = arith.constant 2 : i32
      %add3A_114 = arith.addi %add3A_112, %add3A_113 : i32
      %mul3A_115 = arith.constant 80 : i32
      %mul3A_116 = arith.muli %add3A_114, %mul3A_115 : i32
      %add3A_117 = arith.constant 232960 : i32
      %add3A_118 = arith.addi %add3A_117, %mul3A_116 : i32
      %dma_start3A_119 = tpu.memref_slice %arg4[%add3A_118] : memref<320000xi32, #tpu.memory_space<hbm>> -> memref<80xi32, #tpu.memory_space<hbm>>
      %dma_start3A_120 = tpu.memref_slice %arg4[%add3A_118] : memref<320000xi32, #tpu.memory_space<hbm>> -> memref<80xi32, #tpu.memory_space<hbm>>
      tpu.enqueue_dma source(%dma_start3A_120 : memref<80xi32, #tpu.memory_space<hbm>>) target(%arg13 : memref<80xi32, #tpu.memory_space<vmem>>) target_semaphore(%arg25 : memref<!tpu.dma_semaphore, #tpu.memory_space<semaphore_mem>>)
      %mul3A_121 = arith.constant 4 : i32
      %mul3A_122 = arith.muli %scan3A_55, %mul3A_121 : i32
      %add3A_123 = arith.addi %mul3A_2, %mul3A_122 : i32
      %add3A_124 = arith.constant 3 : i32
      %add3A_125 = arith.addi %add3A_123, %add3A_124 : i32
      %mul3A_126 = arith.constant 80 : i32
      %mul3A_127 = arith.muli %add3A_125, %mul3A_126 : i32
      %add3A_128 = arith.constant 232960 : i32
      %add3A_129 = arith.addi %add3A_128, %mul3A_127 : i32
      %dma_start3A_130 = tpu.memref_slice %arg3[%add3A_129] : memref<320000xi32, #tpu.memory_space<hbm>> -> memref<80xi32, #tpu.memory_space<hbm>>
      %dma_start3A_131 = tpu.memref_slice %arg3[%add3A_129] : memref<320000xi32, #tpu.memory_space<hbm>> -> memref<80xi32, #tpu.memory_space<hbm>>
      tpu.enqueue_dma source(%dma_start3A_131 : memref<80xi32, #tpu.memory_space<hbm>>) target(%arg10 : memref<80xi32, #tpu.memory_space<vmem>>) target_semaphore(%arg26 : memref<!tpu.dma_semaphore, #tpu.memory_space<semaphore_mem>>)
      %mul3A_132 = arith.constant 4 : i32
      %mul3A_133 = arith.muli %scan3A_55, %mul3A_132 : i32
      %add3A_134 = arith.addi %mul3A_2, %mul3A_133 : i32
      %add3A_135 = arith.constant 3 : i32
      %add3A_136 = arith.addi %add3A_134, %add3A_135 : i32
      %mul3A_137 = arith.constant 80 : i32
      %mul3A_138 = arith.muli %add3A_136, %mul3A_137 : i32
      %add3A_139 = arith.constant 232960 : i32
      %add3A_140 = arith.addi %add3A_139, %mul3A_138 : i32
      %dma_start3A_141 = tpu.memref_slice %arg4[%add3A_140] : memref<320000xi32, #tpu.memory_space<hbm>> -> memref<80xi32, #tpu.memory_space<hbm>>
      %dma_start3A_142 = tpu.memref_slice %arg4[%add3A_140] : memref<320000xi32, #tpu.memory_space<hbm>> -> memref<80xi32, #tpu.memory_space<hbm>>
      tpu.enqueue_dma source(%dma_start3A_142 : memref<80xi32, #tpu.memory_space<hbm>>) target(%arg14 : memref<80xi32, #tpu.memory_space<vmem>>) target_semaphore(%arg26 : memref<!tpu.dma_semaphore, #tpu.memory_space<semaphore_mem>>)
      %gt3A = arith.constant 0 : i32
      %gt3A_143 = arith.cmpi sgt, %scan3A_55, %gt3A : i32
      %convert_element_type3A = arith.extui %gt3A_143 : i1 to i32
      %cond3A = arith.constant 0 : i32
      %cond3A_144 = arith.cmpi ne, %convert_element_type3A, %cond3A : i32
      scf.if %cond3A_144 {
        %mul3A_312 = arith.constant 80 : i32
        %mul3A_313 = arith.muli %mul3A_2, %mul3A_312 : i32
        %dma_wait3A_314 = arith.constant 0 : i32
        %dma_wait3A_315 = tpu.memref_slice %arg5[%mul3A_313, %dma_wait3A_314] : memref<81920x128xf32, #tpu.memory_space<hbm>> -> memref<80x128xf32, #tpu.memory_space<hbm>>
        %dma_wait3A_316 = arith.constant 0 : i32
        %dma_wait3A_317 = tpu.memref_slice %arg5[%mul3A_313, %dma_wait3A_316] : memref<81920x128xf32, #tpu.memory_space<hbm>> -> memref<80x128xf32, #tpu.memory_space<hbm>>
        tpu.wait_dma2 semaphore(%arg31 : memref<!tpu.dma_semaphore, #tpu.memory_space<semaphore_mem>>) src(%arg15 : memref<80x128xf32, #tpu.memory_space<vmem>>) dst(%dma_wait3A_317 : memref<80x128xf32, #tpu.memory_space<hbm>>)
        %mul3A_318 = arith.constant 80 : i32
        %mul3A_319 = arith.muli %mul3A_2, %mul3A_318 : i32
        %dma_wait3A_320 = arith.constant 0 : i32
        %dma_wait3A_321 = tpu.memref_slice %arg6[%mul3A_319, %dma_wait3A_320] : memref<81920x128xf32, #tpu.memory_space<hbm>> -> memref<80x128xf32, #tpu.memory_space<hbm>>
        %dma_wait3A_322 = arith.constant 0 : i32
        %dma_wait3A_323 = tpu.memref_slice %arg6[%mul3A_319, %dma_wait3A_322] : memref<81920x128xf32, #tpu.memory_space<hbm>> -> memref<80x128xf32, #tpu.memory_space<hbm>>
        tpu.wait_dma2 semaphore(%arg31 : memref<!tpu.dma_semaphore, #tpu.memory_space<semaphore_mem>>) src(%arg19 : memref<80x128xf32, #tpu.memory_space<vmem>>) dst(%dma_wait3A_323 : memref<80x128xf32, #tpu.memory_space<hbm>>)
      } else {
      }
      %dma_wait3A_145 = tpu.memref_slice %arg3[%add3A_64] : memref<320000xi32, #tpu.memory_space<hbm>> -> memref<80xi32, #tpu.memory_space<hbm>>
      %dma_wait3A_146 = tpu.memref_slice %arg3[%add3A_64] : memref<320000xi32, #tpu.memory_space<hbm>> -> memref<80xi32, #tpu.memory_space<hbm>>
      tpu.wait_dma2 semaphore(%arg23 : memref<!tpu.dma_semaphore, #tpu.memory_space<semaphore_mem>>) src(%dma_wait3A_146 : memref<80xi32, #tpu.memory_space<hbm>>) dst(%arg7 : memref<80xi32, #tpu.memory_space<vmem>>)
      %dma_wait3A_147 = tpu.memref_slice %arg4[%add3A_74] : memref<320000xi32, #tpu.memory_space<hbm>> -> memref<80xi32, #tpu.memory_space<hbm>>
      %dma_wait3A_148 = tpu.memref_slice %arg4[%add3A_74] : memref<320000xi32, #tpu.memory_space<hbm>> -> memref<80xi32, #tpu.memory_space<hbm>>
      tpu.wait_dma2 semaphore(%arg23 : memref<!tpu.dma_semaphore, #tpu.memory_space<semaphore_mem>>) src(%dma_wait3A_148 : memref<80xi32, #tpu.memory_space<hbm>>) dst(%arg11 : memref<80xi32, #tpu.memory_space<vmem>>)
      %dma_start3A_149 = arith.constant 0 : i32
      %dma_start3A_150 = arith.constant 0 : i32
      %dma_start3A_151 = tpu.memref_slice %arg2[%dma_start3A_149, %dma_start3A_150] : memref<10000x128xf32, #tpu.memory_space<hbm>> -> memref<10000x128xf32, #tpu.memory_space<hbm>>
      tpu.enqueue_indirect_dma source(%dma_start3A_151 : memref<10000x128xf32, #tpu.memory_space<hbm>>) target(%arg15 : memref<80x128xf32, #tpu.memory_space<vmem>>) offsets(%arg7 : memref<80xi32, #tpu.memory_space<vmem>>) semaphore(%arg27 : memref<!tpu.dma_semaphore, #tpu.memory_space<semaphore_mem>>)
      %dma_start3A_152 = arith.constant 0 : i32
      %dma_start3A_153 = arith.constant 0 : i32
      %dma_start3A_154 = tpu.memref_slice %arg2[%dma_start3A_152, %dma_start3A_153] : memref<10000x128xf32, #tpu.memory_space<hbm>> -> memref<10000x128xf32, #tpu.memory_space<hbm>>
      tpu.enqueue_indirect_dma source(%dma_start3A_154 : memref<10000x128xf32, #tpu.memory_space<hbm>>) target(%arg19 : memref<80x128xf32, #tpu.memory_space<vmem>>) offsets(%arg11 : memref<80xi32, #tpu.memory_space<vmem>>) semaphore(%arg27 : memref<!tpu.dma_semaphore, #tpu.memory_space<semaphore_mem>>)
      %gt3A_155 = arith.constant 0 : i32
      %gt3A_156 = arith.cmpi sgt, %scan3A_55, %gt3A_155 : i32
      %convert_element_type3A_157 = arith.extui %gt3A_156 : i1 to i32
      %cond3A_158 = arith.constant 0 : i32
      %cond3A_159 = arith.cmpi ne, %convert_element_type3A_157, %cond3A_158 : i32
      scf.if %cond3A_159 {
        %mul3A_312 = arith.constant 80 : i32
        %mul3A_313 = arith.muli %mul3A_2, %mul3A_312 : i32
        %dma_wait3A_314 = arith.constant 0 : i32
        %dma_wait3A_315 = tpu.memref_slice %arg5[%mul3A_313, %dma_wait3A_314] : memref<81920x128xf32, #tpu.memory_space<hbm>> -> memref<80x128xf32, #tpu.memory_space<hbm>>
        %dma_wait3A_316 = arith.constant 0 : i32
        %dma_wait3A_317 = tpu.memref_slice %arg5[%mul3A_313, %dma_wait3A_316] : memref<81920x128xf32, #tpu.memory_space<hbm>> -> memref<80x128xf32, #tpu.memory_space<hbm>>
        tpu.wait_dma2 semaphore(%arg32 : memref<!tpu.dma_semaphore, #tpu.memory_space<semaphore_mem>>) src(%arg16 : memref<80x128xf32, #tpu.memory_space<vmem>>) dst(%dma_wait3A_317 : memref<80x128xf32, #tpu.memory_space<hbm>>)
        %mul3A_318 = arith.constant 80 : i32
        %mul3A_319 = arith.muli %mul3A_2, %mul3A_318 : i32
        %dma_wait3A_320 = arith.constant 0 : i32
        %dma_wait3A_321 = tpu.memref_slice %arg6[%mul3A_319, %dma_wait3A_320] : memref<81920x128xf32, #tpu.memory_space<hbm>> -> memref<80x128xf32, #tpu.memory_space<hbm>>
        %dma_wait3A_322 = arith.constant 0 : i32
        %dma_wait3A_323 = tpu.memref_slice %arg6[%mul3A_319, %dma_wait3A_322] : memref<81920x128xf32, #tpu.memory_space<hbm>> -> memref<80x128xf32, #tpu.memory_space<hbm>>
        tpu.wait_dma2 semaphore(%arg32 : memref<!tpu.dma_semaphore, #tpu.memory_space<semaphore_mem>>) src(%arg20 : memref<80x128xf32, #tpu.memory_space<vmem>>) dst(%dma_wait3A_323 : memref<80x128xf32, #tpu.memory_space<hbm>>)
      } else {
      }
      %dma_wait3A_160 = tpu.memref_slice %arg3[%add3A_85] : memref<320000xi32, #tpu.memory_space<hbm>> -> memref<80xi32, #tpu.memory_space<hbm>>
      %dma_wait3A_161 = tpu.memref_slice %arg3[%add3A_85] : memref<320000xi32, #tpu.memory_space<hbm>> -> memref<80xi32, #tpu.memory_space<hbm>>
      tpu.wait_dma2 semaphore(%arg24 : memref<!tpu.dma_semaphore, #tpu.memory_space<semaphore_mem>>) src(%dma_wait3A_161 : memref<80xi32, #tpu.memory_space<hbm>>) dst(%arg8 : memref<80xi32, #tpu.memory_space<vmem>>)
      %dma_wait3A_162 = tpu.memref_slice %arg4[%add3A_96] : memref<320000xi32, #tpu.memory_space<hbm>> -> memref<80xi32, #tpu.memory_space<hbm>>
      %dma_wait3A_163 = tpu.memref_slice %arg4[%add3A_96] : memref<320000xi32, #tpu.memory_space<hbm>> -> memref<80xi32, #tpu.memory_space<hbm>>
      tpu.wait_dma2 semaphore(%arg24 : memref<!tpu.dma_semaphore, #tpu.memory_space<semaphore_mem>>) src(%dma_wait3A_163 : memref<80xi32, #tpu.memory_space<hbm>>) dst(%arg12 : memref<80xi32, #tpu.memory_space<vmem>>)
      %dma_start3A_164 = arith.constant 0 : i32
      %dma_start3A_165 = arith.constant 0 : i32
      %dma_start3A_166 = tpu.memref_slice %arg2[%dma_start3A_164, %dma_start3A_165] : memref<10000x128xf32, #tpu.memory_space<hbm>> -> memref<10000x128xf32, #tpu.memory_space<hbm>>
      tpu.enqueue_indirect_dma source(%dma_start3A_166 : memref<10000x128xf32, #tpu.memory_space<hbm>>) target(%arg16 : memref<80x128xf32, #tpu.memory_space<vmem>>) offsets(%arg8 : memref<80xi32, #tpu.memory_space<vmem>>) semaphore(%arg28 : memref<!tpu.dma_semaphore, #tpu.memory_space<semaphore_mem>>)
      %dma_start3A_167 = arith.constant 0 : i32
      %dma_start3A_168 = arith.constant 0 : i32
      %dma_start3A_169 = tpu.memref_slice %arg2[%dma_start3A_167, %dma_start3A_168] : memref<10000x128xf32, #tpu.memory_space<hbm>> -> memref<10000x128xf32, #tpu.memory_space<hbm>>
      tpu.enqueue_indirect_dma source(%dma_start3A_169 : memref<10000x128xf32, #tpu.memory_space<hbm>>) target(%arg20 : memref<80x128xf32, #tpu.memory_space<vmem>>) offsets(%arg12 : memref<80xi32, #tpu.memory_space<vmem>>) semaphore(%arg28 : memref<!tpu.dma_semaphore, #tpu.memory_space<semaphore_mem>>)
      %gt3A_170 = arith.constant 0 : i32
      %gt3A_171 = arith.cmpi sgt, %scan3A_55, %gt3A_170 : i32
      %convert_element_type3A_172 = arith.extui %gt3A_171 : i1 to i32
      %cond3A_173 = arith.constant 0 : i32
      %cond3A_174 = arith.cmpi ne, %convert_element_type3A_172, %cond3A_173 : i32
      scf.if %cond3A_174 {
        %mul3A_312 = arith.constant 80 : i32
        %mul3A_313 = arith.muli %mul3A_2, %mul3A_312 : i32
        %dma_wait3A_314 = arith.constant 0 : i32
        %dma_wait3A_315 = tpu.memref_slice %arg5[%mul3A_313, %dma_wait3A_314] : memref<81920x128xf32, #tpu.memory_space<hbm>> -> memref<80x128xf32, #tpu.memory_space<hbm>>
        %dma_wait3A_316 = arith.constant 0 : i32
        %dma_wait3A_317 = tpu.memref_slice %arg5[%mul3A_313, %dma_wait3A_316] : memref<81920x128xf32, #tpu.memory_space<hbm>> -> memref<80x128xf32, #tpu.memory_space<hbm>>
        tpu.wait_dma2 semaphore(%arg33 : memref<!tpu.dma_semaphore, #tpu.memory_space<semaphore_mem>>) src(%arg17 : memref<80x128xf32, #tpu.memory_space<vmem>>) dst(%dma_wait3A_317 : memref<80x128xf32, #tpu.memory_space<hbm>>)
        %mul3A_318 = arith.constant 80 : i32
        %mul3A_319 = arith.muli %mul3A_2, %mul3A_318 : i32
        %dma_wait3A_320 = arith.constant 0 : i32
        %dma_wait3A_321 = tpu.memref_slice %arg6[%mul3A_319, %dma_wait3A_320] : memref<81920x128xf32, #tpu.memory_space<hbm>> -> memref<80x128xf32, #tpu.memory_space<hbm>>
        %dma_wait3A_322 = arith.constant 0 : i32
        %dma_wait3A_323 = tpu.memref_slice %arg6[%mul3A_319, %dma_wait3A_322] : memref<81920x128xf32, #tpu.memory_space<hbm>> -> memref<80x128xf32, #tpu.memory_space<hbm>>
        tpu.wait_dma2 semaphore(%arg33 : memref<!tpu.dma_semaphore, #tpu.memory_space<semaphore_mem>>) src(%arg21 : memref<80x128xf32, #tpu.memory_space<vmem>>) dst(%dma_wait3A_323 : memref<80x128xf32, #tpu.memory_space<hbm>>)
      } else {
      }
      %dma_wait3A_175 = tpu.memref_slice %arg3[%add3A_107] : memref<320000xi32, #tpu.memory_space<hbm>> -> memref<80xi32, #tpu.memory_space<hbm>>
      %dma_wait3A_176 = tpu.memref_slice %arg3[%add3A_107] : memref<320000xi32, #tpu.memory_space<hbm>> -> memref<80xi32, #tpu.memory_space<hbm>>
      tpu.wait_dma2 semaphore(%arg25 : memref<!tpu.dma_semaphore, #tpu.memory_space<semaphore_mem>>) src(%dma_wait3A_176 : memref<80xi32, #tpu.memory_space<hbm>>) dst(%arg9 : memref<80xi32, #tpu.memory_space<vmem>>)
      %dma_wait3A_177 = tpu.memref_slice %arg4[%add3A_118] : memref<320000xi32, #tpu.memory_space<hbm>> -> memref<80xi32, #tpu.memory_space<hbm>>
      %dma_wait3A_178 = tpu.memref_slice %arg4[%add3A_118] : memref<320000xi32, #tpu.memory_space<hbm>> -> memref<80xi32, #tpu.memory_space<hbm>>
      tpu.wait_dma2 semaphore(%arg25 : memref<!tpu.dma_semaphore, #tpu.memory_space<semaphore_mem>>) src(%dma_wait3A_178 : memref<80xi32, #tpu.memory_space<hbm>>) dst(%arg13 : memref<80xi32, #tpu.memory_space<vmem>>)
      %dma_start3A_179 = arith.constant 0 : i32
      %dma_start3A_180 = arith.constant 0 : i32
      %dma_start3A_181 = tpu.memref_slice %arg2[%dma_start3A_179, %dma_start3A_180] : memref<10000x128xf32, #tpu.memory_space<hbm>> -> memref<10000x128xf32, #tpu.memory_space<hbm>>
      tpu.enqueue_indirect_dma source(%dma_start3A_181 : memref<10000x128xf32, #tpu.memory_space<hbm>>) target(%arg17 : memref<80x128xf32, #tpu.memory_space<vmem>>) offsets(%arg9 : memref<80xi32, #tpu.memory_space<vmem>>) semaphore(%arg29 : memref<!tpu.dma_semaphore, #tpu.memory_space<semaphore_mem>>)
      %dma_start3A_182 = arith.constant 0 : i32
      %dma_start3A_183 = arith.constant 0 : i32
      %dma_start3A_184 = tpu.memref_slice %arg2[%dma_start3A_182, %dma_start3A_183] : memref<10000x128xf32, #tpu.memory_space<hbm>> -> memref<10000x128xf32, #tpu.memory_space<hbm>>
      tpu.enqueue_indirect_dma source(%dma_start3A_184 : memref<10000x128xf32, #tpu.memory_space<hbm>>) target(%arg21 : memref<80x128xf32, #tpu.memory_space<vmem>>) offsets(%arg13 : memref<80xi32, #tpu.memory_space<vmem>>) semaphore(%arg29 : memref<!tpu.dma_semaphore, #tpu.memory_space<semaphore_mem>>)
      %gt3A_185 = arith.constant 0 : i32
      %gt3A_186 = arith.cmpi sgt, %scan3A_55, %gt3A_185 : i32
      %convert_element_type3A_187 = arith.extui %gt3A_186 : i1 to i32
      %cond3A_188 = arith.constant 0 : i32
      %cond3A_189 = arith.cmpi ne, %convert_element_type3A_187, %cond3A_188 : i32
      scf.if %cond3A_189 {
        %mul3A_312 = arith.constant 80 : i32
        %mul3A_313 = arith.muli %mul3A_2, %mul3A_312 : i32
        %dma_wait3A_314 = arith.constant 0 : i32
        %dma_wait3A_315 = tpu.memref_slice %arg5[%mul3A_313, %dma_wait3A_314] : memref<81920x128xf32, #tpu.memory_space<hbm>> -> memref<80x128xf32, #tpu.memory_space<hbm>>
        %dma_wait3A_316 = arith.constant 0 : i32
        %dma_wait3A_317 = tpu.memref_slice %arg5[%mul3A_313, %dma_wait3A_316] : memref<81920x128xf32, #tpu.memory_space<hbm>> -> memref<80x128xf32, #tpu.memory_space<hbm>>
        tpu.wait_dma2 semaphore(%arg34 : memref<!tpu.dma_semaphore, #tpu.memory_space<semaphore_mem>>) src(%arg18 : memref<80x128xf32, #tpu.memory_space<vmem>>) dst(%dma_wait3A_317 : memref<80x128xf32, #tpu.memory_space<hbm>>)
        %mul3A_318 = arith.constant 80 : i32
        %mul3A_319 = arith.muli %mul3A_2, %mul3A_318 : i32
        %dma_wait3A_320 = arith.constant 0 : i32
        %dma_wait3A_321 = tpu.memref_slice %arg6[%mul3A_319, %dma_wait3A_320] : memref<81920x128xf32, #tpu.memory_space<hbm>> -> memref<80x128xf32, #tpu.memory_space<hbm>>
        %dma_wait3A_322 = arith.constant 0 : i32
        %dma_wait3A_323 = tpu.memref_slice %arg6[%mul3A_319, %dma_wait3A_322] : memref<81920x128xf32, #tpu.memory_space<hbm>> -> memref<80x128xf32, #tpu.memory_space<hbm>>
        tpu.wait_dma2 semaphore(%arg34 : memref<!tpu.dma_semaphore, #tpu.memory_space<semaphore_mem>>) src(%arg22 : memref<80x128xf32, #tpu.memory_space<vmem>>) dst(%dma_wait3A_323 : memref<80x128xf32, #tpu.memory_space<hbm>>)
      } else {
      }
      %dma_wait3A_190 = tpu.memref_slice %arg3[%add3A_129] : memref<320000xi32, #tpu.memory_space<hbm>> -> memref<80xi32, #tpu.memory_space<hbm>>
      %dma_wait3A_191 = tpu.memref_slice %arg3[%add3A_129] : memref<320000xi32, #tpu.memory_space<hbm>> -> memref<80xi32, #tpu.memory_space<hbm>>
      tpu.wait_dma2 semaphore(%arg26 : memref<!tpu.dma_semaphore, #tpu.memory_space<semaphore_mem>>) src(%dma_wait3A_191 : memref<80xi32, #tpu.memory_space<hbm>>) dst(%arg10 : memref<80xi32, #tpu.memory_space<vmem>>)
      %dma_wait3A_192 = tpu.memref_slice %arg4[%add3A_140] : memref<320000xi32, #tpu.memory_space<hbm>> -> memref<80xi32, #tpu.memory_space<hbm>>
      %dma_wait3A_193 = tpu.memref_slice %arg4[%add3A_140] : memref<320000xi32, #tpu.memory_space<hbm>> -> memref<80xi32, #tpu.memory_space<hbm>>
      tpu.wait_dma2 semaphore(%arg26 : memref<!tpu.dma_semaphore, #tpu.memory_space<semaphore_mem>>) src(%dma_wait3A_193 : memref<80xi32, #tpu.memory_space<hbm>>) dst(%arg14 : memref<80xi32, #tpu.memory_space<vmem>>)
      %dma_start3A_194 = arith.constant 0 : i32
      %dma_start3A_195 = arith.constant 0 : i32
      %dma_start3A_196 = tpu.memref_slice %arg2[%dma_start3A_194, %dma_start3A_195] : memref<10000x128xf32, #tpu.memory_space<hbm>> -> memref<10000x128xf32, #tpu.memory_space<hbm>>
      tpu.enqueue_indirect_dma source(%dma_start3A_196 : memref<10000x128xf32, #tpu.memory_space<hbm>>) target(%arg18 : memref<80x128xf32, #tpu.memory_space<vmem>>) offsets(%arg10 : memref<80xi32, #tpu.memory_space<vmem>>) semaphore(%arg30 : memref<!tpu.dma_semaphore, #tpu.memory_space<semaphore_mem>>)
      %dma_start3A_197 = arith.constant 0 : i32
      %dma_start3A_198 = arith.constant 0 : i32
      %dma_start3A_199 = tpu.memref_slice %arg2[%dma_start3A_197, %dma_start3A_198] : memref<10000x128xf32, #tpu.memory_space<hbm>> -> memref<10000x128xf32, #tpu.memory_space<hbm>>
      tpu.enqueue_indirect_dma source(%dma_start3A_199 : memref<10000x128xf32, #tpu.memory_space<hbm>>) target(%arg22 : memref<80x128xf32, #tpu.memory_space<vmem>>) offsets(%arg14 : memref<80xi32, #tpu.memory_space<vmem>>) semaphore(%arg30 : memref<!tpu.dma_semaphore, #tpu.memory_space<semaphore_mem>>)
      %dma_wait3A_200 = arith.constant 0 : i32
      %dma_wait3A_201 = arith.constant 0 : i32
      %dma_wait3A_202 = tpu.memref_slice %arg2[%dma_wait3A_200, %dma_wait3A_201] : memref<10000x128xf32, #tpu.memory_space<hbm>> -> memref<10000x128xf32, #tpu.memory_space<hbm>>
      tpu.wait_indirect_dma semaphore(%arg27 : memref<!tpu.dma_semaphore, #tpu.memory_space<semaphore_mem>>) src(%dma_wait3A_202 : memref<10000x128xf32, #tpu.memory_space<hbm>>) dst(%arg15 : memref<80x128xf32, #tpu.memory_space<vmem>>)
      %dma_wait3A_203 = arith.constant 0 : i32
      %dma_wait3A_204 = arith.constant 0 : i32
      %dma_wait3A_205 = tpu.memref_slice %arg2[%dma_wait3A_203, %dma_wait3A_204] : memref<10000x128xf32, #tpu.memory_space<hbm>> -> memref<10000x128xf32, #tpu.memory_space<hbm>>
      tpu.wait_indirect_dma semaphore(%arg27 : memref<!tpu.dma_semaphore, #tpu.memory_space<semaphore_mem>>) src(%dma_wait3A_205 : memref<10000x128xf32, #tpu.memory_space<hbm>>) dst(%arg19 : memref<80x128xf32, #tpu.memory_space<vmem>>)
      %mul3A_206 = arith.constant 4 : i32
      %mul3A_207 = arith.muli %scan3A_55, %mul3A_206 : i32
      %add3A_208 = arith.addi %mul3A_2, %mul3A_207 : i32
      %add3A_209 = arith.constant 0 : i32
      %add3A_210 = arith.addi %add3A_208, %add3A_209 : i32
      %mul3A_211 = arith.constant 80 : i32
      %mul3A_212 = arith.muli %add3A_210, %mul3A_211 : i32
      %dma_start3A_213 = arith.constant 0 : i32
      %dma_start3A_214 = tpu.memref_slice %arg5[%mul3A_212, %dma_start3A_213] : memref<81920x128xf32, #tpu.memory_space<hbm>> -> memref<80x128xf32, #tpu.memory_space<hbm>>
      %dma_start3A_215 = arith.constant 0 : i32
      %dma_start3A_216 = tpu.memref_slice %arg5[%mul3A_212, %dma_start3A_215] : memref<81920x128xf32, #tpu.memory_space<hbm>> -> memref<80x128xf32, #tpu.memory_space<hbm>>
      tpu.enqueue_dma source(%arg15 : memref<80x128xf32, #tpu.memory_space<vmem>>) target(%dma_start3A_216 : memref<80x128xf32, #tpu.memory_space<hbm>>) target_semaphore(%arg31 : memref<!tpu.dma_semaphore, #tpu.memory_space<semaphore_mem>>)
      %mul3A_217 = arith.constant 4 : i32
      %mul3A_218 = arith.muli %scan3A_55, %mul3A_217 : i32
      %add3A_219 = arith.addi %mul3A_2, %mul3A_218 : i32
      %add3A_220 = arith.constant 0 : i32
      %add3A_221 = arith.addi %add3A_219, %add3A_220 : i32
      %mul3A_222 = arith.constant 80 : i32
      %mul3A_223 = arith.muli %add3A_221, %mul3A_222 : i32
      %dma_start3A_224 = arith.constant 0 : i32
      %dma_start3A_225 = tpu.memref_slice %arg6[%mul3A_223, %dma_start3A_224] : memref<81920x128xf32, #tpu.memory_space<hbm>> -> memref<80x128xf32, #tpu.memory_space<hbm>>
      %dma_start3A_226 = arith.constant 0 : i32
      %dma_start3A_227 = tpu.memref_slice %arg6[%mul3A_223, %dma_start3A_226] : memref<81920x128xf32, #tpu.memory_space<hbm>> -> memref<80x128xf32, #tpu.memory_space<hbm>>
      tpu.enqueue_dma source(%arg19 : memref<80x128xf32, #tpu.memory_space<vmem>>) target(%dma_start3A_227 : memref<80x128xf32, #tpu.memory_space<hbm>>) target_semaphore(%arg31 : memref<!tpu.dma_semaphore, #tpu.memory_space<semaphore_mem>>)
      %dma_wait3A_228 = arith.constant 0 : i32
      %dma_wait3A_229 = arith.constant 0 : i32
      %dma_wait3A_230 = tpu.memref_slice %arg2[%dma_wait3A_228, %dma_wait3A_229] : memref<10000x128xf32, #tpu.memory_space<hbm>> -> memref<10000x128xf32, #tpu.memory_space<hbm>>
      tpu.wait_indirect_dma semaphore(%arg28 : memref<!tpu.dma_semaphore, #tpu.memory_space<semaphore_mem>>) src(%dma_wait3A_230 : memref<10000x128xf32, #tpu.memory_space<hbm>>) dst(%arg16 : memref<80x128xf32, #tpu.memory_space<vmem>>)
      %dma_wait3A_231 = arith.constant 0 : i32
      %dma_wait3A_232 = arith.constant 0 : i32
      %dma_wait3A_233 = tpu.memref_slice %arg2[%dma_wait3A_231, %dma_wait3A_232] : memref<10000x128xf32, #tpu.memory_space<hbm>> -> memref<10000x128xf32, #tpu.memory_space<hbm>>
      tpu.wait_indirect_dma semaphore(%arg28 : memref<!tpu.dma_semaphore, #tpu.memory_space<semaphore_mem>>) src(%dma_wait3A_233 : memref<10000x128xf32, #tpu.memory_space<hbm>>) dst(%arg20 : memref<80x128xf32, #tpu.memory_space<vmem>>)
      %mul3A_234 = arith.constant 4 : i32
      %mul3A_235 = arith.muli %scan3A_55, %mul3A_234 : i32
      %add3A_236 = arith.addi %mul3A_2, %mul3A_235 : i32
      %add3A_237 = arith.constant 1 : i32
      %add3A_238 = arith.addi %add3A_236, %add3A_237 : i32
      %mul3A_239 = arith.constant 80 : i32
      %mul3A_240 = arith.muli %add3A_238, %mul3A_239 : i32
      %dma_start3A_241 = arith.constant 0 : i32
      %dma_start3A_242 = tpu.memref_slice %arg5[%mul3A_240, %dma_start3A_241] : memref<81920x128xf32, #tpu.memory_space<hbm>> -> memref<80x128xf32, #tpu.memory_space<hbm>>
      %dma_start3A_243 = arith.constant 0 : i32
      %dma_start3A_244 = tpu.memref_slice %arg5[%mul3A_240, %dma_start3A_243] : memref<81920x128xf32, #tpu.memory_space<hbm>> -> memref<80x128xf32, #tpu.memory_space<hbm>>
      tpu.enqueue_dma source(%arg16 : memref<80x128xf32, #tpu.memory_space<vmem>>) target(%dma_start3A_244 : memref<80x128xf32, #tpu.memory_space<hbm>>) target_semaphore(%arg32 : memref<!tpu.dma_semaphore, #tpu.memory_space<semaphore_mem>>)
      %mul3A_245 = arith.constant 4 : i32
      %mul3A_246 = arith.muli %scan3A_55, %mul3A_245 : i32
      %add3A_247 = arith.addi %mul3A_2, %mul3A_246 : i32
      %add3A_248 = arith.constant 1 : i32
      %add3A_249 = arith.addi %add3A_247, %add3A_248 : i32
      %mul3A_250 = arith.constant 80 : i32
      %mul3A_251 = arith.muli %add3A_249, %mul3A_250 : i32
      %dma_start3A_252 = arith.constant 0 : i32
      %dma_start3A_253 = tpu.memref_slice %arg6[%mul3A_251, %dma_start3A_252] : memref<81920x128xf32, #tpu.memory_space<hbm>> -> memref<80x128xf32, #tpu.memory_space<hbm>>
      %dma_start3A_254 = arith.constant 0 : i32
      %dma_start3A_255 = tpu.memref_slice %arg6[%mul3A_251, %dma_start3A_254] : memref<81920x128xf32, #tpu.memory_space<hbm>> -> memref<80x128xf32, #tpu.memory_space<hbm>>
      tpu.enqueue_dma source(%arg20 : memref<80x128xf32, #tpu.memory_space<vmem>>) target(%dma_start3A_255 : memref<80x128xf32, #tpu.memory_space<hbm>>) target_semaphore(%arg32 : memref<!tpu.dma_semaphore, #tpu.memory_space<semaphore_mem>>)
      %dma_wait3A_256 = arith.constant 0 : i32
      %dma_wait3A_257 = arith.constant 0 : i32
      %dma_wait3A_258 = tpu.memref_slice %arg2[%dma_wait3A_256, %dma_wait3A_257] : memref<10000x128xf32, #tpu.memory_space<hbm>> -> memref<10000x128xf32, #tpu.memory_space<hbm>>
      tpu.wait_indirect_dma semaphore(%arg29 : memref<!tpu.dma_semaphore, #tpu.memory_space<semaphore_mem>>) src(%dma_wait3A_258 : memref<10000x128xf32, #tpu.memory_space<hbm>>) dst(%arg17 : memref<80x128xf32, #tpu.memory_space<vmem>>)
      %dma_wait3A_259 = arith.constant 0 : i32
      %dma_wait3A_260 = arith.constant 0 : i32
      %dma_wait3A_261 = tpu.memref_slice %arg2[%dma_wait3A_259, %dma_wait3A_260] : memref<10000x128xf32, #tpu.memory_space<hbm>> -> memref<10000x128xf32, #tpu.memory_space<hbm>>
      tpu.wait_indirect_dma semaphore(%arg29 : memref<!tpu.dma_semaphore, #tpu.memory_space<semaphore_mem>>) src(%dma_wait3A_261 : memref<10000x128xf32, #tpu.memory_space<hbm>>) dst(%arg21 : memref<80x128xf32, #tpu.memory_space<vmem>>)
      %mul3A_262 = arith.constant 4 : i32
      %mul3A_263 = arith.muli %scan3A_55, %mul3A_262 : i32
      %add3A_264 = arith.addi %mul3A_2, %mul3A_263 : i32
      %add3A_265 = arith.constant 2 : i32
      %add3A_266 = arith.addi %add3A_264, %add3A_265 : i32
      %mul3A_267 = arith.constant 80 : i32
      %mul3A_268 = arith.muli %add3A_266, %mul3A_267 : i32
      %dma_start3A_269 = arith.constant 0 : i32
      %dma_start3A_270 = tpu.memref_slice %arg5[%mul3A_268, %dma_start3A_269] : memref<81920x128xf32, #tpu.memory_space<hbm>> -> memref<80x128xf32, #tpu.memory_space<hbm>>
      %dma_start3A_271 = arith.constant 0 : i32
      %dma_start3A_272 = tpu.memref_slice %arg5[%mul3A_268, %dma_start3A_271] : memref<81920x128xf32, #tpu.memory_space<hbm>> -> memref<80x128xf32, #tpu.memory_space<hbm>>
      tpu.enqueue_dma source(%arg17 : memref<80x128xf32, #tpu.memory_space<vmem>>) target(%dma_start3A_272 : memref<80x128xf32, #tpu.memory_space<hbm>>) target_semaphore(%arg33 : memref<!tpu.dma_semaphore, #tpu.memory_space<semaphore_mem>>)
      %mul3A_273 = arith.constant 4 : i32
      %mul3A_274 = arith.muli %scan3A_55, %mul3A_273 : i32
      %add3A_275 = arith.addi %mul3A_2, %mul3A_274 : i32
      %add3A_276 = arith.constant 2 : i32
      %add3A_277 = arith.addi %add3A_275, %add3A_276 : i32
      %mul3A_278 = arith.constant 80 : i32
      %mul3A_279 = arith.muli %add3A_277, %mul3A_278 : i32
      %dma_start3A_280 = arith.constant 0 : i32
      %dma_start3A_281 = tpu.memref_slice %arg6[%mul3A_279, %dma_start3A_280] : memref<81920x128xf32, #tpu.memory_space<hbm>> -> memref<80x128xf32, #tpu.memory_space<hbm>>
      %dma_start3A_282 = arith.constant 0 : i32
      %dma_start3A_283 = tpu.memref_slice %arg6[%mul3A_279, %dma_start3A_282] : memref<81920x128xf32, #tpu.memory_space<hbm>> -> memref<80x128xf32, #tpu.memory_space<hbm>>
      tpu.enqueue_dma source(%arg21 : memref<80x128xf32, #tpu.memory_space<vmem>>) target(%dma_start3A_283 : memref<80x128xf32, #tpu.memory_space<hbm>>) target_semaphore(%arg33 : memref<!tpu.dma_semaphore, #tpu.memory_space<semaphore_mem>>)
      %dma_wait3A_284 = arith.constant 0 : i32
      %dma_wait3A_285 = arith.constant 0 : i32
      %dma_wait3A_286 = tpu.memref_slice %arg2[%dma_wait3A_284, %dma_wait3A_285] : memref<10000x128xf32, #tpu.memory_space<hbm>> -> memref<10000x128xf32, #tpu.memory_space<hbm>>
      tpu.wait_indirect_dma semaphore(%arg30 : memref<!tpu.dma_semaphore, #tpu.memory_space<semaphore_mem>>) src(%dma_wait3A_286 : memref<10000x128xf32, #tpu.memory_space<hbm>>) dst(%arg18 : memref<80x128xf32, #tpu.memory_space<vmem>>)
      %dma_wait3A_287 = arith.constant 0 : i32
      %dma_wait3A_288 = arith.constant 0 : i32
      %dma_wait3A_289 = tpu.memref_slice %arg2[%dma_wait3A_287, %dma_wait3A_288] : memref<10000x128xf32, #tpu.memory_space<hbm>> -> memref<10000x128xf32, #tpu.memory_space<hbm>>
      tpu.wait_indirect_dma semaphore(%arg30 : memref<!tpu.dma_semaphore, #tpu.memory_space<semaphore_mem>>) src(%dma_wait3A_289 : memref<10000x128xf32, #tpu.memory_space<hbm>>) dst(%arg22 : memref<80x128xf32, #tpu.memory_space<vmem>>)
      %mul3A_290 = arith.constant 4 : i32
      %mul3A_291 = arith.muli %scan3A_55, %mul3A_290 : i32
      %add3A_292 = arith.addi %mul3A_2, %mul3A_291 : i32
      %add3A_293 = arith.constant 3 : i32
      %add3A_294 = arith.addi %add3A_292, %add3A_293 : i32
      %mul3A_295 = arith.constant 80 : i32
      %mul3A_296 = arith.muli %add3A_294, %mul3A_295 : i32
      %dma_start3A_297 = arith.constant 0 : i32
      %dma_start3A_298 = tpu.memref_slice %arg5[%mul3A_296, %dma_start3A_297] : memref<81920x128xf32, #tpu.memory_space<hbm>> -> memref<80x128xf32, #tpu.memory_space<hbm>>
      %dma_start3A_299 = arith.constant 0 : i32
      %dma_start3A_300 = tpu.memref_slice %arg5[%mul3A_296, %dma_start3A_299] : memref<81920x128xf32, #tpu.memory_space<hbm>> -> memref<80x128xf32, #tpu.memory_space<hbm>>
      tpu.enqueue_dma source(%arg18 : memref<80x128xf32, #tpu.memory_space<vmem>>) target(%dma_start3A_300 : memref<80x128xf32, #tpu.memory_space<hbm>>) target_semaphore(%arg34 : memref<!tpu.dma_semaphore, #tpu.memory_space<semaphore_mem>>)
      %mul3A_301 = arith.constant 4 : i32
      %mul3A_302 = arith.muli %scan3A_55, %mul3A_301 : i32
      %add3A_303 = arith.addi %mul3A_2, %mul3A_302 : i32
      %add3A_304 = arith.constant 3 : i32
      %add3A_305 = arith.addi %add3A_303, %add3A_304 : i32
      %mul3A_306 = arith.constant 80 : i32
      %mul3A_307 = arith.muli %add3A_305, %mul3A_306 : i32
      %dma_start3A_308 = arith.constant 0 : i32
      %dma_start3A_309 = tpu.memref_slice %arg6[%mul3A_307, %dma_start3A_308] : memref<81920x128xf32, #tpu.memory_space<hbm>> -> memref<80x128xf32, #tpu.memory_space<hbm>>
      %dma_start3A_310 = arith.constant 0 : i32
      %dma_start3A_311 = tpu.memref_slice %arg6[%mul3A_307, %dma_start3A_310] : memref<81920x128xf32, #tpu.memory_space<hbm>> -> memref<80x128xf32, #tpu.memory_space<hbm>>
      tpu.enqueue_dma source(%arg22 : memref<80x128xf32, #tpu.memory_space<vmem>>) target(%dma_start3A_311 : memref<80x128xf32, #tpu.memory_space<hbm>>) target_semaphore(%arg34 : memref<!tpu.dma_semaphore, #tpu.memory_space<semaphore_mem>>)
    }
    %scan3A_7 = arith.constant 8 : i32
    %mul3A_8 = arith.constant 80 : i32
    %mul3A_9 = arith.muli %mul3A_2, %mul3A_8 : i32
    %dma_wait3A = arith.constant 0 : i32
    %dma_wait3A_10 = tpu.memref_slice %arg5[%mul3A_9, %dma_wait3A] : memref<81920x128xf32, #tpu.memory_space<hbm>> -> memref<80x128xf32, #tpu.memory_space<hbm>>
    %dma_wait3A_11 = arith.constant 0 : i32
    %dma_wait3A_12 = tpu.memref_slice %arg5[%mul3A_9, %dma_wait3A_11] : memref<81920x128xf32, #tpu.memory_space<hbm>> -> memref<80x128xf32, #tpu.memory_space<hbm>>
    tpu.wait_dma2 semaphore(%arg31 : memref<!tpu.dma_semaphore, #tpu.memory_space<semaphore_mem>>) src(%arg15 : memref<80x128xf32, #tpu.memory_space<vmem>>) dst(%dma_wait3A_12 : memref<80x128xf32, #tpu.memory_space<hbm>>)
    %mul3A_13 = arith.constant 80 : i32
    %mul3A_14 = arith.muli %mul3A_2, %mul3A_13 : i32
    %dma_wait3A_15 = arith.constant 0 : i32
    %dma_wait3A_16 = tpu.memref_slice %arg6[%mul3A_14, %dma_wait3A_15] : memref<81920x128xf32, #tpu.memory_space<hbm>> -> memref<80x128xf32, #tpu.memory_space<hbm>>
    %dma_wait3A_17 = arith.constant 0 : i32
    %dma_wait3A_18 = tpu.memref_slice %arg6[%mul3A_14, %dma_wait3A_17] : memref<81920x128xf32, #tpu.memory_space<hbm>> -> memref<80x128xf32, #tpu.memory_space<hbm>>
    tpu.wait_dma2 semaphore(%arg31 : memref<!tpu.dma_semaphore, #tpu.memory_space<semaphore_mem>>) src(%arg19 : memref<80x128xf32, #tpu.memory_space<vmem>>) dst(%dma_wait3A_18 : memref<80x128xf32, #tpu.memory_space<hbm>>)
    %mul3A_19 = arith.constant 80 : i32
    %mul3A_20 = arith.muli %mul3A_2, %mul3A_19 : i32
    %dma_wait3A_21 = arith.constant 0 : i32
    %dma_wait3A_22 = tpu.memref_slice %arg5[%mul3A_20, %dma_wait3A_21] : memref<81920x128xf32, #tpu.memory_space<hbm>> -> memref<80x128xf32, #tpu.memory_space<hbm>>
    %dma_wait3A_23 = arith.constant 0 : i32
    %dma_wait3A_24 = tpu.memref_slice %arg5[%mul3A_20, %dma_wait3A_23] : memref<81920x128xf32, #tpu.memory_space<hbm>> -> memref<80x128xf32, #tpu.memory_space<hbm>>
    tpu.wait_dma2 semaphore(%arg32 : memref<!tpu.dma_semaphore, #tpu.memory_space<semaphore_mem>>) src(%arg16 : memref<80x128xf32, #tpu.memory_space<vmem>>) dst(%dma_wait3A_24 : memref<80x128xf32, #tpu.memory_space<hbm>>)
    %mul3A_25 = arith.constant 80 : i32
    %mul3A_26 = arith.muli %mul3A_2, %mul3A_25 : i32
    %dma_wait3A_27 = arith.constant 0 : i32
    %dma_wait3A_28 = tpu.memref_slice %arg6[%mul3A_26, %dma_wait3A_27] : memref<81920x128xf32, #tpu.memory_space<hbm>> -> memref<80x128xf32, #tpu.memory_space<hbm>>
    %dma_wait3A_29 = arith.constant 0 : i32
    %dma_wait3A_30 = tpu.memref_slice %arg6[%mul3A_26, %dma_wait3A_29] : memref<81920x128xf32, #tpu.memory_space<hbm>> -> memref<80x128xf32, #tpu.memory_space<hbm>>
    tpu.wait_dma2 semaphore(%arg32 : memref<!tpu.dma_semaphore, #tpu.memory_space<semaphore_mem>>) src(%arg20 : memref<80x128xf32, #tpu.memory_space<vmem>>) dst(%dma_wait3A_30 : memref<80x128xf32, #tpu.memory_space<hbm>>)
    %mul3A_31 = arith.constant 80 : i32
    %mul3A_32 = arith.muli %mul3A_2, %mul3A_31 : i32
    %dma_wait3A_33 = arith.constant 0 : i32
    %dma_wait3A_34 = tpu.memref_slice %arg5[%mul3A_32, %dma_wait3A_33] : memref<81920x128xf32, #tpu.memory_space<hbm>> -> memref<80x128xf32, #tpu.memory_space<hbm>>
    %dma_wait3A_35 = arith.constant 0 : i32
    %dma_wait3A_36 = tpu.memref_slice %arg5[%mul3A_32, %dma_wait3A_35] : memref<81920x128xf32, #tpu.memory_space<hbm>> -> memref<80x128xf32, #tpu.memory_space<hbm>>
    tpu.wait_dma2 semaphore(%arg33 : memref<!tpu.dma_semaphore, #tpu.memory_space<semaphore_mem>>) src(%arg17 : memref<80x128xf32, #tpu.memory_space<vmem>>) dst(%dma_wait3A_36 : memref<80x128xf32, #tpu.memory_space<hbm>>)
    %mul3A_37 = arith.constant 80 : i32
    %mul3A_38 = arith.muli %mul3A_2, %mul3A_37 : i32
    %dma_wait3A_39 = arith.constant 0 : i32
    %dma_wait3A_40 = tpu.memref_slice %arg6[%mul3A_38, %dma_wait3A_39] : memref<81920x128xf32, #tpu.memory_space<hbm>> -> memref<80x128xf32, #tpu.memory_space<hbm>>
    %dma_wait3A_41 = arith.constant 0 : i32
    %dma_wait3A_42 = tpu.memref_slice %arg6[%mul3A_38, %dma_wait3A_41] : memref<81920x128xf32, #tpu.memory_space<hbm>> -> memref<80x128xf32, #tpu.memory_space<hbm>>
    tpu.wait_dma2 semaphore(%arg33 : memref<!tpu.dma_semaphore, #tpu.memory_space<semaphore_mem>>) src(%arg21 : memref<80x128xf32, #tpu.memory_space<vmem>>) dst(%dma_wait3A_42 : memref<80x128xf32, #tpu.memory_space<hbm>>)
    %mul3A_43 = arith.constant 80 : i32
    %mul3A_44 = arith.muli %mul3A_2, %mul3A_43 : i32
    %dma_wait3A_45 = arith.constant 0 : i32
    %dma_wait3A_46 = tpu.memref_slice %arg5[%mul3A_44, %dma_wait3A_45] : memref<81920x128xf32, #tpu.memory_space<hbm>> -> memref<80x128xf32, #tpu.memory_space<hbm>>
    %dma_wait3A_47 = arith.constant 0 : i32
    %dma_wait3A_48 = tpu.memref_slice %arg5[%mul3A_44, %dma_wait3A_47] : memref<81920x128xf32, #tpu.memory_space<hbm>> -> memref<80x128xf32, #tpu.memory_space<hbm>>
    tpu.wait_dma2 semaphore(%arg34 : memref<!tpu.dma_semaphore, #tpu.memory_space<semaphore_mem>>) src(%arg18 : memref<80x128xf32, #tpu.memory_space<vmem>>) dst(%dma_wait3A_48 : memref<80x128xf32, #tpu.memory_space<hbm>>)
    %mul3A_49 = arith.constant 80 : i32
    %mul3A_50 = arith.muli %mul3A_2, %mul3A_49 : i32
    %dma_wait3A_51 = arith.constant 0 : i32
    %dma_wait3A_52 = tpu.memref_slice %arg6[%mul3A_50, %dma_wait3A_51] : memref<81920x128xf32, #tpu.memory_space<hbm>> -> memref<80x128xf32, #tpu.memory_space<hbm>>
    %dma_wait3A_53 = arith.constant 0 : i32
    %dma_wait3A_54 = tpu.memref_slice %arg6[%mul3A_50, %dma_wait3A_53] : memref<81920x128xf32, #tpu.memory_space<hbm>> -> memref<80x128xf32, #tpu.memory_space<hbm>>
    tpu.wait_dma2 semaphore(%arg34 : memref<!tpu.dma_semaphore, #tpu.memory_space<semaphore_mem>>) src(%arg22 : memref<80x128xf32, #tpu.memory_space<vmem>>) dst(%dma_wait3A_54 : memref<80x128xf32, #tpu.memory_space<hbm>>)
    return
  }
}

#map = affine_map<(d0, d1) -> (0, 0)>
#map1 = affine_map<(d0, d1) -> (0)>
module attributes {stable_mosaic.version = 14 : i64} {
  func.func @sc_gather_s5(%arg0: i32, %arg1: i32, %arg2: memref<10000x128xf32, #tpu.memory_space<hbm>>, %arg3: memref<320000xi32, #tpu.memory_space<hbm>>, %arg4: memref<320000xi32, #tpu.memory_space<hbm>>, %arg5: memref<5120x128xf32, #tpu.memory_space<hbm>>, %arg6: memref<5120x128xf32, #tpu.memory_space<hbm>>, %arg7: memref<80xi32, #tpu.memory_space<vmem>>, %arg8: memref<80xi32, #tpu.memory_space<vmem>>, %arg9: memref<80xi32, #tpu.memory_space<vmem>>, %arg10: memref<80xi32, #tpu.memory_space<vmem>>, %arg11: memref<80xi32, #tpu.memory_space<vmem>>, %arg12: memref<80xi32, #tpu.memory_space<vmem>>, %arg13: memref<80xi32, #tpu.memory_space<vmem>>, %arg14: memref<80xi32, #tpu.memory_space<vmem>>, %arg15: memref<80x128xf32, #tpu.memory_space<vmem>>, %arg16: memref<80x128xf32, #tpu.memory_space<vmem>>, %arg17: memref<80x128xf32, #tpu.memory_space<vmem>>, %arg18: memref<80x128xf32, #tpu.memory_space<vmem>>, %arg19: memref<80x128xf32, #tpu.memory_space<vmem>>, %arg20: memref<80x128xf32, #tpu.memory_space<vmem>>, %arg21: memref<80x128xf32, #tpu.memory_space<vmem>>, %arg22: memref<80x128xf32, #tpu.memory_space<vmem>>, %arg23: memref<!tpu.dma_semaphore, #tpu.memory_space<semaphore_mem>>, %arg24: memref<!tpu.dma_semaphore, #tpu.memory_space<semaphore_mem>>, %arg25: memref<!tpu.dma_semaphore, #tpu.memory_space<semaphore_mem>>, %arg26: memref<!tpu.dma_semaphore, #tpu.memory_space<semaphore_mem>>, %arg27: memref<!tpu.dma_semaphore, #tpu.memory_space<semaphore_mem>>, %arg28: memref<!tpu.dma_semaphore, #tpu.memory_space<semaphore_mem>>, %arg29: memref<!tpu.dma_semaphore, #tpu.memory_space<semaphore_mem>>, %arg30: memref<!tpu.dma_semaphore, #tpu.memory_space<semaphore_mem>>, %arg31: memref<!tpu.dma_semaphore, #tpu.memory_space<semaphore_mem>>, %arg32: memref<!tpu.dma_semaphore, #tpu.memory_space<semaphore_mem>>, %arg33: memref<!tpu.dma_semaphore, #tpu.memory_space<semaphore_mem>>, %arg34: memref<!tpu.dma_semaphore, #tpu.memory_space<semaphore_mem>>) attributes {dimension_semantics = [#tpu.dimension_semantics<core_parallel>, #tpu.dimension_semantics<subcore_parallel>], iteration_bounds = array<i64: 2, 16>, scalar_prefetch = 0 : i64, scratch_operands = 28 : i64, tpu.core_type = #tpu.core_type<sc_vector_subcore>, window_params = [{transform_indices = #map}, {transform_indices = #map1}, {transform_indices = #map1}, {transform_indices = #map}, {transform_indices = #map}]} {
    %mul3A = arith.constant 2 : i32
    %mul3A_0 = arith.muli %arg1, %mul3A : i32
    %add3A = arith.addi %mul3A_0, %arg0 : i32
    %mul3A_1 = arith.constant 2 : i32
    %mul3A_2 = arith.muli %add3A, %mul3A_1 : i32
    %scan3A = arith.constant 0 : i32
    %scan3A_3 = arith.constant 0 : i32
    %scan3A_4 = arith.constant 0 : i32
    %scan3A_5 = arith.addi %scan3A_3, %scan3A_4 : i32
    %scan3A_6 = arith.constant 0 : i32
    %add3A_7 = arith.constant 0 : i32
    %add3A_8 = arith.addi %mul3A_2, %add3A_7 : i32
    %mul3A_9 = arith.constant 80 : i32
    %mul3A_10 = arith.muli %add3A_8, %mul3A_9 : i32
    %add3A_11 = arith.constant 314880 : i32
    %add3A_12 = arith.addi %add3A_11, %mul3A_10 : i32
    "tpu.region"() ({
      %run_scoped3A = tpu.sem_alloc : memref<!tpu.dma_semaphore, #tpu.memory_space<semaphore_mem>>
      %dma_start3A_45 = tpu.memref_slice %arg3[%add3A_12] : memref<320000xi32, #tpu.memory_space<hbm>> -> memref<80xi32, #tpu.memory_space<hbm>>
      %dma_start3A_46 = tpu.memref_slice %arg3[%add3A_12] : memref<320000xi32, #tpu.memory_space<hbm>> -> memref<80xi32, #tpu.memory_space<hbm>>
      tpu.enqueue_dma source(%dma_start3A_46 : memref<80xi32, #tpu.memory_space<hbm>>) target(%arg7 : memref<80xi32, #tpu.memory_space<vmem>>) target_semaphore(%run_scoped3A : memref<!tpu.dma_semaphore, #tpu.memory_space<semaphore_mem>>)
      %dma_wait3A_47 = tpu.memref_slice %arg3[%add3A_12] : memref<320000xi32, #tpu.memory_space<hbm>> -> memref<80xi32, #tpu.memory_space<hbm>>
      %dma_wait3A_48 = tpu.memref_slice %arg3[%add3A_12] : memref<320000xi32, #tpu.memory_space<hbm>> -> memref<80xi32, #tpu.memory_space<hbm>>
      tpu.wait_dma2 semaphore(%run_scoped3A : memref<!tpu.dma_semaphore, #tpu.memory_space<semaphore_mem>>) src(%dma_wait3A_48 : memref<80xi32, #tpu.memory_space<hbm>>) dst(%arg7 : memref<80xi32, #tpu.memory_space<vmem>>)
      tpu.yield
    }) : () -> ()
    %add3A_13 = arith.constant 314880 : i32
    %add3A_14 = arith.addi %add3A_13, %mul3A_10 : i32
    "tpu.region"() ({
      %run_scoped3A = tpu.sem_alloc : memref<!tpu.dma_semaphore, #tpu.memory_space<semaphore_mem>>
      %dma_start3A_45 = tpu.memref_slice %arg4[%add3A_14] : memref<320000xi32, #tpu.memory_space<hbm>> -> memref<80xi32, #tpu.memory_space<hbm>>
      %dma_start3A_46 = tpu.memref_slice %arg4[%add3A_14] : memref<320000xi32, #tpu.memory_space<hbm>> -> memref<80xi32, #tpu.memory_space<hbm>>
      tpu.enqueue_dma source(%dma_start3A_46 : memref<80xi32, #tpu.memory_space<hbm>>) target(%arg11 : memref<80xi32, #tpu.memory_space<vmem>>) target_semaphore(%run_scoped3A : memref<!tpu.dma_semaphore, #tpu.memory_space<semaphore_mem>>)
      %dma_wait3A_47 = tpu.memref_slice %arg4[%add3A_14] : memref<320000xi32, #tpu.memory_space<hbm>> -> memref<80xi32, #tpu.memory_space<hbm>>
      %dma_wait3A_48 = tpu.memref_slice %arg4[%add3A_14] : memref<320000xi32, #tpu.memory_space<hbm>> -> memref<80xi32, #tpu.memory_space<hbm>>
      tpu.wait_dma2 semaphore(%run_scoped3A : memref<!tpu.dma_semaphore, #tpu.memory_space<semaphore_mem>>) src(%dma_wait3A_48 : memref<80xi32, #tpu.memory_space<hbm>>) dst(%arg11 : memref<80xi32, #tpu.memory_space<vmem>>)
      tpu.yield
    }) : () -> ()
    %dma_start3A = arith.constant 0 : i32
    %dma_start3A_15 = arith.constant 0 : i32
    %dma_start3A_16 = tpu.memref_slice %arg2[%dma_start3A, %dma_start3A_15] : memref<10000x128xf32, #tpu.memory_space<hbm>> -> memref<10000x128xf32, #tpu.memory_space<hbm>>
    tpu.enqueue_indirect_dma source(%dma_start3A_16 : memref<10000x128xf32, #tpu.memory_space<hbm>>) target(%arg15 : memref<80x128xf32, #tpu.memory_space<vmem>>) offsets(%arg7 : memref<80xi32, #tpu.memory_space<vmem>>) semaphore(%arg27 : memref<!tpu.dma_semaphore, #tpu.memory_space<semaphore_mem>>)
    %dma_wait3A = arith.constant 0 : i32
    %dma_wait3A_17 = arith.constant 0 : i32
    %dma_wait3A_18 = tpu.memref_slice %arg2[%dma_wait3A, %dma_wait3A_17] : memref<10000x128xf32, #tpu.memory_space<hbm>> -> memref<10000x128xf32, #tpu.memory_space<hbm>>
    tpu.wait_indirect_dma semaphore(%arg27 : memref<!tpu.dma_semaphore, #tpu.memory_space<semaphore_mem>>) src(%dma_wait3A_18 : memref<10000x128xf32, #tpu.memory_space<hbm>>) dst(%arg15 : memref<80x128xf32, #tpu.memory_space<vmem>>)
    %dma_start3A_19 = arith.constant 0 : i32
    %dma_start3A_20 = arith.constant 0 : i32
    %dma_start3A_21 = tpu.memref_slice %arg2[%dma_start3A_19, %dma_start3A_20] : memref<10000x128xf32, #tpu.memory_space<hbm>> -> memref<10000x128xf32, #tpu.memory_space<hbm>>
    tpu.enqueue_indirect_dma source(%dma_start3A_21 : memref<10000x128xf32, #tpu.memory_space<hbm>>) target(%arg19 : memref<80x128xf32, #tpu.memory_space<vmem>>) offsets(%arg11 : memref<80xi32, #tpu.memory_space<vmem>>) semaphore(%arg27 : memref<!tpu.dma_semaphore, #tpu.memory_space<semaphore_mem>>)
    %dma_wait3A_22 = arith.constant 0 : i32
    %dma_wait3A_23 = arith.constant 0 : i32
    %dma_wait3A_24 = tpu.memref_slice %arg2[%dma_wait3A_22, %dma_wait3A_23] : memref<10000x128xf32, #tpu.memory_space<hbm>> -> memref<10000x128xf32, #tpu.memory_space<hbm>>
    tpu.wait_indirect_dma semaphore(%arg27 : memref<!tpu.dma_semaphore, #tpu.memory_space<semaphore_mem>>) src(%dma_wait3A_24 : memref<10000x128xf32, #tpu.memory_space<hbm>>) dst(%arg19 : memref<80x128xf32, #tpu.memory_space<vmem>>)
    "tpu.region"() ({
      %run_scoped3A = tpu.sem_alloc : memref<!tpu.dma_semaphore, #tpu.memory_space<semaphore_mem>>
      %dma_start3A_45 = arith.constant 0 : i32
      %dma_start3A_46 = tpu.memref_slice %arg5[%mul3A_10, %dma_start3A_45] : memref<5120x128xf32, #tpu.memory_space<hbm>> -> memref<80x128xf32, #tpu.memory_space<hbm>>
      %dma_start3A_47 = arith.constant 0 : i32
      %dma_start3A_48 = tpu.memref_slice %arg5[%mul3A_10, %dma_start3A_47] : memref<5120x128xf32, #tpu.memory_space<hbm>> -> memref<80x128xf32, #tpu.memory_space<hbm>>
      tpu.enqueue_dma source(%arg15 : memref<80x128xf32, #tpu.memory_space<vmem>>) target(%dma_start3A_48 : memref<80x128xf32, #tpu.memory_space<hbm>>) target_semaphore(%run_scoped3A : memref<!tpu.dma_semaphore, #tpu.memory_space<semaphore_mem>>)
      %dma_wait3A_49 = arith.constant 0 : i32
      %dma_wait3A_50 = tpu.memref_slice %arg5[%mul3A_10, %dma_wait3A_49] : memref<5120x128xf32, #tpu.memory_space<hbm>> -> memref<80x128xf32, #tpu.memory_space<hbm>>
      %dma_wait3A_51 = arith.constant 0 : i32
      %dma_wait3A_52 = tpu.memref_slice %arg5[%mul3A_10, %dma_wait3A_51] : memref<5120x128xf32, #tpu.memory_space<hbm>> -> memref<80x128xf32, #tpu.memory_space<hbm>>
      tpu.wait_dma2 semaphore(%run_scoped3A : memref<!tpu.dma_semaphore, #tpu.memory_space<semaphore_mem>>) src(%arg15 : memref<80x128xf32, #tpu.memory_space<vmem>>) dst(%dma_wait3A_52 : memref<80x128xf32, #tpu.memory_space<hbm>>)
      tpu.yield
    }) : () -> ()
    "tpu.region"() ({
      %run_scoped3A = tpu.sem_alloc : memref<!tpu.dma_semaphore, #tpu.memory_space<semaphore_mem>>
      %dma_start3A_45 = arith.constant 0 : i32
      %dma_start3A_46 = tpu.memref_slice %arg6[%mul3A_10, %dma_start3A_45] : memref<5120x128xf32, #tpu.memory_space<hbm>> -> memref<80x128xf32, #tpu.memory_space<hbm>>
      %dma_start3A_47 = arith.constant 0 : i32
      %dma_start3A_48 = tpu.memref_slice %arg6[%mul3A_10, %dma_start3A_47] : memref<5120x128xf32, #tpu.memory_space<hbm>> -> memref<80x128xf32, #tpu.memory_space<hbm>>
      tpu.enqueue_dma source(%arg19 : memref<80x128xf32, #tpu.memory_space<vmem>>) target(%dma_start3A_48 : memref<80x128xf32, #tpu.memory_space<hbm>>) target_semaphore(%run_scoped3A : memref<!tpu.dma_semaphore, #tpu.memory_space<semaphore_mem>>)
      %dma_wait3A_49 = arith.constant 0 : i32
      %dma_wait3A_50 = tpu.memref_slice %arg6[%mul3A_10, %dma_wait3A_49] : memref<5120x128xf32, #tpu.memory_space<hbm>> -> memref<80x128xf32, #tpu.memory_space<hbm>>
      %dma_wait3A_51 = arith.constant 0 : i32
      %dma_wait3A_52 = tpu.memref_slice %arg6[%mul3A_10, %dma_wait3A_51] : memref<5120x128xf32, #tpu.memory_space<hbm>> -> memref<80x128xf32, #tpu.memory_space<hbm>>
      tpu.wait_dma2 semaphore(%run_scoped3A : memref<!tpu.dma_semaphore, #tpu.memory_space<semaphore_mem>>) src(%arg19 : memref<80x128xf32, #tpu.memory_space<vmem>>) dst(%dma_wait3A_52 : memref<80x128xf32, #tpu.memory_space<hbm>>)
      tpu.yield
    }) : () -> ()
    %add3A_25 = arith.constant 1 : i32
    %add3A_26 = arith.addi %mul3A_2, %add3A_25 : i32
    %mul3A_27 = arith.constant 80 : i32
    %mul3A_28 = arith.muli %add3A_26, %mul3A_27 : i32
    %add3A_29 = arith.constant 314880 : i32
    %add3A_30 = arith.addi %add3A_29, %mul3A_28 : i32
    "tpu.region"() ({
      %run_scoped3A = tpu.sem_alloc : memref<!tpu.dma_semaphore, #tpu.memory_space<semaphore_mem>>
      %dma_start3A_45 = tpu.memref_slice %arg3[%add3A_30] : memref<320000xi32, #tpu.memory_space<hbm>> -> memref<80xi32, #tpu.memory_space<hbm>>
      %dma_start3A_46 = tpu.memref_slice %arg3[%add3A_30] : memref<320000xi32, #tpu.memory_space<hbm>> -> memref<80xi32, #tpu.memory_space<hbm>>
      tpu.enqueue_dma source(%dma_start3A_46 : memref<80xi32, #tpu.memory_space<hbm>>) target(%arg7 : memref<80xi32, #tpu.memory_space<vmem>>) target_semaphore(%run_scoped3A : memref<!tpu.dma_semaphore, #tpu.memory_space<semaphore_mem>>)
      %dma_wait3A_47 = tpu.memref_slice %arg3[%add3A_30] : memref<320000xi32, #tpu.memory_space<hbm>> -> memref<80xi32, #tpu.memory_space<hbm>>
      %dma_wait3A_48 = tpu.memref_slice %arg3[%add3A_30] : memref<320000xi32, #tpu.memory_space<hbm>> -> memref<80xi32, #tpu.memory_space<hbm>>
      tpu.wait_dma2 semaphore(%run_scoped3A : memref<!tpu.dma_semaphore, #tpu.memory_space<semaphore_mem>>) src(%dma_wait3A_48 : memref<80xi32, #tpu.memory_space<hbm>>) dst(%arg7 : memref<80xi32, #tpu.memory_space<vmem>>)
      tpu.yield
    }) : () -> ()
    %add3A_31 = arith.constant 314880 : i32
    %add3A_32 = arith.addi %add3A_31, %mul3A_28 : i32
    "tpu.region"() ({
      %run_scoped3A = tpu.sem_alloc : memref<!tpu.dma_semaphore, #tpu.memory_space<semaphore_mem>>
      %dma_start3A_45 = tpu.memref_slice %arg4[%add3A_32] : memref<320000xi32, #tpu.memory_space<hbm>> -> memref<80xi32, #tpu.memory_space<hbm>>
      %dma_start3A_46 = tpu.memref_slice %arg4[%add3A_32] : memref<320000xi32, #tpu.memory_space<hbm>> -> memref<80xi32, #tpu.memory_space<hbm>>
      tpu.enqueue_dma source(%dma_start3A_46 : memref<80xi32, #tpu.memory_space<hbm>>) target(%arg11 : memref<80xi32, #tpu.memory_space<vmem>>) target_semaphore(%run_scoped3A : memref<!tpu.dma_semaphore, #tpu.memory_space<semaphore_mem>>)
      %dma_wait3A_47 = tpu.memref_slice %arg4[%add3A_32] : memref<320000xi32, #tpu.memory_space<hbm>> -> memref<80xi32, #tpu.memory_space<hbm>>
      %dma_wait3A_48 = tpu.memref_slice %arg4[%add3A_32] : memref<320000xi32, #tpu.memory_space<hbm>> -> memref<80xi32, #tpu.memory_space<hbm>>
      tpu.wait_dma2 semaphore(%run_scoped3A : memref<!tpu.dma_semaphore, #tpu.memory_space<semaphore_mem>>) src(%dma_wait3A_48 : memref<80xi32, #tpu.memory_space<hbm>>) dst(%arg11 : memref<80xi32, #tpu.memory_space<vmem>>)
      tpu.yield
    }) : () -> ()
    %dma_start3A_33 = arith.constant 0 : i32
    %dma_start3A_34 = arith.constant 0 : i32
    %dma_start3A_35 = tpu.memref_slice %arg2[%dma_start3A_33, %dma_start3A_34] : memref<10000x128xf32, #tpu.memory_space<hbm>> -> memref<10000x128xf32, #tpu.memory_space<hbm>>
    tpu.enqueue_indirect_dma source(%dma_start3A_35 : memref<10000x128xf32, #tpu.memory_space<hbm>>) target(%arg15 : memref<80x128xf32, #tpu.memory_space<vmem>>) offsets(%arg7 : memref<80xi32, #tpu.memory_space<vmem>>) semaphore(%arg27 : memref<!tpu.dma_semaphore, #tpu.memory_space<semaphore_mem>>)
    %dma_wait3A_36 = arith.constant 0 : i32
    %dma_wait3A_37 = arith.constant 0 : i32
    %dma_wait3A_38 = tpu.memref_slice %arg2[%dma_wait3A_36, %dma_wait3A_37] : memref<10000x128xf32, #tpu.memory_space<hbm>> -> memref<10000x128xf32, #tpu.memory_space<hbm>>
    tpu.wait_indirect_dma semaphore(%arg27 : memref<!tpu.dma_semaphore, #tpu.memory_space<semaphore_mem>>) src(%dma_wait3A_38 : memref<10000x128xf32, #tpu.memory_space<hbm>>) dst(%arg15 : memref<80x128xf32, #tpu.memory_space<vmem>>)
    %dma_start3A_39 = arith.constant 0 : i32
    %dma_start3A_40 = arith.constant 0 : i32
    %dma_start3A_41 = tpu.memref_slice %arg2[%dma_start3A_39, %dma_start3A_40] : memref<10000x128xf32, #tpu.memory_space<hbm>> -> memref<10000x128xf32, #tpu.memory_space<hbm>>
    tpu.enqueue_indirect_dma source(%dma_start3A_41 : memref<10000x128xf32, #tpu.memory_space<hbm>>) target(%arg19 : memref<80x128xf32, #tpu.memory_space<vmem>>) offsets(%arg11 : memref<80xi32, #tpu.memory_space<vmem>>) semaphore(%arg27 : memref<!tpu.dma_semaphore, #tpu.memory_space<semaphore_mem>>)
    %dma_wait3A_42 = arith.constant 0 : i32
    %dma_wait3A_43 = arith.constant 0 : i32
    %dma_wait3A_44 = tpu.memref_slice %arg2[%dma_wait3A_42, %dma_wait3A_43] : memref<10000x128xf32, #tpu.memory_space<hbm>> -> memref<10000x128xf32, #tpu.memory_space<hbm>>
    tpu.wait_indirect_dma semaphore(%arg27 : memref<!tpu.dma_semaphore, #tpu.memory_space<semaphore_mem>>) src(%dma_wait3A_44 : memref<10000x128xf32, #tpu.memory_space<hbm>>) dst(%arg19 : memref<80x128xf32, #tpu.memory_space<vmem>>)
    "tpu.region"() ({
      %run_scoped3A = tpu.sem_alloc : memref<!tpu.dma_semaphore, #tpu.memory_space<semaphore_mem>>
      %dma_start3A_45 = arith.constant 0 : i32
      %dma_start3A_46 = tpu.memref_slice %arg5[%mul3A_28, %dma_start3A_45] : memref<5120x128xf32, #tpu.memory_space<hbm>> -> memref<80x128xf32, #tpu.memory_space<hbm>>
      %dma_start3A_47 = arith.constant 0 : i32
      %dma_start3A_48 = tpu.memref_slice %arg5[%mul3A_28, %dma_start3A_47] : memref<5120x128xf32, #tpu.memory_space<hbm>> -> memref<80x128xf32, #tpu.memory_space<hbm>>
      tpu.enqueue_dma source(%arg15 : memref<80x128xf32, #tpu.memory_space<vmem>>) target(%dma_start3A_48 : memref<80x128xf32, #tpu.memory_space<hbm>>) target_semaphore(%run_scoped3A : memref<!tpu.dma_semaphore, #tpu.memory_space<semaphore_mem>>)
      %dma_wait3A_49 = arith.constant 0 : i32
      %dma_wait3A_50 = tpu.memref_slice %arg5[%mul3A_28, %dma_wait3A_49] : memref<5120x128xf32, #tpu.memory_space<hbm>> -> memref<80x128xf32, #tpu.memory_space<hbm>>
      %dma_wait3A_51 = arith.constant 0 : i32
      %dma_wait3A_52 = tpu.memref_slice %arg5[%mul3A_28, %dma_wait3A_51] : memref<5120x128xf32, #tpu.memory_space<hbm>> -> memref<80x128xf32, #tpu.memory_space<hbm>>
      tpu.wait_dma2 semaphore(%run_scoped3A : memref<!tpu.dma_semaphore, #tpu.memory_space<semaphore_mem>>) src(%arg15 : memref<80x128xf32, #tpu.memory_space<vmem>>) dst(%dma_wait3A_52 : memref<80x128xf32, #tpu.memory_space<hbm>>)
      tpu.yield
    }) : () -> ()
    "tpu.region"() ({
      %run_scoped3A = tpu.sem_alloc : memref<!tpu.dma_semaphore, #tpu.memory_space<semaphore_mem>>
      %dma_start3A_45 = arith.constant 0 : i32
      %dma_start3A_46 = tpu.memref_slice %arg6[%mul3A_28, %dma_start3A_45] : memref<5120x128xf32, #tpu.memory_space<hbm>> -> memref<80x128xf32, #tpu.memory_space<hbm>>
      %dma_start3A_47 = arith.constant 0 : i32
      %dma_start3A_48 = tpu.memref_slice %arg6[%mul3A_28, %dma_start3A_47] : memref<5120x128xf32, #tpu.memory_space<hbm>> -> memref<80x128xf32, #tpu.memory_space<hbm>>
      tpu.enqueue_dma source(%arg19 : memref<80x128xf32, #tpu.memory_space<vmem>>) target(%dma_start3A_48 : memref<80x128xf32, #tpu.memory_space<hbm>>) target_semaphore(%run_scoped3A : memref<!tpu.dma_semaphore, #tpu.memory_space<semaphore_mem>>)
      %dma_wait3A_49 = arith.constant 0 : i32
      %dma_wait3A_50 = tpu.memref_slice %arg6[%mul3A_28, %dma_wait3A_49] : memref<5120x128xf32, #tpu.memory_space<hbm>> -> memref<80x128xf32, #tpu.memory_space<hbm>>
      %dma_wait3A_51 = arith.constant 0 : i32
      %dma_wait3A_52 = tpu.memref_slice %arg6[%mul3A_28, %dma_wait3A_51] : memref<5120x128xf32, #tpu.memory_space<hbm>> -> memref<80x128xf32, #tpu.memory_space<hbm>>
      tpu.wait_dma2 semaphore(%run_scoped3A : memref<!tpu.dma_semaphore, #tpu.memory_space<semaphore_mem>>) src(%arg19 : memref<80x128xf32, #tpu.memory_space<vmem>>) dst(%dma_wait3A_52 : memref<80x128xf32, #tpu.memory_space<hbm>>)
      tpu.yield
    }) : () -> ()
    return
  }
}

module attributes {stable_mosaic.version = 14 : i64} {
  func.func @tc_assemble_s2(%arg0: i32, %arg1: memref<272x320000xf32, #tpu.memory_space<any>>, %arg2: memref<2560x128xf32, #tpu.memory_space<vmem>>, %arg3: memref<2560x128xf32, #tpu.memory_space<vmem>>, %arg4: memref<16x2560xf32, #tpu.memory_space<vmem>>, %arg5: memref<272x2560xf32, #tpu.memory_space<vmem>>) attributes {dimension_semantics = [#tpu.dimension_semantics<arbitrary>], iteration_bounds = array<i64: 32>, scalar_prefetch = 0 : i64, scratch_operands = 0 : i64, tpu.core_type = #tpu.core_type<tc>, window_params = [{}, {transform_indices = @transform_1, window_bounds = array<i64: 2560, 128>}, {transform_indices = @transform_2, window_bounds = array<i64: 2560, 128>}, {transform_indices = @transform_3, window_bounds = array<i64: 16, 2560>}, {transform_indices = @transform_4, window_bounds = array<i64: 272, 2560>}]} {
    %get3A = arith.constant 0 : index
    %get3A_0 = arith.constant 0 : index
    %get3A_1 = vector.load %arg2[%get3A, %get3A_0] : memref<2560x128xf32, #tpu.memory_space<vmem>>, vector<2560x128xf32>
    %transpose3A = tpu.transpose %get3A_1, [1, 0] : vector<2560x128xf32> -> vector<128x2560xf32>
    %swap3A = arith.constant 0 : index
    %swap3A_2 = arith.constant 0 : index
    %swap3A_3 = vector.load %arg5[%swap3A, %swap3A_2] : memref<272x2560xf32, #tpu.memory_space<vmem>>, vector<128x2560xf32>
    tpu.vector_store %arg5[%swap3A, %swap3A_2], %transpose3A {strides = array<i32>} : memref<272x2560xf32, #tpu.memory_space<vmem>>, vector<128x2560xf32>,
    %get3A_4 = arith.constant 0 : index
    %get3A_5 = arith.constant 0 : index
    %get3A_6 = vector.load %arg3[%get3A_4, %get3A_5] : memref<2560x128xf32, #tpu.memory_space<vmem>>, vector<2560x128xf32>
    %transpose3A_7 = tpu.transpose %get3A_6, [1, 0] : vector<2560x128xf32> -> vector<128x2560xf32>
    %swap3A_8 = arith.constant 128 : index
    %swap3A_9 = arith.constant 0 : index
    %swap3A_10 = vector.load %arg5[%swap3A_8, %swap3A_9] : memref<272x2560xf32, #tpu.memory_space<vmem>>, vector<128x2560xf32>
    tpu.vector_store %arg5[%swap3A_8, %swap3A_9], %transpose3A_7 {strides = array<i32>} : memref<272x2560xf32, #tpu.memory_space<vmem>>, vector<128x2560xf32>,
    %get3A_11 = arith.constant 0 : index
    %get3A_12 = arith.constant 0 : index
    %get3A_13 = vector.load %arg4[%get3A_11, %get3A_12] : memref<16x2560xf32, #tpu.memory_space<vmem>>, vector<16x2560xf32>
    %swap3A_14 = arith.constant 256 : index
    %swap3A_15 = arith.constant 0 : index
    %swap3A_16 = vector.load %arg5[%swap3A_14, %swap3A_15] : memref<272x2560xf32, #tpu.memory_space<vmem>>, vector<16x2560xf32>
    tpu.vector_store %arg5[%swap3A_14, %swap3A_15], %get3A_13 {strides = array<i32>} : memref<272x2560xf32, #tpu.memory_space<vmem>>, vector<16x2560xf32>,
    return
  }
  func.func @transform_1(%arg0: i32) -> (i32, i32) {
    %c0_i32 = arith.constant 0 : i32
    %c0_i32_0 = arith.constant 0 : i32
    return %arg0, %c0_i32 : i32, i32
  }
  func.func @transform_2(%arg0: i32) -> (i32, i32) {
    %c0_i32 = arith.constant 0 : i32
    %c0_i32_0 = arith.constant 0 : i32
    return %arg0, %c0_i32 : i32, i32
  }
  func.func @transform_3(%arg0: i32) -> (i32, i32) {
    %add3A = arith.constant 27 : i32
    %add3A_0 = arith.addi %add3A, %arg0 : i32
    %c0_i32 = arith.constant 0 : i32
    %c0_i32_1 = arith.constant 0 : i32
    return %c0_i32, %add3A_0 : i32, i32
  }
  func.func @transform_4(%arg0: i32) -> (i32, i32) {
    %add3A = arith.constant 27 : i32
    %add3A_0 = arith.addi %add3A, %arg0 : i32
    %c0_i32 = arith.constant 0 : i32
    %c0_i32_1 = arith.constant 0 : i32
    return %c0_i32, %add3A_0 : i32, i32
  }
}

module attributes {stable_mosaic.version = 14 : i64} {
  func.func @tc_assemble_s0(%arg0: i32, %arg1: memref<2560x128xf32, #tpu.memory_space<vmem>>, %arg2: memref<2560x128xf32, #tpu.memory_space<vmem>>, %arg3: memref<16x2560xf32, #tpu.memory_space<vmem>>, %arg4: memref<272x2560xf32, #tpu.memory_space<vmem>>) attributes {dimension_semantics = [#tpu.dimension_semantics<arbitrary>], iteration_bounds = array<i64: 2>, scalar_prefetch = 0 : i64, scratch_operands = 0 : i64, tpu.core_type = #tpu.core_type<tc>, window_params = [{transform_indices = @transform_0, window_bounds = array<i64: 2560, 128>}, {transform_indices = @transform_1, window_bounds = array<i64: 2560, 128>}, {transform_indices = @transform_2, window_bounds = array<i64: 16, 2560>}, {transform_indices = @transform_3, window_bounds = array<i64: 272, 2560>}]} {
    %get3A = arith.constant 0 : index
    %get3A_0 = arith.constant 0 : index
    %get3A_1 = vector.load %arg1[%get3A, %get3A_0] : memref<2560x128xf32, #tpu.memory_space<vmem>>, vector<2560x128xf32>
    %transpose3A = tpu.transpose %get3A_1, [1, 0] : vector<2560x128xf32> -> vector<128x2560xf32>
    %swap3A = arith.constant 0 : index
    %swap3A_2 = arith.constant 0 : index
    %swap3A_3 = vector.load %arg4[%swap3A, %swap3A_2] : memref<272x2560xf32, #tpu.memory_space<vmem>>, vector<128x2560xf32>
    tpu.vector_store %arg4[%swap3A, %swap3A_2], %transpose3A {strides = array<i32>} : memref<272x2560xf32, #tpu.memory_space<vmem>>, vector<128x2560xf32>,
    %get3A_4 = arith.constant 0 : index
    %get3A_5 = arith.constant 0 : index
    %get3A_6 = vector.load %arg2[%get3A_4, %get3A_5] : memref<2560x128xf32, #tpu.memory_space<vmem>>, vector<2560x128xf32>
    %transpose3A_7 = tpu.transpose %get3A_6, [1, 0] : vector<2560x128xf32> -> vector<128x2560xf32>
    %swap3A_8 = arith.constant 128 : index
    %swap3A_9 = arith.constant 0 : index
    %swap3A_10 = vector.load %arg4[%swap3A_8, %swap3A_9] : memref<272x2560xf32, #tpu.memory_space<vmem>>, vector<128x2560xf32>
    tpu.vector_store %arg4[%swap3A_8, %swap3A_9], %transpose3A_7 {strides = array<i32>} : memref<272x2560xf32, #tpu.memory_space<vmem>>, vector<128x2560xf32>,
    %get3A_11 = arith.constant 0 : index
    %get3A_12 = arith.constant 0 : index
    %get3A_13 = vector.load %arg3[%get3A_11, %get3A_12] : memref<16x2560xf32, #tpu.memory_space<vmem>>, vector<16x2560xf32>
    %swap3A_14 = arith.constant 256 : index
    %swap3A_15 = arith.constant 0 : index
    %swap3A_16 = vector.load %arg4[%swap3A_14, %swap3A_15] : memref<272x2560xf32, #tpu.memory_space<vmem>>, vector<16x2560xf32>
    tpu.vector_store %arg4[%swap3A_14, %swap3A_15], %get3A_13 {strides = array<i32>} : memref<272x2560xf32, #tpu.memory_space<vmem>>, vector<16x2560xf32>,
    return
  }
  func.func @transform_0(%arg0: i32) -> (i32, i32) {
    %c0_i32 = arith.constant 0 : i32
    %c0_i32_0 = arith.constant 0 : i32
    return %arg0, %c0_i32 : i32, i32
  }
  func.func @transform_1(%arg0: i32) -> (i32, i32) {
    %c0_i32 = arith.constant 0 : i32
    %c0_i32_0 = arith.constant 0 : i32
    return %arg0, %c0_i32 : i32, i32
  }
  func.func @transform_2(%arg0: i32) -> (i32, i32) {
    %add3A = arith.constant 0 : i32
    %add3A_0 = arith.addi %add3A, %arg0 : i32
    %c0_i32 = arith.constant 0 : i32
    %c0_i32_1 = arith.constant 0 : i32
    return %c0_i32, %add3A_0 : i32, i32
  }
  func.func @transform_3(%arg0: i32) -> (i32, i32) {
    %add3A = arith.constant 0 : i32
    %add3A_0 = arith.addi %add3A, %arg0 : i32
    %c0_i32 = arith.constant 0 : i32
    %c0_i32_1 = arith.constant 0 : i32
    return %c0_i32, %add3A_0 : i32, i32
  }
}

module attributes {stable_mosaic.version = 14 : i64} {
  func.func @tc_assemble_s1(%arg0: i32, %arg1: memref<272x320000xf32, #tpu.memory_space<any>>, %arg2: memref<2560x128xf32, #tpu.memory_space<vmem>>, %arg3: memref<2560x128xf32, #tpu.memory_space<vmem>>, %arg4: memref<16x2560xf32, #tpu.memory_space<vmem>>, %arg5: memref<272x2560xf32, #tpu.memory_space<vmem>>) attributes {dimension_semantics = [#tpu.dimension_semantics<arbitrary>], iteration_bounds = array<i64: 25>, scalar_prefetch = 0 : i64, scratch_operands = 0 : i64, tpu.core_type = #tpu.core_type<tc>, window_params = [{}, {transform_indices = @transform_1, window_bounds = array<i64: 2560, 128>}, {transform_indices = @transform_2, window_bounds = array<i64: 2560, 128>}, {transform_indices = @transform_3, window_bounds = array<i64: 16, 2560>}, {transform_indices = @transform_4, window_bounds = array<i64: 272, 2560>}]} {
    %get3A = arith.constant 0 : index
    %get3A_0 = arith.constant 0 : index
    %get3A_1 = vector.load %arg2[%get3A, %get3A_0] : memref<2560x128xf32, #tpu.memory_space<vmem>>, vector<2560x128xf32>
    %transpose3A = tpu.transpose %get3A_1, [1, 0] : vector<2560x128xf32> -> vector<128x2560xf32>
    %swap3A = arith.constant 0 : index
    %swap3A_2 = arith.constant 0 : index
    %swap3A_3 = vector.load %arg5[%swap3A, %swap3A_2] : memref<272x2560xf32, #tpu.memory_space<vmem>>, vector<128x2560xf32>
    tpu.vector_store %arg5[%swap3A, %swap3A_2], %transpose3A {strides = array<i32>} : memref<272x2560xf32, #tpu.memory_space<vmem>>, vector<128x2560xf32>,
    %get3A_4 = arith.constant 0 : index
    %get3A_5 = arith.constant 0 : index
    %get3A_6 = vector.load %arg3[%get3A_4, %get3A_5] : memref<2560x128xf32, #tpu.memory_space<vmem>>, vector<2560x128xf32>
    %transpose3A_7 = tpu.transpose %get3A_6, [1, 0] : vector<2560x128xf32> -> vector<128x2560xf32>
    %swap3A_8 = arith.constant 128 : index
    %swap3A_9 = arith.constant 0 : index
    %swap3A_10 = vector.load %arg5[%swap3A_8, %swap3A_9] : memref<272x2560xf32, #tpu.memory_space<vmem>>, vector<128x2560xf32>
    tpu.vector_store %arg5[%swap3A_8, %swap3A_9], %transpose3A_7 {strides = array<i32>} : memref<272x2560xf32, #tpu.memory_space<vmem>>, vector<128x2560xf32>,
    %get3A_11 = arith.constant 0 : index
    %get3A_12 = arith.constant 0 : index
    %get3A_13 = vector.load %arg4[%get3A_11, %get3A_12] : memref<16x2560xf32, #tpu.memory_space<vmem>>, vector<16x2560xf32>
    %swap3A_14 = arith.constant 256 : index
    %swap3A_15 = arith.constant 0 : index
    %swap3A_16 = vector.load %arg5[%swap3A_14, %swap3A_15] : memref<272x2560xf32, #tpu.memory_space<vmem>>, vector<16x2560xf32>
    tpu.vector_store %arg5[%swap3A_14, %swap3A_15], %get3A_13 {strides = array<i32>} : memref<272x2560xf32, #tpu.memory_space<vmem>>, vector<16x2560xf32>,
    return
  }
  func.func @transform_1(%arg0: i32) -> (i32, i32) {
    %c0_i32 = arith.constant 0 : i32
    %c0_i32_0 = arith.constant 0 : i32
    return %arg0, %c0_i32 : i32, i32
  }
  func.func @transform_2(%arg0: i32) -> (i32, i32) {
    %c0_i32 = arith.constant 0 : i32
    %c0_i32_0 = arith.constant 0 : i32
    return %arg0, %c0_i32 : i32, i32
  }
  func.func @transform_3(%arg0: i32) -> (i32, i32) {
    %add3A = arith.constant 2 : i32
    %add3A_0 = arith.addi %add3A, %arg0 : i32
    %c0_i32 = arith.constant 0 : i32
    %c0_i32_1 = arith.constant 0 : i32
    return %c0_i32, %add3A_0 : i32, i32
  }
  func.func @transform_4(%arg0: i32) -> (i32, i32) {
    %add3A = arith.constant 2 : i32
    %add3A_0 = arith.addi %add3A, %arg0 : i32
    %c0_i32 = arith.constant 0 : i32
    %c0_i32_1 = arith.constant 0 : i32
    return %c0_i32, %add3A_0 : i32, i32
  }
}

module attributes {stable_mosaic.version = 14 : i64} {
  func.func @tc_assemble_s3(%arg0: i32, %arg1: memref<272x320000xf32, #tpu.memory_space<any>>, %arg2: memref<2560x128xf32, #tpu.memory_space<vmem>>, %arg3: memref<2560x128xf32, #tpu.memory_space<vmem>>, %arg4: memref<16x2560xf32, #tpu.memory_space<vmem>>, %arg5: memref<272x2560xf32, #tpu.memory_space<vmem>>) attributes {dimension_semantics = [#tpu.dimension_semantics<arbitrary>], iteration_bounds = array<i64: 32>, scalar_prefetch = 0 : i64, scratch_operands = 0 : i64, tpu.core_type = #tpu.core_type<tc>, window_params = [{}, {transform_indices = @transform_1, window_bounds = array<i64: 2560, 128>}, {transform_indices = @transform_2, window_bounds = array<i64: 2560, 128>}, {transform_indices = @transform_3, window_bounds = array<i64: 16, 2560>}, {transform_indices = @transform_4, window_bounds = array<i64: 272, 2560>}]} {
    %get3A = arith.constant 0 : index
    %get3A_0 = arith.constant 0 : index
    %get3A_1 = vector.load %arg2[%get3A, %get3A_0] : memref<2560x128xf32, #tpu.memory_space<vmem>>, vector<2560x128xf32>
    %transpose3A = tpu.transpose %get3A_1, [1, 0] : vector<2560x128xf32> -> vector<128x2560xf32>
    %swap3A = arith.constant 0 : index
    %swap3A_2 = arith.constant 0 : index
    %swap3A_3 = vector.load %arg5[%swap3A, %swap3A_2] : memref<272x2560xf32, #tpu.memory_space<vmem>>, vector<128x2560xf32>
    tpu.vector_store %arg5[%swap3A, %swap3A_2], %transpose3A {strides = array<i32>} : memref<272x2560xf32, #tpu.memory_space<vmem>>, vector<128x2560xf32>,
    %get3A_4 = arith.constant 0 : index
    %get3A_5 = arith.constant 0 : index
    %get3A_6 = vector.load %arg3[%get3A_4, %get3A_5] : memref<2560x128xf32, #tpu.memory_space<vmem>>, vector<2560x128xf32>
    %transpose3A_7 = tpu.transpose %get3A_6, [1, 0] : vector<2560x128xf32> -> vector<128x2560xf32>
    %swap3A_8 = arith.constant 128 : index
    %swap3A_9 = arith.constant 0 : index
    %swap3A_10 = vector.load %arg5[%swap3A_8, %swap3A_9] : memref<272x2560xf32, #tpu.memory_space<vmem>>, vector<128x2560xf32>
    tpu.vector_store %arg5[%swap3A_8, %swap3A_9], %transpose3A_7 {strides = array<i32>} : memref<272x2560xf32, #tpu.memory_space<vmem>>, vector<128x2560xf32>,
    %get3A_11 = arith.constant 0 : index
    %get3A_12 = arith.constant 0 : index
    %get3A_13 = vector.load %arg4[%get3A_11, %get3A_12] : memref<16x2560xf32, #tpu.memory_space<vmem>>, vector<16x2560xf32>
    %swap3A_14 = arith.constant 256 : index
    %swap3A_15 = arith.constant 0 : index
    %swap3A_16 = vector.load %arg5[%swap3A_14, %swap3A_15] : memref<272x2560xf32, #tpu.memory_space<vmem>>, vector<16x2560xf32>
    tpu.vector_store %arg5[%swap3A_14, %swap3A_15], %get3A_13 {strides = array<i32>} : memref<272x2560xf32, #tpu.memory_space<vmem>>, vector<16x2560xf32>,
    return
  }
  func.func @transform_1(%arg0: i32) -> (i32, i32) {
    %c0_i32 = arith.constant 0 : i32
    %c0_i32_0 = arith.constant 0 : i32
    return %arg0, %c0_i32 : i32, i32
  }
  func.func @transform_2(%arg0: i32) -> (i32, i32) {
    %c0_i32 = arith.constant 0 : i32
    %c0_i32_0 = arith.constant 0 : i32
    return %arg0, %c0_i32 : i32, i32
  }
  func.func @transform_3(%arg0: i32) -> (i32, i32) {
    %add3A = arith.constant 59 : i32
    %add3A_0 = arith.addi %add3A, %arg0 : i32
    %c0_i32 = arith.constant 0 : i32
    %c0_i32_1 = arith.constant 0 : i32
    return %c0_i32, %add3A_0 : i32, i32
  }
  func.func @transform_4(%arg0: i32) -> (i32, i32) {
    %add3A = arith.constant 59 : i32
    %add3A_0 = arith.addi %add3A, %arg0 : i32
    %c0_i32 = arith.constant 0 : i32
    %c0_i32_1 = arith.constant 0 : i32
    return %c0_i32, %add3A_0 : i32, i32
  }
}

module attributes {stable_mosaic.version = 14 : i64} {
  func.func @tc_assemble_s4(%arg0: i32, %arg1: memref<272x320000xf32, #tpu.memory_space<any>>, %arg2: memref<2560x128xf32, #tpu.memory_space<vmem>>, %arg3: memref<2560x128xf32, #tpu.memory_space<vmem>>, %arg4: memref<16x2560xf32, #tpu.memory_space<vmem>>, %arg5: memref<272x2560xf32, #tpu.memory_space<vmem>>) attributes {dimension_semantics = [#tpu.dimension_semantics<arbitrary>], iteration_bounds = array<i64: 32>, scalar_prefetch = 0 : i64, scratch_operands = 0 : i64, tpu.core_type = #tpu.core_type<tc>, window_params = [{}, {transform_indices = @transform_1, window_bounds = array<i64: 2560, 128>}, {transform_indices = @transform_2, window_bounds = array<i64: 2560, 128>}, {transform_indices = @transform_3, window_bounds = array<i64: 16, 2560>}, {transform_indices = @transform_4, window_bounds = array<i64: 272, 2560>}]} {
    %get3A = arith.constant 0 : index
    %get3A_0 = arith.constant 0 : index
    %get3A_1 = vector.load %arg2[%get3A, %get3A_0] : memref<2560x128xf32, #tpu.memory_space<vmem>>, vector<2560x128xf32>
    %transpose3A = tpu.transpose %get3A_1, [1, 0] : vector<2560x128xf32> -> vector<128x2560xf32>
    %swap3A = arith.constant 0 : index
    %swap3A_2 = arith.constant 0 : index
    %swap3A_3 = vector.load %arg5[%swap3A, %swap3A_2] : memref<272x2560xf32, #tpu.memory_space<vmem>>, vector<128x2560xf32>
    tpu.vector_store %arg5[%swap3A, %swap3A_2], %transpose3A {strides = array<i32>} : memref<272x2560xf32, #tpu.memory_space<vmem>>, vector<128x2560xf32>,
    %get3A_4 = arith.constant 0 : index
    %get3A_5 = arith.constant 0 : index
    %get3A_6 = vector.load %arg3[%get3A_4, %get3A_5] : memref<2560x128xf32, #tpu.memory_space<vmem>>, vector<2560x128xf32>
    %transpose3A_7 = tpu.transpose %get3A_6, [1, 0] : vector<2560x128xf32> -> vector<128x2560xf32>
    %swap3A_8 = arith.constant 128 : index
    %swap3A_9 = arith.constant 0 : index
    %swap3A_10 = vector.load %arg5[%swap3A_8, %swap3A_9] : memref<272x2560xf32, #tpu.memory_space<vmem>>, vector<128x2560xf32>
    tpu.vector_store %arg5[%swap3A_8, %swap3A_9], %transpose3A_7 {strides = array<i32>} : memref<272x2560xf32, #tpu.memory_space<vmem>>, vector<128x2560xf32>,
    %get3A_11 = arith.constant 0 : index
    %get3A_12 = arith.constant 0 : index
    %get3A_13 = vector.load %arg4[%get3A_11, %get3A_12] : memref<16x2560xf32, #tpu.memory_space<vmem>>, vector<16x2560xf32>
    %swap3A_14 = arith.constant 256 : index
    %swap3A_15 = arith.constant 0 : index
    %swap3A_16 = vector.load %arg5[%swap3A_14, %swap3A_15] : memref<272x2560xf32, #tpu.memory_space<vmem>>, vector<16x2560xf32>
    tpu.vector_store %arg5[%swap3A_14, %swap3A_15], %get3A_13 {strides = array<i32>} : memref<272x2560xf32, #tpu.memory_space<vmem>>, vector<16x2560xf32>,
    return
  }
  func.func @transform_1(%arg0: i32) -> (i32, i32) {
    %c0_i32 = arith.constant 0 : i32
    %c0_i32_0 = arith.constant 0 : i32
    return %arg0, %c0_i32 : i32, i32
  }
  func.func @transform_2(%arg0: i32) -> (i32, i32) {
    %c0_i32 = arith.constant 0 : i32
    %c0_i32_0 = arith.constant 0 : i32
    return %arg0, %c0_i32 : i32, i32
  }
  func.func @transform_3(%arg0: i32) -> (i32, i32) {
    %add3A = arith.constant 91 : i32
    %add3A_0 = arith.addi %add3A, %arg0 : i32
    %c0_i32 = arith.constant 0 : i32
    %c0_i32_1 = arith.constant 0 : i32
    return %c0_i32, %add3A_0 : i32, i32
  }
  func.func @transform_4(%arg0: i32) -> (i32, i32) {
    %add3A = arith.constant 91 : i32
    %add3A_0 = arith.addi %add3A, %arg0 : i32
    %c0_i32 = arith.constant 0 : i32
    %c0_i32_1 = arith.constant 0 : i32
    return %c0_i32, %add3A_0 : i32, i32
  }
}

module attributes {stable_mosaic.version = 14 : i64} {
  func.func @tc_assemble_s5(%arg0: i32, %arg1: memref<272x320000xf32, #tpu.memory_space<any>>, %arg2: memref<2560x128xf32, #tpu.memory_space<vmem>>, %arg3: memref<2560x128xf32, #tpu.memory_space<vmem>>, %arg4: memref<16x2560xf32, #tpu.memory_space<vmem>>, %arg5: memref<272x2560xf32, #tpu.memory_space<vmem>>) attributes {dimension_semantics = [#tpu.dimension_semantics<arbitrary>], iteration_bounds = array<i64: 2>, scalar_prefetch = 0 : i64, scratch_operands = 0 : i64, tpu.core_type = #tpu.core_type<tc>, window_params = [{}, {transform_indices = @transform_1, window_bounds = array<i64: 2560, 128>}, {transform_indices = @transform_2, window_bounds = array<i64: 2560, 128>}, {transform_indices = @transform_3, window_bounds = array<i64: 16, 2560>}, {transform_indices = @transform_4, window_bounds = array<i64: 272, 2560>}]} {
    %get3A = arith.constant 0 : index
    %get3A_0 = arith.constant 0 : index
    %get3A_1 = vector.load %arg2[%get3A, %get3A_0] : memref<2560x128xf32, #tpu.memory_space<vmem>>, vector<2560x128xf32>
    %transpose3A = tpu.transpose %get3A_1, [1, 0] : vector<2560x128xf32> -> vector<128x2560xf32>
    %swap3A = arith.constant 0 : index
    %swap3A_2 = arith.constant 0 : index
    %swap3A_3 = vector.load %arg5[%swap3A, %swap3A_2] : memref<272x2560xf32, #tpu.memory_space<vmem>>, vector<128x2560xf32>
    tpu.vector_store %arg5[%swap3A, %swap3A_2], %transpose3A {strides = array<i32>} : memref<272x2560xf32, #tpu.memory_space<vmem>>, vector<128x2560xf32>,
    %get3A_4 = arith.constant 0 : index
    %get3A_5 = arith.constant 0 : index
    %get3A_6 = vector.load %arg3[%get3A_4, %get3A_5] : memref<2560x128xf32, #tpu.memory_space<vmem>>, vector<2560x128xf32>
    %transpose3A_7 = tpu.transpose %get3A_6, [1, 0] : vector<2560x128xf32> -> vector<128x2560xf32>
    %swap3A_8 = arith.constant 128 : index
    %swap3A_9 = arith.constant 0 : index
    %swap3A_10 = vector.load %arg5[%swap3A_8, %swap3A_9] : memref<272x2560xf32, #tpu.memory_space<vmem>>, vector<128x2560xf32>
    tpu.vector_store %arg5[%swap3A_8, %swap3A_9], %transpose3A_7 {strides = array<i32>} : memref<272x2560xf32, #tpu.memory_space<vmem>>, vector<128x2560xf32>,
    %get3A_11 = arith.constant 0 : index
    %get3A_12 = arith.constant 0 : index
    %get3A_13 = vector.load %arg4[%get3A_11, %get3A_12] : memref<16x2560xf32, #tpu.memory_space<vmem>>, vector<16x2560xf32>
    %swap3A_14 = arith.constant 256 : index
    %swap3A_15 = arith.constant 0 : index
    %swap3A_16 = vector.load %arg5[%swap3A_14, %swap3A_15] : memref<272x2560xf32, #tpu.memory_space<vmem>>, vector<16x2560xf32>
    tpu.vector_store %arg5[%swap3A_14, %swap3A_15], %get3A_13 {strides = array<i32>} : memref<272x2560xf32, #tpu.memory_space<vmem>>, vector<16x2560xf32>,
    return
  }
  func.func @transform_1(%arg0: i32) -> (i32, i32) {
    %c0_i32 = arith.constant 0 : i32
    %c0_i32_0 = arith.constant 0 : i32
    return %arg0, %c0_i32 : i32, i32
  }
  func.func @transform_2(%arg0: i32) -> (i32, i32) {
    %c0_i32 = arith.constant 0 : i32
    %c0_i32_0 = arith.constant 0 : i32
    return %arg0, %c0_i32 : i32, i32
  }
  func.func @transform_3(%arg0: i32) -> (i32, i32) {
    %add3A = arith.constant 123 : i32
    %add3A_0 = arith.addi %add3A, %arg0 : i32
    %c0_i32 = arith.constant 0 : i32
    %c0_i32_1 = arith.constant 0 : i32
    return %c0_i32, %add3A_0 : i32, i32
  }
  func.func @transform_4(%arg0: i32) -> (i32, i32) {
    %add3A = arith.constant 123 : i32
    %add3A_0 = arith.addi %add3A, %arg0 : i32
    %c0_i32 = arith.constant 0 : i32
    %c0_i32_1 = arith.constant 0 : i32
    return %c0_i32, %add3A_0 : i32, i32
  }
}

</mosaic_0001>

<sc_bundles>
// kernel: sc_gather_s0.3.cloned.1.call-start
scs
__scs_entry_jumppad:
0x0: {  	(pc) =	sbr.rel $0x88, $3  }
0x1: {  	(tag) =	ssettag $0x0;
	lr =	simm.s32 $0x1  }
0x2: {  	[smem:$0x3F9E] =	sst lr;
	_ =	strace $0xD0000000  }
0x3: {  	_ = 	snop  }
0x4: {  	_ = 	snop  }
0x5: {  	_ = 	snop  }
0x6: {  	_ = 	snop  }
0x7: {  	_ = 	snop  }
__scs_overlays_trampoline_lowered:
0x8: {  	[smem:$0x3FAD] =	sst s0  }
0x9: {  	[smem:$0x3FAE] =	sst s1  }
0xa: {  	[smem:$0x3FAF] =	sst s2  }
0xb: {  	[smem:$0x3FB0] =	sst s3  }
0xc: {  	[smem:$0x3FB1] =	sst s4  }
0xd: {  	[smem:$0x3FB2] =	sst s5  }
0xe: {  	[smem:$0x3FB3] =	sst s6  }
0xf: {  	[smem:$0x3FB4] =	sst s7  }
0x10: {  	[smem:$0x3FB5] =	sst s8  }
0x11: {  	[smem:$0x3FB6] =	sst s9;
	s0 =	simm.s32 @!p0 $0x0  }
0x12: {  	s1 =	sld [smem:$0x3F9C];
	s0 =	simm.s32 @p0 $0x1  }
0x13: {  	[smem:$0x3FB7] =	sst s0;
	s0 =	simm.s32 @!p1 $0x0  }
0x14: {  	s2 =	sld [smem:$0x3F9B];
	s0 =	simm.s32 @p1 $0x1  }
0x15: {  	[smem:$0x3FB8] =	sst s0;
	s0 =	simm.s32 @!p2 $0x0  }
0x16: {  	s3 =	sld [smem:$0x3FDB];
	s0 =	simm.s32 @p2 $0x1  }
0x17: {  	s4 =	simm.s32 $0x1BF5;
	[smem:$0x3FBA] =	sst s0  }
0x18: {  	s0 =	sld [smem:$0x3F9D];
	_ =	swait.ge [sflag:s4], $0x0  }
0x19: {  	s7 =	sld [smem:$0x3F9E]  }
0x1a: {  	s8 =	sadd.s32 $0xFFFFE003, lr  }
0x1b: {  	s9 =	sadd.s32 $0xFFFFFEF7, lr;
	s5 =	simm.s32 $0xFFFFFFFF;
	p2 =	slt.u32 s8, $0xFFFFF086  }
0x1c: {  	p1 =	slt.u32 s9, $0xF7A;
	s5 =	simm.s32 @!p2 $0x0  }
0x1d: {  	s5 =	simm.s32 @p1 $0x1;
	p0 =	seq.s32 s7, s2  }
0x1e: {  	s7 =	smul.u32 @!p0 $0xF7A, s2;
	p2 =	seq.s32 @!p0 s5, $0x0  }
0x1f: {  	s9 =	smul.u32 $0xF7A, s1;
	s8 =	simm.s32 @!p0 $0x1BF5;
	p2 =	por !p2, p0  }
0x20: {  	[sflag:s8] =	ssyncset.s32 @!p0 $0xFFFFF086;
	s6 =	sadd.s32 @!p0 s3, s7;
	s7 =	simm.s32 @!p0 $0x108  }
0x21: {  	s3 =	sadd.s32 s3, s9;
	s6 =	sadd.s32 @!p0 $0x88, s6;
	s7 =	simm.s32 @p2 $0x1082  }
0x22: {  	[simem:s7], [sflag:s8] =	dma.local @!p0 [hbm:s6], $0xF7A  }
0x23: {  	s9 =	sor.u32 $0xD0000000, s2;
	s6 =	simm.s32 $0x108;
	_ =	swait.ge @!p0 [sflag:s8], $0x0  }
0x24: {  	s3 =	sadd.s32 $0x88, s3;
	s6 =	simm.s32 @!p1 $0x1082;
	[sflag:s4] =	ssyncset.s32 $0xFFFFF086  }
0x25: {  	[simem:s6], [sflag:s4] =	dma.local [hbm:s3], $0xF7A  }
0x26: {  	[smem:$0x3F9E] =	sst s1;
	(tag) =	ssettag s2;
	_ =	strace s9  }
0x27: {  	s1 =	sld [smem:$0x3FAE]  }
0x28: {  	s2 =	sld [smem:$0x3FAF]  }
0x29: {  	s4 =	sld [smem:$0x3FB1]  }
0x2a: {  	p0 =	seq.s32 s5, $0x0;
	s5 =	sld [smem:$0x3FB2]  }
0x2b: {  	s6 =	sld [smem:$0x3FB3]  }
0x2c: {  	s7 =	sld [smem:$0x3FB4]  }
0x2d: {  	s3 =	simm.s32 $0x108;
	s8 =	sld [smem:$0x3FB5]  }
0x2e: {  	s3 =	simm.s32 @!p0 $0x1082;
	s9 =	sld [smem:$0x3FB6]  }
0x2f: {  	lr =	sadd.s32 s0, s3;
	s0 =	sld [smem:$0x3FAD]  }
0x30: {  	s3 =	sld [smem:$0x3FB0]  }
0x31: {  	[smem:$0x3FB9] =	sst s10  }
0x32: {  	s10 =	sld [smem:$0x3FB7];
	_ =	sdelay $0x3  }
0x33: {  	p0 =	seq.s32 s10, $0x1;
	s10 =	sld [smem:$0x3FB9];
	_ =	sdelay $0x3  }
0x34: {  	[smem:$0x3FB9] =	sst s10  }
0x35: {  	s10 =	sld [smem:$0x3FB8];
	_ =	sdelay $0x3  }
0x36: {  	p1 =	seq.s32 s10, $0x1;
	s10 =	sld [smem:$0x3FB9];
	_ =	sdelay $0x3  }
0x37: {  	[smem:$0x3FB9] =	sst s10  }
0x38: {  	s10 =	sld [smem:$0x3FBA]  }
0x39: {  	_ = 	snop;
	(pc) =	sbr.ind lr, $3  }
0x3a: {  	_ = 	snop  }
0x3b: {  	_ = 	snop  }
0x3c: {  	p2 =	seq.s32 s10, $0x1;
	s10 =	sld [smem:$0x3FB9]  }
0x3d: {  	_ =	shalt  }
0x3e: {  	_ =	shalt  }
0x3f: {  	_ =	shalt  }
0x40: {  	_ =	shalt  }
0x41: {  	_ =	shalt  }
0x42: {  	_ =	shalt  }
0x43: {  	_ =	shalt  }
0x44: {  	_ =	shalt  }
0x45: {  	_ =	shalt  }
0x46: {  	_ =	shalt  }
0x47: {  	_ =	shalt  }
0x48: {  	_ =	shalt  }
0x49: {  	_ =	shalt  }
0x4a: {  	_ =	shalt  }
0x4b: {  	_ =	shalt  }
0x4c: {  	_ =	shalt  }
0x4d: {  	_ =	shalt  }
0x4e: {  	_ =	shalt  }
0x4f: {  	_ =	shalt  }
0x50: {  	_ =	shalt  }
0x51: {  	_ =	shalt  }
0x52: {  	_ =	shalt  }
0x53: {  	_ =	shalt  }
0x54: {  	_ =	shalt  }
0x55: {  	_ =	shalt  }
0x56: {  	_ =	shalt  }
0x57: {  	_ =	shalt  }
0x58: {  	_ =	shalt  }
0x59: {  	_ =	shalt  }
0x5a: {  	_ =	shalt  }
0x5b: {  	_ =	shalt  }
0x5c: {  	_ =	shalt  }
0x5d: {  	_ =	shalt  }
0x5e: {  	_ =	shalt  }
0x5f: {  	_ =	shalt  }
0x60: {  	_ =	shalt  }
0x61: {  	_ =	shalt  }
0x62: {  	_ =	shalt  }
0x63: {  	_ =	shalt  }
0x64: {  	_ =	shalt  }
0x65: {  	_ =	shalt  }
0x66: {  	_ =	shalt  }
0x67: {  	_ =	shalt  }
0x68: {  	_ =	shalt  }
0x69: {  	_ =	shalt  }
0x6a: {  	_ =	shalt  }
0x6b: {  	_ =	shalt  }
0x6c: {  	_ =	shalt  }
0x6d: {  	_ =	shalt  }
0x6e: {  	_ =	shalt  }
0x6f: {  	_ =	shalt  }
0x70: {  	_ =	shalt  }
0x71: {  	_ =	shalt  }
0x72: {  	_ =	shalt  }
0x73: {  	_ =	shalt  }
0x74: {  	_ =	shalt  }
0x75: {  	_ =	shalt  }
0x76: {  	_ =	shalt  }
0x77: {  	_ =	shalt  }
0x78: {  	_ =	shalt  }
0x79: {  	_ =	shalt  }
0x7a: {  	_ =	shalt  }
0x7b: {  	_ =	shalt  }
0x7c: {  	_ =	shalt  }
0x7d: {  	_ =	shalt  }
0x7e: {  	_ =	shalt  }
0x7f: {  	_ =	shalt  }
0x80: {  	_ =	shalt  }
0x81: {  	_ =	shalt  }
0x82: {  	_ =	shalt  }
0x83: {  	_ =	shalt  }
0x84: {  	_ =	shalt  }
0x85: {  	_ =	shalt  }
0x86: {  	_ =	shalt  }
0x87: {  	_ =	shalt  }
.Lfunc_end0:
.L_simem_size_0:
called_computation_lowered:
.L_overlay_start_0:
0x88: {  	s2 =	sld [smem:$0x3FD9]  }
0x89: {  	s3 =	sld [smem:$0x3FFE];
	_ =	sdelay $0x1  }
0x8a: {  	s1 =	srdreg.scid  }
0x8b: {  	s0 =	sand.u32 $0x1, s1  }
0x8c: {  	s17 =	sshll.u32 s0, $0xA;
	s2 =	sadd.s32 s3, s2  }
0x8d: {  	s2 =	sadd.s32 s2, s17  }
0x8e: {  	[smem:$0x3FC5] =	sst s2  }
0x8f: {  	_ = 	snop  }
0x90: {  	s2 =	sld [smem:$0x3FC9]  }
0x91: {  	s18 =	sld [smem:$0x3FD0];
	(tm) =	ssettm $0x1  }
0x92: {  	s4 =	sld [smem:$0x3FFB];
	_ =	sdelay $0x3  }
0x93: {  	_ =	strace s4  }
0x94: {  	s4 =	sld [smem:$0x3FFC];
	_ =	sdelay $0x3  }
0x95: {  	_ =	strace s4  }
0x96: {  	s4 =	sld [smem:$0x3FFD];
	_ =	sdelay $0x3  }
0x97: {  	_ =	strace s4  }
0x98: {  	_ =	strace $0x8FFFFFFF  }
0x99: {  	s19 =	sld [smem:$0x3FDB];
	_ =	sdelay $0x1  }
0x9a: {  	s5 =	simm.s32 $_scs_section_size  }
0x9b: {  	s6 =	simm.s32 $_size__tile_overlayer_lowered;
	s7 =	simm.s32 $_tile_overlayer_lowered  }
0x9c: {  	s22 =	simm.s32 $0x1BFF;
	s21 =	sshll.u32 s7, $0x1;
	s4 =	sadd.s32 s5, s19  }
0x9d: {  	s8 =	simm.s32 $0x0;
	s20 =	sshll.u32 s6, $0x1;
	s6 =	sadd.s32 s21, s4  }
0x9e: {  	[timem:s8], [sflag:s22] =	dma.local [hbm:s6], s20  }
0x9f: {  	_ =	swait.ge [sflag:s22], s20  }
0xa0: {  	s5 =	ssub.s32 $0x0, s20;
	[sflag:s22] =	ssyncset.done $0x0  }
0xa1: {  	[sflag:s22] =	ssyncadd.s32 s5;
	_ =	sdelay $0x1  }
0xa2: {  	s23 =	simm.s32 $0x1B8B  }
0xa3: {  	_ =	swait.ge [sflag:s23], $0x1  }
0xa4: {  	[sflag:s23] =	ssyncset.done $0x0  }
0xa5: {  	s25 =	simm.s32 $0x1B8E;
	s24 =	sld [smem:$0x3FFE];
	[sflag:s23] =	ssyncadd.s32 $0xFFFFFFFF  }
0xa6: {  	s26 =	simm.s32 $execute0_lowered;
	[smem:$0x3FD2] =	sst s25  }
0xa7: {  	s6 =	sshll.u32 s26, $0x1;
	_ =	strace $0x80000046;
	[dreg:$0x1] =	wrdreg $0xFFFFFFFF  }
0xa8: {  	s28 =	simm.s32 $_size_execute0_lowered;
	s4 =	sadd.s32 s4, s6;
	[dreg:$0x0] =	wrdreg $0x0  }
0xa9: {  	s6 =	sshll.u32 s28, $0x1;
	[dreg:$0x2] =	wrdreg s4  }
0xaa: {  	[dreg:$0x3] =	wrdreg s6  }
0xab: {  	[dreg:$0x4] =	wrdreg $0xC0  }
0xac: {  	_ =	task [dreg:s8], $0x5FFFF  }
0xad: {  	[dreg:$0x1] =	wrdreg $0xFFFFFFFF  }
0xae: {  	[dreg:$0x0] =	wrdreg $0x60  }
0xaf: {  	[dreg:$0x2] =	wrdreg s2  }
0xb0: {  	[dreg:$0x3] =	wrdreg s24  }
0xb1: {  	[dreg:$0x4] =	wrdreg s18  }
0xb2: {  	[dreg:$0x5] =	wrdreg $0x9  }
0xb3: {  	_ =	task.clear_ibuf [dreg:s8], $0x6FFFF;
	_ =	strace $0x90000046  }
0xb4: {  	s29 =	simm.s32 $0x9;
	_ =	strace $0x80000048  }
0xb5: {  	_ =	swait.ge [sflag:s29], $0x1  }
0xb6: {  	[sflag:s29] =	ssyncadd.s32 $0xFFFFFFFF  }
0xb7: {  	_ =	strace $0x90000048  }
0xb8: {  	_ =	sfence  }
0xb9: {  	s30 =	sld [smem:$0x0];
	_ =	sdelay $0x2  }
0xba: {  	s31 =	sshll.u32 s1, $0xD;
	s1 =	sshrl.u32 s1, $0x2  }
0xbb: {  	s3 =	sand.u32 $0x4000, s31;
	s1 =	sadd.s32 s1, s30  }
0xbc: {  	s0 =	sor.u32 s3, s0;
	s1 =	sshll.u32 s1, $0x11  }
0xbd: {  	s0 =	sor.u32 s1, s0  }
0xbe: {  	s0 =	sadd.s32 $0x8F2B, s0  }
0xbf: {  	[sflag:s0] =	ssyncadd.remote.s32 $0x1  }
0xc0: {  	_ =	sfence.sel $0xFFFF  }
0xc1: {  	[dreg:$0x0] =	wrdreg $0xFFFFFFFF;
	(pc) =	sbr.abs _section_cstart, $3  }
0xc2: {  	[dreg:$0x1] =	wrdreg $0xFFFFFFFF  }
0xc3: {  	_ =	task.clear_ibuf [dreg:s8], $0x2FFFF;
	_ =	strace $0x9FFFFFFF  }
0xc4: {  	(tm) =	ssettm $0x7FFFFFFF  }
0xc5: {  	_ =	shalt  }
tec
execute0_lowered:
.L_overlay_start_1:
0x0: {  	(tag) =	ssettag $0x1  }
0x1: {  	s2 =	srdreg.scid;
	s0 =	stileid.u32  }
0x2: {  	s1 =	rddreg [dreg:$0x0];
	s16 =	sand.u32 $0x1, s2;
	s25 =	sshll.u32 s0, $0x1  }
0x3: {  	s13 =	rddreg [dreg:$0x1];
	s14 =	sor.u32 s16, s25  }
0x4: {  	s17 =	rddreg [dreg:$0x2];
	s3 =	simm.s32 $0x0;
	s6 =	smul.u32 $0x14, s14  }
0x5: {  	s4 =	simm.s32 $0x2;
	[smem:$0x7FF] =	sst s3;
	s15 =	sadd.s32 $0xE200, s13  }
0x6: {  	s2 =	rddreg [dreg:$0x3];
	_ =	strace $0x80000047;
	s5 =	sadd.s32 s15, s6  }
0x7: {  	[tilespmem:s3], [sflag:$0x2] =	stream.linear.gather [hbm4b:s5+s3], $0x50, $0x38;
	[tilespmem:$0x5100] =	vst v63  }
0x8: {  	_ =	swait.ge [sflag:s4], $0x50  }
0x9: {  	s18 =	sadd.s32 $0x4400, s13;
	[sflag:s4] =	ssyncset.done $0x0  }
0xa: {  	s7 =	simm.s32 $0x80;
	s6 =	sadd.s32 s18, s6;
	[sflag:s4] =	ssyncadd.s32 $0xFFFFFFB0  }
0xb: {  	[tilespmem:s7], [sflag:$0x2] =	stream.linear.gather [hbm4b:s6+s3], $0x50, $0x38;
	[tilespmem:$0x5100] =	vst v63  }
0xc: {  	_ =	swait.ge [sflag:s4], $0x50  }
0xd: {  	s8 =	simm.s32 $0x50;
	[sflag:s4] =	ssyncset.done $0x0  }
0xe: {  	s9 =	simm.s32 $0x100;
	s10 =	simm.s32 $0x1;
	[sflag:s4] =	ssyncadd.s32 $0xFFFFFFB0  }
0xf: {  	[tilespmem:s9], [sflag:$0x1] =	stream.indirect.gather [hbm4b:s1+s8], $0x80, s3, s8, $0xb8;
	[tilespmem:$0x5100] =	vst v63  }
0x10: {  	_ =	swait.ge [sflag:s10], $0x2800  }
0x11: {  	[sflag:s10] =	ssyncset.done $0x0  }
0x12: {  	s11 =	simm.s32 $0x2900;
	[sflag:s10] =	ssyncadd.s32 $0xFFFFD800  }
0x13: {  	[tilespmem:s11], [sflag:$0x1] =	stream.indirect.gather [hbm4b:s1+s8], $0x80, s7, s8, $0xb8;
	[tilespmem:$0x5100] =	vst v63  }
0x14: {  	s19 =	smul.u32 $0xA00, s14;
	_ =	swait.ge [sflag:s10], $0x2800  }
0x15: {  	[sflag:s10] =	ssyncset.done $0x0  }
0x16: {  	s12 =	sadd.s32 s17, s19;
	[sflag:s10] =	ssyncadd.s32 $0xFFFFD800  }
0x17: {  	[hbm4b:s12+s3] =	stream.linear.scatter [tilespmem:s9], [sflag:$0x2], $0x2800, $0x38;
	[tilespmem:$0x5100] =	vst v63  }
0x18: {  	_ =	swait.ge [sflag:s4], $0x2800  }
0x19: {  	s20 =	sadd.s32 $0x18000, s13;
	[sflag:s4] =	ssyncset.done $0x0  }
0x1a: {  	s14 =	smul.u32 $0xA0, s14;
	s13 =	sadd.s32 s20, s19;
	[sflag:s4] =	ssyncadd.s32 $0xFFFFD800  }
0x1b: {  	[hbm4b:s13+s3] =	stream.linear.scatter [tilespmem:s11], [sflag:$0x2], $0x2800, $0x38;
	[tilespmem:$0x5100] =	vst v63  }
0x1c: {  	s26 =	sadd.s32 $0x50, s14;
	_ =	swait.ge [sflag:s4], $0x2800  }
0x1d: {  	s21 =	sshrl.u32 s26, $0x3;
	[sflag:s4] =	ssyncset.done $0x0  }
0x1e: {  	s14 =	sadd.s32 s15, s21;
	[sflag:s4] =	ssyncadd.s32 $0xFFFFD800  }
0x1f: {  	[tilespmem:s3], [sflag:$0x2] =	stream.linear.gather [hbm4b:s14+s3], $0x50, $0x38;
	[tilespmem:$0x5100] =	vst v63  }
0x20: {  	_ =	swait.ge [sflag:s4], $0x50  }
0x21: {  	[sflag:s4] =	ssyncset.done $0x0  }
0x22: {  	s15 =	sadd.s32 s18, s21;
	[sflag:s4] =	ssyncadd.s32 $0xFFFFFFB0  }
0x23: {  	[tilespmem:s7], [sflag:$0x2] =	stream.linear.gather [hbm4b:s15+s3], $0x50, $0x38;
	[tilespmem:$0x5100] =	vst v63  }
0x24: {  	_ =	swait.ge [sflag:s4], $0x50  }
0x25: {  	[sflag:s4] =	ssyncset.done $0x0  }
0x26: {  	[sflag:s4] =	ssyncadd.s32 $0xFFFFFFB0  }
0x27: {  	[tilespmem:s9], [sflag:$0x1] =	stream.indirect.gather [hbm4b:s1+s8], $0x80, s3, s8, $0xb8;
	[tilespmem:$0x5100] =	vst v63  }
0x28: {  	_ =	swait.ge [sflag:s10], $0x2800  }
0x29: {  	[sflag:s10] =	ssyncset.done $0x0  }
0x2a: {  	s29 =	ssub.s32 $0x2, s16;
	[sflag:s10] =	ssyncadd.s32 $0xFFFFD800  }
0x2b: {  	[tilespmem:s11], [sflag:$0x1] =	stream.indirect.gather [hbm4b:s1+s8], $0x80, s7, s8, $0xb8;
	[tilespmem:$0x5100] =	vst v63  }
0x2c: {  	s30 =	sshrl.u32 s29, $0x1;
	_ =	swait.ge [sflag:s10], $0x2800  }
0x2d: {  	s19 =	ssub.s32 s29, s30;
	s28 =	sshll.u32 s26, $0x4;
	[sflag:s10] =	ssyncset.done $0x0  }
0x2e: {  	s31 =	smax.u32 s19, $0x1;
	s16 =	sadd.s32 s17, s28;
	[sflag:s10] =	ssyncadd.s32 $0xFFFFD800  }
0x2f: {  	[hbm4b:s16+s3] =	stream.linear.scatter [tilespmem:s9], [sflag:$0x2], $0x2800, $0x38;
	[tilespmem:$0x5100] =	vst v63  }
0x30: {  	p0 =	sne.s32 s31, $0x1;
	_ =	swait.ge [sflag:s4], $0x2800  }
.Ltmp0:
0x31: {  	[sflag:s4] =	ssyncset.done $0x0;
	(pc) =	sbr.rel @!p0 .LBB2_2-.Ltmp0, $4  }
0x32: {  	s17 =	sadd.s32 s20, s28;
	[sflag:s4] =	ssyncadd.s32 $0xFFFFD800  }
0x33: {  	[hbm4b:s17+s3] =	stream.linear.scatter [tilespmem:s11], [sflag:$0x2], $0x2800, $0x38;
	[tilespmem:$0x5100] =	vst v63  }
0x34: {  	_ =	swait.ge [sflag:s4], $0x2800  }
0x35: {  	s18 =	sadd.s32 $0xFFFFFFFF, s31;
	[sflag:s4] =	ssyncset.done $0x0  }
.LBB2_1:
0x36: {  	p0 =	sne.s32 s18, $0x1;
	s18 =	sadd.s32 $0xFFFFFFFF, s18;
	[sflag:s4] =	ssyncadd.s32 $0xFFFFD800  }
0x37: {  	[tilespmem:s3], [sflag:$0x2] =	stream.linear.gather [hbm4b:s5+s3], $0x50, $0x38;
	[tilespmem:$0x5100] =	vst v63  }
0x38: {  	_ =	swait.ge [sflag:s4], $0x50  }
0x39: {  	[sflag:s4] =	ssyncset.done $0x0  }
0x3a: {  	[sflag:s4] =	ssyncadd.s32 $0xFFFFFFB0  }
0x3b: {  	[tilespmem:s7], [sflag:$0x2] =	stream.linear.gather [hbm4b:s6+s3], $0x50, $0x38;
	[tilespmem:$0x5100] =	vst v63  }
0x3c: {  	_ =	swait.ge [sflag:s4], $0x50  }
0x3d: {  	[sflag:s4] =	ssyncset.done $0x0  }
0x3e: {  	[sflag:s4] =	ssyncadd.s32 $0xFFFFFFB0  }
0x3f: {  	[tilespmem:s9], [sflag:$0x1] =	stream.indirect.gather [hbm4b:s1+s8], $0x80, s3, s8, $0xb8;
	[tilespmem:$0x5100] =	vst v63  }
0x40: {  	_ =	swait.ge [sflag:s10], $0x2800  }
0x41: {  	[sflag:s10] =	ssyncset.done $0x0  }
0x42: {  	[sflag:s10] =	ssyncadd.s32 $0xFFFFD800  }
0x43: {  	[tilespmem:s11], [sflag:$0x1] =	stream.indirect.gather [hbm4b:s1+s8], $0x80, s7, s8, $0xb8;
	[tilespmem:$0x5100] =	vst v63  }
0x44: {  	_ =	swait.ge [sflag:s10], $0x2800  }
0x45: {  	[sflag:s10] =	ssyncset.done $0x0  }
0x46: {  	[sflag:s10] =	ssyncadd.s32 $0xFFFFD800  }
0x47: {  	[hbm4b:s12+s3] =	stream.linear.scatter [tilespmem:s9], [sflag:$0x2], $0x2800, $0x38;
	[tilespmem:$0x5100] =	vst v63  }
0x48: {  	_ =	swait.ge [sflag:s4], $0x2800  }
0x49: {  	[sflag:s4] =	ssyncset.done $0x0  }
0x4a: {  	[sflag:s4] =	ssyncadd.s32 $0xFFFFD800  }
0x4b: {  	[hbm4b:s13+s3] =	stream.linear.scatter [tilespmem:s11], [sflag:$0x2], $0x2800, $0x38;
	[tilespmem:$0x5100] =	vst v63  }
0x4c: {  	_ =	swait.ge [sflag:s4], $0x2800  }
0x4d: {  	[sflag:s4] =	ssyncset.done $0x0  }
0x4e: {  	[sflag:s4] =	ssyncadd.s32 $0xFFFFD800  }
0x4f: {  	[tilespmem:s3], [sflag:$0x2] =	stream.linear.gather [hbm4b:s14+s3], $0x50, $0x38;
	[tilespmem:$0x5100] =	vst v63  }
0x50: {  	_ =	swait.ge [sflag:s4], $0x50  }
0x51: {  	[sflag:s4] =	ssyncset.done $0x0  }
0x52: {  	[sflag:s4] =	ssyncadd.s32 $0xFFFFFFB0  }
0x53: {  	[tilespmem:s7], [sflag:$0x2] =	stream.linear.gather [hbm4b:s15+s3], $0x50, $0x38;
	[tilespmem:$0x5100] =	vst v63  }
0x54: {  	_ =	swait.ge [sflag:s4], $0x50  }
0x55: {  	[sflag:s4] =	ssyncset.done $0x0  }
0x56: {  	[sflag:s4] =	ssyncadd.s32 $0xFFFFFFB0  }
0x57: {  	[tilespmem:s9], [sflag:$0x1] =	stream.indirect.gather [hbm4b:s1+s8], $0x80, s3, s8, $0xb8;
	[tilespmem:$0x5100] =	vst v63  }
0x58: {  	_ =	swait.ge [sflag:s10], $0x2800  }
0x59: {  	[sflag:s10] =	ssyncset.done $0x0  }
0x5a: {  	[sflag:s10] =	ssyncadd.s32 $0xFFFFD800  }
0x5b: {  	[tilespmem:s11], [sflag:$0x1] =	stream.indirect.gather [hbm4b:s1+s8], $0x80, s7, s8, $0xb8;
	[tilespmem:$0x5100] =	vst v63  }
0x5c: {  	_ =	swait.ge [sflag:s10], $0x2800  }
0x5d: {  	[sflag:s10] =	ssyncset.done $0x0  }
0x5e: {  	[sflag:s10] =	ssyncadd.s32 $0xFFFFD800  }
0x5f: {  	[hbm4b:s16+s3] =	stream.linear.scatter [tilespmem:s9], [sflag:$0x2], $0x2800, $0x38;
	[tilespmem:$0x5100] =	vst v63  }
0x60: {  	_ =	swait.ge [sflag:s4], $0x2800  }
.Ltmp1:
0x61: {  	[sflag:s4] =	ssyncset.done $0x0;
	(pc) =	sbr.rel @p0 .LBB2_1-.Ltmp1, $4  }
0x62: {  	[sflag:s4] =	ssyncadd.s32 $0xFFFFD800  }
0x63: {  	[hbm4b:s17+s3] =	stream.linear.scatter [tilespmem:s11], [sflag:$0x2], $0x2800, $0x38;
	[tilespmem:$0x5100] =	vst v63  }
0x64: {  	_ =	swait.ge [sflag:s4], $0x2800  }
0x65: {  	[sflag:s4] =	ssyncset.done $0x0  }
.LBB2_2:
0x66: {  	[sflag:s4] =	ssyncadd.s32 $0xFFFFD800  }
0x67: {  	_ =	sfence.sel $0x180000  }
0x68: {  	[bflag:$0x0] =	sbarrier.arrive $0xFFFF  }
0x69: {  	p0 =	sne.s32 s0, $0x0;
	_ =	strace $0x90000047  }
0x6a: {  	s0 =	sadd.s32 @!p0 $0x100000, s2;
	[bflag:$0x2] =	sbarrier.arrive $0xFFFF  }
0x6b: {  	[sflag:s0] =	ssyncadd.tile.s32 @!p0 $0x1;
	_ =	shalt  }
.Lfunc_end2:
_tile_overlayer_lowered:
.L_overlay_start_2:
0x6c: {  	(tag) =	ssettag $0x2  }
0x6d: {  	s0 =	rddreg [dreg:$0x0];
	s2 =	stileid.u32  }
0x6e: {  	s1 =	rddreg [dreg:$0x1];
	p0 =	sne.s32 s2, $0x0  }
0x6f: {  	s3 =	rddreg [dreg:$0x2];
	[bflag:$0x3] =	sbarrier.arrive $0xFFFF;
	s2 =	simm.s32 @!p0 $0x1C02  }
0x70: {  	[timem:s3], [sflag:s2] =	dma.local @!p0 [hbm:s0], s1  }
0x71: {  	s0 =	simm.s32 @!p0 $0x2  }
0x72: {  	_ =	swait.ge @!p0 [sflag:s0], s1  }
0x73: {  	s1 =	ssub.s32 @!p0 $0x0, s1;
	[sflag:s0] =	ssyncset.done @!p0 $0x0  }
0x74: {  	[sflag:s0] =	ssyncadd.s32 @!p0 s1  }
0x75: {  	[bflag:$0x3] =	sbarrier.arrive $0xFFFF  }
0x76: {  	_ =	shalt  }

// kernel: sc_gather_s1.3.cloned.1.call-start
scs
__scs_entry_jumppad:
0x0: {  	(pc) =	sbr.rel $0x88, $3  }
0x1: {  	(tag) =	ssettag $0x0;
	lr =	simm.s32 $0x1  }
0x2: {  	[smem:$0x3F9E] =	sst lr;
	_ =	strace $0xD0000000  }
0x3: {  	_ = 	snop  }
0x4: {  	_ = 	snop  }
0x5: {  	_ = 	snop  }
0x6: {  	_ = 	snop  }
0x7: {  	_ = 	snop  }
__scs_overlays_trampoline_lowered:
0x8: {  	[smem:$0x3FAD] =	sst s0  }
0x9: {  	[smem:$0x3FAE] =	sst s1  }
0xa: {  	[smem:$0x3FAF] =	sst s2  }
0xb: {  	[smem:$0x3FB0] =	sst s3  }
0xc: {  	[smem:$0x3FB1] =	sst s4  }
0xd: {  	[smem:$0x3FB2] =	sst s5  }
0xe: {  	[smem:$0x3FB3] =	sst s6  }
0xf: {  	[smem:$0x3FB4] =	sst s7  }
0x10: {  	[smem:$0x3FB5] =	sst s8  }
0x11: {  	[smem:$0x3FB6] =	sst s9;
	s0 =	simm.s32 @!p0 $0x0  }
0x12: {  	s1 =	sld [smem:$0x3F9C];
	s0 =	simm.s32 @p0 $0x1  }
0x13: {  	[smem:$0x3FB7] =	sst s0;
	s0 =	simm.s32 @!p1 $0x0  }
0x14: {  	s2 =	sld [smem:$0x3F9B];
	s0 =	simm.s32 @p1 $0x1  }
0x15: {  	[smem:$0x3FB8] =	sst s0;
	s0 =	simm.s32 @!p2 $0x0  }
0x16: {  	s3 =	sld [smem:$0x3FDB];
	s0 =	simm.s32 @p2 $0x1  }
0x17: {  	s4 =	simm.s32 $0x1BF5;
	[smem:$0x3FBA] =	sst s0  }
0x18: {  	s0 =	sld [smem:$0x3F9D];
	_ =	swait.ge [sflag:s4], $0x0  }
0x19: {  	s7 =	sld [smem:$0x3F9E]  }
0x1a: {  	s8 =	sadd.s32 $0xFFFFE003, lr  }
0x1b: {  	s9 =	sadd.s32 $0xFFFFFEF7, lr;
	s5 =	simm.s32 $0xFFFFFFFF;
	p2 =	slt.u32 s8, $0xFFFFF086  }
0x1c: {  	p1 =	slt.u32 s9, $0xF7A;
	s5 =	simm.s32 @!p2 $0x0  }
0x1d: {  	s5 =	simm.s32 @p1 $0x1;
	p0 =	seq.s32 s7, s2  }
0x1e: {  	s7 =	smul.u32 @!p0 $0xF7A, s2;
	p2 =	seq.s32 @!p0 s5, $0x0  }
0x1f: {  	s9 =	smul.u32 $0xF7A, s1;
	s8 =	simm.s32 @!p0 $0x1BF5;
	p2 =	por !p2, p0  }
0x20: {  	[sflag:s8] =	ssyncset.s32 @!p0 $0xFFFFF086;
	s6 =	sadd.s32 @!p0 s3, s7;
	s7 =	simm.s32 @!p0 $0x108  }
0x21: {  	s3 =	sadd.s32 s3, s9;
	s6 =	sadd.s32 @!p0 $0x88, s6;
	s7 =	simm.s32 @p2 $0x1082  }
0x22: {  	[simem:s7], [sflag:s8] =	dma.local @!p0 [hbm:s6], $0xF7A  }
0x23: {  	s9 =	sor.u32 $0xD0000000, s2;
	s6 =	simm.s32 $0x108;
	_ =	swait.ge @!p0 [sflag:s8], $0x0  }
0x24: {  	s3 =	sadd.s32 $0x88, s3;
	s6 =	simm.s32 @!p1 $0x1082;
	[sflag:s4] =	ssyncset.s32 $0xFFFFF086  }
0x25: {  	[simem:s6], [sflag:s4] =	dma.local [hbm:s3], $0xF7A  }
0x26: {  	[smem:$0x3F9E] =	sst s1;
	(tag) =	ssettag s2;
	_ =	strace s9  }
0x27: {  	s1 =	sld [smem:$0x3FAE]  }
0x28: {  	s2 =	sld [smem:$0x3FAF]  }
0x29: {  	s4 =	sld [smem:$0x3FB1]  }
0x2a: {  	p0 =	seq.s32 s5, $0x0;
	s5 =	sld [smem:$0x3FB2]  }
0x2b: {  	s6 =	sld [smem:$0x3FB3]  }
0x2c: {  	s7 =	sld [smem:$0x3FB4]  }
0x2d: {  	s3 =	simm.s32 $0x108;
	s8 =	sld [smem:$0x3FB5]  }
0x2e: {  	s3 =	simm.s32 @!p0 $0x1082;
	s9 =	sld [smem:$0x3FB6]  }
0x2f: {  	lr =	sadd.s32 s0, s3;
	s0 =	sld [smem:$0x3FAD]  }
0x30: {  	s3 =	sld [smem:$0x3FB0]  }
0x31: {  	[smem:$0x3FB9] =	sst s10  }
0x32: {  	s10 =	sld [smem:$0x3FB7];
	_ =	sdelay $0x3  }
0x33: {  	p0 =	seq.s32 s10, $0x1;
	s10 =	sld [smem:$0x3FB9];
	_ =	sdelay $0x3  }
0x34: {  	[smem:$0x3FB9] =	sst s10  }
0x35: {  	s10 =	sld [smem:$0x3FB8];
	_ =	sdelay $0x3  }
0x36: {  	p1 =	seq.s32 s10, $0x1;
	s10 =	sld [smem:$0x3FB9];
	_ =	sdelay $0x3  }
0x37: {  	[smem:$0x3FB9] =	sst s10  }
0x38: {  	s10 =	sld [smem:$0x3FBA]  }
0x39: {  	_ = 	snop;
	(pc) =	sbr.ind lr, $3  }
0x3a: {  	_ = 	snop  }
0x3b: {  	_ = 	snop  }
0x3c: {  	p2 =	seq.s32 s10, $0x1;
	s10 =	sld [smem:$0x3FB9]  }
0x3d: {  	_ =	shalt  }
0x3e: {  	_ =	shalt  }
0x3f: {  	_ =	shalt  }
0x40: {  	_ =	shalt  }
0x41: {  	_ =	shalt  }
0x42: {  	_ =	shalt  }
0x43: {  	_ =	shalt  }
0x44: {  	_ =	shalt  }
0x45: {  	_ =	shalt  }
0x46: {  	_ =	shalt  }
0x47: {  	_ =	shalt  }
0x48: {  	_ =	shalt  }
0x49: {  	_ =	shalt  }
0x4a: {  	_ =	shalt  }
0x4b: {  	_ =	shalt  }
0x4c: {  	_ =	shalt  }
0x4d: {  	_ =	shalt  }
0x4e: {  	_ =	shalt  }
0x4f: {  	_ =	shalt  }
0x50: {  	_ =	shalt  }
0x51: {  	_ =	shalt  }
0x52: {  	_ =	shalt  }
0x53: {  	_ =	shalt  }
0x54: {  	_ =	shalt  }
0x55: {  	_ =	shalt  }
0x56: {  	_ =	shalt  }
0x57: {  	_ =	shalt  }
0x58: {  	_ =	shalt  }
0x59: {  	_ =	shalt  }
0x5a: {  	_ =	shalt  }
0x5b: {  	_ =	shalt  }
0x5c: {  	_ =	shalt  }
0x5d: {  	_ =	shalt  }
0x5e: {  	_ =	shalt  }
0x5f: {  	_ =	shalt  }
0x60: {  	_ =	shalt  }
0x61: {  	_ =	shalt  }
0x62: {  	_ =	shalt  }
0x63: {  	_ =	shalt  }
0x64: {  	_ =	shalt  }
0x65: {  	_ =	shalt  }
0x66: {  	_ =	shalt  }
0x67: {  	_ =	shalt  }
0x68: {  	_ =	shalt  }
0x69: {  	_ =	shalt  }
0x6a: {  	_ =	shalt  }
0x6b: {  	_ =	shalt  }
0x6c: {  	_ =	shalt  }
0x6d: {  	_ =	shalt  }
0x6e: {  	_ =	shalt  }
0x6f: {  	_ =	shalt  }
0x70: {  	_ =	shalt  }
0x71: {  	_ =	shalt  }
0x72: {  	_ =	shalt  }
0x73: {  	_ =	shalt  }
0x74: {  	_ =	shalt  }
0x75: {  	_ =	shalt  }
0x76: {  	_ =	shalt  }
0x77: {  	_ =	shalt  }
0x78: {  	_ =	shalt  }
0x79: {  	_ =	shalt  }
0x7a: {  	_ =	shalt  }
0x7b: {  	_ =	shalt  }
0x7c: {  	_ =	shalt  }
0x7d: {  	_ =	shalt  }
0x7e: {  	_ =	shalt  }
0x7f: {  	_ =	shalt  }
0x80: {  	_ =	shalt  }
0x81: {  	_ =	shalt  }
0x82: {  	_ =	shalt  }
0x83: {  	_ =	shalt  }
0x84: {  	_ =	shalt  }
0x85: {  	_ =	shalt  }
0x86: {  	_ =	shalt  }
0x87: {  	_ =	shalt  }
.Lfunc_end0:
.L_simem_size_0:
called_computation.1_lowered:
.L_overlay_start_0:
0x88: {  	s2 =	sld [smem:$0x3FD9]  }
0x89: {  	s3 =	sld [smem:$0x3FFE];
	_ =	sdelay $0x1  }
0x8a: {  	s1 =	srdreg.scid  }
0x8b: {  	s0 =	sand.u32 $0x1, s1  }
0x8c: {  	s17 =	sshll.u32 s0, $0xA;
	s2 =	sadd.s32 s3, s2  }
0x8d: {  	s2 =	sadd.s32 s2, s17  }
0x8e: {  	[smem:$0x3FC5] =	sst s2  }
0x8f: {  	_ = 	snop  }
0x90: {  	s18 =	sld [smem:$0x3FC9];
	(tm) =	ssettm $0x1  }
0x91: {  	s19 =	sld [smem:$0x3FFB];
	_ =	sdelay $0x3  }
0x92: {  	_ =	strace s19  }
0x93: {  	s2 =	sld [smem:$0x3FFC];
	_ =	sdelay $0x3  }
0x94: {  	_ =	strace s2  }
0x95: {  	s2 =	sld [smem:$0x3FFD];
	_ =	sdelay $0x3  }
0x96: {  	_ =	strace s2  }
0x97: {  	_ =	strace $0x8FFFFFFF  }
0x98: {  	s20 =	sld [smem:$0x3FDB];
	_ =	sdelay $0x1  }
0x99: {  	s4 =	simm.s32 $_scs_section_size  }
0x9a: {  	s5 =	simm.s32 $_size__tile_overlayer_lowered;
	s6 =	simm.s32 $_tile_overlayer_lowered  }
0x9b: {  	s7 =	simm.s32 $0x1BFF;
	s21 =	sshll.u32 s6, $0x1;
	s4 =	sadd.s32 s4, s20  }
0x9c: {  	s22 =	simm.s32 $0x0;
	s5 =	sshll.u32 s5, $0x1;
	s6 =	sadd.s32 s21, s4  }
0x9d: {  	[timem:s22], [sflag:s7] =	dma.local [hbm:s6], s5  }
0x9e: {  	_ =	swait.ge [sflag:s7], s5  }
0x9f: {  	s5 =	ssub.s32 $0x0, s5;
	[sflag:s7] =	ssyncset.done $0x0  }
0xa0: {  	[sflag:s7] =	ssyncadd.s32 s5;
	_ =	sdelay $0x1  }
0xa1: {  	s23 =	simm.s32 $0x1B8B  }
0xa2: {  	_ =	swait.ge [sflag:s23], $0x1  }
0xa3: {  	[sflag:s23] =	ssyncset.done $0x0  }
0xa4: {  	[sflag:s23] =	ssyncadd.s32 $0xFFFFFFFF  }
0xa5: {  	s5 =	sld [smem:$0x0]  }
0xa6: {  	s6 =	sand.u32 $0xFFFFFFFE, s1  }
0xa7: {  	p0 =	sne.s32 s1, s6  }
0xa8: {  	s6 =	sshll.u32 @p0 s6, $0xE  }
0xa9: {  	s6 =	sadd.s32 @p0 $0x11B8D, s6;
	s7 =	sshll.u32 @p0 s5, $0x11  }
0xaa: {  	s6 =	sor.u32 @p0 s7, s6  }
0xab: {  	[sflag:s6] =	ssyncadd.remote.s32 @p0 $0x1;
	_ =	sdelay $0x1  }
0xac: {  	s6 =	simm.s32 @p0 $0x1B8D  }
0xad: {  	_ =	swait.eq @p0 [sflag:s6], $0x1  }
0xae: {  	[sflag:s6] =	ssyncadd.s32 @p0 $0xFFFFFFFF  }
0xaf: {  	s7 =	sshll.u32 @!p0 s1, $0xE  }
0xb0: {  	s7 =	sor.u32 @!p0 $0x4000, s7;
	s6 =	simm.s32 @!p0 $0x1B8D  }
0xb1: {  	s5 =	sshll.u32 @!p0 s5, $0x11;
	s7 =	sadd.s32 @!p0 $0x11B8D, s7;
	_ =	swait.eq @!p0 [sflag:s6], $0x1  }
0xb2: {  	s5 =	sor.u32 @!p0 s5, s7;
	[sflag:s6] =	ssyncadd.s32 @!p0 $0xFFFFFFFF  }
0xb3: {  	s25 =	simm.s32 $0x1B8E;
	s24 =	sld [smem:$0x3FFE];
	[sflag:s5] =	ssyncadd.remote.s32 @!p0 $0x1  }
0xb4: {  	s26 =	simm.s32 $execute0_lowered;
	[smem:$0x3FD2] =	sst s25  }
0xb5: {  	s6 =	sshll.u32 s26, $0x1;
	_ =	strace $0x80000049;
	[dreg:$0x1] =	wrdreg $0xFFFFFFFF  }
0xb6: {  	s28 =	simm.s32 $_size_execute0_lowered;
	s4 =	sadd.s32 s4, s6;
	[dreg:$0x0] =	wrdreg $0x0  }
0xb7: {  	s6 =	sshll.u32 s28, $0x1;
	[dreg:$0x2] =	wrdreg s4  }
0xb8: {  	[dreg:$0x3] =	wrdreg s6  }
0xb9: {  	[dreg:$0x4] =	wrdreg $0xC0  }
0xba: {  	_ =	task [dreg:s22], $0x5FFFF  }
0xbb: {  	[dreg:$0x1] =	wrdreg $0xFFFFFFFF  }
0xbc: {  	[dreg:$0x0] =	wrdreg $0x60  }
0xbd: {  	[dreg:$0x2] =	wrdreg s18  }
0xbe: {  	[dreg:$0x3] =	wrdreg s24  }
0xbf: {  	[dreg:$0x4] =	wrdreg $0xA  }
0xc0: {  	_ =	task.clear_ibuf [dreg:s22], $0x5FFFF;
	_ =	strace $0x90000049  }
0xc1: {  	s29 =	simm.s32 $0xA;
	_ =	strace $0x8000004B  }
0xc2: {  	_ =	swait.ge [sflag:s29], $0x1  }
0xc3: {  	[sflag:s29] =	ssyncadd.s32 $0xFFFFFFFF  }
0xc4: {  	_ =	strace $0x9000004B  }
0xc5: {  	_ =	sfence  }
0xc6: {  	s30 =	sld [smem:$0x0];
	_ =	sdelay $0x2  }
0xc7: {  	s31 =	sshll.u32 s1, $0xD;
	s1 =	sshrl.u32 s1, $0x2  }
0xc8: {  	s4 =	sand.u32 $0x4000, s31;
	s1 =	sadd.s32 s1, s30  }
0xc9: {  	s0 =	sor.u32 s4, s0;
	s1 =	sshll.u32 s1, $0x11  }
0xca: {  	s0 =	sor.u32 s1, s0  }
0xcb: {  	s0 =	sadd.s32 $0x8F2B, s0  }
0xcc: {  	[sflag:s0] =	ssyncadd.remote.s32 $0x1  }
0xcd: {  	_ =	sfence.sel $0xFFFF  }
0xce: {  	[dreg:$0x0] =	wrdreg $0xFFFFFFFF;
	(pc) =	sbr.abs _section_cstart, $3  }
0xcf: {  	[dreg:$0x1] =	wrdreg $0xFFFFFFFF  }
0xd0: {  	_ =	task.clear_ibuf [dreg:s22], $0x2FFFF;
	_ =	strace $0x9FFFFFFF  }
0xd1: {  	(tm) =	ssettm $0x7FFFFFFF  }
tec
execute0_lowered:
.L_overlay_start_1:
0x0: {  	(tag) =	ssettag $0x1  }
0x1: {  	s1 =	rddreg [dreg:$0x0]  }
0x2: {  	s4 =	rddreg [dreg:$0x1];
	s14 =	stileid.u32  }
0x3: {  	s3 =	simm.s32 $0x0;
	s0 =	srdreg.scid;
	s10 =	smul.u32 $0xFA00, s14  }
0x4: {  	[smem:$0x7FF] =	sst s3;
	s12 =	smul.u32 $0x7D000, s14  }
0x5: {  	s5 =	sand.u32 $0x1, s0;
	s2 =	sshll.u32 s14, $0x1;
	s29 =	smul.u32 $0xFA0, s14  }
0x6: {  	s0 =	sadd.s32 $0xE200, s4;
	s7 =	sadd.s32 $0x2C000, s4;
	s20 =	smul.u32 $0x3E800, s5  }
0x7: {  	_ =	strace $0x8000004A;
	s6 =	sor.u32 s5, s2;
	s21 =	smul.u32 $0x7D00, s5  }
0x8: {  	s2 =	sadd.s32 $0x4400, s4;
	s9 =	ssub.s32 $0x2, s5;
	s5 =	smul.u32 $0x7D0, s5  }
0x9: {  	s4 =	sadd.s32 $0x126000, s4;
	s8 =	smul.u32 $0x7D0, s6;
	s11 =	sshrl.u32 s9, $0x1  }
0xa: {  	s6 =	smul.u32 $0x3E800, s6;
	s22 =	sadd.s32 s10, s7;
	s10 =	sadd.s32 s10, s4  }
0xb: {  	s9 =	ssub.s32 s9, s11;
	s11 =	sadd.s32 s20, s12;
	s23 =	sadd.s32 s21, s22  }
0xc: {  	s5 =	sadd.s32 s5, s29;
	s29 =	simm.s32 $0x300;
	s12 =	simm.s32 $0x180  }
0xd: {  	s8 =	sshrl.u32 s8, $0x3;
	s24 =	sadd.s32 $0x7800, s11;
	[dreg:$0x3] =	wrdreg s23  }
0xe: {  	s6 =	sshrl.u32 s6, $0x3;
	s28 =	sadd.s32 $0x5000, s11;
	s11 =	sadd.s32 $0x2800, s11  }
0xf: {  	s14 =	sadd.s32 $0x14F0, s5;
	s17 =	sadd.s32 $0x14A0, s5;
	s8 =	sadd.s32 $0x370, s8  }
0x10: {  	[dreg:$0x14] =	wrdreg s29;
	s25 =	sshrl.u32 s24, $0x3;
	s13 =	sadd.s32 s0, s8  }
0x11: {  	s6 =	sadd.s32 $0x7800, s6;
	s8 =	sadd.s32 s2, s8;
	[dreg:$0x17] =	wrdreg s13  }
0x12: {  	s15 =	sshrl.u32 s14, $0x3;
	s26 =	sadd.s32 s25, s4;
	[dreg:$0x18] =	wrdreg s8  }
0x13: {  	s19 =	sshrl.u32 s17, $0x3;
	s31 =	sadd.s32 s7, s6;
	[dreg:$0x5] =	wrdreg s26  }
0x14: {  	s14 =	simm.s32 $0x2;
	s16 =	sadd.s32 s15, s2;
	[dreg:$0x19] =	wrdreg s31  }
0x15: {  	s17 =	simm.s32 $0xCC00;
	s18 =	sadd.s32 s15, s0;
	[dreg:$0xb] =	wrdreg s16  }
0x16: {  	s20 =	sadd.s32 s19, s2;
	s22 =	sadd.s32 s19, s0;
	[dreg:$0xc] =	wrdreg s18  }
0x17: {  	s15 =	simm.s32 $0x50;
	s19 =	simm.s32 $0x7C00;
	[dreg:$0xd] =	wrdreg s20  }
0x18: {  	s8 =	sadd.s32 s21, s10;
	s10 =	sadd.s32 s25, s7;
	[dreg:$0xe] =	wrdreg s22  }
0x19: {  	s21 =	sadd.s32 $0x1450, s5;
	s5 =	sadd.s32 $0x1400, s5;
	[dreg:$0x4] =	wrdreg s8  }
0x1a: {  	s26 =	smax.u32 s9, $0x1;
	s9 =	simm.s32 $0x200;
	[dreg:$0x6] =	wrdreg s10  }
0x1b: {  	s16 =	simm.s32 $0x2C00;
	s31 =	simm.s32 $0xF400;
	[dreg:$0x1b] =	wrdreg s26  }
0x1c: {  	s8 =	sshrl.u32 s28, $0x3;
	s28 =	simm.s32 $0x100;
	[dreg:$0x16] =	wrdreg s31  }
0x1d: {  	s18 =	simm.s32 $0x4;
	s30 =	sadd.s32 s8, s4;
	[dreg:$0x13] =	wrdreg s28  }
0x1e: {  	s10 =	sshrl.u32 s11, $0x3;
	s8 =	sadd.s32 s8, s7;
	[dreg:$0x7] =	wrdreg s30  }
0x1f: {  	s20 =	simm.s32 $0x11C00;
	s13 =	sadd.s32 s10, s4;
	[dreg:$0x8] =	wrdreg s8  }
0x20: {  	s23 =	sshrl.u32 s21, $0x3;
	s7 =	sadd.s32 s10, s7;
	[dreg:$0x9] =	wrdreg s13  }
0x21: {  	s22 =	simm.s32 $0x400;
	s24 =	sadd.s32 s23, s2;
	[dreg:$0xa] =	wrdreg s7  }
0x22: {  	s5 =	sshrl.u32 s5, $0x3;
	s4 =	sadd.s32 s4, s6;
	[dreg:$0xf] =	wrdreg s24  }
0x23: {  	s11 =	simm.s32 $0x280;
	s25 =	sadd.s32 s23, s0;
	[dreg:$0x1a] =	wrdreg s4  }
0x24: {  	s21 =	simm.s32 $0x5;
	s2 =	sadd.s32 s5, s2;
	[dreg:$0x10] =	wrdreg s25  }
0x25: {  	s26 =	simm.s32 $0x8;
	s0 =	sadd.s32 s5, s0;
	[dreg:$0x11] =	wrdreg s2  }
0x26: {  	s10 =	simm.s32 $0x80;
	s23 =	simm.s32 $0xA400;
	[dreg:$0x12] =	wrdreg s0  }
0x27: {  	s13 =	simm.s32 $0x380;
	s30 =	simm.s32 $0x5400;
	s24 =	simm.s32 $0x6  }
0x28: {  	s25 =	simm.s32 $0x7;
	s2 =	simm.s32 $0x0;
	[dreg:$0x15] =	wrdreg s30  }
.LBB2_1:
0x29: {  	s4 =	rddreg [dreg:$0xd]  }
0x2a: {  	s5 =	rddreg [dreg:$0x12]  }
0x2b: {  	s6 =	rddreg [dreg:$0xc]  }
0x2c: {  	s7 =	rddreg [dreg:$0x11];
	s5 =	sadd.s32 $0x0, s5  }
0x2d: {  	[tilespmem:s3], [sflag:$0x1] =	stream.linear.gather [hbm4b:s5+s3], $0x50, $0x38;
	[tilespmem:$0x14400] =	vst v63  }
0x2e: {  	s8 =	rddreg [dreg:$0x10];
	s31 =	sadd.s32 $0x0, s7  }
0x2f: {  	[tilespmem:s9], [sflag:$0x1] =	stream.linear.gather [hbm4b:s31+s3], $0x50, $0x38;
	[tilespmem:$0x14400] =	vst v63  }
0x30: {  	s0 =	rddreg [dreg:$0xf];
	s8 =	sadd.s32 $0x0, s8  }
0x31: {  	[tilespmem:s10], [sflag:$0x2] =	stream.linear.gather [hbm4b:s8+s3], $0x50, $0x38;
	[tilespmem:$0x14400] =	vst v63  }
0x32: {  	s30 =	rddreg [dreg:$0xe];
	s31 =	sadd.s32 $0x0, s0  }
0x33: {  	[tilespmem:s11], [sflag:$0x2] =	stream.linear.gather [hbm4b:s31+s3], $0x50, $0x38;
	[tilespmem:$0x14400] =	vst v63  }
0x34: {  	s0 =	rddreg [dreg:$0x13];
	s8 =	sadd.s32 $0x0, s30  }
0x35: {  	[tilespmem:s0], [sflag:$0x3] =	stream.linear.gather [hbm4b:s8+s3], $0x50, $0x38;
	[tilespmem:$0x14400] =	vst v63  }
0x36: {  	s4 =	sadd.s32 $0x0, s4;
	s30 =	rddreg [dreg:$0x14]  }
0x37: {  	[tilespmem:s30], [sflag:$0x3] =	stream.linear.gather [hbm4b:s4+s3], $0x50, $0x38;
	[tilespmem:$0x14400] =	vst v63  }
0x38: {  	p0 =	por $0x1, $0x1;
	s31 =	rddreg [dreg:$0xb];
	s0 =	sadd.s32 $0x0, s6  }
0x39: {  	[tilespmem:s12], [sflag:$0x4] =	stream.linear.gather [hbm4b:s0+s3], $0x50, $0x38;
	[tilespmem:$0x14400] =	vst v63  }
0x3a: {  	s6 =	sadd.s32 $0x0, s31;
	s4 =	simm.s32 @p0 $0x1  }
0x3b: {  	[tilespmem:s13], [sflag:$0x4] =	stream.linear.gather [hbm4b:s6+s3], $0x50, $0x38;
	[tilespmem:$0x14400] =	vst v63  }
0x3c: {  	_ =	swait.ge @p0 [sflag:s4], $0x50  }
0x3d: {  	[sflag:s4] =	ssyncset.done @p0 $0x0  }
0x3e: {  	[sflag:s4] =	ssyncadd.s32 @p0 $0xFFFFFFB0  }
0x3f: {  	_ =	swait.ge @p0 [sflag:s4], $0x50  }
0x40: {  	s5 =	simm.s32 @p0 $0x400;
	[sflag:s4] =	ssyncset.done @p0 $0x0  }
0x41: {  	s6 =	simm.s32 @p0 $0x0;
	[sflag:s4] =	ssyncadd.s32 @p0 $0xFFFFFFB0;
	s4 =	simm.s32 @p0 $0x50  }
0x42: {  	[tilespmem:s5], [sflag:$0x5] =	stream.indirect.gather @p0 [hbm4b:s1+s4], $0x80, s6, s4, $0xb8;
	[tilespmem:$0x14400] =	vst v63  }
0x43: {  	s7 =	simm.s32 @!p0 $0x9;
	s5 =	simm.s32 @p0 $0x200;
	s6 =	simm.s32 @p0 $0xA400  }
0x44: {  	[tilespmem:s6], [sflag:$0x5] =	stream.indirect.gather @p0 [hbm4b:s1+s4], $0x80, s5, s4, $0xb8;
	[tilespmem:$0x14400] =	vst v63  }
0x45: {  	_ =	swait.ge @!p0 [sflag:s7], $0x2800  }
0x46: {  	[sflag:s7] =	ssyncset.done @!p0 $0x0  }
0x47: {  	[sflag:s7] =	ssyncadd.s32 @!p0 $0xFFFFD800  }
0x48: {  	_ =	swait.ge @!p0 [sflag:s7], $0x2800  }
0x49: {  	[sflag:s7] =	ssyncset.done @!p0 $0x0  }
0x4a: {  	s5 =	simm.s32 @!p0 $0x1;
	[sflag:s7] =	ssyncadd.s32 @!p0 $0xFFFFD800  }
0x4b: {  	_ =	swait.ge @!p0 [sflag:s5], $0x50  }
0x4c: {  	[sflag:s5] =	ssyncset.done @!p0 $0x0  }
0x4d: {  	[sflag:s5] =	ssyncadd.s32 @!p0 $0xFFFFFFB0  }
0x4e: {  	_ =	swait.ge @!p0 [sflag:s5], $0x50  }
0x4f: {  	s6 =	simm.s32 @!p0 $0x400;
	[sflag:s5] =	ssyncset.done @!p0 $0x0  }
0x50: {  	s7 =	simm.s32 @!p0 $0x0;
	[sflag:s5] =	ssyncadd.s32 @!p0 $0xFFFFFFB0;
	s5 =	simm.s32 @!p0 $0x50  }
0x51: {  	[tilespmem:s6], [sflag:$0x5] =	stream.indirect.gather @!p0 [hbm4b:s1+s5], $0x80, s7, s5, $0xb8;
	[tilespmem:$0x14400] =	vst v63  }
0x52: {  	s8 =	simm.s32 @!p0 $0xA;
	s6 =	simm.s32 @!p0 $0x200;
	s7 =	simm.s32 @!p0 $0xA400  }
0x53: {  	[tilespmem:s7], [sflag:$0x5] =	stream.indirect.gather @!p0 [hbm4b:s1+s5], $0x80, s6, s5, $0xb8;
	[tilespmem:$0x14400] =	vst v63  }
0x54: {  	_ =	swait.ge @!p0 [sflag:s8], $0x2800  }
0x55: {  	[sflag:s8] =	ssyncset.done @!p0 $0x0  }
0x56: {  	[sflag:s8] =	ssyncadd.s32 @!p0 $0xFFFFD800  }
0x57: {  	_ =	swait.ge @!p0 [sflag:s8], $0x2800  }
0x58: {  	[sflag:s8] =	ssyncset.done @!p0 $0x0  }
0x59: {  	[sflag:s8] =	ssyncadd.s32 @!p0 $0xFFFFD800  }
0x5a: {  	_ =	swait.ge [sflag:s14], $0x50  }
0x5b: {  	[sflag:s14] =	ssyncset.done $0x0  }
0x5c: {  	[sflag:s14] =	ssyncadd.s32 $0xFFFFFFB0  }
0x5d: {  	_ =	swait.ge [sflag:s14], $0x50  }
0x5e: {  	[sflag:s14] =	ssyncset.done $0x0  }
0x5f: {  	[sflag:s14] =	ssyncadd.s32 $0xFFFFFFB0  }
0x60: {  	[tilespmem:s16], [sflag:$0x6] =	stream.indirect.gather [hbm4b:s1+s15], $0x80, s10, s15, $0xb8;
	[tilespmem:$0x14400] =	vst v63  }
0x61: {  	s6 =	simm.s32 @p0 $0x3  }
0x62: {  	[tilespmem:s17], [sflag:$0x6] =	stream.indirect.gather [hbm4b:s1+s15], $0x80, s11, s15, $0xb8;
	[tilespmem:$0x14400] =	vst v63  }
0x63: {  	_ =	swait.ge @p0 [sflag:s6], $0x50  }
0x64: {  	[sflag:s6] =	ssyncset.done @p0 $0x0  }
0x65: {  	[sflag:s6] =	ssyncadd.s32 @p0 $0xFFFFFFB0  }
0x66: {  	_ =	swait.ge @p0 [sflag:s6], $0x50  }
0x67: {  	[sflag:s6] =	ssyncset.done @p0 $0x0  }
0x68: {  	s7 =	simm.s32 @p0 $0x5400;
	[sflag:s6] =	ssyncadd.s32 @p0 $0xFFFFFFB0;
	s6 =	simm.s32 @p0 $0x100  }
0x69: {  	[tilespmem:s7], [sflag:$0x7] =	stream.indirect.gather @p0 [hbm4b:s1+s4], $0x80, s6, s4, $0xb8;
	[tilespmem:$0x14400] =	vst v63  }
0x6a: {  	s8 =	simm.s32 @!p0 $0xB;
	s6 =	simm.s32 @p0 $0x300;
	s7 =	simm.s32 @p0 $0xF400  }
0x6b: {  	[tilespmem:s7], [sflag:$0x7] =	stream.indirect.gather @p0 [hbm4b:s1+s4], $0x80, s6, s4, $0xb8;
	[tilespmem:$0x14400] =	vst v63  }
0x6c: {  	_ =	swait.ge @!p0 [sflag:s8], $0x2800  }
0x6d: {  	[sflag:s8] =	ssyncset.done @!p0 $0x0  }
0x6e: {  	[sflag:s8] =	ssyncadd.s32 @!p0 $0xFFFFD800  }
0x6f: {  	_ =	swait.ge @!p0 [sflag:s8], $0x2800  }
0x70: {  	[sflag:s8] =	ssyncset.done @!p0 $0x0  }
0x71: {  	s4 =	simm.s32 @!p0 $0x3;
	[sflag:s8] =	ssyncadd.s32 @!p0 $0xFFFFD800  }
0x72: {  	_ =	swait.ge @!p0 [sflag:s4], $0x50  }
0x73: {  	[sflag:s4] =	ssyncset.done @!p0 $0x0  }
0x74: {  	[sflag:s4] =	ssyncadd.s32 @!p0 $0xFFFFFFB0  }
0x75: {  	_ =	swait.ge @!p0 [sflag:s4], $0x50  }
0x76: {  	[sflag:s4] =	ssyncset.done @!p0 $0x0  }
0x77: {  	s6 =	simm.s32 @!p0 $0x5400;
	[sflag:s4] =	ssyncadd.s32 @!p0 $0xFFFFFFB0;
	s4 =	simm.s32 @!p0 $0x100  }
0x78: {  	[tilespmem:s6], [sflag:$0x7] =	stream.indirect.gather @!p0 [hbm4b:s1+s5], $0x80, s4, s5, $0xb8;
	[tilespmem:$0x14400] =	vst v63  }
0x79: {  	s7 =	simm.s32 @!p0 $0xC;
	s4 =	simm.s32 @!p0 $0x300;
	s6 =	simm.s32 @!p0 $0xF400  }
0x7a: {  	[tilespmem:s6], [sflag:$0x7] =	stream.indirect.gather @!p0 [hbm4b:s1+s5], $0x80, s4, s5, $0xb8;
	[tilespmem:$0x14400] =	vst v63  }
0x7b: {  	_ =	swait.ge @!p0 [sflag:s7], $0x2800  }
0x7c: {  	[sflag:s7] =	ssyncset.done @!p0 $0x0  }
0x7d: {  	[sflag:s7] =	ssyncadd.s32 @!p0 $0xFFFFD800  }
0x7e: {  	_ =	swait.ge @!p0 [sflag:s7], $0x2800  }
0x7f: {  	[sflag:s7] =	ssyncset.done @!p0 $0x0  }
0x80: {  	[sflag:s7] =	ssyncadd.s32 @!p0 $0xFFFFD800  }
0x81: {  	_ =	swait.ge [sflag:s18], $0x50  }
0x82: {  	[sflag:s18] =	ssyncset.done $0x0  }
0x83: {  	[sflag:s18] =	ssyncadd.s32 $0xFFFFFFB0  }
0x84: {  	_ =	swait.ge [sflag:s18], $0x50  }
0x85: {  	[sflag:s18] =	ssyncset.done $0x0  }
0x86: {  	[sflag:s18] =	ssyncadd.s32 $0xFFFFFFB0  }
0x87: {  	[tilespmem:s19], [sflag:$0x8] =	stream.indirect.gather [hbm4b:s1+s15], $0x80, s12, s15, $0xb8;
	[tilespmem:$0x14400] =	vst v63  }
0x88: {  	_ = 	snop  }
0x89: {  	[tilespmem:s20], [sflag:$0x8] =	stream.indirect.gather [hbm4b:s1+s15], $0x80, s13, s15, $0xb8;
	[tilespmem:$0x14400] =	vst v63  }
0x8a: {  	_ =	swait.ge [sflag:s21], $0x2800  }
0x8b: {  	[sflag:s21] =	ssyncset.done $0x0  }
0x8c: {  	[sflag:s21] =	ssyncadd.s32 $0xFFFFD800  }
0x8d: {  	_ =	swait.ge [sflag:s21], $0x2800  }
0x8e: {  	s7 =	rddreg [dreg:$0x3];
	[sflag:s21] =	ssyncset.done $0x0  }
0x8f: {  	s8 =	rddreg [dreg:$0x4];
	[sflag:s21] =	ssyncadd.s32 $0xFFFFD800;
	s4 =	sadd.s32 $0x0, s7  }
0x90: {  	[hbm4b:s4+s3] =	stream.linear.scatter [tilespmem:s22], [sflag:$0x9], $0x2800, $0x38;
	[tilespmem:$0x14400] =	vst v63  }
0x91: {  	s30 =	sadd.s32 $0x0, s8  }
0x92: {  	[hbm4b:s30+s3] =	stream.linear.scatter [tilespmem:s23], [sflag:$0x9], $0x2800, $0x38;
	[tilespmem:$0x14400] =	vst v63  }
0x93: {  	_ =	swait.ge [sflag:s24], $0x2800  }
0x94: {  	[sflag:s24] =	ssyncset.done $0x0  }
0x95: {  	[sflag:s24] =	ssyncadd.s32 $0xFFFFD800  }
0x96: {  	_ =	swait.ge [sflag:s24], $0x2800  }
0x97: {  	s31 =	rddreg [dreg:$0xa];
	[sflag:s24] =	ssyncset.done $0x0  }
0x98: {  	s0 =	rddreg [dreg:$0x9];
	[sflag:s24] =	ssyncadd.s32 $0xFFFFD800;
	s4 =	sadd.s32 $0x0, s31  }
0x99: {  	[hbm4b:s4+s3] =	stream.linear.scatter [tilespmem:s16], [sflag:$0xA], $0x2800, $0x38;
	[tilespmem:$0x14400] =	vst v63  }
0x9a: {  	s5 =	sadd.s32 $0x0, s0  }
0x9b: {  	[hbm4b:s5+s3] =	stream.linear.scatter [tilespmem:s17], [sflag:$0xA], $0x2800, $0x38;
	[tilespmem:$0x14400] =	vst v63  }
0x9c: {  	_ =	swait.ge [sflag:s25], $0x2800  }
0x9d: {  	[sflag:s25] =	ssyncset.done $0x0  }
0x9e: {  	[sflag:s25] =	ssyncadd.s32 $0xFFFFD800  }
0x9f: {  	_ =	swait.ge [sflag:s25], $0x2800  }
0xa0: {  	s6 =	rddreg [dreg:$0x8]  }
0xa1: {  	s7 =	rddreg [dreg:$0x15];
	[sflag:s25] =	ssyncset.done $0x0  }
0xa2: {  	s8 =	rddreg [dreg:$0x7];
	[sflag:s25] =	ssyncadd.s32 $0xFFFFD800;
	s4 =	sadd.s32 $0x0, s6  }
0xa3: {  	[hbm4b:s4+s3] =	stream.linear.scatter [tilespmem:s7], [sflag:$0xB], $0x2800, $0x38;
	[tilespmem:$0x14400] =	vst v63  }
0xa4: {  	s30 =	rddreg [dreg:$0x16];
	s31 =	sadd.s32 $0x0, s8  }
0xa5: {  	[hbm4b:s31+s3] =	stream.linear.scatter [tilespmem:s30], [sflag:$0xB], $0x2800, $0x38;
	[tilespmem:$0x14400] =	vst v63  }
0xa6: {  	_ =	swait.ge [sflag:s26], $0x2800  }
0xa7: {  	[sflag:s26] =	ssyncset.done $0x0  }
0xa8: {  	[sflag:s26] =	ssyncadd.s32 $0xFFFFD800  }
0xa9: {  	_ =	swait.ge [sflag:s26], $0x2800  }
0xaa: {  	s5 =	simm.s32 $0x0;
	s6 =	simm.s32 $0x2800;
	s29 =	rddreg [dreg:$0x6]  }
0xab: {  	s4 =	simm.s32 $0x1400;
	[sflag:s26] =	ssyncset.done $0x0;
	s28 =	rddreg [dreg:$0x5]  }
0xac: {  	s7 =	simm.s32 $0x0;
	s8 =	rddreg [dreg:$0xd];
	[sflag:s26] =	ssyncadd.s32 $0xFFFFD800  }
.LBB2_2:
0xad: {  	s30 =	rddreg [dreg:$0x12];
	s29 =	sadd.s32 s7, s29  }
0xae: {  	[hbm4b:s29+s3] =	stream.linear.scatter [tilespmem:s19], [sflag:$0xC], $0x2800, $0x38;
	[tilespmem:$0x14400] =	vst v63  }
0xaf: {  	s5 =	sadd.s32 $0x28, s5;
	s0 =	rddreg [dreg:$0xc];
	s28 =	sadd.s32 s7, s28  }
0xb0: {  	[hbm4b:s28+s3] =	stream.linear.scatter [tilespmem:s20], [sflag:$0xC], $0x2800, $0x38;
	[tilespmem:$0x14400] =	vst v63  }
0xb1: {  	s29 =	rddreg [dreg:$0x11];
	s28 =	sadd.s32 s5, s30  }
0xb2: {  	[tilespmem:s3], [sflag:$0x1] =	stream.linear.gather [hbm4b:s28+s3], $0x50, $0x38;
	[tilespmem:$0x14400] =	vst v63  }
0xb3: {  	s31 =	smov.u32 s6;
	s30 =	rddreg [dreg:$0x10];
	s28 =	sadd.s32 s5, s29  }
0xb4: {  	[tilespmem:s9], [sflag:$0x1] =	stream.linear.gather [hbm4b:s28+s3], $0x50, $0x38;
	[tilespmem:$0x14400] =	vst v63  }
0xb5: {  	s7 =	smov.u32 s4;
	s29 =	rddreg [dreg:$0xf];
	s28 =	sadd.s32 s5, s30  }
0xb6: {  	[tilespmem:s10], [sflag:$0x2] =	stream.linear.gather [hbm4b:s28+s3], $0x50, $0x38;
	[tilespmem:$0x14400] =	vst v63  }
0xb7: {  	s4 =	smov.u32 s31;
	s31 =	rddreg [dreg:$0xe];
	s28 =	sadd.s32 s5, s29  }
0xb8: {  	[tilespmem:s11], [sflag:$0x2] =	stream.linear.gather [hbm4b:s28+s3], $0x50, $0x38;
	[tilespmem:$0x14400] =	vst v63  }
0xb9: {  	s29 =	rddreg [dreg:$0x13];
	s28 =	sadd.s32 s5, s31  }
0xba: {  	[tilespmem:s29], [sflag:$0x3] =	stream.linear.gather [hbm4b:s28+s3], $0x50, $0x38;
	[tilespmem:$0x14400] =	vst v63  }
0xbb: {  	s8 =	sadd.s32 s5, s8;
	s31 =	rddreg [dreg:$0x14]  }
0xbc: {  	[tilespmem:s31], [sflag:$0x3] =	stream.linear.gather [hbm4b:s8+s3], $0x50, $0x38;
	[tilespmem:$0x14400] =	vst v63  }
0xbd: {  	s0 =	sadd.s32 s5, s0;
	p1 =	seq.s32 s7, $0x0;
	s28 =	rddreg [dreg:$0xb]  }
0xbe: {  	[tilespmem:s12], [sflag:$0x4] =	stream.linear.gather [hbm4b:s0+s3], $0x50, $0x38;
	[tilespmem:$0x14400] =	vst v63  }
0xbf: {  	s31 =	sadd.s32 s5, s28;
	s0 =	simm.s32 @p1 $0x1  }
0xc0: {  	[tilespmem:s13], [sflag:$0x4] =	stream.linear.gather [hbm4b:s31+s3], $0x50, $0x38;
	[tilespmem:$0x14400] =	vst v63  }
0xc1: {  	_ =	swait.ge @p1 [sflag:s0], $0x50  }
0xc2: {  	[sflag:s0] =	ssyncset.done @p1 $0x0  }
0xc3: {  	[sflag:s0] =	ssyncadd.s32 @p1 $0xFFFFFFB0  }
0xc4: {  	_ =	swait.ge @p1 [sflag:s0], $0x50  }
0xc5: {  	s28 =	simm.s32 @p1 $0x400;
	[sflag:s0] =	ssyncset.done @p1 $0x0  }
0xc6: {  	s8 =	simm.s32 @p1 $0x50;
	[sflag:s0] =	ssyncadd.s32 @p1 $0xFFFFFFB0;
	s0 =	simm.s32 @p1 $0x0  }
0xc7: {  	[tilespmem:s28], [sflag:$0x5] =	stream.indirect.gather @p1 [hbm4b:s1+s8], $0x80, s0, s8, $0xb8;
	[tilespmem:$0x14400] =	vst v63  }
0xc8: {  	s29 =	simm.s32 @!p1 $0x9;
	s0 =	simm.s32 @p1 $0x200;
	s28 =	simm.s32 @p1 $0xA400  }
0xc9: {  	[tilespmem:s28], [sflag:$0x5] =	stream.indirect.gather @p1 [hbm4b:s1+s8], $0x80, s0, s8, $0xb8;
	[tilespmem:$0x14400] =	vst v63  }
0xca: {  	_ =	swait.ge @!p1 [sflag:s29], $0x2800  }
0xcb: {  	[sflag:s29] =	ssyncset.done @!p1 $0x0  }
0xcc: {  	[sflag:s29] =	ssyncadd.s32 @!p1 $0xFFFFD800  }
0xcd: {  	_ =	swait.ge @!p1 [sflag:s29], $0x2800  }
0xce: {  	[sflag:s29] =	ssyncset.done @!p1 $0x0  }
0xcf: {  	s0 =	simm.s32 @!p1 $0x1;
	[sflag:s29] =	ssyncadd.s32 @!p1 $0xFFFFD800  }
0xd0: {  	_ =	swait.ge @!p1 [sflag:s0], $0x50  }
0xd1: {  	[sflag:s0] =	ssyncset.done @!p1 $0x0  }
0xd2: {  	[sflag:s0] =	ssyncadd.s32 @!p1 $0xFFFFFFB0  }
0xd3: {  	_ =	swait.ge @!p1 [sflag:s0], $0x50  }
0xd4: {  	s28 =	simm.s32 @!p1 $0x50;
	[sflag:s0] =	ssyncset.done @!p1 $0x0  }
0xd5: {  	s29 =	simm.s32 @!p1 $0x400;
	[sflag:s0] =	ssyncadd.s32 @!p1 $0xFFFFFFB0;
	s0 =	simm.s32 @!p1 $0x0  }
0xd6: {  	[tilespmem:s29], [sflag:$0x5] =	stream.indirect.gather @!p1 [hbm4b:s1+s28], $0x80, s0, s28, $0xb8;
	[tilespmem:$0x14400] =	vst v63  }
0xd7: {  	s30 =	simm.s32 @!p1 $0xA;
	s0 =	simm.s32 @!p1 $0x200;
	s29 =	simm.s32 @!p1 $0xA400  }
0xd8: {  	[tilespmem:s29], [sflag:$0x5] =	stream.indirect.gather @!p1 [hbm4b:s1+s28], $0x80, s0, s28, $0xb8;
	[tilespmem:$0x14400] =	vst v63  }
0xd9: {  	_ =	swait.ge @!p1 [sflag:s30], $0x2800  }
0xda: {  	[sflag:s30] =	ssyncset.done @!p1 $0x0  }
0xdb: {  	[sflag:s30] =	ssyncadd.s32 @!p1 $0xFFFFD800  }
0xdc: {  	_ =	swait.ge @!p1 [sflag:s30], $0x2800  }
0xdd: {  	[sflag:s30] =	ssyncset.done @!p1 $0x0  }
0xde: {  	[sflag:s30] =	ssyncadd.s32 @!p1 $0xFFFFD800  }
0xdf: {  	_ =	swait.ge [sflag:s14], $0x50  }
0xe0: {  	[sflag:s14] =	ssyncset.done $0x0  }
0xe1: {  	[sflag:s14] =	ssyncadd.s32 $0xFFFFFFB0  }
0xe2: {  	_ =	swait.ge [sflag:s14], $0x50  }
0xe3: {  	[sflag:s14] =	ssyncset.done $0x0  }
0xe4: {  	[sflag:s14] =	ssyncadd.s32 $0xFFFFFFB0  }
0xe5: {  	[tilespmem:s16], [sflag:$0x6] =	stream.indirect.gather [hbm4b:s1+s15], $0x80, s10, s15, $0xb8;
	[tilespmem:$0x14400] =	vst v63  }
0xe6: {  	s0 =	simm.s32 @p1 $0x3  }
0xe7: {  	[tilespmem:s17], [sflag:$0x6] =	stream.indirect.gather [hbm4b:s1+s15], $0x80, s11, s15, $0xb8;
	[tilespmem:$0x14400] =	vst v63  }
0xe8: {  	_ =	swait.ge @p1 [sflag:s0], $0x50  }
0xe9: {  	[sflag:s0] =	ssyncset.done @p1 $0x0  }
0xea: {  	[sflag:s0] =	ssyncadd.s32 @p1 $0xFFFFFFB0  }
0xeb: {  	_ =	swait.ge @p1 [sflag:s0], $0x50  }
0xec: {  	[sflag:s0] =	ssyncset.done @p1 $0x0  }
0xed: {  	s29 =	simm.s32 @p1 $0x5400;
	[sflag:s0] =	ssyncadd.s32 @p1 $0xFFFFFFB0;
	s0 =	simm.s32 @p1 $0x100  }
0xee: {  	[tilespmem:s29], [sflag:$0x7] =	stream.indirect.gather @p1 [hbm4b:s1+s8], $0x80, s0, s8, $0xb8;
	[tilespmem:$0x14400] =	vst v63  }
0xef: {  	s30 =	simm.s32 @!p1 $0xB;
	s0 =	simm.s32 @p1 $0x300;
	s29 =	simm.s32 @p1 $0xF400  }
0xf0: {  	[tilespmem:s29], [sflag:$0x7] =	stream.indirect.gather @p1 [hbm4b:s1+s8], $0x80, s0, s8, $0xb8;
	[tilespmem:$0x14400] =	vst v63  }
0xf1: {  	_ =	swait.ge @!p1 [sflag:s30], $0x2800  }
0xf2: {  	[sflag:s30] =	ssyncset.done @!p1 $0x0  }
0xf3: {  	[sflag:s30] =	ssyncadd.s32 @!p1 $0xFFFFD800  }
0xf4: {  	_ =	swait.ge @!p1 [sflag:s30], $0x2800  }
0xf5: {  	[sflag:s30] =	ssyncset.done @!p1 $0x0  }
0xf6: {  	s0 =	simm.s32 @!p1 $0x3;
	[sflag:s30] =	ssyncadd.s32 @!p1 $0xFFFFD800  }
0xf7: {  	_ =	swait.ge @!p1 [sflag:s0], $0x50  }
0xf8: {  	[sflag:s0] =	ssyncset.done @!p1 $0x0  }
0xf9: {  	[sflag:s0] =	ssyncadd.s32 @!p1 $0xFFFFFFB0  }
0xfa: {  	_ =	swait.ge @!p1 [sflag:s0], $0x50  }
0xfb: {  	[sflag:s0] =	ssyncset.done @!p1 $0x0  }
0xfc: {  	s8 =	simm.s32 @!p1 $0x5400;
	[sflag:s0] =	ssyncadd.s32 @!p1 $0xFFFFFFB0;
	s0 =	simm.s32 @!p1 $0x100  }
0xfd: {  	[tilespmem:s8], [sflag:$0x7] =	stream.indirect.gather @!p1 [hbm4b:s1+s28], $0x80, s0, s28, $0xb8;
	[tilespmem:$0x14400] =	vst v63  }
0xfe: {  	s29 =	simm.s32 @!p1 $0xC;
	s0 =	simm.s32 @!p1 $0x300;
	s8 =	simm.s32 @!p1 $0xF400  }
0xff: {  	[tilespmem:s8], [sflag:$0x7] =	stream.indirect.gather @!p1 [hbm4b:s1+s28], $0x80, s0, s28, $0xb8;
	[tilespmem:$0x14400] =	vst v63  }
0x100: {  	_ =	swait.ge @!p1 [sflag:s29], $0x2800  }
0x101: {  	[sflag:s29] =	ssyncset.done @!p1 $0x0  }
0x102: {  	[sflag:s29] =	ssyncadd.s32 @!p1 $0xFFFFD800  }
0x103: {  	_ =	swait.ge @!p1 [sflag:s29], $0x2800  }
0x104: {  	[sflag:s29] =	ssyncset.done @!p1 $0x0  }
0x105: {  	[sflag:s29] =	ssyncadd.s32 @!p1 $0xFFFFD800  }
0x106: {  	_ =	swait.ge [sflag:s18], $0x50  }
0x107: {  	[sflag:s18] =	ssyncset.done $0x0  }
0x108: {  	[sflag:s18] =	ssyncadd.s32 $0xFFFFFFB0  }
0x109: {  	_ =	swait.ge [sflag:s18], $0x50  }
0x10a: {  	[sflag:s18] =	ssyncset.done $0x0  }
0x10b: {  	[sflag:s18] =	ssyncadd.s32 $0xFFFFFFB0  }
0x10c: {  	[tilespmem:s19], [sflag:$0x8] =	stream.indirect.gather [hbm4b:s1+s15], $0x80, s12, s15, $0xb8;
	[tilespmem:$0x14400] =	vst v63  }
0x10d: {  	_ = 	snop  }
0x10e: {  	[tilespmem:s20], [sflag:$0x8] =	stream.indirect.gather [hbm4b:s1+s15], $0x80, s13, s15, $0xb8;
	[tilespmem:$0x14400] =	vst v63  }
0x10f: {  	_ =	swait.ge [sflag:s21], $0x2800  }
0x110: {  	[sflag:s21] =	ssyncset.done $0x0  }
0x111: {  	[sflag:s21] =	ssyncadd.s32 $0xFFFFD800  }
0x112: {  	_ =	swait.ge [sflag:s21], $0x2800  }
0x113: {  	s8 =	rddreg [dreg:$0x3];
	[sflag:s21] =	ssyncset.done $0x0  }
0x114: {  	s30 =	rddreg [dreg:$0x4];
	[sflag:s21] =	ssyncadd.s32 $0xFFFFD800;
	s0 =	sadd.s32 s7, s8  }
0x115: {  	[hbm4b:s0+s3] =	stream.linear.scatter [tilespmem:s22], [sflag:$0x9], $0x2800, $0x38;
	[tilespmem:$0x14400] =	vst v63  }
0x116: {  	s31 =	sadd.s32 s7, s30  }
0x117: {  	[hbm4b:s31+s3] =	stream.linear.scatter [tilespmem:s23], [sflag:$0x9], $0x2800, $0x38;
	[tilespmem:$0x14400] =	vst v63  }
0x118: {  	_ =	swait.ge [sflag:s24], $0x2800  }
0x119: {  	[sflag:s24] =	ssyncset.done $0x0  }
0x11a: {  	[sflag:s24] =	ssyncadd.s32 $0xFFFFD800  }
0x11b: {  	_ =	swait.ge [sflag:s24], $0x2800  }
0x11c: {  	s8 =	rddreg [dreg:$0xa];
	[sflag:s24] =	ssyncset.done $0x0  }
0x11d: {  	s30 =	rddreg [dreg:$0x9];
	[sflag:s24] =	ssyncadd.s32 $0xFFFFD800;
	s0 =	sadd.s32 s7, s8  }
0x11e: {  	[hbm4b:s0+s3] =	stream.linear.scatter [tilespmem:s16], [sflag:$0xA], $0x2800, $0x38;
	[tilespmem:$0x14400] =	vst v63  }
0x11f: {  	s31 =	sadd.s32 s7, s30  }
0x120: {  	[hbm4b:s31+s3] =	stream.linear.scatter [tilespmem:s17], [sflag:$0xA], $0x2800, $0x38;
	[tilespmem:$0x14400] =	vst v63  }
0x121: {  	_ =	swait.ge [sflag:s25], $0x2800  }
0x122: {  	[sflag:s25] =	ssyncset.done $0x0  }
0x123: {  	[sflag:s25] =	ssyncadd.s32 $0xFFFFD800  }
0x124: {  	_ =	swait.ge [sflag:s25], $0x2800  }
0x125: {  	s8 =	rddreg [dreg:$0x8]  }
0x126: {  	s30 =	rddreg [dreg:$0x15];
	[sflag:s25] =	ssyncset.done $0x0  }
0x127: {  	s28 =	rddreg [dreg:$0x7];
	[sflag:s25] =	ssyncadd.s32 $0xFFFFD800;
	s0 =	sadd.s32 s7, s8  }
0x128: {  	[hbm4b:s0+s3] =	stream.linear.scatter [tilespmem:s30], [sflag:$0xB], $0x2800, $0x38;
	[tilespmem:$0x14400] =	vst v63  }
0x129: {  	s29 =	rddreg [dreg:$0x16];
	s31 =	sadd.s32 s7, s28  }
0x12a: {  	[hbm4b:s31+s3] =	stream.linear.scatter [tilespmem:s29], [sflag:$0xB], $0x2800, $0x38;
	[tilespmem:$0x14400] =	vst v63  }
0x12b: {  	s6 =	sadd.s32 $0x1400, s6;
	_ =	swait.ge [sflag:s26], $0x2800  }
0x12c: {  	p0 =	sne.s32 s6, $0x7800;
	[sflag:s26] =	ssyncset.done $0x0  }
.Ltmp0:
0x12d: {  	[sflag:s26] =	ssyncadd.s32 $0xFFFFD800;
	(pc) =	sbr.rel @p0 .LBB2_2-.Ltmp0, $4  }
0x12e: {  	_ =	swait.ge [sflag:s26], $0x2800  }
0x12f: {  	s29 =	rddreg [dreg:$0x6]  }
0x130: {  	[sflag:s26] =	ssyncset.done $0x0;
	s28 =	rddreg [dreg:$0x5]  }
0x131: {  	s8 =	rddreg [dreg:$0xd];
	[sflag:s26] =	ssyncadd.s32 $0xFFFFD800  }
0x132: {  	s0 =	sadd.s32 s7, s29;
	s29 =	rddreg [dreg:$0x12]  }
0x133: {  	[hbm4b:s0+s3] =	stream.linear.scatter [tilespmem:s19], [sflag:$0xC], $0x2800, $0x38;
	[tilespmem:$0x14400] =	vst v63  }
0x134: {  	s5 =	sadd.s32 $0x28, s5;
	s6 =	sadd.s32 s7, s28;
	s30 =	rddreg [dreg:$0x11]  }
0x135: {  	[hbm4b:s6+s3] =	stream.linear.scatter [tilespmem:s20], [sflag:$0xC], $0x2800, $0x38;
	[tilespmem:$0x14400] =	vst v63  }
0x136: {  	s31 =	rddreg [dreg:$0x10];
	s0 =	sadd.s32 s5, s29  }
0x137: {  	[tilespmem:s3], [sflag:$0x1] =	stream.linear.gather [hbm4b:s0+s3], $0x50, $0x38;
	[tilespmem:$0x14400] =	vst v63  }
0x138: {  	s28 =	sadd.s32 s5, s30;
	s29 =	rddreg [dreg:$0xf]  }
0x139: {  	[tilespmem:s9], [sflag:$0x1] =	stream.linear.gather [hbm4b:s28+s3], $0x50, $0x38;
	[tilespmem:$0x14400] =	vst v63  }
0x13a: {  	s30 =	sadd.s32 s5, s31;
	s31 =	rddreg [dreg:$0xe]  }
0x13b: {  	[tilespmem:s10], [sflag:$0x2] =	stream.linear.gather [hbm4b:s30+s3], $0x50, $0x38;
	[tilespmem:$0x14400] =	vst v63  }
0x13c: {  	s7 =	sadd.s32 s5, s29;
	s29 =	sadd.s32 s5, s31;
	s31 =	rddreg [dreg:$0xc]  }
0x13d: {  	[tilespmem:s11], [sflag:$0x2] =	stream.linear.gather [hbm4b:s7+s3], $0x50, $0x38;
	[tilespmem:$0x14400] =	vst v63  }
0x13e: {  	s28 =	rddreg [dreg:$0x13]  }
0x13f: {  	[tilespmem:s28], [sflag:$0x3] =	stream.linear.gather [hbm4b:s29+s3], $0x50, $0x38;
	[tilespmem:$0x14400] =	vst v63  }
0x140: {  	s8 =	sadd.s32 s5, s8;
	s30 =	rddreg [dreg:$0x14]  }
0x141: {  	[tilespmem:s30], [sflag:$0x3] =	stream.linear.gather [hbm4b:s8+s3], $0x50, $0x38;
	[tilespmem:$0x14400] =	vst v63  }
0x142: {  	p0 =	seq.s32 s4, $0x0;
	s0 =	sadd.s32 s5, s31;
	s28 =	rddreg [dreg:$0xb]  }
0x143: {  	[tilespmem:s12], [sflag:$0x4] =	stream.linear.gather [hbm4b:s0+s3], $0x50, $0x38;
	[tilespmem:$0x14400] =	vst v63  }
0x144: {  	s29 =	sadd.s32 s5, s28;
	s0 =	simm.s32 @p0 $0x1  }
0x145: {  	[tilespmem:s13], [sflag:$0x4] =	stream.linear.gather [hbm4b:s29+s3], $0x50, $0x38;
	[tilespmem:$0x14400] =	vst v63  }
0x146: {  	_ =	swait.ge @p0 [sflag:s0], $0x50  }
0x147: {  	[sflag:s0] =	ssyncset.done @p0 $0x0  }
0x148: {  	[sflag:s0] =	ssyncadd.s32 @p0 $0xFFFFFFB0  }
0x149: {  	_ =	swait.ge @p0 [sflag:s0], $0x50  }
0x14a: {  	s6 =	simm.s32 @p0 $0x0;
	[sflag:s0] =	ssyncset.done @p0 $0x0  }
0x14b: {  	s5 =	simm.s32 @p0 $0x400;
	[sflag:s0] =	ssyncadd.s32 @p0 $0xFFFFFFB0;
	s0 =	simm.s32 @p0 $0x50  }
0x14c: {  	[tilespmem:s5], [sflag:$0x5] =	stream.indirect.gather @p0 [hbm4b:s1+s0], $0x80, s6, s0, $0xb8;
	[tilespmem:$0x14400] =	vst v63  }
0x14d: {  	s7 =	simm.s32 @!p0 $0x9;
	s5 =	simm.s32 @p0 $0x200;
	s6 =	simm.s32 @p0 $0xA400  }
0x14e: {  	[tilespmem:s6], [sflag:$0x5] =	stream.indirect.gather @p0 [hbm4b:s1+s0], $0x80, s5, s0, $0xb8;
	[tilespmem:$0x14400] =	vst v63  }
0x14f: {  	_ =	swait.ge @!p0 [sflag:s7], $0x2800  }
0x150: {  	[sflag:s7] =	ssyncset.done @!p0 $0x0  }
0x151: {  	[sflag:s7] =	ssyncadd.s32 @!p0 $0xFFFFD800  }
0x152: {  	_ =	swait.ge @!p0 [sflag:s7], $0x2800  }
0x153: {  	[sflag:s7] =	ssyncset.done @!p0 $0x0  }
0x154: {  	s5 =	simm.s32 @!p0 $0x1;
	[sflag:s7] =	ssyncadd.s32 @!p0 $0xFFFFD800  }
0x155: {  	_ =	swait.ge @!p0 [sflag:s5], $0x50  }
0x156: {  	[sflag:s5] =	ssyncset.done @!p0 $0x0  }
0x157: {  	[sflag:s5] =	ssyncadd.s32 @!p0 $0xFFFFFFB0  }
0x158: {  	_ =	swait.ge @!p0 [sflag:s5], $0x50  }
0x159: {  	s6 =	simm.s32 @!p0 $0x400;
	[sflag:s5] =	ssyncset.done @!p0 $0x0  }
0x15a: {  	s7 =	simm.s32 @!p0 $0x0;
	[sflag:s5] =	ssyncadd.s32 @!p0 $0xFFFFFFB0;
	s5 =	simm.s32 @!p0 $0x50  }
0x15b: {  	[tilespmem:s6], [sflag:$0x5] =	stream.indirect.gather @!p0 [hbm4b:s1+s5], $0x80, s7, s5, $0xb8;
	[tilespmem:$0x14400] =	vst v63  }
0x15c: {  	s6 =	simm.s32 @!p0 $0x200;
	s7 =	simm.s32 @!p0 $0xA400  }
0x15d: {  	[tilespmem:s7], [sflag:$0x5] =	stream.indirect.gather @!p0 [hbm4b:s1+s5], $0x80, s6, s5, $0xb8;
	[tilespmem:$0x14400] =	vst v63  }
0x15e: {  	s6 =	simm.s32 @!p0 $0xA  }
0x15f: {  	_ =	swait.ge @!p0 [sflag:s6], $0x2800  }
0x160: {  	[sflag:s6] =	ssyncset.done @!p0 $0x0  }
0x161: {  	[sflag:s6] =	ssyncadd.s32 @!p0 $0xFFFFD800  }
0x162: {  	_ =	swait.ge @!p0 [sflag:s6], $0x2800  }
0x163: {  	[sflag:s6] =	ssyncset.done @!p0 $0x0  }
0x164: {  	[sflag:s6] =	ssyncadd.s32 @!p0 $0xFFFFD800  }
0x165: {  	_ =	swait.ge [sflag:s14], $0x50  }
0x166: {  	[sflag:s14] =	ssyncset.done $0x0  }
0x167: {  	[sflag:s14] =	ssyncadd.s32 $0xFFFFFFB0  }
0x168: {  	_ =	swait.ge [sflag:s14], $0x50  }
0x169: {  	[sflag:s14] =	ssyncset.done $0x0  }
0x16a: {  	[sflag:s14] =	ssyncadd.s32 $0xFFFFFFB0  }
0x16b: {  	[tilespmem:s16], [sflag:$0x6] =	stream.indirect.gather [hbm4b:s1+s15], $0x80, s10, s15, $0xb8;
	[tilespmem:$0x14400] =	vst v63  }
0x16c: {  	s6 =	simm.s32 @p0 $0x3  }
0x16d: {  	[tilespmem:s17], [sflag:$0x6] =	stream.indirect.gather [hbm4b:s1+s15], $0x80, s11, s15, $0xb8;
	[tilespmem:$0x14400] =	vst v63  }
0x16e: {  	_ =	swait.ge @p0 [sflag:s6], $0x50  }
0x16f: {  	[sflag:s6] =	ssyncset.done @p0 $0x0  }
0x170: {  	[sflag:s6] =	ssyncadd.s32 @p0 $0xFFFFFFB0  }
0x171: {  	_ =	swait.ge @p0 [sflag:s6], $0x50  }
0x172: {  	[sflag:s6] =	ssyncset.done @p0 $0x0  }
0x173: {  	s7 =	simm.s32 @p0 $0x5400;
	[sflag:s6] =	ssyncadd.s32 @p0 $0xFFFFFFB0;
	s6 =	simm.s32 @p0 $0x100  }
0x174: {  	[tilespmem:s7], [sflag:$0x7] =	stream.indirect.gather @p0 [hbm4b:s1+s0], $0x80, s6, s0, $0xb8;
	[tilespmem:$0x14400] =	vst v63  }
0x175: {  	s6 =	simm.s32 @p0 $0x300;
	s7 =	simm.s32 @p0 $0xF400  }
0x176: {  	[tilespmem:s7], [sflag:$0x7] =	stream.indirect.gather @p0 [hbm4b:s1+s0], $0x80, s6, s0, $0xb8;
	[tilespmem:$0x14400] =	vst v63  }
0x177: {  	s0 =	simm.s32 @!p0 $0xB  }
0x178: {  	_ =	swait.ge @!p0 [sflag:s0], $0x2800  }
0x179: {  	[sflag:s0] =	ssyncset.done @!p0 $0x0  }
0x17a: {  	[sflag:s0] =	ssyncadd.s32 @!p0 $0xFFFFD800  }
0x17b: {  	_ =	swait.ge @!p0 [sflag:s0], $0x2800  }
0x17c: {  	[sflag:s0] =	ssyncset.done @!p0 $0x0  }
0x17d: {  	[sflag:s0] =	ssyncadd.s32 @!p0 $0xFFFFD800;
	s0 =	simm.s32 @!p0 $0x3  }
0x17e: {  	_ =	swait.ge @!p0 [sflag:s0], $0x50  }
0x17f: {  	[sflag:s0] =	ssyncset.done @!p0 $0x0  }
0x180: {  	[sflag:s0] =	ssyncadd.s32 @!p0 $0xFFFFFFB0  }
0x181: {  	_ =	swait.ge @!p0 [sflag:s0], $0x50  }
0x182: {  	[sflag:s0] =	ssyncset.done @!p0 $0x0  }
0x183: {  	s6 =	simm.s32 @!p0 $0x5400;
	[sflag:s0] =	ssyncadd.s32 @!p0 $0xFFFFFFB0;
	s0 =	simm.s32 @!p0 $0x100  }
0x184: {  	[tilespmem:s6], [sflag:$0x7] =	stream.indirect.gather @!p0 [hbm4b:s1+s5], $0x80, s0, s5, $0xb8;
	[tilespmem:$0x14400] =	vst v63  }
0x185: {  	s7 =	simm.s32 @!p0 $0xC;
	s0 =	simm.s32 @!p0 $0x300;
	s6 =	simm.s32 @!p0 $0xF400  }
0x186: {  	[tilespmem:s6], [sflag:$0x7] =	stream.indirect.gather @!p0 [hbm4b:s1+s5], $0x80, s0, s5, $0xb8;
	[tilespmem:$0x14400] =	vst v63  }
0x187: {  	_ =	swait.ge @!p0 [sflag:s7], $0x2800  }
0x188: {  	[sflag:s7] =	ssyncset.done @!p0 $0x0  }
0x189: {  	[sflag:s7] =	ssyncadd.s32 @!p0 $0xFFFFD800  }
0x18a: {  	_ =	swait.ge @!p0 [sflag:s7], $0x2800  }
0x18b: {  	[sflag:s7] =	ssyncset.done @!p0 $0x0  }
0x18c: {  	[sflag:s7] =	ssyncadd.s32 @!p0 $0xFFFFD800  }
0x18d: {  	_ =	swait.ge [sflag:s18], $0x50  }
0x18e: {  	[sflag:s18] =	ssyncset.done $0x0  }
0x18f: {  	[sflag:s18] =	ssyncadd.s32 $0xFFFFFFB0  }
0x190: {  	_ =	swait.ge [sflag:s18], $0x50  }
0x191: {  	[sflag:s18] =	ssyncset.done $0x0  }
0x192: {  	[sflag:s18] =	ssyncadd.s32 $0xFFFFFFB0  }
0x193: {  	[tilespmem:s19], [sflag:$0x8] =	stream.indirect.gather [hbm4b:s1+s15], $0x80, s12, s15, $0xb8;
	[tilespmem:$0x14400] =	vst v63  }
0x194: {  	_ = 	snop  }
0x195: {  	[tilespmem:s20], [sflag:$0x8] =	stream.indirect.gather [hbm4b:s1+s15], $0x80, s13, s15, $0xb8;
	[tilespmem:$0x14400] =	vst v63  }
0x196: {  	_ =	swait.ge [sflag:s21], $0x2800  }
0x197: {  	[sflag:s21] =	ssyncset.done $0x0  }
0x198: {  	[sflag:s21] =	ssyncadd.s32 $0xFFFFD800  }
0x199: {  	_ =	swait.ge [sflag:s21], $0x2800  }
0x19a: {  	s30 =	rddreg [dreg:$0x3];
	[sflag:s21] =	ssyncset.done $0x0  }
0x19b: {  	s31 =	rddreg [dreg:$0x4];
	[sflag:s21] =	ssyncadd.s32 $0xFFFFD800;
	s0 =	sadd.s32 s4, s30  }
0x19c: {  	[hbm4b:s0+s3] =	stream.linear.scatter [tilespmem:s22], [sflag:$0x9], $0x2800, $0x38;
	[tilespmem:$0x14400] =	vst v63  }
0x19d: {  	s5 =	sadd.s32 s4, s31  }
0x19e: {  	[hbm4b:s5+s3] =	stream.linear.scatter [tilespmem:s23], [sflag:$0x9], $0x2800, $0x38;
	[tilespmem:$0x14400] =	vst v63  }
0x19f: {  	_ =	swait.ge [sflag:s24], $0x2800  }
0x1a0: {  	[sflag:s24] =	ssyncset.done $0x0  }
0x1a1: {  	[sflag:s24] =	ssyncadd.s32 $0xFFFFD800  }
0x1a2: {  	_ =	swait.ge [sflag:s24], $0x2800  }
0x1a3: {  	s6 =	rddreg [dreg:$0xa];
	[sflag:s24] =	ssyncset.done $0x0  }
0x1a4: {  	s7 =	rddreg [dreg:$0x9];
	[sflag:s24] =	ssyncadd.s32 $0xFFFFD800;
	s0 =	sadd.s32 s4, s6  }
0x1a5: {  	[hbm4b:s0+s3] =	stream.linear.scatter [tilespmem:s16], [sflag:$0xA], $0x2800, $0x38;
	[tilespmem:$0x14400] =	vst v63  }
0x1a6: {  	s8 =	sadd.s32 s4, s7  }
0x1a7: {  	[hbm4b:s8+s3] =	stream.linear.scatter [tilespmem:s17], [sflag:$0xA], $0x2800, $0x38;
	[tilespmem:$0x14400] =	vst v63  }
0x1a8: {  	_ =	swait.ge [sflag:s25], $0x2800  }
0x1a9: {  	[sflag:s25] =	ssyncset.done $0x0  }
0x1aa: {  	[sflag:s25] =	ssyncadd.s32 $0xFFFFD800  }
0x1ab: {  	_ =	swait.ge [sflag:s25], $0x2800  }
0x1ac: {  	s28 =	rddreg [dreg:$0x8]  }
0x1ad: {  	s29 =	rddreg [dreg:$0x15];
	[sflag:s25] =	ssyncset.done $0x0  }
0x1ae: {  	s30 =	rddreg [dreg:$0x7];
	[sflag:s25] =	ssyncadd.s32 $0xFFFFD800;
	s0 =	sadd.s32 s4, s28  }
0x1af: {  	[hbm4b:s0+s3] =	stream.linear.scatter [tilespmem:s29], [sflag:$0xB], $0x2800, $0x38;
	[tilespmem:$0x14400] =	vst v63  }
0x1b0: {  	s31 =	rddreg [dreg:$0x16];
	s8 =	sadd.s32 s4, s30  }
0x1b1: {  	[hbm4b:s8+s3] =	stream.linear.scatter [tilespmem:s31], [sflag:$0xB], $0x2800, $0x38;
	[tilespmem:$0x14400] =	vst v63  }
0x1b2: {  	_ =	swait.ge [sflag:s26], $0x2800  }
0x1b3: {  	[sflag:s26] =	ssyncset.done $0x0  }
0x1b4: {  	[sflag:s26] =	ssyncadd.s32 $0xFFFFD800  }
0x1b5: {  	_ =	swait.ge [sflag:s26], $0x2800  }
0x1b6: {  	s28 =	rddreg [dreg:$0x6];
	[sflag:s26] =	ssyncset.done $0x0  }
0x1b7: {  	s29 =	rddreg [dreg:$0x5];
	[sflag:s26] =	ssyncadd.s32 $0xFFFFD800;
	s0 =	sadd.s32 s4, s28  }
0x1b8: {  	[hbm4b:s0+s3] =	stream.linear.scatter [tilespmem:s19], [sflag:$0xC], $0x2800, $0x38;
	[tilespmem:$0x14400] =	vst v63  }
0x1b9: {  	s31 =	simm.s32 $0x9;
	s30 =	sadd.s32 s4, s29  }
0x1ba: {  	[hbm4b:s30+s3] =	stream.linear.scatter [tilespmem:s20], [sflag:$0xC], $0x2800, $0x38;
	[tilespmem:$0x14400] =	vst v63  }
0x1bb: {  	_ =	swait.ge [sflag:s31], $0x2800  }
0x1bc: {  	[sflag:s31] =	ssyncset.done $0x0  }
0x1bd: {  	[sflag:s31] =	ssyncadd.s32 $0xFFFFD800  }
0x1be: {  	_ =	swait.ge [sflag:s31], $0x2800  }
0x1bf: {  	[sflag:s31] =	ssyncset.done $0x0  }
0x1c0: {  	s4 =	simm.s32 $0xA;
	[sflag:s31] =	ssyncadd.s32 $0xFFFFD800  }
0x1c1: {  	_ =	swait.ge [sflag:s4], $0x2800  }
0x1c2: {  	[sflag:s4] =	ssyncset.done $0x0  }
0x1c3: {  	[sflag:s4] =	ssyncadd.s32 $0xFFFFD800  }
0x1c4: {  	_ =	swait.ge [sflag:s4], $0x2800  }
0x1c5: {  	[sflag:s4] =	ssyncset.done $0x0  }
0x1c6: {  	s5 =	simm.s32 $0xB;
	[sflag:s4] =	ssyncadd.s32 $0xFFFFD800  }
0x1c7: {  	_ =	swait.ge [sflag:s5], $0x2800  }
0x1c8: {  	[sflag:s5] =	ssyncset.done $0x0  }
0x1c9: {  	[sflag:s5] =	ssyncadd.s32 $0xFFFFD800  }
0x1ca: {  	_ =	swait.ge [sflag:s5], $0x2800  }
0x1cb: {  	[sflag:s5] =	ssyncset.done $0x0  }
0x1cc: {  	s6 =	simm.s32 $0xC;
	[sflag:s5] =	ssyncadd.s32 $0xFFFFD800  }
0x1cd: {  	_ =	swait.ge [sflag:s6], $0x2800  }
0x1ce: {  	[sflag:s6] =	ssyncset.done $0x0  }
0x1cf: {  	[sflag:s6] =	ssyncadd.s32 $0xFFFFD800  }
0x1d0: {  	_ =	swait.ge [sflag:s6], $0x2800  }
0x1d1: {  	[sflag:s6] =	ssyncset.done $0x0  }
0x1d2: {  	s8 =	simm.s32 $0xD;
	s7 =	rddreg [dreg:$0x17];
	[sflag:s6] =	ssyncadd.s32 $0xFFFFD800  }
0x1d3: {  	[tilespmem:s3], [sflag:$0xD] =	stream.linear.gather [hbm4b:s7+s3], $0x50, $0x38;
	[tilespmem:$0x14400] =	vst v63  }
0x1d4: {  	_ =	swait.ge [sflag:s8], $0x50  }
0x1d5: {  	[sflag:s8] =	ssyncset.done $0x0  }
0x1d6: {  	s28 =	rddreg [dreg:$0x18];
	[sflag:s8] =	ssyncadd.s32 $0xFFFFFFB0  }
0x1d7: {  	[tilespmem:s9], [sflag:$0xD] =	stream.linear.gather [hbm4b:s28+s3], $0x50, $0x38;
	[tilespmem:$0x14400] =	vst v63  }
0x1d8: {  	_ =	swait.ge [sflag:s8], $0x50  }
0x1d9: {  	[sflag:s8] =	ssyncset.done $0x0  }
0x1da: {  	[sflag:s8] =	ssyncadd.s32 $0xFFFFFFB0  }
0x1db: {  	[tilespmem:s22], [sflag:$0x5] =	stream.indirect.gather [hbm4b:s1+s15], $0x80, s3, s15, $0xb8;
	[tilespmem:$0x14400] =	vst v63  }
0x1dc: {  	_ =	swait.ge [sflag:s21], $0x2800  }
0x1dd: {  	[sflag:s21] =	ssyncset.done $0x0  }
0x1de: {  	[sflag:s21] =	ssyncadd.s32 $0xFFFFD800  }
0x1df: {  	[tilespmem:s23], [sflag:$0x5] =	stream.indirect.gather [hbm4b:s1+s15], $0x80, s9, s15, $0xb8;
	[tilespmem:$0x14400] =	vst v63  }
0x1e0: {  	_ =	swait.ge [sflag:s21], $0x2800  }
0x1e1: {  	[sflag:s21] =	ssyncset.done $0x0  }
0x1e2: {  	s29 =	rddreg [dreg:$0x19];
	[sflag:s21] =	ssyncadd.s32 $0xFFFFD800  }
0x1e3: {  	[hbm4b:s29+s3] =	stream.linear.scatter [tilespmem:s22], [sflag:$0xD], $0x2800, $0x38;
	[tilespmem:$0x14400] =	vst v63  }
0x1e4: {  	_ =	swait.ge [sflag:s8], $0x2800  }
0x1e5: {  	[sflag:s8] =	ssyncset.done $0x0  }
0x1e6: {  	s30 =	rddreg [dreg:$0x1a];
	[sflag:s8] =	ssyncadd.s32 $0xFFFFD800  }
0x1e7: {  	[hbm4b:s30+s3] =	stream.linear.scatter [tilespmem:s23], [sflag:$0xD], $0x2800, $0x38;
	[tilespmem:$0x14400] =	vst v63  }
0x1e8: {  	_ =	swait.ge [sflag:s8], $0x2800  }
0x1e9: {  	s2 =	sadd.s32 $0x1, s2;
	s31 =	rddreg [dreg:$0x1b]  }
0x1ea: {  	p0 =	sne.s32 s2, s31  }
.Ltmp1:
0x1eb: {  	_ = 	snop;
	(pc) =	sbr.rel @p0 .LBB2_1-.Ltmp1, $3  }
0x1ec: {  	_ =	sdelay $0x1  }
0x1ed: {  	[sflag:s8] =	ssyncset.done $0x0  }
0x1ee: {  	[sflag:s8] =	ssyncadd.s32 $0xFFFFD800  }
0x1ef: {  	_ =	sfence.sel $0x180000  }
0x1f0: {  	[bflag:$0x0] =	sbarrier.arrive $0xFFFF  }
0x1f1: {  	_ =	strace $0x9000004A  }
0x1f2: {  	s0 =	stileid.u32;
	[bflag:$0x2] =	sbarrier.arrive $0xFFFF  }
0x1f3: {  	p0 =	sne.s32 s0, $0x0;
	s0 =	rddreg [dreg:$0x2]  }
0x1f4: {  	s0 =	sadd.s32 @!p0 $0x100000, s0  }
0x1f5: {  	[sflag:s0] =	ssyncadd.tile.s32 @!p0 $0x1;
	_ =	shalt  }
.Lfunc_end2:
_tile_overlayer_lowered:
.L_overlay_start_2:
0x1f6: {  	(tag) =	ssettag $0x2  }
0x1f7: {  	s0 =	rddreg [dreg:$0x0];
	s2 =	stileid.u32  }
0x1f8: {  	s1 =	rddreg [dreg:$0x1];
	p0 =	sne.s32 s2, $0x0  }
0x1f9: {  	s3 =	rddreg [dreg:$0x2];
	[bflag:$0x3] =	sbarrier.arrive $0xFFFF;
	s2 =	simm.s32 @!p0 $0x1C0D  }
0x1fa: {  	[timem:s3], [sflag:s2] =	dma.local @!p0 [hbm:s0], s1  }
0x1fb: {  	s0 =	simm.s32 @!p0 $0xD  }
0x1fc: {  	_ =	swait.ge @!p0 [sflag:s0], s1  }
0x1fd: {  	s1 =	ssub.s32 @!p0 $0x0, s1;
	[sflag:s0] =	ssyncset.done @!p0 $0x0  }
0x1fe: {  	[sflag:s0] =	ssyncadd.s32 @!p0 s1  }
0x1ff: {  	[bflag:$0x3] =	sbarrier.arrive $0xFFFF  }
0x200: {  	_ =	shalt  }

// kernel: sc_gather_s2.3.cloned.1.call-start
scs
__scs_entry_jumppad:
0x0: {  	(pc) =	sbr.rel $0x88, $3  }
0x1: {  	(tag) =	ssettag $0x0;
	lr =	simm.s32 $0x1  }
0x2: {  	[smem:$0x3F9E] =	sst lr;
	_ =	strace $0xD0000000  }
0x3: {  	_ = 	snop  }
0x4: {  	_ = 	snop  }
0x5: {  	_ = 	snop  }
0x6: {  	_ = 	snop  }
0x7: {  	_ = 	snop  }
__scs_overlays_trampoline_lowered:
0x8: {  	[smem:$0x3FAD] =	sst s0  }
0x9: {  	[smem:$0x3FAE] =	sst s1  }
0xa: {  	[smem:$0x3FAF] =	sst s2  }
0xb: {  	[smem:$0x3FB0] =	sst s3  }
0xc: {  	[smem:$0x3FB1] =	sst s4  }
0xd: {  	[smem:$0x3FB2] =	sst s5  }
0xe: {  	[smem:$0x3FB3] =	sst s6  }
0xf: {  	[smem:$0x3FB4] =	sst s7  }
0x10: {  	[smem:$0x3FB5] =	sst s8  }
0x11: {  	[smem:$0x3FB6] =	sst s9;
	s0 =	simm.s32 @!p0 $0x0  }
0x12: {  	s1 =	sld [smem:$0x3F9C];
	s0 =	simm.s32 @p0 $0x1  }
0x13: {  	[smem:$0x3FB7] =	sst s0;
	s0 =	simm.s32 @!p1 $0x0  }
0x14: {  	s2 =	sld [smem:$0x3F9B];
	s0 =	simm.s32 @p1 $0x1  }
0x15: {  	[smem:$0x3FB8] =	sst s0;
	s0 =	simm.s32 @!p2 $0x0  }
0x16: {  	s3 =	sld [smem:$0x3FDB];
	s0 =	simm.s32 @p2 $0x1  }
0x17: {  	s4 =	simm.s32 $0x1BF5;
	[smem:$0x3FBA] =	sst s0  }
0x18: {  	s0 =	sld [smem:$0x3F9D];
	_ =	swait.ge [sflag:s4], $0x0  }
0x19: {  	s7 =	sld [smem:$0x3F9E]  }
0x1a: {  	s8 =	sadd.s32 $0xFFFFE003, lr  }
0x1b: {  	s9 =	sadd.s32 $0xFFFFFEF7, lr;
	s5 =	simm.s32 $0xFFFFFFFF;
	p2 =	slt.u32 s8, $0xFFFFF086  }
0x1c: {  	p1 =	slt.u32 s9, $0xF7A;
	s5 =	simm.s32 @!p2 $0x0  }
0x1d: {  	s5 =	simm.s32 @p1 $0x1;
	p0 =	seq.s32 s7, s2  }
0x1e: {  	s7 =	smul.u32 @!p0 $0xF7A, s2;
	p2 =	seq.s32 @!p0 s5, $0x0  }
0x1f: {  	s9 =	smul.u32 $0xF7A, s1;
	s8 =	simm.s32 @!p0 $0x1BF5;
	p2 =	por !p2, p0  }
0x20: {  	[sflag:s8] =	ssyncset.s32 @!p0 $0xFFFFF086;
	s6 =	sadd.s32 @!p0 s3, s7;
	s7 =	simm.s32 @!p0 $0x108  }
0x21: {  	s3 =	sadd.s32 s3, s9;
	s6 =	sadd.s32 @!p0 $0x88, s6;
	s7 =	simm.s32 @p2 $0x1082  }
0x22: {  	[simem:s7], [sflag:s8] =	dma.local @!p0 [hbm:s6], $0xF7A  }
0x23: {  	s9 =	sor.u32 $0xD0000000, s2;
	s6 =	simm.s32 $0x108;
	_ =	swait.ge @!p0 [sflag:s8], $0x0  }
0x24: {  	s3 =	sadd.s32 $0x88, s3;
	s6 =	simm.s32 @!p1 $0x1082;
	[sflag:s4] =	ssyncset.s32 $0xFFFFF086  }
0x25: {  	[simem:s6], [sflag:s4] =	dma.local [hbm:s3], $0xF7A  }
0x26: {  	[smem:$0x3F9E] =	sst s1;
	(tag) =	ssettag s2;
	_ =	strace s9  }
0x27: {  	s1 =	sld [smem:$0x3FAE]  }
0x28: {  	s2 =	sld [smem:$0x3FAF]  }
0x29: {  	s4 =	sld [smem:$0x3FB1]  }
0x2a: {  	p0 =	seq.s32 s5, $0x0;
	s5 =	sld [smem:$0x3FB2]  }
0x2b: {  	s6 =	sld [smem:$0x3FB3]  }
0x2c: {  	s7 =	sld [smem:$0x3FB4]  }
0x2d: {  	s3 =	simm.s32 $0x108;
	s8 =	sld [smem:$0x3FB5]  }
0x2e: {  	s3 =	simm.s32 @!p0 $0x1082;
	s9 =	sld [smem:$0x3FB6]  }
0x2f: {  	lr =	sadd.s32 s0, s3;
	s0 =	sld [smem:$0x3FAD]  }
0x30: {  	s3 =	sld [smem:$0x3FB0]  }
0x31: {  	[smem:$0x3FB9] =	sst s10  }
0x32: {  	s10 =	sld [smem:$0x3FB7];
	_ =	sdelay $0x3  }
0x33: {  	p0 =	seq.s32 s10, $0x1;
	s10 =	sld [smem:$0x3FB9];
	_ =	sdelay $0x3  }
0x34: {  	[smem:$0x3FB9] =	sst s10  }
0x35: {  	s10 =	sld [smem:$0x3FB8];
	_ =	sdelay $0x3  }
0x36: {  	p1 =	seq.s32 s10, $0x1;
	s10 =	sld [smem:$0x3FB9];
	_ =	sdelay $0x3  }
0x37: {  	[smem:$0x3FB9] =	sst s10  }
0x38: {  	s10 =	sld [smem:$0x3FBA]  }
0x39: {  	_ = 	snop;
	(pc) =	sbr.ind lr, $3  }
0x3a: {  	_ = 	snop  }
0x3b: {  	_ = 	snop  }
0x3c: {  	p2 =	seq.s32 s10, $0x1;
	s10 =	sld [smem:$0x3FB9]  }
0x3d: {  	_ =	shalt  }
0x3e: {  	_ =	shalt  }
0x3f: {  	_ =	shalt  }
0x40: {  	_ =	shalt  }
0x41: {  	_ =	shalt  }
0x42: {  	_ =	shalt  }
0x43: {  	_ =	shalt  }
0x44: {  	_ =	shalt  }
0x45: {  	_ =	shalt  }
0x46: {  	_ =	shalt  }
0x47: {  	_ =	shalt  }
0x48: {  	_ =	shalt  }
0x49: {  	_ =	shalt  }
0x4a: {  	_ =	shalt  }
0x4b: {  	_ =	shalt  }
0x4c: {  	_ =	shalt  }
0x4d: {  	_ =	shalt  }
0x4e: {  	_ =	shalt  }
0x4f: {  	_ =	shalt  }
0x50: {  	_ =	shalt  }
0x51: {  	_ =	shalt  }
0x52: {  	_ =	shalt  }
0x53: {  	_ =	shalt  }
0x54: {  	_ =	shalt  }
0x55: {  	_ =	shalt  }
0x56: {  	_ =	shalt  }
0x57: {  	_ =	shalt  }
0x58: {  	_ =	shalt  }
0x59: {  	_ =	shalt  }
0x5a: {  	_ =	shalt  }
0x5b: {  	_ =	shalt  }
0x5c: {  	_ =	shalt  }
0x5d: {  	_ =	shalt  }
0x5e: {  	_ =	shalt  }
0x5f: {  	_ =	shalt  }
0x60: {  	_ =	shalt  }
0x61: {  	_ =	shalt  }
0x62: {  	_ =	shalt  }
0x63: {  	_ =	shalt  }
0x64: {  	_ =	shalt  }
0x65: {  	_ =	shalt  }
0x66: {  	_ =	shalt  }
0x67: {  	_ =	shalt  }
0x68: {  	_ =	shalt  }
0x69: {  	_ =	shalt  }
0x6a: {  	_ =	shalt  }
0x6b: {  	_ =	shalt  }
0x6c: {  	_ =	shalt  }
0x6d: {  	_ =	shalt  }
0x6e: {  	_ =	shalt  }
0x6f: {  	_ =	shalt  }
0x70: {  	_ =	shalt  }
0x71: {  	_ =	shalt  }
0x72: {  	_ =	shalt  }
0x73: {  	_ =	shalt  }
0x74: {  	_ =	shalt  }
0x75: {  	_ =	shalt  }
0x76: {  	_ =	shalt  }
0x77: {  	_ =	shalt  }
0x78: {  	_ =	shalt  }
0x79: {  	_ =	shalt  }
0x7a: {  	_ =	shalt  }
0x7b: {  	_ =	shalt  }
0x7c: {  	_ =	shalt  }
0x7d: {  	_ =	shalt  }
0x7e: {  	_ =	shalt  }
0x7f: {  	_ =	shalt  }
0x80: {  	_ =	shalt  }
0x81: {  	_ =	shalt  }
0x82: {  	_ =	shalt  }
0x83: {  	_ =	shalt  }
0x84: {  	_ =	shalt  }
0x85: {  	_ =	shalt  }
0x86: {  	_ =	shalt  }
0x87: {  	_ =	shalt  }
.Lfunc_end0:
.L_simem_size_0:
called_computation.2_lowered:
.L_overlay_start_0:
0x88: {  	s2 =	sld [smem:$0x3FD9]  }
0x89: {  	s3 =	sld [smem:$0x3FFE];
	_ =	sdelay $0x1  }
0x8a: {  	s1 =	srdreg.scid  }
0x8b: {  	s0 =	sand.u32 $0x1, s1  }
0x8c: {  	s17 =	sshll.u32 s0, $0xA;
	s2 =	sadd.s32 s3, s2  }
0x8d: {  	s2 =	sadd.s32 s2, s17  }
0x8e: {  	[smem:$0x3FC5] =	sst s2  }
0x8f: {  	_ = 	snop  }
0x90: {  	s18 =	sld [smem:$0x3FC9];
	(tm) =	ssettm $0x1  }
0x91: {  	s19 =	sld [smem:$0x3FFB];
	_ =	sdelay $0x3  }
0x92: {  	_ =	strace s19  }
0x93: {  	s2 =	sld [smem:$0x3FFC];
	_ =	sdelay $0x3  }
0x94: {  	_ =	strace s2  }
0x95: {  	s2 =	sld [smem:$0x3FFD];
	_ =	sdelay $0x3  }
0x96: {  	_ =	strace s2  }
0x97: {  	_ =	strace $0x8FFFFFFF  }
0x98: {  	s20 =	sld [smem:$0x3FDB];
	_ =	sdelay $0x1  }
0x99: {  	s4 =	simm.s32 $_scs_section_size  }
0x9a: {  	s5 =	simm.s32 $_size__tile_overlayer_lowered;
	s6 =	simm.s32 $_tile_overlayer_lowered  }
0x9b: {  	s7 =	simm.s32 $0x1BFF;
	s21 =	sshll.u32 s6, $0x1;
	s4 =	sadd.s32 s4, s20  }
0x9c: {  	s22 =	simm.s32 $0x0;
	s5 =	sshll.u32 s5, $0x1;
	s6 =	sadd.s32 s21, s4  }
0x9d: {  	[timem:s22], [sflag:s7] =	dma.local [hbm:s6], s5  }
0x9e: {  	_ =	swait.ge [sflag:s7], s5  }
0x9f: {  	s5 =	ssub.s32 $0x0, s5;
	[sflag:s7] =	ssyncset.done $0x0  }
0xa0: {  	[sflag:s7] =	ssyncadd.s32 s5;
	_ =	sdelay $0x1  }
0xa1: {  	s23 =	simm.s32 $0x1B8B  }
0xa2: {  	_ =	swait.ge [sflag:s23], $0x1  }
0xa3: {  	[sflag:s23] =	ssyncset.done $0x0  }
0xa4: {  	[sflag:s23] =	ssyncadd.s32 $0xFFFFFFFF  }
0xa5: {  	s5 =	sld [smem:$0x0]  }
0xa6: {  	s6 =	sand.u32 $0xFFFFFFFE, s1  }
0xa7: {  	p0 =	sne.s32 s1, s6  }
0xa8: {  	s6 =	sshll.u32 @p0 s6, $0xE  }
0xa9: {  	s6 =	sadd.s32 @p0 $0x11B8D, s6;
	s7 =	sshll.u32 @p0 s5, $0x11  }
0xaa: {  	s6 =	sor.u32 @p0 s7, s6  }
0xab: {  	[sflag:s6] =	ssyncadd.remote.s32 @p0 $0x1;
	_ =	sdelay $0x1  }
0xac: {  	s6 =	simm.s32 @p0 $0x1B8D  }
0xad: {  	_ =	swait.eq @p0 [sflag:s6], $0x1  }
0xae: {  	[sflag:s6] =	ssyncadd.s32 @p0 $0xFFFFFFFF  }
0xaf: {  	s7 =	sshll.u32 @!p0 s1, $0xE  }
0xb0: {  	s7 =	sor.u32 @!p0 $0x4000, s7;
	s6 =	simm.s32 @!p0 $0x1B8D  }
0xb1: {  	s5 =	sshll.u32 @!p0 s5, $0x11;
	s7 =	sadd.s32 @!p0 $0x11B8D, s7;
	_ =	swait.eq @!p0 [sflag:s6], $0x1  }
0xb2: {  	s5 =	sor.u32 @!p0 s5, s7;
	[sflag:s6] =	ssyncadd.s32 @!p0 $0xFFFFFFFF  }
0xb3: {  	s25 =	simm.s32 $0x1B8E;
	s24 =	sld [smem:$0x3FFE];
	[sflag:s5] =	ssyncadd.remote.s32 @!p0 $0x1  }
0xb4: {  	s26 =	simm.s32 $execute0_lowered;
	[smem:$0x3FD2] =	sst s25  }
0xb5: {  	s6 =	sshll.u32 s26, $0x1;
	_ =	strace $0x8000004C;
	[dreg:$0x1] =	wrdreg $0xFFFFFFFF  }
0xb6: {  	s28 =	simm.s32 $_size_execute0_lowered;
	s4 =	sadd.s32 s4, s6;
	[dreg:$0x0] =	wrdreg $0x0  }
0xb7: {  	s6 =	sshll.u32 s28, $0x1;
	[dreg:$0x2] =	wrdreg s4  }
0xb8: {  	[dreg:$0x3] =	wrdreg s6  }
0xb9: {  	[dreg:$0x4] =	wrdreg $0xC0  }
0xba: {  	_ =	task [dreg:s22], $0x5FFFF  }
0xbb: {  	[dreg:$0x1] =	wrdreg $0xFFFFFFFF  }
0xbc: {  	[dreg:$0x0] =	wrdreg $0x60  }
0xbd: {  	[dreg:$0x2] =	wrdreg s18  }
0xbe: {  	[dreg:$0x3] =	wrdreg s24  }
0xbf: {  	[dreg:$0x4] =	wrdreg $0xB  }
0xc0: {  	_ =	task.clear_ibuf [dreg:s22], $0x5FFFF;
	_ =	strace $0x9000004C  }
0xc1: {  	s29 =	simm.s32 $0xB;
	_ =	strace $0x8000004E  }
0xc2: {  	_ =	swait.ge [sflag:s29], $0x1  }
0xc3: {  	[sflag:s29] =	ssyncadd.s32 $0xFFFFFFFF  }
0xc4: {  	_ =	strace $0x9000004E  }
0xc5: {  	_ =	sfence  }
0xc6: {  	s30 =	sld [smem:$0x0];
	_ =	sdelay $0x2  }
0xc7: {  	s31 =	sshll.u32 s1, $0xD;
	s1 =	sshrl.u32 s1, $0x2  }
0xc8: {  	s4 =	sand.u32 $0x4000, s31;
	s1 =	sadd.s32 s1, s30  }
0xc9: {  	s0 =	sor.u32 s4, s0;
	s1 =	sshll.u32 s1, $0x11  }
0xca: {  	s0 =	sor.u32 s1, s0  }
0xcb: {  	s0 =	sadd.s32 $0x8F2B, s0  }
0xcc: {  	[sflag:s0] =	ssyncadd.remote.s32 $0x1  }
0xcd: {  	_ =	sfence.sel $0xFFFF  }
0xce: {  	[dreg:$0x0] =	wrdreg $0xFFFFFFFF;
	(pc) =	sbr.abs _section_cstart, $3  }
0xcf: {  	[dreg:$0x1] =	wrdreg $0xFFFFFFFF  }
0xd0: {  	_ =	task.clear_ibuf [dreg:s22], $0x2FFFF;
	_ =	strace $0x9FFFFFFF  }
0xd1: {  	(tm) =	ssettm $0x7FFFFFFF  }
tec
execute0_lowered:
.L_overlay_start_1:
0x0: {  	(tag) =	ssettag $0x1  }
0x1: {  	s0 =	stileid.u32  }
0x2: {  	s21 =	smul.u32 $0xA0000, s0  }
0x3: {  	s1 =	srdreg.scid;
	s12 =	smul.u32 $0x1400, s0  }
0x4: {  	s5 =	rddreg [dreg:$0x1];
	s4 =	sand.u32 $0x1, s1;
	s20 =	smul.u32 $0x14000, s0  }
0x5: {  	s2 =	rddreg [dreg:$0x0];
	s8 =	sadd.s32 $0x360000, s5;
	s3 =	smul.u32 $0x50000, s4  }
0x6: {  	s9 =	sadd.s32 $0xE200, s5;
	s11 =	sadd.s32 $0x220000, s5;
	s13 =	smul.u32 $0xA00, s4  }
0x7: {  	s5 =	sadd.s32 $0x4400, s5;
	s16 =	ssub.s32 $0x2, s4;
	s4 =	smul.u32 $0xA000, s4  }
0x8: {  	s18 =	sshrl.u32 s16, $0x1;
	s6 =	sadd.s32 s3, s21;
	s3 =	simm.s32 $0x0  }
0x9: {  	s25 =	sadd.s32 s13, s12;
	s7 =	sor.u32 $0x7800, s6;
	[smem:$0x7FF] =	sst s3  }
0xa: {  	s22 =	sor.u32 $0x5000, s6;
	s12 =	sadd.s32 $0x10EF0, s25;
	s30 =	sadd.s32 $0x10EA0, s25  }
0xb: {  	s13 =	sadd.s32 $0x10E50, s25;
	s19 =	sadd.s32 $0x10E00, s25;
	s25 =	ssub.s32 s16, s18  }
0xc: {  	s16 =	simm.s32 $0xA400;
	s7 =	sshrl.u32 s7, $0x3;
	_ =	strace $0x8000004D  }
0xd: {  	s1 =	sshrl.u32 s30, $0x3;
	s30 =	simm.s32 $0x100;
	[dreg:$0x17] =	wrdreg s16  }
0xe: {  	s6 =	sor.u32 $0x2800, s6;
	s10 =	sadd.s32 s7, s8;
	[dreg:$0x14] =	wrdreg s30  }
0xf: {  	s6 =	sshrl.u32 s6, $0x3;
	s7 =	sadd.s32 s7, s11;
	[dreg:$0x3] =	wrdreg s10  }
0x10: {  	s18 =	simm.s32 $0x7;
	s26 =	sadd.s32 s6, s8;
	[dreg:$0x4] =	wrdreg s7  }
0x11: {  	s28 =	sshrl.u32 s12, $0x3;
	s6 =	sadd.s32 s6, s11;
	[dreg:$0x7] =	wrdreg s26  }
0x12: {  	s15 =	sshrl.u32 s13, $0x3;
	s29 =	sadd.s32 s28, s5;
	[dreg:$0x8] =	wrdreg s6  }
0x13: {  	s13 =	simm.s32 $0x4;
	s31 =	sadd.s32 s28, s9;
	[dreg:$0x9] =	wrdreg s29  }
0x14: {  	s16 =	simm.s32 $0x5;
	s12 =	sadd.s32 s1, s5;
	[dreg:$0xa] =	wrdreg s31  }
0x15: {  	s14 =	sadd.s32 s1, s9;
	s17 =	sadd.s32 s15, s5;
	[dreg:$0xb] =	wrdreg s12  }
0x16: {  	s28 =	smax.u32 s25, $0x1;
	s10 =	sshrl.u32 s22, $0x3;
	[dreg:$0xc] =	wrdreg s14  }
0x17: {  	[dreg:$0xd] =	wrdreg s17;
	s7 =	sadd.s32 s15, s9;
	s6 =	sshrl.u32 s19, $0x3  }
0x18: {  	s22 =	sadd.s32 s20, s11;
	[dreg:$0x1a] =	wrdreg s28;
	s29 =	simm.s32 $0x200  }
0x19: {  	s31 =	simm.s32 $0x300;
	s12 =	simm.s32 $0xCC00;
	[dreg:$0xe] =	wrdreg s7  }
0x1a: {  	s15 =	simm.s32 $0x400;
	s14 =	simm.s32 $0x7C00;
	[dreg:$0x13] =	wrdreg s29  }
0x1b: {  	s17 =	simm.s32 $0x5400;
	s19 =	simm.s32 $0xF400;
	[dreg:$0x15] =	wrdreg s31  }
0x1c: {  	s23 =	sadd.s32 s10, s8;
	s24 =	sadd.s32 s10, s11;
	[dreg:$0x16] =	wrdreg s15  }
0x1d: {  	s5 =	sadd.s32 s6, s5;
	s21 =	sadd.s32 s6, s9;
	[dreg:$0x18] =	wrdreg s17  }
0x1e: {  	s6 =	simm.s32 $0x280;
	s7 =	simm.s32 $0x180;
	[dreg:$0x19] =	wrdreg s19  }
0x1f: {  	s9 =	simm.s32 $0x2;
	s10 =	simm.s32 $0x50;
	[dreg:$0x5] =	wrdreg s23  }
0x20: {  	s11 =	simm.s32 $0x2C00;
	s15 =	simm.s32 $0x11C00;
	[dreg:$0x6] =	wrdreg s24  }
0x21: {  	s17 =	simm.s32 $0x6;
	s19 =	simm.s32 $0x8;
	[dreg:$0xf] =	wrdreg s5  }
0x22: {  	[dreg:$0x10] =	wrdreg s21;
	s23 =	sadd.s32 s4, s22;
	s24 =	sadd.s32 s20, s8  }
0x23: {  	s5 =	simm.s32 $0x80;
	s8 =	simm.s32 $0x380;
	s21 =	simm.s32 $0xA  }
0x24: {  	s22 =	simm.s32 $0xB;
	[dreg:$0x11] =	wrdreg s23;
	s26 =	sadd.s32 s4, s24  }
0x25: {  	s23 =	simm.s32 $0xC;
	s24 =	simm.s32 $0x0;
	[dreg:$0x12] =	wrdreg s26  }
.LBB2_1:
0x26: {  	s25 =	rddreg [dreg:$0xa]  }
0x27: {  	s26 =	rddreg [dreg:$0xe]  }
0x28: {  	s28 =	rddreg [dreg:$0x10]  }
0x29: {  	s29 =	rddreg [dreg:$0xb]  }
0x2a: {  	s30 =	rddreg [dreg:$0xf];
	s28 =	sadd.s32 $0x0, s28  }
0x2b: {  	[tilespmem:s3], [sflag:$0x1] =	stream.linear.gather [hbm4b:s28+s3], $0x50, $0x38;
	[tilespmem:$0x14400] =	vst v63  }
0x2c: {  	s31 =	rddreg [dreg:$0x13];
	s28 =	sadd.s32 $0x0, s30  }
0x2d: {  	[tilespmem:s31], [sflag:$0x1] =	stream.linear.gather [hbm4b:s28+s3], $0x50, $0x38;
	[tilespmem:$0x14400] =	vst v63  }
0x2e: {  	s26 =	sadd.s32 $0x0, s26;
	s30 =	rddreg [dreg:$0xd]  }
0x2f: {  	[tilespmem:s5], [sflag:$0x2] =	stream.linear.gather [hbm4b:s26+s3], $0x50, $0x38;
	[tilespmem:$0x14400] =	vst v63  }
0x30: {  	s20 =	sadd.s32 $0x0, s30;
	s28 =	rddreg [dreg:$0xc]  }
0x31: {  	[tilespmem:s6], [sflag:$0x2] =	stream.linear.gather [hbm4b:s20+s3], $0x50, $0x38;
	[tilespmem:$0x14400] =	vst v63  }
0x32: {  	s30 =	rddreg [dreg:$0x14];
	s31 =	sadd.s32 $0x0, s28  }
0x33: {  	[tilespmem:s30], [sflag:$0x3] =	stream.linear.gather [hbm4b:s31+s3], $0x50, $0x38;
	[tilespmem:$0x14400] =	vst v63  }
0x34: {  	s0 =	sadd.s32 $0x0, s29;
	s28 =	rddreg [dreg:$0x15]  }
0x35: {  	[tilespmem:s28], [sflag:$0x3] =	stream.linear.gather [hbm4b:s0+s3], $0x50, $0x38;
	[tilespmem:$0x14400] =	vst v63  }
0x36: {  	p0 =	por $0x1, $0x1;
	s29 =	rddreg [dreg:$0x9];
	s25 =	sadd.s32 $0x0, s25  }
0x37: {  	[tilespmem:s7], [sflag:$0x4] =	stream.linear.gather [hbm4b:s25+s3], $0x50, $0x38;
	[tilespmem:$0x14400] =	vst v63  }
0x38: {  	s1 =	sadd.s32 $0x0, s29;
	s25 =	simm.s32 @p0 $0x1  }
0x39: {  	[tilespmem:s8], [sflag:$0x4] =	stream.linear.gather [hbm4b:s1+s3], $0x50, $0x38;
	[tilespmem:$0x14400] =	vst v63  }
0x3a: {  	_ =	swait.ge @p0 [sflag:s25], $0x50  }
0x3b: {  	[sflag:s25] =	ssyncset.done @p0 $0x0  }
0x3c: {  	[sflag:s25] =	ssyncadd.s32 @p0 $0xFFFFFFB0  }
0x3d: {  	_ =	swait.ge @p0 [sflag:s25], $0x50  }
0x3e: {  	s26 =	simm.s32 @p0 $0x400;
	[sflag:s25] =	ssyncset.done @p0 $0x0  }
0x3f: {  	s28 =	simm.s32 @p0 $0x0;
	[sflag:s25] =	ssyncadd.s32 @p0 $0xFFFFFFB0;
	s25 =	simm.s32 @p0 $0x50  }
0x40: {  	[tilespmem:s26], [sflag:$0x5] =	stream.indirect.gather @p0 [hbm4b:s2+s25], $0x80, s28, s25, $0xb8;
	[tilespmem:$0x14400] =	vst v63  }
0x41: {  	s29 =	simm.s32 @!p0 $0x9;
	s26 =	simm.s32 @p0 $0x200;
	s28 =	simm.s32 @p0 $0xA400  }
0x42: {  	[tilespmem:s28], [sflag:$0x5] =	stream.indirect.gather @p0 [hbm4b:s2+s25], $0x80, s26, s25, $0xb8;
	[tilespmem:$0x14400] =	vst v63  }
0x43: {  	_ =	swait.ge @!p0 [sflag:s29], $0x2800  }
0x44: {  	[sflag:s29] =	ssyncset.done @!p0 $0x0  }
0x45: {  	[sflag:s29] =	ssyncadd.s32 @!p0 $0xFFFFD800  }
0x46: {  	_ =	swait.ge @!p0 [sflag:s29], $0x2800  }
0x47: {  	[sflag:s29] =	ssyncset.done @!p0 $0x0  }
0x48: {  	s26 =	simm.s32 @!p0 $0x1;
	[sflag:s29] =	ssyncadd.s32 @!p0 $0xFFFFD800  }
0x49: {  	_ =	swait.ge @!p0 [sflag:s26], $0x50  }
0x4a: {  	[sflag:s26] =	ssyncset.done @!p0 $0x0  }
0x4b: {  	[sflag:s26] =	ssyncadd.s32 @!p0 $0xFFFFFFB0  }
0x4c: {  	_ =	swait.ge @!p0 [sflag:s26], $0x50  }
0x4d: {  	s28 =	simm.s32 @!p0 $0x400;
	[sflag:s26] =	ssyncset.done @!p0 $0x0  }
0x4e: {  	s29 =	simm.s32 @!p0 $0x0;
	[sflag:s26] =	ssyncadd.s32 @!p0 $0xFFFFFFB0;
	s26 =	simm.s32 @!p0 $0x50  }
0x4f: {  	[tilespmem:s28], [sflag:$0x5] =	stream.indirect.gather @!p0 [hbm4b:s2+s26], $0x80, s29, s26, $0xb8;
	[tilespmem:$0x14400] =	vst v63  }
0x50: {  	s30 =	simm.s32 @!p0 $0xA;
	s28 =	simm.s32 @!p0 $0x200;
	s29 =	simm.s32 @!p0 $0xA400  }
0x51: {  	[tilespmem:s29], [sflag:$0x5] =	stream.indirect.gather @!p0 [hbm4b:s2+s26], $0x80, s28, s26, $0xb8;
	[tilespmem:$0x14400] =	vst v63  }
0x52: {  	_ =	swait.ge @!p0 [sflag:s30], $0x2800  }
0x53: {  	[sflag:s30] =	ssyncset.done @!p0 $0x0  }
0x54: {  	[sflag:s30] =	ssyncadd.s32 @!p0 $0xFFFFD800  }
0x55: {  	_ =	swait.ge @!p0 [sflag:s30], $0x2800  }
0x56: {  	[sflag:s30] =	ssyncset.done @!p0 $0x0  }
0x57: {  	[sflag:s30] =	ssyncadd.s32 @!p0 $0xFFFFD800  }
0x58: {  	_ =	swait.ge [sflag:s9], $0x50  }
0x59: {  	[sflag:s9] =	ssyncset.done $0x0  }
0x5a: {  	[sflag:s9] =	ssyncadd.s32 $0xFFFFFFB0  }
0x5b: {  	_ =	swait.ge [sflag:s9], $0x50  }
0x5c: {  	[sflag:s9] =	ssyncset.done $0x0  }
0x5d: {  	[sflag:s9] =	ssyncadd.s32 $0xFFFFFFB0  }
0x5e: {  	[tilespmem:s11], [sflag:$0x6] =	stream.indirect.gather [hbm4b:s2+s10], $0x80, s5, s10, $0xb8;
	[tilespmem:$0x14400] =	vst v63  }
0x5f: {  	s28 =	simm.s32 @p0 $0x3  }
0x60: {  	[tilespmem:s12], [sflag:$0x6] =	stream.indirect.gather [hbm4b:s2+s10], $0x80, s6, s10, $0xb8;
	[tilespmem:$0x14400] =	vst v63  }
0x61: {  	_ =	swait.ge @p0 [sflag:s28], $0x50  }
0x62: {  	[sflag:s28] =	ssyncset.done @p0 $0x0  }
0x63: {  	[sflag:s28] =	ssyncadd.s32 @p0 $0xFFFFFFB0  }
0x64: {  	_ =	swait.ge @p0 [sflag:s28], $0x50  }
0x65: {  	[sflag:s28] =	ssyncset.done @p0 $0x0  }
0x66: {  	s29 =	simm.s32 @p0 $0x5400;
	[sflag:s28] =	ssyncadd.s32 @p0 $0xFFFFFFB0;
	s28 =	simm.s32 @p0 $0x100  }
0x67: {  	[tilespmem:s29], [sflag:$0x7] =	stream.indirect.gather @p0 [hbm4b:s2+s25], $0x80, s28, s25, $0xb8;
	[tilespmem:$0x14400] =	vst v63  }
0x68: {  	s30 =	simm.s32 @!p0 $0xB;
	s28 =	simm.s32 @p0 $0x300;
	s29 =	simm.s32 @p0 $0xF400  }
0x69: {  	[tilespmem:s29], [sflag:$0x7] =	stream.indirect.gather @p0 [hbm4b:s2+s25], $0x80, s28, s25, $0xb8;
	[tilespmem:$0x14400] =	vst v63  }
0x6a: {  	_ =	swait.ge @!p0 [sflag:s30], $0x2800  }
0x6b: {  	[sflag:s30] =	ssyncset.done @!p0 $0x0  }
0x6c: {  	[sflag:s30] =	ssyncadd.s32 @!p0 $0xFFFFD800  }
0x6d: {  	_ =	swait.ge @!p0 [sflag:s30], $0x2800  }
0x6e: {  	[sflag:s30] =	ssyncset.done @!p0 $0x0  }
0x6f: {  	s25 =	simm.s32 @!p0 $0x3;
	[sflag:s30] =	ssyncadd.s32 @!p0 $0xFFFFD800  }
0x70: {  	_ =	swait.ge @!p0 [sflag:s25], $0x50  }
0x71: {  	[sflag:s25] =	ssyncset.done @!p0 $0x0  }
0x72: {  	[sflag:s25] =	ssyncadd.s32 @!p0 $0xFFFFFFB0  }
0x73: {  	_ =	swait.ge @!p0 [sflag:s25], $0x50  }
0x74: {  	[sflag:s25] =	ssyncset.done @!p0 $0x0  }
0x75: {  	s28 =	simm.s32 @!p0 $0x5400;
	[sflag:s25] =	ssyncadd.s32 @!p0 $0xFFFFFFB0;
	s25 =	simm.s32 @!p0 $0x100  }
0x76: {  	[tilespmem:s28], [sflag:$0x7] =	stream.indirect.gather @!p0 [hbm4b:s2+s26], $0x80, s25, s26, $0xb8;
	[tilespmem:$0x14400] =	vst v63  }
0x77: {  	s29 =	simm.s32 @!p0 $0xC;
	s25 =	simm.s32 @!p0 $0x300;
	s28 =	simm.s32 @!p0 $0xF400  }
0x78: {  	[tilespmem:s28], [sflag:$0x7] =	stream.indirect.gather @!p0 [hbm4b:s2+s26], $0x80, s25, s26, $0xb8;
	[tilespmem:$0x14400] =	vst v63  }
0x79: {  	_ =	swait.ge @!p0 [sflag:s29], $0x2800  }
0x7a: {  	[sflag:s29] =	ssyncset.done @!p0 $0x0  }
0x7b: {  	[sflag:s29] =	ssyncadd.s32 @!p0 $0xFFFFD800  }
0x7c: {  	_ =	swait.ge @!p0 [sflag:s29], $0x2800  }
0x7d: {  	[sflag:s29] =	ssyncset.done @!p0 $0x0  }
0x7e: {  	[sflag:s29] =	ssyncadd.s32 @!p0 $0xFFFFD800  }
0x7f: {  	_ =	swait.ge [sflag:s13], $0x50  }
0x80: {  	[sflag:s13] =	ssyncset.done $0x0  }
0x81: {  	[sflag:s13] =	ssyncadd.s32 $0xFFFFFFB0  }
0x82: {  	_ =	swait.ge [sflag:s13], $0x50  }
0x83: {  	[sflag:s13] =	ssyncset.done $0x0  }
0x84: {  	[sflag:s13] =	ssyncadd.s32 $0xFFFFFFB0  }
0x85: {  	[tilespmem:s14], [sflag:$0x8] =	stream.indirect.gather [hbm4b:s2+s10], $0x80, s7, s10, $0xb8;
	[tilespmem:$0x14400] =	vst v63  }
0x86: {  	_ = 	snop  }
0x87: {  	[tilespmem:s15], [sflag:$0x8] =	stream.indirect.gather [hbm4b:s2+s10], $0x80, s8, s10, $0xb8;
	[tilespmem:$0x14400] =	vst v63  }
0x88: {  	_ =	swait.ge [sflag:s16], $0x2800  }
0x89: {  	[sflag:s16] =	ssyncset.done $0x0  }
0x8a: {  	[sflag:s16] =	ssyncadd.s32 $0xFFFFD800  }
0x8b: {  	_ =	swait.ge [sflag:s16], $0x2800  }
0x8c: {  	s4 =	rddreg [dreg:$0x11]  }
0x8d: {  	s20 =	rddreg [dreg:$0x16];
	[sflag:s16] =	ssyncset.done $0x0  }
0x8e: {  	s28 =	rddreg [dreg:$0x12];
	[sflag:s16] =	ssyncadd.s32 $0xFFFFD800;
	s25 =	sadd.s32 $0x0, s4  }
0x8f: {  	[hbm4b:s25+s3] =	stream.linear.scatter [tilespmem:s20], [sflag:$0x9], $0x2800, $0x38;
	[tilespmem:$0x14400] =	vst v63  }
0x90: {  	s29 =	rddreg [dreg:$0x17];
	s26 =	sadd.s32 $0x0, s28  }
0x91: {  	[hbm4b:s26+s3] =	stream.linear.scatter [tilespmem:s29], [sflag:$0x9], $0x2800, $0x38;
	[tilespmem:$0x14400] =	vst v63  }
0x92: {  	_ =	swait.ge [sflag:s17], $0x2800  }
0x93: {  	[sflag:s17] =	ssyncset.done $0x0  }
0x94: {  	[sflag:s17] =	ssyncadd.s32 $0xFFFFD800  }
0x95: {  	_ =	swait.ge [sflag:s17], $0x2800  }
0x96: {  	s31 =	rddreg [dreg:$0x8];
	[sflag:s17] =	ssyncset.done $0x0  }
0x97: {  	s0 =	rddreg [dreg:$0x7];
	[sflag:s17] =	ssyncadd.s32 $0xFFFFD800;
	s25 =	sadd.s32 $0x0, s31  }
0x98: {  	[hbm4b:s25+s3] =	stream.linear.scatter [tilespmem:s11], [sflag:$0xA], $0x2800, $0x38;
	[tilespmem:$0x14400] =	vst v63  }
0x99: {  	s1 =	sadd.s32 $0x0, s0  }
0x9a: {  	[hbm4b:s1+s3] =	stream.linear.scatter [tilespmem:s12], [sflag:$0xA], $0x2800, $0x38;
	[tilespmem:$0x14400] =	vst v63  }
0x9b: {  	_ =	swait.ge [sflag:s18], $0x2800  }
0x9c: {  	[sflag:s18] =	ssyncset.done $0x0  }
0x9d: {  	[sflag:s18] =	ssyncadd.s32 $0xFFFFD800  }
0x9e: {  	_ =	swait.ge [sflag:s18], $0x2800  }
0x9f: {  	s4 =	rddreg [dreg:$0x6]  }
0xa0: {  	s20 =	rddreg [dreg:$0x18];
	[sflag:s18] =	ssyncset.done $0x0  }
0xa1: {  	s28 =	rddreg [dreg:$0x5];
	[sflag:s18] =	ssyncadd.s32 $0xFFFFD800;
	s25 =	sadd.s32 $0x0, s4  }
0xa2: {  	[hbm4b:s25+s3] =	stream.linear.scatter [tilespmem:s20], [sflag:$0xB], $0x2800, $0x38;
	[tilespmem:$0x14400] =	vst v63  }
0xa3: {  	s29 =	rddreg [dreg:$0x19];
	s31 =	sadd.s32 $0x0, s28  }
0xa4: {  	[hbm4b:s31+s3] =	stream.linear.scatter [tilespmem:s29], [sflag:$0xB], $0x2800, $0x38;
	[tilespmem:$0x14400] =	vst v63  }
0xa5: {  	_ =	swait.ge [sflag:s19], $0x2800  }
0xa6: {  	[sflag:s19] =	ssyncset.done $0x0  }
0xa7: {  	[sflag:s19] =	ssyncadd.s32 $0xFFFFD800  }
0xa8: {  	_ =	swait.ge [sflag:s19], $0x2800  }
0xa9: {  	s26 =	simm.s32 $0x1400;
	s30 =	rddreg [dreg:$0x4]  }
0xaa: {  	s28 =	simm.s32 $0x0;
	s25 =	simm.s32 $0x0;
	s29 =	rddreg [dreg:$0x3]  }
.LBB2_2:
0xab: {  	s31 =	rddreg [dreg:$0xa]  }
0xac: {  	s28 =	sadd.s32 $0x28, s28;
	s0 =	rddreg [dreg:$0xe];
	[sflag:s19] =	ssyncset.done $0x0  }
0xad: {  	s30 =	sadd.s32 s25, s30;
	s4 =	rddreg [dreg:$0x10];
	[sflag:s19] =	ssyncadd.s32 $0xFFFFD800  }
0xae: {  	[hbm4b:s30+s3] =	stream.linear.scatter [tilespmem:s14], [sflag:$0xC], $0x2800, $0x38;
	[tilespmem:$0x14400] =	vst v63  }
0xaf: {  	s1 =	smov.u32 s26;
	s20 =	rddreg [dreg:$0xb];
	s29 =	sadd.s32 s25, s29  }
0xb0: {  	[hbm4b:s29+s3] =	stream.linear.scatter [tilespmem:s15], [sflag:$0xC], $0x2800, $0x38;
	[tilespmem:$0x14400] =	vst v63  }
0xb1: {  	s25 =	smov.u32 s1;
	s1 =	sadd.s32 s28, s4;
	s30 =	rddreg [dreg:$0xf]  }
0xb2: {  	[tilespmem:s3], [sflag:$0x1] =	stream.linear.gather [hbm4b:s1+s3], $0x50, $0x38;
	[tilespmem:$0x14400] =	vst v63  }
0xb3: {  	s4 =	rddreg [dreg:$0x13];
	s1 =	sadd.s32 s28, s30  }
0xb4: {  	[tilespmem:s4], [sflag:$0x1] =	stream.linear.gather [hbm4b:s1+s3], $0x50, $0x38;
	[tilespmem:$0x14400] =	vst v63  }
0xb5: {  	s0 =	sadd.s32 s28, s0;
	s29 =	rddreg [dreg:$0xd]  }
0xb6: {  	[tilespmem:s5], [sflag:$0x2] =	stream.linear.gather [hbm4b:s0+s3], $0x50, $0x38;
	[tilespmem:$0x14400] =	vst v63  }
0xb7: {  	s1 =	rddreg [dreg:$0xc];
	s0 =	sadd.s32 s28, s29  }
0xb8: {  	[tilespmem:s6], [sflag:$0x2] =	stream.linear.gather [hbm4b:s0+s3], $0x50, $0x38;
	[tilespmem:$0x14400] =	vst v63  }
0xb9: {  	s4 =	rddreg [dreg:$0x14];
	s0 =	sadd.s32 s28, s1  }
0xba: {  	[tilespmem:s4], [sflag:$0x3] =	stream.linear.gather [hbm4b:s0+s3], $0x50, $0x38;
	[tilespmem:$0x14400] =	vst v63  }
0xbb: {  	s20 =	sadd.s32 s28, s20;
	s1 =	rddreg [dreg:$0x15]  }
0xbc: {  	[tilespmem:s1], [sflag:$0x3] =	stream.linear.gather [hbm4b:s20+s3], $0x50, $0x38;
	[tilespmem:$0x14400] =	vst v63  }
0xbd: {  	p1 =	seq.s32 s25, $0x0;
	s4 =	rddreg [dreg:$0x9];
	s20 =	sadd.s32 s28, s31  }
0xbe: {  	[tilespmem:s7], [sflag:$0x4] =	stream.linear.gather [hbm4b:s20+s3], $0x50, $0x38;
	[tilespmem:$0x14400] =	vst v63  }
0xbf: {  	s0 =	simm.s32 @p1 $0x1;
	s31 =	sadd.s32 s28, s4  }
0xc0: {  	[tilespmem:s8], [sflag:$0x4] =	stream.linear.gather [hbm4b:s31+s3], $0x50, $0x38;
	[tilespmem:$0x14400] =	vst v63  }
0xc1: {  	_ =	swait.ge @p1 [sflag:s0], $0x50  }
0xc2: {  	[sflag:s0] =	ssyncset.done @p1 $0x0  }
0xc3: {  	[sflag:s0] =	ssyncadd.s32 @p1 $0xFFFFFFB0  }
0xc4: {  	_ =	swait.ge @p1 [sflag:s0], $0x50  }
0xc5: {  	s29 =	simm.s32 @p1 $0x50;
	[sflag:s0] =	ssyncset.done @p1 $0x0  }
0xc6: {  	s1 =	simm.s32 @p1 $0x400;
	[sflag:s0] =	ssyncadd.s32 @p1 $0xFFFFFFB0;
	s0 =	simm.s32 @p1 $0x0  }
0xc7: {  	[tilespmem:s1], [sflag:$0x5] =	stream.indirect.gather @p1 [hbm4b:s2+s29], $0x80, s0, s29, $0xb8;
	[tilespmem:$0x14400] =	vst v63  }
0xc8: {  	s4 =	simm.s32 @!p1 $0x9;
	s0 =	simm.s32 @p1 $0x200;
	s1 =	simm.s32 @p1 $0xA400  }
0xc9: {  	[tilespmem:s1], [sflag:$0x5] =	stream.indirect.gather @p1 [hbm4b:s2+s29], $0x80, s0, s29, $0xb8;
	[tilespmem:$0x14400] =	vst v63  }
0xca: {  	_ =	swait.ge @!p1 [sflag:s4], $0x2800  }
0xcb: {  	[sflag:s4] =	ssyncset.done @!p1 $0x0  }
0xcc: {  	[sflag:s4] =	ssyncadd.s32 @!p1 $0xFFFFD800  }
0xcd: {  	_ =	swait.ge @!p1 [sflag:s4], $0x2800  }
0xce: {  	[sflag:s4] =	ssyncset.done @!p1 $0x0  }
0xcf: {  	s0 =	simm.s32 @!p1 $0x1;
	[sflag:s4] =	ssyncadd.s32 @!p1 $0xFFFFD800  }
0xd0: {  	_ =	swait.ge @!p1 [sflag:s0], $0x50  }
0xd1: {  	[sflag:s0] =	ssyncset.done @!p1 $0x0  }
0xd2: {  	[sflag:s0] =	ssyncadd.s32 @!p1 $0xFFFFFFB0  }
0xd3: {  	_ =	swait.ge @!p1 [sflag:s0], $0x50  }
0xd4: {  	s30 =	simm.s32 @!p1 $0x50;
	[sflag:s0] =	ssyncset.done @!p1 $0x0  }
0xd5: {  	s1 =	simm.s32 @!p1 $0x400;
	[sflag:s0] =	ssyncadd.s32 @!p1 $0xFFFFFFB0;
	s0 =	simm.s32 @!p1 $0x0  }
0xd6: {  	[tilespmem:s1], [sflag:$0x5] =	stream.indirect.gather @!p1 [hbm4b:s2+s30], $0x80, s0, s30, $0xb8;
	[tilespmem:$0x14400] =	vst v63  }
0xd7: {  	s4 =	simm.s32 @!p1 $0xA;
	s0 =	simm.s32 @!p1 $0x200;
	s1 =	simm.s32 @!p1 $0xA400  }
0xd8: {  	[tilespmem:s1], [sflag:$0x5] =	stream.indirect.gather @!p1 [hbm4b:s2+s30], $0x80, s0, s30, $0xb8;
	[tilespmem:$0x14400] =	vst v63  }
0xd9: {  	_ =	swait.ge @!p1 [sflag:s4], $0x2800  }
0xda: {  	[sflag:s4] =	ssyncset.done @!p1 $0x0  }
0xdb: {  	[sflag:s4] =	ssyncadd.s32 @!p1 $0xFFFFD800  }
0xdc: {  	_ =	swait.ge @!p1 [sflag:s4], $0x2800  }
0xdd: {  	[sflag:s4] =	ssyncset.done @!p1 $0x0  }
0xde: {  	[sflag:s4] =	ssyncadd.s32 @!p1 $0xFFFFD800  }
0xdf: {  	_ =	swait.ge [sflag:s9], $0x50  }
0xe0: {  	[sflag:s9] =	ssyncset.done $0x0  }
0xe1: {  	[sflag:s9] =	ssyncadd.s32 $0xFFFFFFB0  }
0xe2: {  	_ =	swait.ge [sflag:s9], $0x50  }
0xe3: {  	[sflag:s9] =	ssyncset.done $0x0  }
0xe4: {  	[sflag:s9] =	ssyncadd.s32 $0xFFFFFFB0  }
0xe5: {  	[tilespmem:s11], [sflag:$0x6] =	stream.indirect.gather [hbm4b:s2+s10], $0x80, s5, s10, $0xb8;
	[tilespmem:$0x14400] =	vst v63  }
0xe6: {  	s0 =	simm.s32 @p1 $0x3  }
0xe7: {  	[tilespmem:s12], [sflag:$0x6] =	stream.indirect.gather [hbm4b:s2+s10], $0x80, s6, s10, $0xb8;
	[tilespmem:$0x14400] =	vst v63  }
0xe8: {  	_ =	swait.ge @p1 [sflag:s0], $0x50  }
0xe9: {  	[sflag:s0] =	ssyncset.done @p1 $0x0  }
0xea: {  	[sflag:s0] =	ssyncadd.s32 @p1 $0xFFFFFFB0  }
0xeb: {  	_ =	swait.ge @p1 [sflag:s0], $0x50  }
0xec: {  	[sflag:s0] =	ssyncset.done @p1 $0x0  }
0xed: {  	s1 =	simm.s32 @p1 $0x5400;
	[sflag:s0] =	ssyncadd.s32 @p1 $0xFFFFFFB0;
	s0 =	simm.s32 @p1 $0x100  }
0xee: {  	[tilespmem:s1], [sflag:$0x7] =	stream.indirect.gather @p1 [hbm4b:s2+s29], $0x80, s0, s29, $0xb8;
	[tilespmem:$0x14400] =	vst v63  }
0xef: {  	s4 =	simm.s32 @!p1 $0xB;
	s0 =	simm.s32 @p1 $0x300;
	s1 =	simm.s32 @p1 $0xF400  }
0xf0: {  	[tilespmem:s1], [sflag:$0x7] =	stream.indirect.gather @p1 [hbm4b:s2+s29], $0x80, s0, s29, $0xb8;
	[tilespmem:$0x14400] =	vst v63  }
0xf1: {  	_ =	swait.ge @!p1 [sflag:s4], $0x2800  }
0xf2: {  	[sflag:s4] =	ssyncset.done @!p1 $0x0  }
0xf3: {  	[sflag:s4] =	ssyncadd.s32 @!p1 $0xFFFFD800  }
0xf4: {  	_ =	swait.ge @!p1 [sflag:s4], $0x2800  }
0xf5: {  	[sflag:s4] =	ssyncset.done @!p1 $0x0  }
0xf6: {  	s0 =	simm.s32 @!p1 $0x3;
	[sflag:s4] =	ssyncadd.s32 @!p1 $0xFFFFD800  }
0xf7: {  	_ =	swait.ge @!p1 [sflag:s0], $0x50  }
0xf8: {  	[sflag:s0] =	ssyncset.done @!p1 $0x0  }
0xf9: {  	[sflag:s0] =	ssyncadd.s32 @!p1 $0xFFFFFFB0  }
0xfa: {  	_ =	swait.ge @!p1 [sflag:s0], $0x50  }
0xfb: {  	[sflag:s0] =	ssyncset.done @!p1 $0x0  }
0xfc: {  	s1 =	simm.s32 @!p1 $0x5400;
	[sflag:s0] =	ssyncadd.s32 @!p1 $0xFFFFFFB0;
	s0 =	simm.s32 @!p1 $0x100  }
0xfd: {  	[tilespmem:s1], [sflag:$0x7] =	stream.indirect.gather @!p1 [hbm4b:s2+s30], $0x80, s0, s30, $0xb8;
	[tilespmem:$0x14400] =	vst v63  }
0xfe: {  	s4 =	simm.s32 @!p1 $0xC;
	s0 =	simm.s32 @!p1 $0x300;
	s1 =	simm.s32 @!p1 $0xF400  }
0xff: {  	[tilespmem:s1], [sflag:$0x7] =	stream.indirect.gather @!p1 [hbm4b:s2+s30], $0x80, s0, s30, $0xb8;
	[tilespmem:$0x14400] =	vst v63  }
0x100: {  	_ =	swait.ge @!p1 [sflag:s4], $0x2800  }
0x101: {  	[sflag:s4] =	ssyncset.done @!p1 $0x0  }
0x102: {  	[sflag:s4] =	ssyncadd.s32 @!p1 $0xFFFFD800  }
0x103: {  	_ =	swait.ge @!p1 [sflag:s4], $0x2800  }
0x104: {  	[sflag:s4] =	ssyncset.done @!p1 $0x0  }
0x105: {  	[sflag:s4] =	ssyncadd.s32 @!p1 $0xFFFFD800  }
0x106: {  	_ =	swait.ge [sflag:s13], $0x50  }
0x107: {  	[sflag:s13] =	ssyncset.done $0x0  }
0x108: {  	[sflag:s13] =	ssyncadd.s32 $0xFFFFFFB0  }
0x109: {  	_ =	swait.ge [sflag:s13], $0x50  }
0x10a: {  	[sflag:s13] =	ssyncset.done $0x0  }
0x10b: {  	[sflag:s13] =	ssyncadd.s32 $0xFFFFFFB0  }
0x10c: {  	[tilespmem:s14], [sflag:$0x8] =	stream.indirect.gather [hbm4b:s2+s10], $0x80, s7, s10, $0xb8;
	[tilespmem:$0x14400] =	vst v63  }
0x10d: {  	_ = 	snop  }
0x10e: {  	[tilespmem:s15], [sflag:$0x8] =	stream.indirect.gather [hbm4b:s2+s10], $0x80, s8, s10, $0xb8;
	[tilespmem:$0x14400] =	vst v63  }
0x10f: {  	_ =	swait.ge [sflag:s16], $0x2800  }
0x110: {  	[sflag:s16] =	ssyncset.done $0x0  }
0x111: {  	[sflag:s16] =	ssyncadd.s32 $0xFFFFD800  }
0x112: {  	_ =	swait.ge [sflag:s16], $0x2800  }
0x113: {  	s1 =	rddreg [dreg:$0x11]  }
0x114: {  	s4 =	rddreg [dreg:$0x16];
	[sflag:s16] =	ssyncset.done $0x0  }
0x115: {  	s20 =	rddreg [dreg:$0x12];
	[sflag:s16] =	ssyncadd.s32 $0xFFFFD800;
	s0 =	sadd.s32 s25, s1  }
0x116: {  	[hbm4b:s0+s3] =	stream.linear.scatter [tilespmem:s4], [sflag:$0x9], $0x2800, $0x38;
	[tilespmem:$0x14400] =	vst v63  }
0x117: {  	s31 =	rddreg [dreg:$0x17];
	s1 =	sadd.s32 s25, s20  }
0x118: {  	[hbm4b:s1+s3] =	stream.linear.scatter [tilespmem:s31], [sflag:$0x9], $0x2800, $0x38;
	[tilespmem:$0x14400] =	vst v63  }
0x119: {  	_ =	swait.ge [sflag:s17], $0x2800  }
0x11a: {  	[sflag:s17] =	ssyncset.done $0x0  }
0x11b: {  	[sflag:s17] =	ssyncadd.s32 $0xFFFFD800  }
0x11c: {  	_ =	swait.ge [sflag:s17], $0x2800  }
0x11d: {  	s4 =	rddreg [dreg:$0x8];
	[sflag:s17] =	ssyncset.done $0x0  }
0x11e: {  	s20 =	rddreg [dreg:$0x7];
	[sflag:s17] =	ssyncadd.s32 $0xFFFFD800;
	s0 =	sadd.s32 s25, s4  }
0x11f: {  	[hbm4b:s0+s3] =	stream.linear.scatter [tilespmem:s11], [sflag:$0xA], $0x2800, $0x38;
	[tilespmem:$0x14400] =	vst v63  }
0x120: {  	s31 =	sadd.s32 s25, s20  }
0x121: {  	[hbm4b:s31+s3] =	stream.linear.scatter [tilespmem:s12], [sflag:$0xA], $0x2800, $0x38;
	[tilespmem:$0x14400] =	vst v63  }
0x122: {  	_ =	swait.ge [sflag:s18], $0x2800  }
0x123: {  	[sflag:s18] =	ssyncset.done $0x0  }
0x124: {  	[sflag:s18] =	ssyncadd.s32 $0xFFFFD800  }
0x125: {  	_ =	swait.ge [sflag:s18], $0x2800  }
0x126: {  	s1 =	rddreg [dreg:$0x6]  }
0x127: {  	s4 =	rddreg [dreg:$0x18];
	[sflag:s18] =	ssyncset.done $0x0  }
0x128: {  	s31 =	rddreg [dreg:$0x5];
	[sflag:s18] =	ssyncadd.s32 $0xFFFFD800;
	s0 =	sadd.s32 s25, s1  }
0x129: {  	[hbm4b:s0+s3] =	stream.linear.scatter [tilespmem:s4], [sflag:$0xB], $0x2800, $0x38;
	[tilespmem:$0x14400] =	vst v63  }
0x12a: {  	s26 =	sadd.s32 $0x1400, s26;
	s20 =	rddreg [dreg:$0x19];
	s31 =	sadd.s32 s25, s31  }
0x12b: {  	[hbm4b:s31+s3] =	stream.linear.scatter [tilespmem:s20], [sflag:$0xB], $0x2800, $0x38;
	[tilespmem:$0x14400] =	vst v63  }
0x12c: {  	p0 =	sne.s32 s26, $0xA000;
	_ =	swait.ge [sflag:s19], $0x2800  }
.Ltmp0:
0x12d: {  	[sflag:s19] =	ssyncset.done $0x0;
	(pc) =	sbr.rel @p0 .LBB2_2-.Ltmp0, $4  }
0x12e: {  	[sflag:s19] =	ssyncadd.s32 $0xFFFFD800  }
0x12f: {  	_ =	swait.ge [sflag:s19], $0x2800  }
0x130: {  	s30 =	rddreg [dreg:$0x4]  }
0x131: {  	s29 =	rddreg [dreg:$0x3]  }
0x132: {  	[sflag:s19] =	ssyncset.done $0x0  }
0x133: {  	s0 =	sadd.s32 s25, s30;
	[sflag:s19] =	ssyncadd.s32 $0xFFFFD800  }
0x134: {  	[hbm4b:s0+s3] =	stream.linear.scatter [tilespmem:s14], [sflag:$0xC], $0x2800, $0x38;
	[tilespmem:$0x14400] =	vst v63  }
0x135: {  	s29 =	sadd.s32 s25, s29;
	s30 =	simm.s32 $0x9  }
0x136: {  	[hbm4b:s29+s3] =	stream.linear.scatter [tilespmem:s15], [sflag:$0xC], $0x2800, $0x38;
	[tilespmem:$0x14400] =	vst v63  }
0x137: {  	_ =	swait.ge [sflag:s30], $0x2800  }
0x138: {  	[sflag:s30] =	ssyncset.done $0x0  }
0x139: {  	[sflag:s30] =	ssyncadd.s32 $0xFFFFD800  }
0x13a: {  	_ =	swait.ge [sflag:s30], $0x2800  }
0x13b: {  	[sflag:s30] =	ssyncset.done $0x0  }
0x13c: {  	[sflag:s30] =	ssyncadd.s32 $0xFFFFD800  }
0x13d: {  	_ =	swait.ge [sflag:s21], $0x2800  }
0x13e: {  	[sflag:s21] =	ssyncset.done $0x0  }
0x13f: {  	[sflag:s21] =	ssyncadd.s32 $0xFFFFD800  }
0x140: {  	_ =	swait.ge [sflag:s21], $0x2800  }
0x141: {  	[sflag:s21] =	ssyncset.done $0x0  }
0x142: {  	[sflag:s21] =	ssyncadd.s32 $0xFFFFD800  }
0x143: {  	_ =	swait.ge [sflag:s22], $0x2800  }
0x144: {  	[sflag:s22] =	ssyncset.done $0x0  }
0x145: {  	[sflag:s22] =	ssyncadd.s32 $0xFFFFD800  }
0x146: {  	_ =	swait.ge [sflag:s22], $0x2800  }
0x147: {  	[sflag:s22] =	ssyncset.done $0x0  }
0x148: {  	[sflag:s22] =	ssyncadd.s32 $0xFFFFD800  }
0x149: {  	_ =	swait.ge [sflag:s23], $0x2800  }
0x14a: {  	[sflag:s23] =	ssyncset.done $0x0  }
0x14b: {  	[sflag:s23] =	ssyncadd.s32 $0xFFFFD800  }
0x14c: {  	_ =	swait.ge [sflag:s23], $0x2800  }
0x14d: {  	s24 =	sadd.s32 $0x1, s24;
	s31 =	rddreg [dreg:$0x1a]  }
0x14e: {  	p0 =	sne.s32 s24, s31  }
.Ltmp1:
0x14f: {  	_ = 	snop;
	(pc) =	sbr.rel @p0 .LBB2_1-.Ltmp1, $3  }
0x150: {  	_ =	sdelay $0x1  }
0x151: {  	[sflag:s23] =	ssyncset.done $0x0  }
0x152: {  	[sflag:s23] =	ssyncadd.s32 $0xFFFFD800  }
0x153: {  	_ =	sfence.sel $0x180000  }
0x154: {  	[bflag:$0x0] =	sbarrier.arrive $0xFFFF  }
0x155: {  	_ =	strace $0x9000004D  }
0x156: {  	s0 =	stileid.u32;
	[bflag:$0x2] =	sbarrier.arrive $0xFFFF  }
0x157: {  	p0 =	sne.s32 s0, $0x0;
	s0 =	rddreg [dreg:$0x2]  }
0x158: {  	s0 =	sadd.s32 @!p0 $0x100000, s0  }
0x159: {  	[sflag:s0] =	ssyncadd.tile.s32 @!p0 $0x1;
	_ =	shalt  }
.Lfunc_end2:
_tile_overlayer_lowered:
.L_overlay_start_2:
0x15a: {  	(tag) =	ssettag $0x2  }
0x15b: {  	s0 =	rddreg [dreg:$0x0];
	s2 =	stileid.u32  }
0x15c: {  	s1 =	rddreg [dreg:$0x1];
	p0 =	sne.s32 s2, $0x0  }
0x15d: {  	s3 =	rddreg [dreg:$0x2];
	[bflag:$0x3] =	sbarrier.arrive $0xFFFF;
	s2 =	simm.s32 @!p0 $0x1C0D  }
0x15e: {  	[timem:s3], [sflag:s2] =	dma.local @!p0 [hbm:s0], s1  }
0x15f: {  	s0 =	simm.s32 @!p0 $0xD  }
0x160: {  	_ =	swait.ge @!p0 [sflag:s0], s1  }
0x161: {  	s1 =	ssub.s32 @!p0 $0x0, s1;
	[sflag:s0] =	ssyncset.done @!p0 $0x0  }
0x162: {  	[sflag:s0] =	ssyncadd.s32 @!p0 s1  }
0x163: {  	[bflag:$0x3] =	sbarrier.arrive $0xFFFF  }
0x164: {  	_ =	shalt  }

// kernel: sc_gather_s3.3.cloned.1.call-start
scs
__scs_entry_jumppad:
0x0: {  	(pc) =	sbr.rel $0x88, $3  }
0x1: {  	(tag) =	ssettag $0x0;
	lr =	simm.s32 $0x1  }
0x2: {  	[smem:$0x3F9E] =	sst lr;
	_ =	strace $0xD0000000  }
0x3: {  	_ = 	snop  }
0x4: {  	_ = 	snop  }
0x5: {  	_ = 	snop  }
0x6: {  	_ = 	snop  }
0x7: {  	_ = 	snop  }
__scs_overlays_trampoline_lowered:
0x8: {  	[smem:$0x3FAD] =	sst s0  }
0x9: {  	[smem:$0x3FAE] =	sst s1  }
0xa: {  	[smem:$0x3FAF] =	sst s2  }
0xb: {  	[smem:$0x3FB0] =	sst s3  }
0xc: {  	[smem:$0x3FB1] =	sst s4  }
0xd: {  	[smem:$0x3FB2] =	sst s5  }
0xe: {  	[smem:$0x3FB3] =	sst s6  }
0xf: {  	[smem:$0x3FB4] =	sst s7  }
0x10: {  	[smem:$0x3FB5] =	sst s8  }
0x11: {  	[smem:$0x3FB6] =	sst s9;
	s0 =	simm.s32 @!p0 $0x0  }
0x12: {  	s1 =	sld [smem:$0x3F9C];
	s0 =	simm.s32 @p0 $0x1  }
0x13: {  	[smem:$0x3FB7] =	sst s0;
	s0 =	simm.s32 @!p1 $0x0  }
0x14: {  	s2 =	sld [smem:$0x3F9B];
	s0 =	simm.s32 @p1 $0x1  }
0x15: {  	[smem:$0x3FB8] =	sst s0;
	s0 =	simm.s32 @!p2 $0x0  }
0x16: {  	s3 =	sld [smem:$0x3FDB];
	s0 =	simm.s32 @p2 $0x1  }
0x17: {  	s4 =	simm.s32 $0x1BF5;
	[smem:$0x3FBA] =	sst s0  }
0x18: {  	s0 =	sld [smem:$0x3F9D];
	_ =	swait.ge [sflag:s4], $0x0  }
0x19: {  	s7 =	sld [smem:$0x3F9E]  }
0x1a: {  	s8 =	sadd.s32 $0xFFFFE003, lr  }
0x1b: {  	s9 =	sadd.s32 $0xFFFFFEF7, lr;
	s5 =	simm.s32 $0xFFFFFFFF;
	p2 =	slt.u32 s8, $0xFFFFF086  }
0x1c: {  	p1 =	slt.u32 s9, $0xF7A;
	s5 =	simm.s32 @!p2 $0x0  }
0x1d: {  	s5 =	simm.s32 @p1 $0x1;
	p0 =	seq.s32 s7, s2  }
0x1e: {  	s7 =	smul.u32 @!p0 $0xF7A, s2;
	p2 =	seq.s32 @!p0 s5, $0x0  }
0x1f: {  	s9 =	smul.u32 $0xF7A, s1;
	s8 =	simm.s32 @!p0 $0x1BF5;
	p2 =	por !p2, p0  }
0x20: {  	[sflag:s8] =	ssyncset.s32 @!p0 $0xFFFFF086;
	s6 =	sadd.s32 @!p0 s3, s7;
	s7 =	simm.s32 @!p0 $0x108  }
0x21: {  	s3 =	sadd.s32 s3, s9;
	s6 =	sadd.s32 @!p0 $0x88, s6;
	s7 =	simm.s32 @p2 $0x1082  }
0x22: {  	[simem:s7], [sflag:s8] =	dma.local @!p0 [hbm:s6], $0xF7A  }
0x23: {  	s9 =	sor.u32 $0xD0000000, s2;
	s6 =	simm.s32 $0x108;
	_ =	swait.ge @!p0 [sflag:s8], $0x0  }
0x24: {  	s3 =	sadd.s32 $0x88, s3;
	s6 =	simm.s32 @!p1 $0x1082;
	[sflag:s4] =	ssyncset.s32 $0xFFFFF086  }
0x25: {  	[simem:s6], [sflag:s4] =	dma.local [hbm:s3], $0xF7A  }
0x26: {  	[smem:$0x3F9E] =	sst s1;
	(tag) =	ssettag s2;
	_ =	strace s9  }
0x27: {  	s1 =	sld [smem:$0x3FAE]  }
0x28: {  	s2 =	sld [smem:$0x3FAF]  }
0x29: {  	s4 =	sld [smem:$0x3FB1]  }
0x2a: {  	p0 =	seq.s32 s5, $0x0;
	s5 =	sld [smem:$0x3FB2]  }
0x2b: {  	s6 =	sld [smem:$0x3FB3]  }
0x2c: {  	s7 =	sld [smem:$0x3FB4]  }
0x2d: {  	s3 =	simm.s32 $0x108;
	s8 =	sld [smem:$0x3FB5]  }
0x2e: {  	s3 =	simm.s32 @!p0 $0x1082;
	s9 =	sld [smem:$0x3FB6]  }
0x2f: {  	lr =	sadd.s32 s0, s3;
	s0 =	sld [smem:$0x3FAD]  }
0x30: {  	s3 =	sld [smem:$0x3FB0]  }
0x31: {  	[smem:$0x3FB9] =	sst s10  }
0x32: {  	s10 =	sld [smem:$0x3FB7];
	_ =	sdelay $0x3  }
0x33: {  	p0 =	seq.s32 s10, $0x1;
	s10 =	sld [smem:$0x3FB9];
	_ =	sdelay $0x3  }
0x34: {  	[smem:$0x3FB9] =	sst s10  }
0x35: {  	s10 =	sld [smem:$0x3FB8];
	_ =	sdelay $0x3  }
0x36: {  	p1 =	seq.s32 s10, $0x1;
	s10 =	sld [smem:$0x3FB9];
	_ =	sdelay $0x3  }
0x37: {  	[smem:$0x3FB9] =	sst s10  }
0x38: {  	s10 =	sld [smem:$0x3FBA]  }
0x39: {  	_ = 	snop;
	(pc) =	sbr.ind lr, $3  }
0x3a: {  	_ = 	snop  }
0x3b: {  	_ = 	snop  }
0x3c: {  	p2 =	seq.s32 s10, $0x1;
	s10 =	sld [smem:$0x3FB9]  }
0x3d: {  	_ =	shalt  }
0x3e: {  	_ =	shalt  }
0x3f: {  	_ =	shalt  }
0x40: {  	_ =	shalt  }
0x41: {  	_ =	shalt  }
0x42: {  	_ =	shalt  }
0x43: {  	_ =	shalt  }
0x44: {  	_ =	shalt  }
0x45: {  	_ =	shalt  }
0x46: {  	_ =	shalt  }
0x47: {  	_ =	shalt  }
0x48: {  	_ =	shalt  }
0x49: {  	_ =	shalt  }
0x4a: {  	_ =	shalt  }
0x4b: {  	_ =	shalt  }
0x4c: {  	_ =	shalt  }
0x4d: {  	_ =	shalt  }
0x4e: {  	_ =	shalt  }
0x4f: {  	_ =	shalt  }
0x50: {  	_ =	shalt  }
0x51: {  	_ =	shalt  }
0x52: {  	_ =	shalt  }
0x53: {  	_ =	shalt  }
0x54: {  	_ =	shalt  }
0x55: {  	_ =	shalt  }
0x56: {  	_ =	shalt  }
0x57: {  	_ =	shalt  }
0x58: {  	_ =	shalt  }
0x59: {  	_ =	shalt  }
0x5a: {  	_ =	shalt  }
0x5b: {  	_ =	shalt  }
0x5c: {  	_ =	shalt  }
0x5d: {  	_ =	shalt  }
0x5e: {  	_ =	shalt  }
0x5f: {  	_ =	shalt  }
0x60: {  	_ =	shalt  }
0x61: {  	_ =	shalt  }
0x62: {  	_ =	shalt  }
0x63: {  	_ =	shalt  }
0x64: {  	_ =	shalt  }
0x65: {  	_ =	shalt  }
0x66: {  	_ =	shalt  }
0x67: {  	_ =	shalt  }
0x68: {  	_ =	shalt  }
0x69: {  	_ =	shalt  }
0x6a: {  	_ =	shalt  }
0x6b: {  	_ =	shalt  }
0x6c: {  	_ =	shalt  }
0x6d: {  	_ =	shalt  }
0x6e: {  	_ =	shalt  }
0x6f: {  	_ =	shalt  }
0x70: {  	_ =	shalt  }
0x71: {  	_ =	shalt  }
0x72: {  	_ =	shalt  }
0x73: {  	_ =	shalt  }
0x74: {  	_ =	shalt  }
0x75: {  	_ =	shalt  }
0x76: {  	_ =	shalt  }
0x77: {  	_ =	shalt  }
0x78: {  	_ =	shalt  }
0x79: {  	_ =	shalt  }
0x7a: {  	_ =	shalt  }
0x7b: {  	_ =	shalt  }
0x7c: {  	_ =	shalt  }
0x7d: {  	_ =	shalt  }
0x7e: {  	_ =	shalt  }
0x7f: {  	_ =	shalt  }
0x80: {  	_ =	shalt  }
0x81: {  	_ =	shalt  }
0x82: {  	_ =	shalt  }
0x83: {  	_ =	shalt  }
0x84: {  	_ =	shalt  }
0x85: {  	_ =	shalt  }
0x86: {  	_ =	shalt  }
0x87: {  	_ =	shalt  }
.Lfunc_end0:
.L_simem_size_0:
called_computation.3_lowered:
.L_overlay_start_0:
0x88: {  	s2 =	sld [smem:$0x3FD9]  }
0x89: {  	s3 =	sld [smem:$0x3FFE];
	_ =	sdelay $0x1  }
0x8a: {  	s1 =	srdreg.scid  }
0x8b: {  	s0 =	sand.u32 $0x1, s1  }
0x8c: {  	s17 =	sshll.u32 s0, $0xA;
	s2 =	sadd.s32 s3, s2  }
0x8d: {  	s2 =	sadd.s32 s2, s17  }
0x8e: {  	[smem:$0x3FC5] =	sst s2  }
0x8f: {  	_ = 	snop  }
0x90: {  	s18 =	sld [smem:$0x3FC9];
	(tm) =	ssettm $0x1  }
0x91: {  	s19 =	sld [smem:$0x3FFB];
	_ =	sdelay $0x3  }
0x92: {  	_ =	strace s19  }
0x93: {  	s2 =	sld [smem:$0x3FFC];
	_ =	sdelay $0x3  }
0x94: {  	_ =	strace s2  }
0x95: {  	s2 =	sld [smem:$0x3FFD];
	_ =	sdelay $0x3  }
0x96: {  	_ =	strace s2  }
0x97: {  	_ =	strace $0x8FFFFFFF  }
0x98: {  	s20 =	sld [smem:$0x3FDB];
	_ =	sdelay $0x1  }
0x99: {  	s4 =	simm.s32 $_scs_section_size  }
0x9a: {  	s5 =	simm.s32 $_size__tile_overlayer_lowered;
	s6 =	simm.s32 $_tile_overlayer_lowered  }
0x9b: {  	s7 =	simm.s32 $0x1BFF;
	s21 =	sshll.u32 s6, $0x1;
	s4 =	sadd.s32 s4, s20  }
0x9c: {  	s22 =	simm.s32 $0x0;
	s5 =	sshll.u32 s5, $0x1;
	s6 =	sadd.s32 s21, s4  }
0x9d: {  	[timem:s22], [sflag:s7] =	dma.local [hbm:s6], s5  }
0x9e: {  	_ =	swait.ge [sflag:s7], s5  }
0x9f: {  	s5 =	ssub.s32 $0x0, s5;
	[sflag:s7] =	ssyncset.done $0x0  }
0xa0: {  	[sflag:s7] =	ssyncadd.s32 s5;
	_ =	sdelay $0x1  }
0xa1: {  	s23 =	simm.s32 $0x1B8B  }
0xa2: {  	_ =	swait.ge [sflag:s23], $0x1  }
0xa3: {  	[sflag:s23] =	ssyncset.done $0x0  }
0xa4: {  	[sflag:s23] =	ssyncadd.s32 $0xFFFFFFFF  }
0xa5: {  	s5 =	sld [smem:$0x0]  }
0xa6: {  	s6 =	sand.u32 $0xFFFFFFFE, s1  }
0xa7: {  	p0 =	sne.s32 s1, s6  }
0xa8: {  	s6 =	sshll.u32 @p0 s6, $0xE  }
0xa9: {  	s6 =	sadd.s32 @p0 $0x11B8D, s6;
	s7 =	sshll.u32 @p0 s5, $0x11  }
0xaa: {  	s6 =	sor.u32 @p0 s7, s6  }
0xab: {  	[sflag:s6] =	ssyncadd.remote.s32 @p0 $0x1;
	_ =	sdelay $0x1  }
0xac: {  	s6 =	simm.s32 @p0 $0x1B8D  }
0xad: {  	_ =	swait.eq @p0 [sflag:s6], $0x1  }
0xae: {  	[sflag:s6] =	ssyncadd.s32 @p0 $0xFFFFFFFF  }
0xaf: {  	s7 =	sshll.u32 @!p0 s1, $0xE  }
0xb0: {  	s7 =	sor.u32 @!p0 $0x4000, s7;
	s6 =	simm.s32 @!p0 $0x1B8D  }
0xb1: {  	s5 =	sshll.u32 @!p0 s5, $0x11;
	s7 =	sadd.s32 @!p0 $0x11B8D, s7;
	_ =	swait.eq @!p0 [sflag:s6], $0x1  }
0xb2: {  	s5 =	sor.u32 @!p0 s5, s7;
	[sflag:s6] =	ssyncadd.s32 @!p0 $0xFFFFFFFF  }
0xb3: {  	s25 =	simm.s32 $0x1B8E;
	s24 =	sld [smem:$0x3FFE];
	[sflag:s5] =	ssyncadd.remote.s32 @!p0 $0x1  }
0xb4: {  	s26 =	simm.s32 $execute0_lowered;
	[smem:$0x3FD2] =	sst s25  }
0xb5: {  	s6 =	sshll.u32 s26, $0x1;
	_ =	strace $0x8000004F;
	[dreg:$0x1] =	wrdreg $0xFFFFFFFF  }
0xb6: {  	s28 =	simm.s32 $_size_execute0_lowered;
	s4 =	sadd.s32 s4, s6;
	[dreg:$0x0] =	wrdreg $0x0  }
0xb7: {  	s6 =	sshll.u32 s28, $0x1;
	[dreg:$0x2] =	wrdreg s4  }
0xb8: {  	[dreg:$0x3] =	wrdreg s6  }
0xb9: {  	[dreg:$0x4] =	wrdreg $0xC0  }
0xba: {  	_ =	task [dreg:s22], $0x5FFFF  }
0xbb: {  	[dreg:$0x1] =	wrdreg $0xFFFFFFFF  }
0xbc: {  	[dreg:$0x0] =	wrdreg $0x60  }
0xbd: {  	[dreg:$0x2] =	wrdreg s18  }
0xbe: {  	[dreg:$0x3] =	wrdreg s24  }
0xbf: {  	[dreg:$0x4] =	wrdreg $0xC  }
0xc0: {  	_ =	task.clear_ibuf [dreg:s22], $0x5FFFF;
	_ =	strace $0x9000004F  }
0xc1: {  	s29 =	simm.s32 $0xC;
	_ =	strace $0x80000051  }
0xc2: {  	_ =	swait.ge [sflag:s29], $0x1  }
0xc3: {  	[sflag:s29] =	ssyncadd.s32 $0xFFFFFFFF  }
0xc4: {  	_ =	strace $0x90000051  }
0xc5: {  	_ =	sfence  }
0xc6: {  	s30 =	sld [smem:$0x0];
	_ =	sdelay $0x2  }
0xc7: {  	s31 =	sshll.u32 s1, $0xD;
	s1 =	sshrl.u32 s1, $0x2  }
0xc8: {  	s4 =	sand.u32 $0x4000, s31;
	s1 =	sadd.s32 s1, s30  }
0xc9: {  	s0 =	sor.u32 s4, s0;
	s1 =	sshll.u32 s1, $0x11  }
0xca: {  	s0 =	sor.u32 s1, s0  }
0xcb: {  	s0 =	sadd.s32 $0x8F2B, s0  }
0xcc: {  	[sflag:s0] =	ssyncadd.remote.s32 $0x1  }
0xcd: {  	_ =	sfence.sel $0xFFFF  }
0xce: {  	[dreg:$0x0] =	wrdreg $0xFFFFFFFF;
	(pc) =	sbr.abs _section_cstart, $3  }
0xcf: {  	[dreg:$0x1] =	wrdreg $0xFFFFFFFF  }
0xd0: {  	_ =	task.clear_ibuf [dreg:s22], $0x2FFFF;
	_ =	strace $0x9FFFFFFF  }
0xd1: {  	(tm) =	ssettm $0x7FFFFFFF  }
tec
execute0_lowered:
.L_overlay_start_1:
0x0: {  	(tag) =	ssettag $0x1  }
0x1: {  	s0 =	stileid.u32  }
0x2: {  	s21 =	smul.u32 $0xA0000, s0  }
0x3: {  	s1 =	srdreg.scid;
	s12 =	smul.u32 $0x1400, s0  }
0x4: {  	s5 =	rddreg [dreg:$0x1];
	s4 =	sand.u32 $0x1, s1;
	s20 =	smul.u32 $0x14000, s0  }
0x5: {  	s2 =	rddreg [dreg:$0x0];
	s8 =	sadd.s32 $0x5E0000, s5;
	s3 =	smul.u32 $0x50000, s4  }
0x6: {  	s9 =	sadd.s32 $0xE200, s5;
	s11 =	sadd.s32 $0x4A0000, s5;
	s13 =	smul.u32 $0xA00, s4  }
0x7: {  	s5 =	sadd.s32 $0x4400, s5;
	s16 =	ssub.s32 $0x2, s4;
	s4 =	smul.u32 $0xA000, s4  }
0x8: {  	s18 =	sshrl.u32 s16, $0x1;
	s6 =	sadd.s32 s3, s21;
	s3 =	simm.s32 $0x0  }
0x9: {  	s25 =	sadd.s32 s13, s12;
	s7 =	sor.u32 $0x7800, s6;
	[smem:$0x7FF] =	sst s3  }
0xa: {  	s22 =	sor.u32 $0x5000, s6;
	s12 =	sadd.s32 $0x24EF0, s25;
	s30 =	sadd.s32 $0x24EA0, s25  }
0xb: {  	s13 =	sadd.s32 $0x24E50, s25;
	s19 =	sadd.s32 $0x24E00, s25;
	s25 =	ssub.s32 s16, s18  }
0xc: {  	s16 =	simm.s32 $0xA400;
	s7 =	sshrl.u32 s7, $0x3;
	_ =	strace $0x80000050  }
0xd: {  	s1 =	sshrl.u32 s30, $0x3;
	s30 =	simm.s32 $0x100;
	[dreg:$0x17] =	wrdreg s16  }
0xe: {  	s6 =	sor.u32 $0x2800, s6;
	s10 =	sadd.s32 s7, s8;
	[dreg:$0x14] =	wrdreg s30  }
0xf: {  	s6 =	sshrl.u32 s6, $0x3;
	s7 =	sadd.s32 s7, s11;
	[dreg:$0x3] =	wrdreg s10  }
0x10: {  	s18 =	simm.s32 $0x7;
	s26 =	sadd.s32 s6, s8;
	[dreg:$0x4] =	wrdreg s7  }
0x11: {  	s28 =	sshrl.u32 s12, $0x3;
	s6 =	sadd.s32 s6, s11;
	[dreg:$0x7] =	wrdreg s26  }
0x12: {  	s15 =	sshrl.u32 s13, $0x3;
	s29 =	sadd.s32 s28, s5;
	[dreg:$0x8] =	wrdreg s6  }
0x13: {  	s13 =	simm.s32 $0x4;
	s31 =	sadd.s32 s28, s9;
	[dreg:$0x9] =	wrdreg s29  }
0x14: {  	s16 =	simm.s32 $0x5;
	s12 =	sadd.s32 s1, s5;
	[dreg:$0xa] =	wrdreg s31  }
0x15: {  	s14 =	sadd.s32 s1, s9;
	s17 =	sadd.s32 s15, s5;
	[dreg:$0xb] =	wrdreg s12  }
0x16: {  	s28 =	smax.u32 s25, $0x1;
	s10 =	sshrl.u32 s22, $0x3;
	[dreg:$0xc] =	wrdreg s14  }
0x17: {  	[dreg:$0xd] =	wrdreg s17;
	s7 =	sadd.s32 s15, s9;
	s6 =	sshrl.u32 s19, $0x3  }
0x18: {  	s22 =	sadd.s32 s20, s11;
	[dreg:$0x1a] =	wrdreg s28;
	s29 =	simm.s32 $0x200  }
0x19: {  	s31 =	simm.s32 $0x300;
	s12 =	simm.s32 $0xCC00;
	[dreg:$0xe] =	wrdreg s7  }
0x1a: {  	s15 =	simm.s32 $0x400;
	s14 =	simm.s32 $0x7C00;
	[dreg:$0x13] =	wrdreg s29  }
0x1b: {  	s17 =	simm.s32 $0x5400;
	s19 =	simm.s32 $0xF400;
	[dreg:$0x15] =	wrdreg s31  }
0x1c: {  	s23 =	sadd.s32 s10, s8;
	s24 =	sadd.s32 s10, s11;
	[dreg:$0x16] =	wrdreg s15  }
0x1d: {  	s5 =	sadd.s32 s6, s5;
	s21 =	sadd.s32 s6, s9;
	[dreg:$0x18] =	wrdreg s17  }
0x1e: {  	s6 =	simm.s32 $0x280;
	s7 =	simm.s32 $0x180;
	[dreg:$0x19] =	wrdreg s19  }
0x1f: {  	s9 =	simm.s32 $0x2;
	s10 =	simm.s32 $0x50;
	[dreg:$0x5] =	wrdreg s23  }
0x20: {  	s11 =	simm.s32 $0x2C00;
	s15 =	simm.s32 $0x11C00;
	[dreg:$0x6] =	wrdreg s24  }
0x21: {  	s17 =	simm.s32 $0x6;
	s19 =	simm.s32 $0x8;
	[dreg:$0xf] =	wrdreg s5  }
0x22: {  	[dreg:$0x10] =	wrdreg s21;
	s23 =	sadd.s32 s4, s22;
	s24 =	sadd.s32 s20, s8  }
0x23: {  	s5 =	simm.s32 $0x80;
	s8 =	simm.s32 $0x380;
	s21 =	simm.s32 $0xA  }
0x24: {  	s22 =	simm.s32 $0xB;
	[dreg:$0x11] =	wrdreg s23;
	s26 =	sadd.s32 s4, s24  }
0x25: {  	s23 =	simm.s32 $0xC;
	s24 =	simm.s32 $0x0;
	[dreg:$0x12] =	wrdreg s26  }
.LBB2_1:
0x26: {  	s25 =	rddreg [dreg:$0xa]  }
0x27: {  	s26 =	rddreg [dreg:$0xe]  }
0x28: {  	s28 =	rddreg [dreg:$0x10]  }
0x29: {  	s29 =	rddreg [dreg:$0xb]  }
0x2a: {  	s30 =	rddreg [dreg:$0xf];
	s28 =	sadd.s32 $0x0, s28  }
0x2b: {  	[tilespmem:s3], [sflag:$0x1] =	stream.linear.gather [hbm4b:s28+s3], $0x50, $0x38;
	[tilespmem:$0x14400] =	vst v63  }
0x2c: {  	s31 =	rddreg [dreg:$0x13];
	s28 =	sadd.s32 $0x0, s30  }
0x2d: {  	[tilespmem:s31], [sflag:$0x1] =	stream.linear.gather [hbm4b:s28+s3], $0x50, $0x38;
	[tilespmem:$0x14400] =	vst v63  }
0x2e: {  	s26 =	sadd.s32 $0x0, s26;
	s30 =	rddreg [dreg:$0xd]  }
0x2f: {  	[tilespmem:s5], [sflag:$0x2] =	stream.linear.gather [hbm4b:s26+s3], $0x50, $0x38;
	[tilespmem:$0x14400] =	vst v63  }
0x30: {  	s20 =	sadd.s32 $0x0, s30;
	s28 =	rddreg [dreg:$0xc]  }
0x31: {  	[tilespmem:s6], [sflag:$0x2] =	stream.linear.gather [hbm4b:s20+s3], $0x50, $0x38;
	[tilespmem:$0x14400] =	vst v63  }
0x32: {  	s30 =	rddreg [dreg:$0x14];
	s31 =	sadd.s32 $0x0, s28  }
0x33: {  	[tilespmem:s30], [sflag:$0x3] =	stream.linear.gather [hbm4b:s31+s3], $0x50, $0x38;
	[tilespmem:$0x14400] =	vst v63  }
0x34: {  	s0 =	sadd.s32 $0x0, s29;
	s28 =	rddreg [dreg:$0x15]  }
0x35: {  	[tilespmem:s28], [sflag:$0x3] =	stream.linear.gather [hbm4b:s0+s3], $0x50, $0x38;
	[tilespmem:$0x14400] =	vst v63  }
0x36: {  	p0 =	por $0x1, $0x1;
	s29 =	rddreg [dreg:$0x9];
	s25 =	sadd.s32 $0x0, s25  }
0x37: {  	[tilespmem:s7], [sflag:$0x4] =	stream.linear.gather [hbm4b:s25+s3], $0x50, $0x38;
	[tilespmem:$0x14400] =	vst v63  }
0x38: {  	s1 =	sadd.s32 $0x0, s29;
	s25 =	simm.s32 @p0 $0x1  }
0x39: {  	[tilespmem:s8], [sflag:$0x4] =	stream.linear.gather [hbm4b:s1+s3], $0x50, $0x38;
	[tilespmem:$0x14400] =	vst v63  }
0x3a: {  	_ =	swait.ge @p0 [sflag:s25], $0x50  }
0x3b: {  	[sflag:s25] =	ssyncset.done @p0 $0x0  }
0x3c: {  	[sflag:s25] =	ssyncadd.s32 @p0 $0xFFFFFFB0  }
0x3d: {  	_ =	swait.ge @p0 [sflag:s25], $0x50  }
0x3e: {  	s26 =	simm.s32 @p0 $0x400;
	[sflag:s25] =	ssyncset.done @p0 $0x0  }
0x3f: {  	s28 =	simm.s32 @p0 $0x0;
	[sflag:s25] =	ssyncadd.s32 @p0 $0xFFFFFFB0;
	s25 =	simm.s32 @p0 $0x50  }
0x40: {  	[tilespmem:s26], [sflag:$0x5] =	stream.indirect.gather @p0 [hbm4b:s2+s25], $0x80, s28, s25, $0xb8;
	[tilespmem:$0x14400] =	vst v63  }
0x41: {  	s29 =	simm.s32 @!p0 $0x9;
	s26 =	simm.s32 @p0 $0x200;
	s28 =	simm.s32 @p0 $0xA400  }
0x42: {  	[tilespmem:s28], [sflag:$0x5] =	stream.indirect.gather @p0 [hbm4b:s2+s25], $0x80, s26, s25, $0xb8;
	[tilespmem:$0x14400] =	vst v63  }
0x43: {  	_ =	swait.ge @!p0 [sflag:s29], $0x2800  }
0x44: {  	[sflag:s29] =	ssyncset.done @!p0 $0x0  }
0x45: {  	[sflag:s29] =	ssyncadd.s32 @!p0 $0xFFFFD800  }
0x46: {  	_ =	swait.ge @!p0 [sflag:s29], $0x2800  }
0x47: {  	[sflag:s29] =	ssyncset.done @!p0 $0x0  }
0x48: {  	s26 =	simm.s32 @!p0 $0x1;
	[sflag:s29] =	ssyncadd.s32 @!p0 $0xFFFFD800  }
0x49: {  	_ =	swait.ge @!p0 [sflag:s26], $0x50  }
0x4a: {  	[sflag:s26] =	ssyncset.done @!p0 $0x0  }
0x4b: {  	[sflag:s26] =	ssyncadd.s32 @!p0 $0xFFFFFFB0  }
0x4c: {  	_ =	swait.ge @!p0 [sflag:s26], $0x50  }
0x4d: {  	s28 =	simm.s32 @!p0 $0x400;
	[sflag:s26] =	ssyncset.done @!p0 $0x0  }
0x4e: {  	s29 =	simm.s32 @!p0 $0x0;
	[sflag:s26] =	ssyncadd.s32 @!p0 $0xFFFFFFB0;
	s26 =	simm.s32 @!p0 $0x50  }
0x4f: {  	[tilespmem:s28], [sflag:$0x5] =	stream.indirect.gather @!p0 [hbm4b:s2+s26], $0x80, s29, s26, $0xb8;
	[tilespmem:$0x14400] =	vst v63  }
0x50: {  	s30 =	simm.s32 @!p0 $0xA;
	s28 =	simm.s32 @!p0 $0x200;
	s29 =	simm.s32 @!p0 $0xA400  }
0x51: {  	[tilespmem:s29], [sflag:$0x5] =	stream.indirect.gather @!p0 [hbm4b:s2+s26], $0x80, s28, s26, $0xb8;
	[tilespmem:$0x14400] =	vst v63  }
0x52: {  	_ =	swait.ge @!p0 [sflag:s30], $0x2800  }
0x53: {  	[sflag:s30] =	ssyncset.done @!p0 $0x0  }
0x54: {  	[sflag:s30] =	ssyncadd.s32 @!p0 $0xFFFFD800  }
0x55: {  	_ =	swait.ge @!p0 [sflag:s30], $0x2800  }
0x56: {  	[sflag:s30] =	ssyncset.done @!p0 $0x0  }
0x57: {  	[sflag:s30] =	ssyncadd.s32 @!p0 $0xFFFFD800  }
0x58: {  	_ =	swait.ge [sflag:s9], $0x50  }
0x59: {  	[sflag:s9] =	ssyncset.done $0x0  }
0x5a: {  	[sflag:s9] =	ssyncadd.s32 $0xFFFFFFB0  }
0x5b: {  	_ =	swait.ge [sflag:s9], $0x50  }
0x5c: {  	[sflag:s9] =	ssyncset.done $0x0  }
0x5d: {  	[sflag:s9] =	ssyncadd.s32 $0xFFFFFFB0  }
0x5e: {  	[tilespmem:s11], [sflag:$0x6] =	stream.indirect.gather [hbm4b:s2+s10], $0x80, s5, s10, $0xb8;
	[tilespmem:$0x14400] =	vst v63  }
0x5f: {  	s28 =	simm.s32 @p0 $0x3  }
0x60: {  	[tilespmem:s12], [sflag:$0x6] =	stream.indirect.gather [hbm4b:s2+s10], $0x80, s6, s10, $0xb8;
	[tilespmem:$0x14400] =	vst v63  }
0x61: {  	_ =	swait.ge @p0 [sflag:s28], $0x50  }
0x62: {  	[sflag:s28] =	ssyncset.done @p0 $0x0  }
0x63: {  	[sflag:s28] =	ssyncadd.s32 @p0 $0xFFFFFFB0  }
0x64: {  	_ =	swait.ge @p0 [sflag:s28], $0x50  }
0x65: {  	[sflag:s28] =	ssyncset.done @p0 $0x0  }
0x66: {  	s29 =	simm.s32 @p0 $0x5400;
	[sflag:s28] =	ssyncadd.s32 @p0 $0xFFFFFFB0;
	s28 =	simm.s32 @p0 $0x100  }
0x67: {  	[tilespmem:s29], [sflag:$0x7] =	stream.indirect.gather @p0 [hbm4b:s2+s25], $0x80, s28, s25, $0xb8;
	[tilespmem:$0x14400] =	vst v63  }
0x68: {  	s30 =	simm.s32 @!p0 $0xB;
	s28 =	simm.s32 @p0 $0x300;
	s29 =	simm.s32 @p0 $0xF400  }
0x69: {  	[tilespmem:s29], [sflag:$0x7] =	stream.indirect.gather @p0 [hbm4b:s2+s25], $0x80, s28, s25, $0xb8;
	[tilespmem:$0x14400] =	vst v63  }
0x6a: {  	_ =	swait.ge @!p0 [sflag:s30], $0x2800  }
0x6b: {  	[sflag:s30] =	ssyncset.done @!p0 $0x0  }
0x6c: {  	[sflag:s30] =	ssyncadd.s32 @!p0 $0xFFFFD800  }
0x6d: {  	_ =	swait.ge @!p0 [sflag:s30], $0x2800  }
0x6e: {  	[sflag:s30] =	ssyncset.done @!p0 $0x0  }
0x6f: {  	s25 =	simm.s32 @!p0 $0x3;
	[sflag:s30] =	ssyncadd.s32 @!p0 $0xFFFFD800  }
0x70: {  	_ =	swait.ge @!p0 [sflag:s25], $0x50  }
0x71: {  	[sflag:s25] =	ssyncset.done @!p0 $0x0  }
0x72: {  	[sflag:s25] =	ssyncadd.s32 @!p0 $0xFFFFFFB0  }
0x73: {  	_ =	swait.ge @!p0 [sflag:s25], $0x50  }
0x74: {  	[sflag:s25] =	ssyncset.done @!p0 $0x0  }
0x75: {  	s28 =	simm.s32 @!p0 $0x5400;
	[sflag:s25] =	ssyncadd.s32 @!p0 $0xFFFFFFB0;
	s25 =	simm.s32 @!p0 $0x100  }
0x76: {  	[tilespmem:s28], [sflag:$0x7] =	stream.indirect.gather @!p0 [hbm4b:s2+s26], $0x80, s25, s26, $0xb8;
	[tilespmem:$0x14400] =	vst v63  }
0x77: {  	s29 =	simm.s32 @!p0 $0xC;
	s25 =	simm.s32 @!p0 $0x300;
	s28 =	simm.s32 @!p0 $0xF400  }
0x78: {  	[tilespmem:s28], [sflag:$0x7] =	stream.indirect.gather @!p0 [hbm4b:s2+s26], $0x80, s25, s26, $0xb8;
	[tilespmem:$0x14400] =	vst v63  }
0x79: {  	_ =	swait.ge @!p0 [sflag:s29], $0x2800  }
0x7a: {  	[sflag:s29] =	ssyncset.done @!p0 $0x0  }
0x7b: {  	[sflag:s29] =	ssyncadd.s32 @!p0 $0xFFFFD800  }
0x7c: {  	_ =	swait.ge @!p0 [sflag:s29], $0x2800  }
0x7d: {  	[sflag:s29] =	ssyncset.done @!p0 $0x0  }
0x7e: {  	[sflag:s29] =	ssyncadd.s32 @!p0 $0xFFFFD800  }
0x7f: {  	_ =	swait.ge [sflag:s13], $0x50  }
0x80: {  	[sflag:s13] =	ssyncset.done $0x0  }
0x81: {  	[sflag:s13] =	ssyncadd.s32 $0xFFFFFFB0  }
0x82: {  	_ =	swait.ge [sflag:s13], $0x50  }
0x83: {  	[sflag:s13] =	ssyncset.done $0x0  }
0x84: {  	[sflag:s13] =	ssyncadd.s32 $0xFFFFFFB0  }
0x85: {  	[tilespmem:s14], [sflag:$0x8] =	stream.indirect.gather [hbm4b:s2+s10], $0x80, s7, s10, $0xb8;
	[tilespmem:$0x14400] =	vst v63  }
0x86: {  	_ = 	snop  }
0x87: {  	[tilespmem:s15], [sflag:$0x8] =	stream.indirect.gather [hbm4b:s2+s10], $0x80, s8, s10, $0xb8;
	[tilespmem:$0x14400] =	vst v63  }
0x88: {  	_ =	swait.ge [sflag:s16], $0x2800  }
0x89: {  	[sflag:s16] =	ssyncset.done $0x0  }
0x8a: {  	[sflag:s16] =	ssyncadd.s32 $0xFFFFD800  }
0x8b: {  	_ =	swait.ge [sflag:s16], $0x2800  }
0x8c: {  	s4 =	rddreg [dreg:$0x11]  }
0x8d: {  	s20 =	rddreg [dreg:$0x16];
	[sflag:s16] =	ssyncset.done $0x0  }
0x8e: {  	s28 =	rddreg [dreg:$0x12];
	[sflag:s16] =	ssyncadd.s32 $0xFFFFD800;
	s25 =	sadd.s32 $0x0, s4  }
0x8f: {  	[hbm4b:s25+s3] =	stream.linear.scatter [tilespmem:s20], [sflag:$0x9], $0x2800, $0x38;
	[tilespmem:$0x14400] =	vst v63  }
0x90: {  	s29 =	rddreg [dreg:$0x17];
	s26 =	sadd.s32 $0x0, s28  }
0x91: {  	[hbm4b:s26+s3] =	stream.linear.scatter [tilespmem:s29], [sflag:$0x9], $0x2800, $0x38;
	[tilespmem:$0x14400] =	vst v63  }
0x92: {  	_ =	swait.ge [sflag:s17], $0x2800  }
0x93: {  	[sflag:s17] =	ssyncset.done $0x0  }
0x94: {  	[sflag:s17] =	ssyncadd.s32 $0xFFFFD800  }
0x95: {  	_ =	swait.ge [sflag:s17], $0x2800  }
0x96: {  	s31 =	rddreg [dreg:$0x8];
	[sflag:s17] =	ssyncset.done $0x0  }
0x97: {  	s0 =	rddreg [dreg:$0x7];
	[sflag:s17] =	ssyncadd.s32 $0xFFFFD800;
	s25 =	sadd.s32 $0x0, s31  }
0x98: {  	[hbm4b:s25+s3] =	stream.linear.scatter [tilespmem:s11], [sflag:$0xA], $0x2800, $0x38;
	[tilespmem:$0x14400] =	vst v63  }
0x99: {  	s1 =	sadd.s32 $0x0, s0  }
0x9a: {  	[hbm4b:s1+s3] =	stream.linear.scatter [tilespmem:s12], [sflag:$0xA], $0x2800, $0x38;
	[tilespmem:$0x14400] =	vst v63  }
0x9b: {  	_ =	swait.ge [sflag:s18], $0x2800  }
0x9c: {  	[sflag:s18] =	ssyncset.done $0x0  }
0x9d: {  	[sflag:s18] =	ssyncadd.s32 $0xFFFFD800  }
0x9e: {  	_ =	swait.ge [sflag:s18], $0x2800  }
0x9f: {  	s4 =	rddreg [dreg:$0x6]  }
0xa0: {  	s20 =	rddreg [dreg:$0x18];
	[sflag:s18] =	ssyncset.done $0x0  }
0xa1: {  	s28 =	rddreg [dreg:$0x5];
	[sflag:s18] =	ssyncadd.s32 $0xFFFFD800;
	s25 =	sadd.s32 $0x0, s4  }
0xa2: {  	[hbm4b:s25+s3] =	stream.linear.scatter [tilespmem:s20], [sflag:$0xB], $0x2800, $0x38;
	[tilespmem:$0x14400] =	vst v63  }
0xa3: {  	s29 =	rddreg [dreg:$0x19];
	s31 =	sadd.s32 $0x0, s28  }
0xa4: {  	[hbm4b:s31+s3] =	stream.linear.scatter [tilespmem:s29], [sflag:$0xB], $0x2800, $0x38;
	[tilespmem:$0x14400] =	vst v63  }
0xa5: {  	_ =	swait.ge [sflag:s19], $0x2800  }
0xa6: {  	[sflag:s19] =	ssyncset.done $0x0  }
0xa7: {  	[sflag:s19] =	ssyncadd.s32 $0xFFFFD800  }
0xa8: {  	_ =	swait.ge [sflag:s19], $0x2800  }
0xa9: {  	s26 =	simm.s32 $0x1400;
	s30 =	rddreg [dreg:$0x4]  }
0xaa: {  	s28 =	simm.s32 $0x0;
	s25 =	simm.s32 $0x0;
	s29 =	rddreg [dreg:$0x3]  }
.LBB2_2:
0xab: {  	s31 =	rddreg [dreg:$0xa]  }
0xac: {  	s28 =	sadd.s32 $0x28, s28;
	s0 =	rddreg [dreg:$0xe];
	[sflag:s19] =	ssyncset.done $0x0  }
0xad: {  	s30 =	sadd.s32 s25, s30;
	s4 =	rddreg [dreg:$0x10];
	[sflag:s19] =	ssyncadd.s32 $0xFFFFD800  }
0xae: {  	[hbm4b:s30+s3] =	stream.linear.scatter [tilespmem:s14], [sflag:$0xC], $0x2800, $0x38;
	[tilespmem:$0x14400] =	vst v63  }
0xaf: {  	s1 =	smov.u32 s26;
	s20 =	rddreg [dreg:$0xb];
	s29 =	sadd.s32 s25, s29  }
0xb0: {  	[hbm4b:s29+s3] =	stream.linear.scatter [tilespmem:s15], [sflag:$0xC], $0x2800, $0x38;
	[tilespmem:$0x14400] =	vst v63  }
0xb1: {  	s25 =	smov.u32 s1;
	s1 =	sadd.s32 s28, s4;
	s30 =	rddreg [dreg:$0xf]  }
0xb2: {  	[tilespmem:s3], [sflag:$0x1] =	stream.linear.gather [hbm4b:s1+s3], $0x50, $0x38;
	[tilespmem:$0x14400] =	vst v63  }
0xb3: {  	s4 =	rddreg [dreg:$0x13];
	s1 =	sadd.s32 s28, s30  }
0xb4: {  	[tilespmem:s4], [sflag:$0x1] =	stream.linear.gather [hbm4b:s1+s3], $0x50, $0x38;
	[tilespmem:$0x14400] =	vst v63  }
0xb5: {  	s0 =	sadd.s32 s28, s0;
	s29 =	rddreg [dreg:$0xd]  }
0xb6: {  	[tilespmem:s5], [sflag:$0x2] =	stream.linear.gather [hbm4b:s0+s3], $0x50, $0x38;
	[tilespmem:$0x14400] =	vst v63  }
0xb7: {  	s1 =	rddreg [dreg:$0xc];
	s0 =	sadd.s32 s28, s29  }
0xb8: {  	[tilespmem:s6], [sflag:$0x2] =	stream.linear.gather [hbm4b:s0+s3], $0x50, $0x38;
	[tilespmem:$0x14400] =	vst v63  }
0xb9: {  	s4 =	rddreg [dreg:$0x14];
	s0 =	sadd.s32 s28, s1  }
0xba: {  	[tilespmem:s4], [sflag:$0x3] =	stream.linear.gather [hbm4b:s0+s3], $0x50, $0x38;
	[tilespmem:$0x14400] =	vst v63  }
0xbb: {  	s20 =	sadd.s32 s28, s20;
	s1 =	rddreg [dreg:$0x15]  }
0xbc: {  	[tilespmem:s1], [sflag:$0x3] =	stream.linear.gather [hbm4b:s20+s3], $0x50, $0x38;
	[tilespmem:$0x14400] =	vst v63  }
0xbd: {  	p1 =	seq.s32 s25, $0x0;
	s4 =	rddreg [dreg:$0x9];
	s20 =	sadd.s32 s28, s31  }
0xbe: {  	[tilespmem:s7], [sflag:$0x4] =	stream.linear.gather [hbm4b:s20+s3], $0x50, $0x38;
	[tilespmem:$0x14400] =	vst v63  }
0xbf: {  	s0 =	simm.s32 @p1 $0x1;
	s31 =	sadd.s32 s28, s4  }
0xc0: {  	[tilespmem:s8], [sflag:$0x4] =	stream.linear.gather [hbm4b:s31+s3], $0x50, $0x38;
	[tilespmem:$0x14400] =	vst v63  }
0xc1: {  	_ =	swait.ge @p1 [sflag:s0], $0x50  }
0xc2: {  	[sflag:s0] =	ssyncset.done @p1 $0x0  }
0xc3: {  	[sflag:s0] =	ssyncadd.s32 @p1 $0xFFFFFFB0  }
0xc4: {  	_ =	swait.ge @p1 [sflag:s0], $0x50  }
0xc5: {  	s29 =	simm.s32 @p1 $0x50;
	[sflag:s0] =	ssyncset.done @p1 $0x0  }
0xc6: {  	s1 =	simm.s32 @p1 $0x400;
	[sflag:s0] =	ssyncadd.s32 @p1 $0xFFFFFFB0;
	s0 =	simm.s32 @p1 $0x0  }
0xc7: {  	[tilespmem:s1], [sflag:$0x5] =	stream.indirect.gather @p1 [hbm4b:s2+s29], $0x80, s0, s29, $0xb8;
	[tilespmem:$0x14400] =	vst v63  }
0xc8: {  	s4 =	simm.s32 @!p1 $0x9;
	s0 =	simm.s32 @p1 $0x200;
	s1 =	simm.s32 @p1 $0xA400  }
0xc9: {  	[tilespmem:s1], [sflag:$0x5] =	stream.indirect.gather @p1 [hbm4b:s2+s29], $0x80, s0, s29, $0xb8;
	[tilespmem:$0x14400] =	vst v63  }
0xca: {  	_ =	swait.ge @!p1 [sflag:s4], $0x2800  }
0xcb: {  	[sflag:s4] =	ssyncset.done @!p1 $0x0  }
0xcc: {  	[sflag:s4] =	ssyncadd.s32 @!p1 $0xFFFFD800  }
0xcd: {  	_ =	swait.ge @!p1 [sflag:s4], $0x2800  }
0xce: {  	[sflag:s4] =	ssyncset.done @!p1 $0x0  }
0xcf: {  	s0 =	simm.s32 @!p1 $0x1;
	[sflag:s4] =	ssyncadd.s32 @!p1 $0xFFFFD800  }
0xd0: {  	_ =	swait.ge @!p1 [sflag:s0], $0x50  }
0xd1: {  	[sflag:s0] =	ssyncset.done @!p1 $0x0  }
0xd2: {  	[sflag:s0] =	ssyncadd.s32 @!p1 $0xFFFFFFB0  }
0xd3: {  	_ =	swait.ge @!p1 [sflag:s0], $0x50  }
0xd4: {  	s30 =	simm.s32 @!p1 $0x50;
	[sflag:s0] =	ssyncset.done @!p1 $0x0  }
0xd5: {  	s1 =	simm.s32 @!p1 $0x400;
	[sflag:s0] =	ssyncadd.s32 @!p1 $0xFFFFFFB0;
	s0 =	simm.s32 @!p1 $0x0  }
0xd6: {  	[tilespmem:s1], [sflag:$0x5] =	stream.indirect.gather @!p1 [hbm4b:s2+s30], $0x80, s0, s30, $0xb8;
	[tilespmem:$0x14400] =	vst v63  }
0xd7: {  	s4 =	simm.s32 @!p1 $0xA;
	s0 =	simm.s32 @!p1 $0x200;
	s1 =	simm.s32 @!p1 $0xA400  }
0xd8: {  	[tilespmem:s1], [sflag:$0x5] =	stream.indirect.gather @!p1 [hbm4b:s2+s30], $0x80, s0, s30, $0xb8;
	[tilespmem:$0x14400] =	vst v63  }
0xd9: {  	_ =	swait.ge @!p1 [sflag:s4], $0x2800  }
0xda: {  	[sflag:s4] =	ssyncset.done @!p1 $0x0  }
0xdb: {  	[sflag:s4] =	ssyncadd.s32 @!p1 $0xFFFFD800  }
0xdc: {  	_ =	swait.ge @!p1 [sflag:s4], $0x2800  }
0xdd: {  	[sflag:s4] =	ssyncset.done @!p1 $0x0  }
0xde: {  	[sflag:s4] =	ssyncadd.s32 @!p1 $0xFFFFD800  }
0xdf: {  	_ =	swait.ge [sflag:s9], $0x50  }
0xe0: {  	[sflag:s9] =	ssyncset.done $0x0  }
0xe1: {  	[sflag:s9] =	ssyncadd.s32 $0xFFFFFFB0  }
0xe2: {  	_ =	swait.ge [sflag:s9], $0x50  }
0xe3: {  	[sflag:s9] =	ssyncset.done $0x0  }
0xe4: {  	[sflag:s9] =	ssyncadd.s32 $0xFFFFFFB0  }
0xe5: {  	[tilespmem:s11], [sflag:$0x6] =	stream.indirect.gather [hbm4b:s2+s10], $0x80, s5, s10, $0xb8;
	[tilespmem:$0x14400] =	vst v63  }
0xe6: {  	s0 =	simm.s32 @p1 $0x3  }
0xe7: {  	[tilespmem:s12], [sflag:$0x6] =	stream.indirect.gather [hbm4b:s2+s10], $0x80, s6, s10, $0xb8;
	[tilespmem:$0x14400] =	vst v63  }
0xe8: {  	_ =	swait.ge @p1 [sflag:s0], $0x50  }
0xe9: {  	[sflag:s0] =	ssyncset.done @p1 $0x0  }
0xea: {  	[sflag:s0] =	ssyncadd.s32 @p1 $0xFFFFFFB0  }
0xeb: {  	_ =	swait.ge @p1 [sflag:s0], $0x50  }
0xec: {  	[sflag:s0] =	ssyncset.done @p1 $0x0  }
0xed: {  	s1 =	simm.s32 @p1 $0x5400;
	[sflag:s0] =	ssyncadd.s32 @p1 $0xFFFFFFB0;
	s0 =	simm.s32 @p1 $0x100  }
0xee: {  	[tilespmem:s1], [sflag:$0x7] =	stream.indirect.gather @p1 [hbm4b:s2+s29], $0x80, s0, s29, $0xb8;
	[tilespmem:$0x14400] =	vst v63  }
0xef: {  	s4 =	simm.s32 @!p1 $0xB;
	s0 =	simm.s32 @p1 $0x300;
	s1 =	simm.s32 @p1 $0xF400  }
0xf0: {  	[tilespmem:s1], [sflag:$0x7] =	stream.indirect.gather @p1 [hbm4b:s2+s29], $0x80, s0, s29, $0xb8;
	[tilespmem:$0x14400] =	vst v63  }
0xf1: {  	_ =	swait.ge @!p1 [sflag:s4], $0x2800  }
0xf2: {  	[sflag:s4] =	ssyncset.done @!p1 $0x0  }
0xf3: {  	[sflag:s4] =	ssyncadd.s32 @!p1 $0xFFFFD800  }
0xf4: {  	_ =	swait.ge @!p1 [sflag:s4], $0x2800  }
0xf5: {  	[sflag:s4] =	ssyncset.done @!p1 $0x0  }
0xf6: {  	s0 =	simm.s32 @!p1 $0x3;
	[sflag:s4] =	ssyncadd.s32 @!p1 $0xFFFFD800  }
0xf7: {  	_ =	swait.ge @!p1 [sflag:s0], $0x50  }
0xf8: {  	[sflag:s0] =	ssyncset.done @!p1 $0x0  }
0xf9: {  	[sflag:s0] =	ssyncadd.s32 @!p1 $0xFFFFFFB0  }
0xfa: {  	_ =	swait.ge @!p1 [sflag:s0], $0x50  }
0xfb: {  	[sflag:s0] =	ssyncset.done @!p1 $0x0  }
0xfc: {  	s1 =	simm.s32 @!p1 $0x5400;
	[sflag:s0] =	ssyncadd.s32 @!p1 $0xFFFFFFB0;
	s0 =	simm.s32 @!p1 $0x100  }
0xfd: {  	[tilespmem:s1], [sflag:$0x7] =	stream.indirect.gather @!p1 [hbm4b:s2+s30], $0x80, s0, s30, $0xb8;
	[tilespmem:$0x14400] =	vst v63  }
0xfe: {  	s4 =	simm.s32 @!p1 $0xC;
	s0 =	simm.s32 @!p1 $0x300;
	s1 =	simm.s32 @!p1 $0xF400  }
0xff: {  	[tilespmem:s1], [sflag:$0x7] =	stream.indirect.gather @!p1 [hbm4b:s2+s30], $0x80, s0, s30, $0xb8;
	[tilespmem:$0x14400] =	vst v63  }
0x100: {  	_ =	swait.ge @!p1 [sflag:s4], $0x2800  }
0x101: {  	[sflag:s4] =	ssyncset.done @!p1 $0x0  }
0x102: {  	[sflag:s4] =	ssyncadd.s32 @!p1 $0xFFFFD800  }
0x103: {  	_ =	swait.ge @!p1 [sflag:s4], $0x2800  }
0x104: {  	[sflag:s4] =	ssyncset.done @!p1 $0x0  }
0x105: {  	[sflag:s4] =	ssyncadd.s32 @!p1 $0xFFFFD800  }
0x106: {  	_ =	swait.ge [sflag:s13], $0x50  }
0x107: {  	[sflag:s13] =	ssyncset.done $0x0  }
0x108: {  	[sflag:s13] =	ssyncadd.s32 $0xFFFFFFB0  }
0x109: {  	_ =	swait.ge [sflag:s13], $0x50  }
0x10a: {  	[sflag:s13] =	ssyncset.done $0x0  }
0x10b: {  	[sflag:s13] =	ssyncadd.s32 $0xFFFFFFB0  }
0x10c: {  	[tilespmem:s14], [sflag:$0x8] =	stream.indirect.gather [hbm4b:s2+s10], $0x80, s7, s10, $0xb8;
	[tilespmem:$0x14400] =	vst v63  }
0x10d: {  	_ = 	snop  }
0x10e: {  	[tilespmem:s15], [sflag:$0x8] =	stream.indirect.gather [hbm4b:s2+s10], $0x80, s8, s10, $0xb8;
	[tilespmem:$0x14400] =	vst v63  }
0x10f: {  	_ =	swait.ge [sflag:s16], $0x2800  }
0x110: {  	[sflag:s16] =	ssyncset.done $0x0  }
0x111: {  	[sflag:s16] =	ssyncadd.s32 $0xFFFFD800  }
0x112: {  	_ =	swait.ge [sflag:s16], $0x2800  }
0x113: {  	s1 =	rddreg [dreg:$0x11]  }
0x114: {  	s4 =	rddreg [dreg:$0x16];
	[sflag:s16] =	ssyncset.done $0x0  }
0x115: {  	s20 =	rddreg [dreg:$0x12];
	[sflag:s16] =	ssyncadd.s32 $0xFFFFD800;
	s0 =	sadd.s32 s25, s1  }
0x116: {  	[hbm4b:s0+s3] =	stream.linear.scatter [tilespmem:s4], [sflag:$0x9], $0x2800, $0x38;
	[tilespmem:$0x14400] =	vst v63  }
0x117: {  	s31 =	rddreg [dreg:$0x17];
	s1 =	sadd.s32 s25, s20  }
0x118: {  	[hbm4b:s1+s3] =	stream.linear.scatter [tilespmem:s31], [sflag:$0x9], $0x2800, $0x38;
	[tilespmem:$0x14400] =	vst v63  }
0x119: {  	_ =	swait.ge [sflag:s17], $0x2800  }
0x11a: {  	[sflag:s17] =	ssyncset.done $0x0  }
0x11b: {  	[sflag:s17] =	ssyncadd.s32 $0xFFFFD800  }
0x11c: {  	_ =	swait.ge [sflag:s17], $0x2800  }
0x11d: {  	s4 =	rddreg [dreg:$0x8];
	[sflag:s17] =	ssyncset.done $0x0  }
0x11e: {  	s20 =	rddreg [dreg:$0x7];
	[sflag:s17] =	ssyncadd.s32 $0xFFFFD800;
	s0 =	sadd.s32 s25, s4  }
0x11f: {  	[hbm4b:s0+s3] =	stream.linear.scatter [tilespmem:s11], [sflag:$0xA], $0x2800, $0x38;
	[tilespmem:$0x14400] =	vst v63  }
0x120: {  	s31 =	sadd.s32 s25, s20  }
0x121: {  	[hbm4b:s31+s3] =	stream.linear.scatter [tilespmem:s12], [sflag:$0xA], $0x2800, $0x38;
	[tilespmem:$0x14400] =	vst v63  }
0x122: {  	_ =	swait.ge [sflag:s18], $0x2800  }
0x123: {  	[sflag:s18] =	ssyncset.done $0x0  }
0x124: {  	[sflag:s18] =	ssyncadd.s32 $0xFFFFD800  }
0x125: {  	_ =	swait.ge [sflag:s18], $0x2800  }
0x126: {  	s1 =	rddreg [dreg:$0x6]  }
0x127: {  	s4 =	rddreg [dreg:$0x18];
	[sflag:s18] =	ssyncset.done $0x0  }
0x128: {  	s31 =	rddreg [dreg:$0x5];
	[sflag:s18] =	ssyncadd.s32 $0xFFFFD800;
	s0 =	sadd.s32 s25, s1  }
0x129: {  	[hbm4b:s0+s3] =	stream.linear.scatter [tilespmem:s4], [sflag:$0xB], $0x2800, $0x38;
	[tilespmem:$0x14400] =	vst v63  }
0x12a: {  	s26 =	sadd.s32 $0x1400, s26;
	s20 =	rddreg [dreg:$0x19];
	s31 =	sadd.s32 s25, s31  }
0x12b: {  	[hbm4b:s31+s3] =	stream.linear.scatter [tilespmem:s20], [sflag:$0xB], $0x2800, $0x38;
	[tilespmem:$0x14400] =	vst v63  }
0x12c: {  	p0 =	sne.s32 s26, $0xA000;
	_ =	swait.ge [sflag:s19], $0x2800  }
.Ltmp0:
0x12d: {  	[sflag:s19] =	ssyncset.done $0x0;
	(pc) =	sbr.rel @p0 .LBB2_2-.Ltmp0, $4  }
0x12e: {  	[sflag:s19] =	ssyncadd.s32 $0xFFFFD800  }
0x12f: {  	_ =	swait.ge [sflag:s19], $0x2800  }
0x130: {  	s30 =	rddreg [dreg:$0x4]  }
0x131: {  	s29 =	rddreg [dreg:$0x3]  }
0x132: {  	[sflag:s19] =	ssyncset.done $0x0  }
0x133: {  	s0 =	sadd.s32 s25, s30;
	[sflag:s19] =	ssyncadd.s32 $0xFFFFD800  }
0x134: {  	[hbm4b:s0+s3] =	stream.linear.scatter [tilespmem:s14], [sflag:$0xC], $0x2800, $0x38;
	[tilespmem:$0x14400] =	vst v63  }
0x135: {  	s29 =	sadd.s32 s25, s29;
	s30 =	simm.s32 $0x9  }
0x136: {  	[hbm4b:s29+s3] =	stream.linear.scatter [tilespmem:s15], [sflag:$0xC], $0x2800, $0x38;
	[tilespmem:$0x14400] =	vst v63  }
0x137: {  	_ =	swait.ge [sflag:s30], $0x2800  }
0x138: {  	[sflag:s30] =	ssyncset.done $0x0  }
0x139: {  	[sflag:s30] =	ssyncadd.s32 $0xFFFFD800  }
0x13a: {  	_ =	swait.ge [sflag:s30], $0x2800  }
0x13b: {  	[sflag:s30] =	ssyncset.done $0x0  }
0x13c: {  	[sflag:s30] =	ssyncadd.s32 $0xFFFFD800  }
0x13d: {  	_ =	swait.ge [sflag:s21], $0x2800  }
0x13e: {  	[sflag:s21] =	ssyncset.done $0x0  }
0x13f: {  	[sflag:s21] =	ssyncadd.s32 $0xFFFFD800  }
0x140: {  	_ =	swait.ge [sflag:s21], $0x2800  }
0x141: {  	[sflag:s21] =	ssyncset.done $0x0  }
0x142: {  	[sflag:s21] =	ssyncadd.s32 $0xFFFFD800  }
0x143: {  	_ =	swait.ge [sflag:s22], $0x2800  }
0x144: {  	[sflag:s22] =	ssyncset.done $0x0  }
0x145: {  	[sflag:s22] =	ssyncadd.s32 $0xFFFFD800  }
0x146: {  	_ =	swait.ge [sflag:s22], $0x2800  }
0x147: {  	[sflag:s22] =	ssyncset.done $0x0  }
0x148: {  	[sflag:s22] =	ssyncadd.s32 $0xFFFFD800  }
0x149: {  	_ =	swait.ge [sflag:s23], $0x2800  }
0x14a: {  	[sflag:s23] =	ssyncset.done $0x0  }
0x14b: {  	[sflag:s23] =	ssyncadd.s32 $0xFFFFD800  }
0x14c: {  	_ =	swait.ge [sflag:s23], $0x2800  }
0x14d: {  	s24 =	sadd.s32 $0x1, s24;
	s31 =	rddreg [dreg:$0x1a]  }
0x14e: {  	p0 =	sne.s32 s24, s31  }
.Ltmp1:
0x14f: {  	_ = 	snop;
	(pc) =	sbr.rel @p0 .LBB2_1-.Ltmp1, $3  }
0x150: {  	_ =	sdelay $0x1  }
0x151: {  	[sflag:s23] =	ssyncset.done $0x0  }
0x152: {  	[sflag:s23] =	ssyncadd.s32 $0xFFFFD800  }
0x153: {  	_ =	sfence.sel $0x180000  }
0x154: {  	[bflag:$0x0] =	sbarrier.arrive $0xFFFF  }
0x155: {  	_ =	strace $0x90000050  }
0x156: {  	s0 =	stileid.u32;
	[bflag:$0x2] =	sbarrier.arrive $0xFFFF  }
0x157: {  	p0 =	sne.s32 s0, $0x0;
	s0 =	rddreg [dreg:$0x2]  }
0x158: {  	s0 =	sadd.s32 @!p0 $0x100000, s0  }
0x159: {  	[sflag:s0] =	ssyncadd.tile.s32 @!p0 $0x1;
	_ =	shalt  }
.Lfunc_end2:
_tile_overlayer_lowered:
.L_overlay_start_2:
0x15a: {  	(tag) =	ssettag $0x2  }
0x15b: {  	s0 =	rddreg [dreg:$0x0];
	s2 =	stileid.u32  }
0x15c: {  	s1 =	rddreg [dreg:$0x1];
	p0 =	sne.s32 s2, $0x0  }
0x15d: {  	s3 =	rddreg [dreg:$0x2];
	[bflag:$0x3] =	sbarrier.arrive $0xFFFF;
	s2 =	simm.s32 @!p0 $0x1C0D  }
0x15e: {  	[timem:s3], [sflag:s2] =	dma.local @!p0 [hbm:s0], s1  }
0x15f: {  	s0 =	simm.s32 @!p0 $0xD  }
0x160: {  	_ =	swait.ge @!p0 [sflag:s0], s1  }
0x161: {  	s1 =	ssub.s32 @!p0 $0x0, s1;
	[sflag:s0] =	ssyncset.done @!p0 $0x0  }
0x162: {  	[sflag:s0] =	ssyncadd.s32 @!p0 s1  }
0x163: {  	[bflag:$0x3] =	sbarrier.arrive $0xFFFF  }
0x164: {  	_ =	shalt  }

// kernel: sc_gather_s4.3.cloned.1.call-start
scs
__scs_entry_jumppad:
0x0: {  	(pc) =	sbr.rel $0x88, $3  }
0x1: {  	(tag) =	ssettag $0x0;
	lr =	simm.s32 $0x1  }
0x2: {  	[smem:$0x3F9E] =	sst lr;
	_ =	strace $0xD0000000  }
0x3: {  	_ = 	snop  }
0x4: {  	_ = 	snop  }
0x5: {  	_ = 	snop  }
0x6: {  	_ = 	snop  }
0x7: {  	_ = 	snop  }
__scs_overlays_trampoline_lowered:
0x8: {  	[smem:$0x3FAD] =	sst s0  }
0x9: {  	[smem:$0x3FAE] =	sst s1  }
0xa: {  	[smem:$0x3FAF] =	sst s2  }
0xb: {  	[smem:$0x3FB0] =	sst s3  }
0xc: {  	[smem:$0x3FB1] =	sst s4  }
0xd: {  	[smem:$0x3FB2] =	sst s5  }
0xe: {  	[smem:$0x3FB3] =	sst s6  }
0xf: {  	[smem:$0x3FB4] =	sst s7  }
0x10: {  	[smem:$0x3FB5] =	sst s8  }
0x11: {  	[smem:$0x3FB6] =	sst s9;
	s0 =	simm.s32 @!p0 $0x0  }
0x12: {  	s1 =	sld [smem:$0x3F9C];
	s0 =	simm.s32 @p0 $0x1  }
0x13: {  	[smem:$0x3FB7] =	sst s0;
	s0 =	simm.s32 @!p1 $0x0  }
0x14: {  	s2 =	sld [smem:$0x3F9B];
	s0 =	simm.s32 @p1 $0x1  }
0x15: {  	[smem:$0x3FB8] =	sst s0;
	s0 =	simm.s32 @!p2 $0x0  }
0x16: {  	s3 =	sld [smem:$0x3FDB];
	s0 =	simm.s32 @p2 $0x1  }
0x17: {  	s4 =	simm.s32 $0x1BF5;
	[smem:$0x3FBA] =	sst s0  }
0x18: {  	s0 =	sld [smem:$0x3F9D];
	_ =	swait.ge [sflag:s4], $0x0  }
0x19: {  	s7 =	sld [smem:$0x3F9E]  }
0x1a: {  	s8 =	sadd.s32 $0xFFFFE003, lr  }
0x1b: {  	s9 =	sadd.s32 $0xFFFFFEF7, lr;
	s5 =	simm.s32 $0xFFFFFFFF;
	p2 =	slt.u32 s8, $0xFFFFF086  }
0x1c: {  	p1 =	slt.u32 s9, $0xF7A;
	s5 =	simm.s32 @!p2 $0x0  }
0x1d: {  	s5 =	simm.s32 @p1 $0x1;
	p0 =	seq.s32 s7, s2  }
0x1e: {  	s7 =	smul.u32 @!p0 $0xF7A, s2;
	p2 =	seq.s32 @!p0 s5, $0x0  }
0x1f: {  	s9 =	smul.u32 $0xF7A, s1;
	s8 =	simm.s32 @!p0 $0x1BF5;
	p2 =	por !p2, p0  }
0x20: {  	[sflag:s8] =	ssyncset.s32 @!p0 $0xFFFFF086;
	s6 =	sadd.s32 @!p0 s3, s7;
	s7 =	simm.s32 @!p0 $0x108  }
0x21: {  	s3 =	sadd.s32 s3, s9;
	s6 =	sadd.s32 @!p0 $0x88, s6;
	s7 =	simm.s32 @p2 $0x1082  }
0x22: {  	[simem:s7], [sflag:s8] =	dma.local @!p0 [hbm:s6], $0xF7A  }
0x23: {  	s9 =	sor.u32 $0xD0000000, s2;
	s6 =	simm.s32 $0x108;
	_ =	swait.ge @!p0 [sflag:s8], $0x0  }
0x24: {  	s3 =	sadd.s32 $0x88, s3;
	s6 =	simm.s32 @!p1 $0x1082;
	[sflag:s4] =	ssyncset.s32 $0xFFFFF086  }
0x25: {  	[simem:s6], [sflag:s4] =	dma.local [hbm:s3], $0xF7A  }
0x26: {  	[smem:$0x3F9E] =	sst s1;
	(tag) =	ssettag s2;
	_ =	strace s9  }
0x27: {  	s1 =	sld [smem:$0x3FAE]  }
0x28: {  	s2 =	sld [smem:$0x3FAF]  }
0x29: {  	s4 =	sld [smem:$0x3FB1]  }
0x2a: {  	p0 =	seq.s32 s5, $0x0;
	s5 =	sld [smem:$0x3FB2]  }
0x2b: {  	s6 =	sld [smem:$0x3FB3]  }
0x2c: {  	s7 =	sld [smem:$0x3FB4]  }
0x2d: {  	s3 =	simm.s32 $0x108;
	s8 =	sld [smem:$0x3FB5]  }
0x2e: {  	s3 =	simm.s32 @!p0 $0x1082;
	s9 =	sld [smem:$0x3FB6]  }
0x2f: {  	lr =	sadd.s32 s0, s3;
	s0 =	sld [smem:$0x3FAD]  }
0x30: {  	s3 =	sld [smem:$0x3FB0]  }
0x31: {  	[smem:$0x3FB9] =	sst s10  }
0x32: {  	s10 =	sld [smem:$0x3FB7];
	_ =	sdelay $0x3  }
0x33: {  	p0 =	seq.s32 s10, $0x1;
	s10 =	sld [smem:$0x3FB9];
	_ =	sdelay $0x3  }
0x34: {  	[smem:$0x3FB9] =	sst s10  }
0x35: {  	s10 =	sld [smem:$0x3FB8];
	_ =	sdelay $0x3  }
0x36: {  	p1 =	seq.s32 s10, $0x1;
	s10 =	sld [smem:$0x3FB9];
	_ =	sdelay $0x3  }
0x37: {  	[smem:$0x3FB9] =	sst s10  }
0x38: {  	s10 =	sld [smem:$0x3FBA]  }
0x39: {  	_ = 	snop;
	(pc) =	sbr.ind lr, $3  }
0x3a: {  	_ = 	snop  }
0x3b: {  	_ = 	snop  }
0x3c: {  	p2 =	seq.s32 s10, $0x1;
	s10 =	sld [smem:$0x3FB9]  }
0x3d: {  	_ =	shalt  }
0x3e: {  	_ =	shalt  }
0x3f: {  	_ =	shalt  }
0x40: {  	_ =	shalt  }
0x41: {  	_ =	shalt  }
0x42: {  	_ =	shalt  }
0x43: {  	_ =	shalt  }
0x44: {  	_ =	shalt  }
0x45: {  	_ =	shalt  }
0x46: {  	_ =	shalt  }
0x47: {  	_ =	shalt  }
0x48: {  	_ =	shalt  }
0x49: {  	_ =	shalt  }
0x4a: {  	_ =	shalt  }
0x4b: {  	_ =	shalt  }
0x4c: {  	_ =	shalt  }
0x4d: {  	_ =	shalt  }
0x4e: {  	_ =	shalt  }
0x4f: {  	_ =	shalt  }
0x50: {  	_ =	shalt  }
0x51: {  	_ =	shalt  }
0x52: {  	_ =	shalt  }
0x53: {  	_ =	shalt  }
0x54: {  	_ =	shalt  }
0x55: {  	_ =	shalt  }
0x56: {  	_ =	shalt  }
0x57: {  	_ =	shalt  }
0x58: {  	_ =	shalt  }
0x59: {  	_ =	shalt  }
0x5a: {  	_ =	shalt  }
0x5b: {  	_ =	shalt  }
0x5c: {  	_ =	shalt  }
0x5d: {  	_ =	shalt  }
0x5e: {  	_ =	shalt  }
0x5f: {  	_ =	shalt  }
0x60: {  	_ =	shalt  }
0x61: {  	_ =	shalt  }
0x62: {  	_ =	shalt  }
0x63: {  	_ =	shalt  }
0x64: {  	_ =	shalt  }
0x65: {  	_ =	shalt  }
0x66: {  	_ =	shalt  }
0x67: {  	_ =	shalt  }
0x68: {  	_ =	shalt  }
0x69: {  	_ =	shalt  }
0x6a: {  	_ =	shalt  }
0x6b: {  	_ =	shalt  }
0x6c: {  	_ =	shalt  }
0x6d: {  	_ =	shalt  }
0x6e: {  	_ =	shalt  }
0x6f: {  	_ =	shalt  }
0x70: {  	_ =	shalt  }
0x71: {  	_ =	shalt  }
0x72: {  	_ =	shalt  }
0x73: {  	_ =	shalt  }
0x74: {  	_ =	shalt  }
0x75: {  	_ =	shalt  }
0x76: {  	_ =	shalt  }
0x77: {  	_ =	shalt  }
0x78: {  	_ =	shalt  }
0x79: {  	_ =	shalt  }
0x7a: {  	_ =	shalt  }
0x7b: {  	_ =	shalt  }
0x7c: {  	_ =	shalt  }
0x7d: {  	_ =	shalt  }
0x7e: {  	_ =	shalt  }
0x7f: {  	_ =	shalt  }
0x80: {  	_ =	shalt  }
0x81: {  	_ =	shalt  }
0x82: {  	_ =	shalt  }
0x83: {  	_ =	shalt  }
0x84: {  	_ =	shalt  }
0x85: {  	_ =	shalt  }
0x86: {  	_ =	shalt  }
0x87: {  	_ =	shalt  }
.Lfunc_end0:
.L_simem_size_0:
called_computation.4_lowered:
.L_overlay_start_0:
0x88: {  	s2 =	sld [smem:$0x3FD9]  }
0x89: {  	s3 =	sld [smem:$0x3FFE];
	_ =	sdelay $0x1  }
0x8a: {  	s1 =	srdreg.scid  }
0x8b: {  	s0 =	sand.u32 $0x1, s1  }
0x8c: {  	s17 =	sshll.u32 s0, $0xA;
	s2 =	sadd.s32 s3, s2  }
0x8d: {  	s2 =	sadd.s32 s2, s17  }
0x8e: {  	[smem:$0x3FC5] =	sst s2  }
0x8f: {  	_ = 	snop  }
0x90: {  	s18 =	sld [smem:$0x3FC9];
	(tm) =	ssettm $0x1  }
0x91: {  	s19 =	sld [smem:$0x3FFB];
	_ =	sdelay $0x3  }
0x92: {  	_ =	strace s19  }
0x93: {  	s2 =	sld [smem:$0x3FFC];
	_ =	sdelay $0x3  }
0x94: {  	_ =	strace s2  }
0x95: {  	s2 =	sld [smem:$0x3FFD];
	_ =	sdelay $0x3  }
0x96: {  	_ =	strace s2  }
0x97: {  	_ =	strace $0x8FFFFFFF  }
0x98: {  	s20 =	sld [smem:$0x3FDB];
	_ =	sdelay $0x1  }
0x99: {  	s4 =	simm.s32 $_scs_section_size  }
0x9a: {  	s5 =	simm.s32 $_size__tile_overlayer_lowered;
	s6 =	simm.s32 $_tile_overlayer_lowered  }
0x9b: {  	s7 =	simm.s32 $0x1BFF;
	s21 =	sshll.u32 s6, $0x1;
	s4 =	sadd.s32 s4, s20  }
0x9c: {  	s22 =	simm.s32 $0x0;
	s5 =	sshll.u32 s5, $0x1;
	s6 =	sadd.s32 s21, s4  }
0x9d: {  	[timem:s22], [sflag:s7] =	dma.local [hbm:s6], s5  }
0x9e: {  	_ =	swait.ge [sflag:s7], s5  }
0x9f: {  	s5 =	ssub.s32 $0x0, s5;
	[sflag:s7] =	ssyncset.done $0x0  }
0xa0: {  	[sflag:s7] =	ssyncadd.s32 s5;
	_ =	sdelay $0x1  }
0xa1: {  	s23 =	simm.s32 $0x1B8B  }
0xa2: {  	_ =	swait.ge [sflag:s23], $0x1  }
0xa3: {  	[sflag:s23] =	ssyncset.done $0x0  }
0xa4: {  	[sflag:s23] =	ssyncadd.s32 $0xFFFFFFFF  }
0xa5: {  	s5 =	sld [smem:$0x0]  }
0xa6: {  	s6 =	sand.u32 $0xFFFFFFFE, s1  }
0xa7: {  	p0 =	sne.s32 s1, s6  }
0xa8: {  	s6 =	sshll.u32 @p0 s6, $0xE  }
0xa9: {  	s6 =	sadd.s32 @p0 $0x11B8D, s6;
	s7 =	sshll.u32 @p0 s5, $0x11  }
0xaa: {  	s6 =	sor.u32 @p0 s7, s6  }
0xab: {  	[sflag:s6] =	ssyncadd.remote.s32 @p0 $0x1;
	_ =	sdelay $0x1  }
0xac: {  	s6 =	simm.s32 @p0 $0x1B8D  }
0xad: {  	_ =	swait.eq @p0 [sflag:s6], $0x1  }
0xae: {  	[sflag:s6] =	ssyncadd.s32 @p0 $0xFFFFFFFF  }
0xaf: {  	s7 =	sshll.u32 @!p0 s1, $0xE  }
0xb0: {  	s7 =	sor.u32 @!p0 $0x4000, s7;
	s6 =	simm.s32 @!p0 $0x1B8D  }
0xb1: {  	s5 =	sshll.u32 @!p0 s5, $0x11;
	s7 =	sadd.s32 @!p0 $0x11B8D, s7;
	_ =	swait.eq @!p0 [sflag:s6], $0x1  }
0xb2: {  	s5 =	sor.u32 @!p0 s5, s7;
	[sflag:s6] =	ssyncadd.s32 @!p0 $0xFFFFFFFF  }
0xb3: {  	s25 =	simm.s32 $0x1B8E;
	s24 =	sld [smem:$0x3FFE];
	[sflag:s5] =	ssyncadd.remote.s32 @!p0 $0x1  }
0xb4: {  	s26 =	simm.s32 $execute0_lowered;
	[smem:$0x3FD2] =	sst s25  }
0xb5: {  	s6 =	sshll.u32 s26, $0x1;
	_ =	strace $0x80000052;
	[dreg:$0x1] =	wrdreg $0xFFFFFFFF  }
0xb6: {  	s28 =	simm.s32 $_size_execute0_lowered;
	s4 =	sadd.s32 s4, s6;
	[dreg:$0x0] =	wrdreg $0x0  }
0xb7: {  	s6 =	sshll.u32 s28, $0x1;
	[dreg:$0x2] =	wrdreg s4  }
0xb8: {  	[dreg:$0x3] =	wrdreg s6  }
0xb9: {  	[dreg:$0x4] =	wrdreg $0xC0  }
0xba: {  	_ =	task [dreg:s22], $0x5FFFF  }
0xbb: {  	[dreg:$0x1] =	wrdreg $0xFFFFFFFF  }
0xbc: {  	[dreg:$0x0] =	wrdreg $0x60  }
0xbd: {  	[dreg:$0x2] =	wrdreg s18  }
0xbe: {  	[dreg:$0x3] =	wrdreg s24  }
0xbf: {  	[dreg:$0x4] =	wrdreg $0xD  }
0xc0: {  	_ =	task.clear_ibuf [dreg:s22], $0x5FFFF;
	_ =	strace $0x90000052  }
0xc1: {  	s29 =	simm.s32 $0xD;
	_ =	strace $0x80000054  }
0xc2: {  	_ =	swait.ge [sflag:s29], $0x1  }
0xc3: {  	[sflag:s29] =	ssyncadd.s32 $0xFFFFFFFF  }
0xc4: {  	_ =	strace $0x90000054  }
0xc5: {  	_ =	sfence  }
0xc6: {  	s30 =	sld [smem:$0x0];
	_ =	sdelay $0x2  }
0xc7: {  	s31 =	sshll.u32 s1, $0xD;
	s1 =	sshrl.u32 s1, $0x2  }
0xc8: {  	s4 =	sand.u32 $0x4000, s31;
	s1 =	sadd.s32 s1, s30  }
0xc9: {  	s0 =	sor.u32 s4, s0;
	s1 =	sshll.u32 s1, $0x11  }
0xca: {  	s0 =	sor.u32 s1, s0  }
0xcb: {  	s0 =	sadd.s32 $0x8F2B, s0  }
0xcc: {  	[sflag:s0] =	ssyncadd.remote.s32 $0x1  }
0xcd: {  	_ =	sfence.sel $0xFFFF  }
0xce: {  	[dreg:$0x0] =	wrdreg $0xFFFFFFFF;
	(pc) =	sbr.abs _section_cstart, $3  }
0xcf: {  	[dreg:$0x1] =	wrdreg $0xFFFFFFFF  }
0xd0: {  	_ =	task.clear_ibuf [dreg:s22], $0x2FFFF;
	_ =	strace $0x9FFFFFFF  }
0xd1: {  	(tm) =	ssettm $0x7FFFFFFF  }
tec
execute0_lowered:
.L_overlay_start_1:
0x0: {  	(tag) =	ssettag $0x1  }
0x1: {  	s0 =	stileid.u32  }
0x2: {  	s21 =	smul.u32 $0xA0000, s0  }
0x3: {  	s1 =	srdreg.scid;
	s12 =	smul.u32 $0x1400, s0  }
0x4: {  	s5 =	rddreg [dreg:$0x1];
	s4 =	sand.u32 $0x1, s1;
	s20 =	smul.u32 $0x14000, s0  }
0x5: {  	s2 =	rddreg [dreg:$0x0];
	s8 =	sadd.s32 $0x860000, s5;
	s3 =	smul.u32 $0x50000, s4  }
0x6: {  	s9 =	sadd.s32 $0xE200, s5;
	s11 =	sadd.s32 $0x720000, s5;
	s13 =	smul.u32 $0xA00, s4  }
0x7: {  	s5 =	sadd.s32 $0x4400, s5;
	s16 =	ssub.s32 $0x2, s4;
	s4 =	smul.u32 $0xA000, s4  }
0x8: {  	s18 =	sshrl.u32 s16, $0x1;
	s6 =	sadd.s32 s3, s21;
	s3 =	simm.s32 $0x0  }
0x9: {  	s25 =	sadd.s32 s13, s12;
	s7 =	sor.u32 $0x7800, s6;
	[smem:$0x7FF] =	sst s3  }
0xa: {  	s22 =	sor.u32 $0x5000, s6;
	s12 =	sadd.s32 $0x38EF0, s25;
	s30 =	sadd.s32 $0x38EA0, s25  }
0xb: {  	s13 =	sadd.s32 $0x38E50, s25;
	s19 =	sadd.s32 $0x38E00, s25;
	s25 =	ssub.s32 s16, s18  }
0xc: {  	s16 =	simm.s32 $0xA400;
	s7 =	sshrl.u32 s7, $0x3;
	_ =	strace $0x80000053  }
0xd: {  	s1 =	sshrl.u32 s30, $0x3;
	s30 =	simm.s32 $0x100;
	[dreg:$0x17] =	wrdreg s16  }
0xe: {  	s6 =	sor.u32 $0x2800, s6;
	s10 =	sadd.s32 s7, s8;
	[dreg:$0x14] =	wrdreg s30  }
0xf: {  	s6 =	sshrl.u32 s6, $0x3;
	s7 =	sadd.s32 s7, s11;
	[dreg:$0x3] =	wrdreg s10  }
0x10: {  	s18 =	simm.s32 $0x7;
	s26 =	sadd.s32 s6, s8;
	[dreg:$0x4] =	wrdreg s7  }
0x11: {  	s28 =	sshrl.u32 s12, $0x3;
	s6 =	sadd.s32 s6, s11;
	[dreg:$0x7] =	wrdreg s26  }
0x12: {  	s15 =	sshrl.u32 s13, $0x3;
	s29 =	sadd.s32 s28, s5;
	[dreg:$0x8] =	wrdreg s6  }
0x13: {  	s13 =	simm.s32 $0x4;
	s31 =	sadd.s32 s28, s9;
	[dreg:$0x9] =	wrdreg s29  }
0x14: {  	s16 =	simm.s32 $0x5;
	s12 =	sadd.s32 s1, s5;
	[dreg:$0xa] =	wrdreg s31  }
0x15: {  	s14 =	sadd.s32 s1, s9;
	s17 =	sadd.s32 s15, s5;
	[dreg:$0xb] =	wrdreg s12  }
0x16: {  	s28 =	smax.u32 s25, $0x1;
	s10 =	sshrl.u32 s22, $0x3;
	[dreg:$0xc] =	wrdreg s14  }
0x17: {  	[dreg:$0xd] =	wrdreg s17;
	s7 =	sadd.s32 s15, s9;
	s6 =	sshrl.u32 s19, $0x3  }
0x18: {  	s22 =	sadd.s32 s20, s11;
	[dreg:$0x1a] =	wrdreg s28;
	s29 =	simm.s32 $0x200  }
0x19: {  	s31 =	simm.s32 $0x300;
	s12 =	simm.s32 $0xCC00;
	[dreg:$0xe] =	wrdreg s7  }
0x1a: {  	s15 =	simm.s32 $0x400;
	s14 =	simm.s32 $0x7C00;
	[dreg:$0x13] =	wrdreg s29  }
0x1b: {  	s17 =	simm.s32 $0x5400;
	s19 =	simm.s32 $0xF400;
	[dreg:$0x15] =	wrdreg s31  }
0x1c: {  	s23 =	sadd.s32 s10, s8;
	s24 =	sadd.s32 s10, s11;
	[dreg:$0x16] =	wrdreg s15  }
0x1d: {  	s5 =	sadd.s32 s6, s5;
	s21 =	sadd.s32 s6, s9;
	[dreg:$0x18] =	wrdreg s17  }
0x1e: {  	s6 =	simm.s32 $0x280;
	s7 =	simm.s32 $0x180;
	[dreg:$0x19] =	wrdreg s19  }
0x1f: {  	s9 =	simm.s32 $0x2;
	s10 =	simm.s32 $0x50;
	[dreg:$0x5] =	wrdreg s23  }
0x20: {  	s11 =	simm.s32 $0x2C00;
	s15 =	simm.s32 $0x11C00;
	[dreg:$0x6] =	wrdreg s24  }
0x21: {  	s17 =	simm.s32 $0x6;
	s19 =	simm.s32 $0x8;
	[dreg:$0xf] =	wrdreg s5  }
0x22: {  	[dreg:$0x10] =	wrdreg s21;
	s23 =	sadd.s32 s4, s22;
	s24 =	sadd.s32 s20, s8  }
0x23: {  	s5 =	simm.s32 $0x80;
	s8 =	simm.s32 $0x380;
	s21 =	simm.s32 $0xA  }
0x24: {  	s22 =	simm.s32 $0xB;
	[dreg:$0x11] =	wrdreg s23;
	s26 =	sadd.s32 s4, s24  }
0x25: {  	s23 =	simm.s32 $0xC;
	s24 =	simm.s32 $0x0;
	[dreg:$0x12] =	wrdreg s26  }
.LBB2_1:
0x26: {  	s25 =	rddreg [dreg:$0xa]  }
0x27: {  	s26 =	rddreg [dreg:$0xe]  }
0x28: {  	s28 =	rddreg [dreg:$0x10]  }
0x29: {  	s29 =	rddreg [dreg:$0xb]  }
0x2a: {  	s30 =	rddreg [dreg:$0xf];
	s28 =	sadd.s32 $0x0, s28  }
0x2b: {  	[tilespmem:s3], [sflag:$0x1] =	stream.linear.gather [hbm4b:s28+s3], $0x50, $0x38;
	[tilespmem:$0x14400] =	vst v63  }
0x2c: {  	s31 =	rddreg [dreg:$0x13];
	s28 =	sadd.s32 $0x0, s30  }
0x2d: {  	[tilespmem:s31], [sflag:$0x1] =	stream.linear.gather [hbm4b:s28+s3], $0x50, $0x38;
	[tilespmem:$0x14400] =	vst v63  }
0x2e: {  	s26 =	sadd.s32 $0x0, s26;
	s30 =	rddreg [dreg:$0xd]  }
0x2f: {  	[tilespmem:s5], [sflag:$0x2] =	stream.linear.gather [hbm4b:s26+s3], $0x50, $0x38;
	[tilespmem:$0x14400] =	vst v63  }
0x30: {  	s20 =	sadd.s32 $0x0, s30;
	s28 =	rddreg [dreg:$0xc]  }
0x31: {  	[tilespmem:s6], [sflag:$0x2] =	stream.linear.gather [hbm4b:s20+s3], $0x50, $0x38;
	[tilespmem:$0x14400] =	vst v63  }
0x32: {  	s30 =	rddreg [dreg:$0x14];
	s31 =	sadd.s32 $0x0, s28  }
0x33: {  	[tilespmem:s30], [sflag:$0x3] =	stream.linear.gather [hbm4b:s31+s3], $0x50, $0x38;
	[tilespmem:$0x14400] =	vst v63  }
0x34: {  	s0 =	sadd.s32 $0x0, s29;
	s28 =	rddreg [dreg:$0x15]  }
0x35: {  	[tilespmem:s28], [sflag:$0x3] =	stream.linear.gather [hbm4b:s0+s3], $0x50, $0x38;
	[tilespmem:$0x14400] =	vst v63  }
0x36: {  	p0 =	por $0x1, $0x1;
	s29 =	rddreg [dreg:$0x9];
	s25 =	sadd.s32 $0x0, s25  }
0x37: {  	[tilespmem:s7], [sflag:$0x4] =	stream.linear.gather [hbm4b:s25+s3], $0x50, $0x38;
	[tilespmem:$0x14400] =	vst v63  }
0x38: {  	s1 =	sadd.s32 $0x0, s29;
	s25 =	simm.s32 @p0 $0x1  }
0x39: {  	[tilespmem:s8], [sflag:$0x4] =	stream.linear.gather [hbm4b:s1+s3], $0x50, $0x38;
	[tilespmem:$0x14400] =	vst v63  }
0x3a: {  	_ =	swait.ge @p0 [sflag:s25], $0x50  }
0x3b: {  	[sflag:s25] =	ssyncset.done @p0 $0x0  }
0x3c: {  	[sflag:s25] =	ssyncadd.s32 @p0 $0xFFFFFFB0  }
0x3d: {  	_ =	swait.ge @p0 [sflag:s25], $0x50  }
0x3e: {  	s26 =	simm.s32 @p0 $0x400;
	[sflag:s25] =	ssyncset.done @p0 $0x0  }
0x3f: {  	s28 =	simm.s32 @p0 $0x0;
	[sflag:s25] =	ssyncadd.s32 @p0 $0xFFFFFFB0;
	s25 =	simm.s32 @p0 $0x50  }
0x40: {  	[tilespmem:s26], [sflag:$0x5] =	stream.indirect.gather @p0 [hbm4b:s2+s25], $0x80, s28, s25, $0xb8;
	[tilespmem:$0x14400] =	vst v63  }
0x41: {  	s29 =	simm.s32 @!p0 $0x9;
	s26 =	simm.s32 @p0 $0x200;
	s28 =	simm.s32 @p0 $0xA400  }
0x42: {  	[tilespmem:s28], [sflag:$0x5] =	stream.indirect.gather @p0 [hbm4b:s2+s25], $0x80, s26, s25, $0xb8;
	[tilespmem:$0x14400] =	vst v63  }
0x43: {  	_ =	swait.ge @!p0 [sflag:s29], $0x2800  }
0x44: {  	[sflag:s29] =	ssyncset.done @!p0 $0x0  }
0x45: {  	[sflag:s29] =	ssyncadd.s32 @!p0 $0xFFFFD800  }
0x46: {  	_ =	swait.ge @!p0 [sflag:s29], $0x2800  }
0x47: {  	[sflag:s29] =	ssyncset.done @!p0 $0x0  }
0x48: {  	s26 =	simm.s32 @!p0 $0x1;
	[sflag:s29] =	ssyncadd.s32 @!p0 $0xFFFFD800  }
0x49: {  	_ =	swait.ge @!p0 [sflag:s26], $0x50  }
0x4a: {  	[sflag:s26] =	ssyncset.done @!p0 $0x0  }
0x4b: {  	[sflag:s26] =	ssyncadd.s32 @!p0 $0xFFFFFFB0  }
0x4c: {  	_ =	swait.ge @!p0 [sflag:s26], $0x50  }
0x4d: {  	s28 =	simm.s32 @!p0 $0x400;
	[sflag:s26] =	ssyncset.done @!p0 $0x0  }
0x4e: {  	s29 =	simm.s32 @!p0 $0x0;
	[sflag:s26] =	ssyncadd.s32 @!p0 $0xFFFFFFB0;
	s26 =	simm.s32 @!p0 $0x50  }
0x4f: {  	[tilespmem:s28], [sflag:$0x5] =	stream.indirect.gather @!p0 [hbm4b:s2+s26], $0x80, s29, s26, $0xb8;
	[tilespmem:$0x14400] =	vst v63  }
0x50: {  	s30 =	simm.s32 @!p0 $0xA;
	s28 =	simm.s32 @!p0 $0x200;
	s29 =	simm.s32 @!p0 $0xA400  }
0x51: {  	[tilespmem:s29], [sflag:$0x5] =	stream.indirect.gather @!p0 [hbm4b:s2+s26], $0x80, s28, s26, $0xb8;
	[tilespmem:$0x14400] =	vst v63  }
0x52: {  	_ =	swait.ge @!p0 [sflag:s30], $0x2800  }
0x53: {  	[sflag:s30] =	ssyncset.done @!p0 $0x0  }
0x54: {  	[sflag:s30] =	ssyncadd.s32 @!p0 $0xFFFFD800  }
0x55: {  	_ =	swait.ge @!p0 [sflag:s30], $0x2800  }
0x56: {  	[sflag:s30] =	ssyncset.done @!p0 $0x0  }
0x57: {  	[sflag:s30] =	ssyncadd.s32 @!p0 $0xFFFFD800  }
0x58: {  	_ =	swait.ge [sflag:s9], $0x50  }
0x59: {  	[sflag:s9] =	ssyncset.done $0x0  }
0x5a: {  	[sflag:s9] =	ssyncadd.s32 $0xFFFFFFB0  }
0x5b: {  	_ =	swait.ge [sflag:s9], $0x50  }
0x5c: {  	[sflag:s9] =	ssyncset.done $0x0  }
0x5d: {  	[sflag:s9] =	ssyncadd.s32 $0xFFFFFFB0  }
0x5e: {  	[tilespmem:s11], [sflag:$0x6] =	stream.indirect.gather [hbm4b:s2+s10], $0x80, s5, s10, $0xb8;
	[tilespmem:$0x14400] =	vst v63  }
0x5f: {  	s28 =	simm.s32 @p0 $0x3  }
0x60: {  	[tilespmem:s12], [sflag:$0x6] =	stream.indirect.gather [hbm4b:s2+s10], $0x80, s6, s10, $0xb8;
	[tilespmem:$0x14400] =	vst v63  }
0x61: {  	_ =	swait.ge @p0 [sflag:s28], $0x50  }
0x62: {  	[sflag:s28] =	ssyncset.done @p0 $0x0  }
0x63: {  	[sflag:s28] =	ssyncadd.s32 @p0 $0xFFFFFFB0  }
0x64: {  	_ =	swait.ge @p0 [sflag:s28], $0x50  }
0x65: {  	[sflag:s28] =	ssyncset.done @p0 $0x0  }
0x66: {  	s29 =	simm.s32 @p0 $0x5400;
	[sflag:s28] =	ssyncadd.s32 @p0 $0xFFFFFFB0;
	s28 =	simm.s32 @p0 $0x100  }
0x67: {  	[tilespmem:s29], [sflag:$0x7] =	stream.indirect.gather @p0 [hbm4b:s2+s25], $0x80, s28, s25, $0xb8;
	[tilespmem:$0x14400] =	vst v63  }
0x68: {  	s30 =	simm.s32 @!p0 $0xB;
	s28 =	simm.s32 @p0 $0x300;
	s29 =	simm.s32 @p0 $0xF400  }
0x69: {  	[tilespmem:s29], [sflag:$0x7] =	stream.indirect.gather @p0 [hbm4b:s2+s25], $0x80, s28, s25, $0xb8;
	[tilespmem:$0x14400] =	vst v63  }
0x6a: {  	_ =	swait.ge @!p0 [sflag:s30], $0x2800  }
0x6b: {  	[sflag:s30] =	ssyncset.done @!p0 $0x0  }
0x6c: {  	[sflag:s30] =	ssyncadd.s32 @!p0 $0xFFFFD800  }
0x6d: {  	_ =	swait.ge @!p0 [sflag:s30], $0x2800  }
0x6e: {  	[sflag:s30] =	ssyncset.done @!p0 $0x0  }
0x6f: {  	s25 =	simm.s32 @!p0 $0x3;
	[sflag:s30] =	ssyncadd.s32 @!p0 $0xFFFFD800  }
0x70: {  	_ =	swait.ge @!p0 [sflag:s25], $0x50  }
0x71: {  	[sflag:s25] =	ssyncset.done @!p0 $0x0  }
0x72: {  	[sflag:s25] =	ssyncadd.s32 @!p0 $0xFFFFFFB0  }
0x73: {  	_ =	swait.ge @!p0 [sflag:s25], $0x50  }
0x74: {  	[sflag:s25] =	ssyncset.done @!p0 $0x0  }
0x75: {  	s28 =	simm.s32 @!p0 $0x5400;
	[sflag:s25] =	ssyncadd.s32 @!p0 $0xFFFFFFB0;
	s25 =	simm.s32 @!p0 $0x100  }
0x76: {  	[tilespmem:s28], [sflag:$0x7] =	stream.indirect.gather @!p0 [hbm4b:s2+s26], $0x80, s25, s26, $0xb8;
	[tilespmem:$0x14400] =	vst v63  }
0x77: {  	s29 =	simm.s32 @!p0 $0xC;
	s25 =	simm.s32 @!p0 $0x300;
	s28 =	simm.s32 @!p0 $0xF400  }
0x78: {  	[tilespmem:s28], [sflag:$0x7] =	stream.indirect.gather @!p0 [hbm4b:s2+s26], $0x80, s25, s26, $0xb8;
	[tilespmem:$0x14400] =	vst v63  }
0x79: {  	_ =	swait.ge @!p0 [sflag:s29], $0x2800  }
0x7a: {  	[sflag:s29] =	ssyncset.done @!p0 $0x0  }
0x7b: {  	[sflag:s29] =	ssyncadd.s32 @!p0 $0xFFFFD800  }
0x7c: {  	_ =	swait.ge @!p0 [sflag:s29], $0x2800  }
0x7d: {  	[sflag:s29] =	ssyncset.done @!p0 $0x0  }
0x7e: {  	[sflag:s29] =	ssyncadd.s32 @!p0 $0xFFFFD800  }
0x7f: {  	_ =	swait.ge [sflag:s13], $0x50  }
0x80: {  	[sflag:s13] =	ssyncset.done $0x0  }
0x81: {  	[sflag:s13] =	ssyncadd.s32 $0xFFFFFFB0  }
0x82: {  	_ =	swait.ge [sflag:s13], $0x50  }
0x83: {  	[sflag:s13] =	ssyncset.done $0x0  }
0x84: {  	[sflag:s13] =	ssyncadd.s32 $0xFFFFFFB0  }
0x85: {  	[tilespmem:s14], [sflag:$0x8] =	stream.indirect.gather [hbm4b:s2+s10], $0x80, s7, s10, $0xb8;
	[tilespmem:$0x14400] =	vst v63  }
0x86: {  	_ = 	snop  }
0x87: {  	[tilespmem:s15], [sflag:$0x8] =	stream.indirect.gather [hbm4b:s2+s10], $0x80, s8, s10, $0xb8;
	[tilespmem:$0x14400] =	vst v63  }
0x88: {  	_ =	swait.ge [sflag:s16], $0x2800  }
0x89: {  	[sflag:s16] =	ssyncset.done $0x0  }
0x8a: {  	[sflag:s16] =	ssyncadd.s32 $0xFFFFD800  }
0x8b: {  	_ =	swait.ge [sflag:s16], $0x2800  }
0x8c: {  	s4 =	rddreg [dreg:$0x11]  }
0x8d: {  	s20 =	rddreg [dreg:$0x16];
	[sflag:s16] =	ssyncset.done $0x0  }
0x8e: {  	s28 =	rddreg [dreg:$0x12];
	[sflag:s16] =	ssyncadd.s32 $0xFFFFD800;
	s25 =	sadd.s32 $0x0, s4  }
0x8f: {  	[hbm4b:s25+s3] =	stream.linear.scatter [tilespmem:s20], [sflag:$0x9], $0x2800, $0x38;
	[tilespmem:$0x14400] =	vst v63  }
0x90: {  	s29 =	rddreg [dreg:$0x17];
	s26 =	sadd.s32 $0x0, s28  }
0x91: {  	[hbm4b:s26+s3] =	stream.linear.scatter [tilespmem:s29], [sflag:$0x9], $0x2800, $0x38;
	[tilespmem:$0x14400] =	vst v63  }
0x92: {  	_ =	swait.ge [sflag:s17], $0x2800  }
0x93: {  	[sflag:s17] =	ssyncset.done $0x0  }
0x94: {  	[sflag:s17] =	ssyncadd.s32 $0xFFFFD800  }
0x95: {  	_ =	swait.ge [sflag:s17], $0x2800  }
0x96: {  	s31 =	rddreg [dreg:$0x8];
	[sflag:s17] =	ssyncset.done $0x0  }
0x97: {  	s0 =	rddreg [dreg:$0x7];
	[sflag:s17] =	ssyncadd.s32 $0xFFFFD800;
	s25 =	sadd.s32 $0x0, s31  }
0x98: {  	[hbm4b:s25+s3] =	stream.linear.scatter [tilespmem:s11], [sflag:$0xA], $0x2800, $0x38;
	[tilespmem:$0x14400] =	vst v63  }
0x99: {  	s1 =	sadd.s32 $0x0, s0  }
0x9a: {  	[hbm4b:s1+s3] =	stream.linear.scatter [tilespmem:s12], [sflag:$0xA], $0x2800, $0x38;
	[tilespmem:$0x14400] =	vst v63  }
0x9b: {  	_ =	swait.ge [sflag:s18], $0x2800  }
0x9c: {  	[sflag:s18] =	ssyncset.done $0x0  }
0x9d: {  	[sflag:s18] =	ssyncadd.s32 $0xFFFFD800  }
0x9e: {  	_ =	swait.ge [sflag:s18], $0x2800  }
0x9f: {  	s4 =	rddreg [dreg:$0x6]  }
0xa0: {  	s20 =	rddreg [dreg:$0x18];
	[sflag:s18] =	ssyncset.done $0x0  }
0xa1: {  	s28 =	rddreg [dreg:$0x5];
	[sflag:s18] =	ssyncadd.s32 $0xFFFFD800;
	s25 =	sadd.s32 $0x0, s4  }
0xa2: {  	[hbm4b:s25+s3] =	stream.linear.scatter [tilespmem:s20], [sflag:$0xB], $0x2800, $0x38;
	[tilespmem:$0x14400] =	vst v63  }
0xa3: {  	s29 =	rddreg [dreg:$0x19];
	s31 =	sadd.s32 $0x0, s28  }
0xa4: {  	[hbm4b:s31+s3] =	stream.linear.scatter [tilespmem:s29], [sflag:$0xB], $0x2800, $0x38;
	[tilespmem:$0x14400] =	vst v63  }
0xa5: {  	_ =	swait.ge [sflag:s19], $0x2800  }
0xa6: {  	[sflag:s19] =	ssyncset.done $0x0  }
0xa7: {  	[sflag:s19] =	ssyncadd.s32 $0xFFFFD800  }
0xa8: {  	_ =	swait.ge [sflag:s19], $0x2800  }
0xa9: {  	s26 =	simm.s32 $0x1400;
	s30 =	rddreg [dreg:$0x4]  }
0xaa: {  	s28 =	simm.s32 $0x0;
	s25 =	simm.s32 $0x0;
	s29 =	rddreg [dreg:$0x3]  }
.LBB2_2:
0xab: {  	s31 =	rddreg [dreg:$0xa]  }
0xac: {  	s28 =	sadd.s32 $0x28, s28;
	s0 =	rddreg [dreg:$0xe];
	[sflag:s19] =	ssyncset.done $0x0  }
0xad: {  	s30 =	sadd.s32 s25, s30;
	s4 =	rddreg [dreg:$0x10];
	[sflag:s19] =	ssyncadd.s32 $0xFFFFD800  }
0xae: {  	[hbm4b:s30+s3] =	stream.linear.scatter [tilespmem:s14], [sflag:$0xC], $0x2800, $0x38;
	[tilespmem:$0x14400] =	vst v63  }
0xaf: {  	s1 =	smov.u32 s26;
	s20 =	rddreg [dreg:$0xb];
	s29 =	sadd.s32 s25, s29  }
0xb0: {  	[hbm4b:s29+s3] =	stream.linear.scatter [tilespmem:s15], [sflag:$0xC], $0x2800, $0x38;
	[tilespmem:$0x14400] =	vst v63  }
0xb1: {  	s25 =	smov.u32 s1;
	s1 =	sadd.s32 s28, s4;
	s30 =	rddreg [dreg:$0xf]  }
0xb2: {  	[tilespmem:s3], [sflag:$0x1] =	stream.linear.gather [hbm4b:s1+s3], $0x50, $0x38;
	[tilespmem:$0x14400] =	vst v63  }
0xb3: {  	s4 =	rddreg [dreg:$0x13];
	s1 =	sadd.s32 s28, s30  }
0xb4: {  	[tilespmem:s4], [sflag:$0x1] =	stream.linear.gather [hbm4b:s1+s3], $0x50, $0x38;
	[tilespmem:$0x14400] =	vst v63  }
0xb5: {  	s0 =	sadd.s32 s28, s0;
	s29 =	rddreg [dreg:$0xd]  }
0xb6: {  	[tilespmem:s5], [sflag:$0x2] =	stream.linear.gather [hbm4b:s0+s3], $0x50, $0x38;
	[tilespmem:$0x14400] =	vst v63  }
0xb7: {  	s1 =	rddreg [dreg:$0xc];
	s0 =	sadd.s32 s28, s29  }
0xb8: {  	[tilespmem:s6], [sflag:$0x2] =	stream.linear.gather [hbm4b:s0+s3], $0x50, $0x38;
	[tilespmem:$0x14400] =	vst v63  }
0xb9: {  	s4 =	rddreg [dreg:$0x14];
	s0 =	sadd.s32 s28, s1  }
0xba: {  	[tilespmem:s4], [sflag:$0x3] =	stream.linear.gather [hbm4b:s0+s3], $0x50, $0x38;
	[tilespmem:$0x14400] =	vst v63  }
0xbb: {  	s20 =	sadd.s32 s28, s20;
	s1 =	rddreg [dreg:$0x15]  }
0xbc: {  	[tilespmem:s1], [sflag:$0x3] =	stream.linear.gather [hbm4b:s20+s3], $0x50, $0x38;
	[tilespmem:$0x14400] =	vst v63  }
0xbd: {  	p1 =	seq.s32 s25, $0x0;
	s4 =	rddreg [dreg:$0x9];
	s20 =	sadd.s32 s28, s31  }
0xbe: {  	[tilespmem:s7], [sflag:$0x4] =	stream.linear.gather [hbm4b:s20+s3], $0x50, $0x38;
	[tilespmem:$0x14400] =	vst v63  }
0xbf: {  	s0 =	simm.s32 @p1 $0x1;
	s31 =	sadd.s32 s28, s4  }
0xc0: {  	[tilespmem:s8], [sflag:$0x4] =	stream.linear.gather [hbm4b:s31+s3], $0x50, $0x38;
	[tilespmem:$0x14400] =	vst v63  }
0xc1: {  	_ =	swait.ge @p1 [sflag:s0], $0x50  }
0xc2: {  	[sflag:s0] =	ssyncset.done @p1 $0x0  }
0xc3: {  	[sflag:s0] =	ssyncadd.s32 @p1 $0xFFFFFFB0  }
0xc4: {  	_ =	swait.ge @p1 [sflag:s0], $0x50  }
0xc5: {  	s29 =	simm.s32 @p1 $0x50;
	[sflag:s0] =	ssyncset.done @p1 $0x0  }
0xc6: {  	s1 =	simm.s32 @p1 $0x400;
	[sflag:s0] =	ssyncadd.s32 @p1 $0xFFFFFFB0;
	s0 =	simm.s32 @p1 $0x0  }
0xc7: {  	[tilespmem:s1], [sflag:$0x5] =	stream.indirect.gather @p1 [hbm4b:s2+s29], $0x80, s0, s29, $0xb8;
	[tilespmem:$0x14400] =	vst v63  }
0xc8: {  	s4 =	simm.s32 @!p1 $0x9;
	s0 =	simm.s32 @p1 $0x200;
	s1 =	simm.s32 @p1 $0xA400  }
0xc9: {  	[tilespmem:s1], [sflag:$0x5] =	stream.indirect.gather @p1 [hbm4b:s2+s29], $0x80, s0, s29, $0xb8;
	[tilespmem:$0x14400] =	vst v63  }
0xca: {  	_ =	swait.ge @!p1 [sflag:s4], $0x2800  }
0xcb: {  	[sflag:s4] =	ssyncset.done @!p1 $0x0  }
0xcc: {  	[sflag:s4] =	ssyncadd.s32 @!p1 $0xFFFFD800  }
0xcd: {  	_ =	swait.ge @!p1 [sflag:s4], $0x2800  }
0xce: {  	[sflag:s4] =	ssyncset.done @!p1 $0x0  }
0xcf: {  	s0 =	simm.s32 @!p1 $0x1;
	[sflag:s4] =	ssyncadd.s32 @!p1 $0xFFFFD800  }
0xd0: {  	_ =	swait.ge @!p1 [sflag:s0], $0x50  }
0xd1: {  	[sflag:s0] =	ssyncset.done @!p1 $0x0  }
0xd2: {  	[sflag:s0] =	ssyncadd.s32 @!p1 $0xFFFFFFB0  }
0xd3: {  	_ =	swait.ge @!p1 [sflag:s0], $0x50  }
0xd4: {  	s30 =	simm.s32 @!p1 $0x50;
	[sflag:s0] =	ssyncset.done @!p1 $0x0  }
0xd5: {  	s1 =	simm.s32 @!p1 $0x400;
	[sflag:s0] =	ssyncadd.s32 @!p1 $0xFFFFFFB0;
	s0 =	simm.s32 @!p1 $0x0  }
0xd6: {  	[tilespmem:s1], [sflag:$0x5] =	stream.indirect.gather @!p1 [hbm4b:s2+s30], $0x80, s0, s30, $0xb8;
	[tilespmem:$0x14400] =	vst v63  }
0xd7: {  	s4 =	simm.s32 @!p1 $0xA;
	s0 =	simm.s32 @!p1 $0x200;
	s1 =	simm.s32 @!p1 $0xA400  }
0xd8: {  	[tilespmem:s1], [sflag:$0x5] =	stream.indirect.gather @!p1 [hbm4b:s2+s30], $0x80, s0, s30, $0xb8;
	[tilespmem:$0x14400] =	vst v63  }
0xd9: {  	_ =	swait.ge @!p1 [sflag:s4], $0x2800  }
0xda: {  	[sflag:s4] =	ssyncset.done @!p1 $0x0  }
0xdb: {  	[sflag:s4] =	ssyncadd.s32 @!p1 $0xFFFFD800  }
0xdc: {  	_ =	swait.ge @!p1 [sflag:s4], $0x2800  }
0xdd: {  	[sflag:s4] =	ssyncset.done @!p1 $0x0  }
0xde: {  	[sflag:s4] =	ssyncadd.s32 @!p1 $0xFFFFD800  }
0xdf: {  	_ =	swait.ge [sflag:s9], $0x50  }
0xe0: {  	[sflag:s9] =	ssyncset.done $0x0  }
0xe1: {  	[sflag:s9] =	ssyncadd.s32 $0xFFFFFFB0  }
0xe2: {  	_ =	swait.ge [sflag:s9], $0x50  }
0xe3: {  	[sflag:s9] =	ssyncset.done $0x0  }
0xe4: {  	[sflag:s9] =	ssyncadd.s32 $0xFFFFFFB0  }
0xe5: {  	[tilespmem:s11], [sflag:$0x6] =	stream.indirect.gather [hbm4b:s2+s10], $0x80, s5, s10, $0xb8;
	[tilespmem:$0x14400] =	vst v63  }
0xe6: {  	s0 =	simm.s32 @p1 $0x3  }
0xe7: {  	[tilespmem:s12], [sflag:$0x6] =	stream.indirect.gather [hbm4b:s2+s10], $0x80, s6, s10, $0xb8;
	[tilespmem:$0x14400] =	vst v63  }
0xe8: {  	_ =	swait.ge @p1 [sflag:s0], $0x50  }
0xe9: {  	[sflag:s0] =	ssyncset.done @p1 $0x0  }
0xea: {  	[sflag:s0] =	ssyncadd.s32 @p1 $0xFFFFFFB0  }
0xeb: {  	_ =	swait.ge @p1 [sflag:s0], $0x50  }
0xec: {  	[sflag:s0] =	ssyncset.done @p1 $0x0  }
0xed: {  	s1 =	simm.s32 @p1 $0x5400;
	[sflag:s0] =	ssyncadd.s32 @p1 $0xFFFFFFB0;
	s0 =	simm.s32 @p1 $0x100  }
0xee: {  	[tilespmem:s1], [sflag:$0x7] =	stream.indirect.gather @p1 [hbm4b:s2+s29], $0x80, s0, s29, $0xb8;
	[tilespmem:$0x14400] =	vst v63  }
0xef: {  	s4 =	simm.s32 @!p1 $0xB;
	s0 =	simm.s32 @p1 $0x300;
	s1 =	simm.s32 @p1 $0xF400  }
0xf0: {  	[tilespmem:s1], [sflag:$0x7] =	stream.indirect.gather @p1 [hbm4b:s2+s29], $0x80, s0, s29, $0xb8;
	[tilespmem:$0x14400] =	vst v63  }
0xf1: {  	_ =	swait.ge @!p1 [sflag:s4], $0x2800  }
0xf2: {  	[sflag:s4] =	ssyncset.done @!p1 $0x0  }
0xf3: {  	[sflag:s4] =	ssyncadd.s32 @!p1 $0xFFFFD800  }
0xf4: {  	_ =	swait.ge @!p1 [sflag:s4], $0x2800  }
0xf5: {  	[sflag:s4] =	ssyncset.done @!p1 $0x0  }
0xf6: {  	s0 =	simm.s32 @!p1 $0x3;
	[sflag:s4] =	ssyncadd.s32 @!p1 $0xFFFFD800  }
0xf7: {  	_ =	swait.ge @!p1 [sflag:s0], $0x50  }
0xf8: {  	[sflag:s0] =	ssyncset.done @!p1 $0x0  }
0xf9: {  	[sflag:s0] =	ssyncadd.s32 @!p1 $0xFFFFFFB0  }
0xfa: {  	_ =	swait.ge @!p1 [sflag:s0], $0x50  }
0xfb: {  	[sflag:s0] =	ssyncset.done @!p1 $0x0  }
0xfc: {  	s1 =	simm.s32 @!p1 $0x5400;
	[sflag:s0] =	ssyncadd.s32 @!p1 $0xFFFFFFB0;
	s0 =	simm.s32 @!p1 $0x100  }
0xfd: {  	[tilespmem:s1], [sflag:$0x7] =	stream.indirect.gather @!p1 [hbm4b:s2+s30], $0x80, s0, s30, $0xb8;
	[tilespmem:$0x14400] =	vst v63  }
0xfe: {  	s4 =	simm.s32 @!p1 $0xC;
	s0 =	simm.s32 @!p1 $0x300;
	s1 =	simm.s32 @!p1 $0xF400  }
0xff: {  	[tilespmem:s1], [sflag:$0x7] =	stream.indirect.gather @!p1 [hbm4b:s2+s30], $0x80, s0, s30, $0xb8;
	[tilespmem:$0x14400] =	vst v63  }
0x100: {  	_ =	swait.ge @!p1 [sflag:s4], $0x2800  }
0x101: {  	[sflag:s4] =	ssyncset.done @!p1 $0x0  }
0x102: {  	[sflag:s4] =	ssyncadd.s32 @!p1 $0xFFFFD800  }
0x103: {  	_ =	swait.ge @!p1 [sflag:s4], $0x2800  }
0x104: {  	[sflag:s4] =	ssyncset.done @!p1 $0x0  }
0x105: {  	[sflag:s4] =	ssyncadd.s32 @!p1 $0xFFFFD800  }
0x106: {  	_ =	swait.ge [sflag:s13], $0x50  }
0x107: {  	[sflag:s13] =	ssyncset.done $0x0  }
0x108: {  	[sflag:s13] =	ssyncadd.s32 $0xFFFFFFB0  }
0x109: {  	_ =	swait.ge [sflag:s13], $0x50  }
0x10a: {  	[sflag:s13] =	ssyncset.done $0x0  }
0x10b: {  	[sflag:s13] =	ssyncadd.s32 $0xFFFFFFB0  }
0x10c: {  	[tilespmem:s14], [sflag:$0x8] =	stream.indirect.gather [hbm4b:s2+s10], $0x80, s7, s10, $0xb8;
	[tilespmem:$0x14400] =	vst v63  }
0x10d: {  	_ = 	snop  }
0x10e: {  	[tilespmem:s15], [sflag:$0x8] =	stream.indirect.gather [hbm4b:s2+s10], $0x80, s8, s10, $0xb8;
	[tilespmem:$0x14400] =	vst v63  }
0x10f: {  	_ =	swait.ge [sflag:s16], $0x2800  }
0x110: {  	[sflag:s16] =	ssyncset.done $0x0  }
0x111: {  	[sflag:s16] =	ssyncadd.s32 $0xFFFFD800  }
0x112: {  	_ =	swait.ge [sflag:s16], $0x2800  }
0x113: {  	s1 =	rddreg [dreg:$0x11]  }
0x114: {  	s4 =	rddreg [dreg:$0x16];
	[sflag:s16] =	ssyncset.done $0x0  }
0x115: {  	s20 =	rddreg [dreg:$0x12];
	[sflag:s16] =	ssyncadd.s32 $0xFFFFD800;
	s0 =	sadd.s32 s25, s1  }
0x116: {  	[hbm4b:s0+s3] =	stream.linear.scatter [tilespmem:s4], [sflag:$0x9], $0x2800, $0x38;
	[tilespmem:$0x14400] =	vst v63  }
0x117: {  	s31 =	rddreg [dreg:$0x17];
	s1 =	sadd.s32 s25, s20  }
0x118: {  	[hbm4b:s1+s3] =	stream.linear.scatter [tilespmem:s31], [sflag:$0x9], $0x2800, $0x38;
	[tilespmem:$0x14400] =	vst v63  }
0x119: {  	_ =	swait.ge [sflag:s17], $0x2800  }
0x11a: {  	[sflag:s17] =	ssyncset.done $0x0  }
0x11b: {  	[sflag:s17] =	ssyncadd.s32 $0xFFFFD800  }
0x11c: {  	_ =	swait.ge [sflag:s17], $0x2800  }
0x11d: {  	s4 =	rddreg [dreg:$0x8];
	[sflag:s17] =	ssyncset.done $0x0  }
0x11e: {  	s20 =	rddreg [dreg:$0x7];
	[sflag:s17] =	ssyncadd.s32 $0xFFFFD800;
	s0 =	sadd.s32 s25, s4  }
0x11f: {  	[hbm4b:s0+s3] =	stream.linear.scatter [tilespmem:s11], [sflag:$0xA], $0x2800, $0x38;
	[tilespmem:$0x14400] =	vst v63  }
0x120: {  	s31 =	sadd.s32 s25, s20  }
0x121: {  	[hbm4b:s31+s3] =	stream.linear.scatter [tilespmem:s12], [sflag:$0xA], $0x2800, $0x38;
	[tilespmem:$0x14400] =	vst v63  }
0x122: {  	_ =	swait.ge [sflag:s18], $0x2800  }
0x123: {  	[sflag:s18] =	ssyncset.done $0x0  }
0x124: {  	[sflag:s18] =	ssyncadd.s32 $0xFFFFD800  }
0x125: {  	_ =	swait.ge [sflag:s18], $0x2800  }
0x126: {  	s1 =	rddreg [dreg:$0x6]  }
0x127: {  	s4 =	rddreg [dreg:$0x18];
	[sflag:s18] =	ssyncset.done $0x0  }
0x128: {  	s31 =	rddreg [dreg:$0x5];
	[sflag:s18] =	ssyncadd.s32 $0xFFFFD800;
	s0 =	sadd.s32 s25, s1  }
0x129: {  	[hbm4b:s0+s3] =	stream.linear.scatter [tilespmem:s4], [sflag:$0xB], $0x2800, $0x38;
	[tilespmem:$0x14400] =	vst v63  }
0x12a: {  	s26 =	sadd.s32 $0x1400, s26;
	s20 =	rddreg [dreg:$0x19];
	s31 =	sadd.s32 s25, s31  }
0x12b: {  	[hbm4b:s31+s3] =	stream.linear.scatter [tilespmem:s20], [sflag:$0xB], $0x2800, $0x38;
	[tilespmem:$0x14400] =	vst v63  }
0x12c: {  	p0 =	sne.s32 s26, $0xA000;
	_ =	swait.ge [sflag:s19], $0x2800  }
.Ltmp0:
0x12d: {  	[sflag:s19] =	ssyncset.done $0x0;
	(pc) =	sbr.rel @p0 .LBB2_2-.Ltmp0, $4  }
0x12e: {  	[sflag:s19] =	ssyncadd.s32 $0xFFFFD800  }
0x12f: {  	_ =	swait.ge [sflag:s19], $0x2800  }
0x130: {  	s30 =	rddreg [dreg:$0x4]  }
0x131: {  	s29 =	rddreg [dreg:$0x3]  }
0x132: {  	[sflag:s19] =	ssyncset.done $0x0  }
0x133: {  	s0 =	sadd.s32 s25, s30;
	[sflag:s19] =	ssyncadd.s32 $0xFFFFD800  }
0x134: {  	[hbm4b:s0+s3] =	stream.linear.scatter [tilespmem:s14], [sflag:$0xC], $0x2800, $0x38;
	[tilespmem:$0x14400] =	vst v63  }
0x135: {  	s29 =	sadd.s32 s25, s29;
	s30 =	simm.s32 $0x9  }
0x136: {  	[hbm4b:s29+s3] =	stream.linear.scatter [tilespmem:s15], [sflag:$0xC], $0x2800, $0x38;
	[tilespmem:$0x14400] =	vst v63  }
0x137: {  	_ =	swait.ge [sflag:s30], $0x2800  }
0x138: {  	[sflag:s30] =	ssyncset.done $0x0  }
0x139: {  	[sflag:s30] =	ssyncadd.s32 $0xFFFFD800  }
0x13a: {  	_ =	swait.ge [sflag:s30], $0x2800  }
0x13b: {  	[sflag:s30] =	ssyncset.done $0x0  }
0x13c: {  	[sflag:s30] =	ssyncadd.s32 $0xFFFFD800  }
0x13d: {  	_ =	swait.ge [sflag:s21], $0x2800  }
0x13e: {  	[sflag:s21] =	ssyncset.done $0x0  }
0x13f: {  	[sflag:s21] =	ssyncadd.s32 $0xFFFFD800  }
0x140: {  	_ =	swait.ge [sflag:s21], $0x2800  }
0x141: {  	[sflag:s21] =	ssyncset.done $0x0  }
0x142: {  	[sflag:s21] =	ssyncadd.s32 $0xFFFFD800  }
0x143: {  	_ =	swait.ge [sflag:s22], $0x2800  }
0x144: {  	[sflag:s22] =	ssyncset.done $0x0  }
0x145: {  	[sflag:s22] =	ssyncadd.s32 $0xFFFFD800  }
0x146: {  	_ =	swait.ge [sflag:s22], $0x2800  }
0x147: {  	[sflag:s22] =	ssyncset.done $0x0  }
0x148: {  	[sflag:s22] =	ssyncadd.s32 $0xFFFFD800  }
0x149: {  	_ =	swait.ge [sflag:s23], $0x2800  }
0x14a: {  	[sflag:s23] =	ssyncset.done $0x0  }
0x14b: {  	[sflag:s23] =	ssyncadd.s32 $0xFFFFD800  }
0x14c: {  	_ =	swait.ge [sflag:s23], $0x2800  }
0x14d: {  	s24 =	sadd.s32 $0x1, s24;
	s31 =	rddreg [dreg:$0x1a]  }
0x14e: {  	p0 =	sne.s32 s24, s31  }
.Ltmp1:
0x14f: {  	_ = 	snop;
	(pc) =	sbr.rel @p0 .LBB2_1-.Ltmp1, $3  }
0x150: {  	_ =	sdelay $0x1  }
0x151: {  	[sflag:s23] =	ssyncset.done $0x0  }
0x152: {  	[sflag:s23] =	ssyncadd.s32 $0xFFFFD800  }
0x153: {  	_ =	sfence.sel $0x180000  }
0x154: {  	[bflag:$0x0] =	sbarrier.arrive $0xFFFF  }
0x155: {  	_ =	strace $0x90000053  }
0x156: {  	s0 =	stileid.u32;
	[bflag:$0x2] =	sbarrier.arrive $0xFFFF  }
0x157: {  	p0 =	sne.s32 s0, $0x0;
	s0 =	rddreg [dreg:$0x2]  }
0x158: {  	s0 =	sadd.s32 @!p0 $0x100000, s0  }
0x159: {  	[sflag:s0] =	ssyncadd.tile.s32 @!p0 $0x1;
	_ =	shalt  }
.Lfunc_end2:
_tile_overlayer_lowered:
.L_overlay_start_2:
0x15a: {  	(tag) =	ssettag $0x2  }
0x15b: {  	s0 =	rddreg [dreg:$0x0];
	s2 =	stileid.u32  }
0x15c: {  	s1 =	rddreg [dreg:$0x1];
	p0 =	sne.s32 s2, $0x0  }
0x15d: {  	s3 =	rddreg [dreg:$0x2];
	[bflag:$0x3] =	sbarrier.arrive $0xFFFF;
	s2 =	simm.s32 @!p0 $0x1C0D  }
0x15e: {  	[timem:s3], [sflag:s2] =	dma.local @!p0 [hbm:s0], s1  }
0x15f: {  	s0 =	simm.s32 @!p0 $0xD  }
0x160: {  	_ =	swait.ge @!p0 [sflag:s0], s1  }
0x161: {  	s1 =	ssub.s32 @!p0 $0x0, s1;
	[sflag:s0] =	ssyncset.done @!p0 $0x0  }
0x162: {  	[sflag:s0] =	ssyncadd.s32 @!p0 s1  }
0x163: {  	[bflag:$0x3] =	sbarrier.arrive $0xFFFF  }
0x164: {  	_ =	shalt  }

// kernel: sc_gather_s5.3.cloned.1.call-start
scs
__scs_entry_jumppad:
0x0: {  	(pc) =	sbr.rel $0x88, $3  }
0x1: {  	(tag) =	ssettag $0x0;
	lr =	simm.s32 $0x1  }
0x2: {  	[smem:$0x3F9E] =	sst lr;
	_ =	strace $0xD0000000  }
0x3: {  	_ = 	snop  }
0x4: {  	_ = 	snop  }
0x5: {  	_ = 	snop  }
0x6: {  	_ = 	snop  }
0x7: {  	_ = 	snop  }
__scs_overlays_trampoline_lowered:
0x8: {  	[smem:$0x3FAD] =	sst s0  }
0x9: {  	[smem:$0x3FAE] =	sst s1  }
0xa: {  	[smem:$0x3FAF] =	sst s2  }
0xb: {  	[smem:$0x3FB0] =	sst s3  }
0xc: {  	[smem:$0x3FB1] =	sst s4  }
0xd: {  	[smem:$0x3FB2] =	sst s5  }
0xe: {  	[smem:$0x3FB3] =	sst s6  }
0xf: {  	[smem:$0x3FB4] =	sst s7  }
0x10: {  	[smem:$0x3FB5] =	sst s8  }
0x11: {  	[smem:$0x3FB6] =	sst s9;
	s0 =	simm.s32 @!p0 $0x0  }
0x12: {  	s1 =	sld [smem:$0x3F9C];
	s0 =	simm.s32 @p0 $0x1  }
0x13: {  	[smem:$0x3FB7] =	sst s0;
	s0 =	simm.s32 @!p1 $0x0  }
0x14: {  	s2 =	sld [smem:$0x3F9B];
	s0 =	simm.s32 @p1 $0x1  }
0x15: {  	[smem:$0x3FB8] =	sst s0;
	s0 =	simm.s32 @!p2 $0x0  }
0x16: {  	s3 =	sld [smem:$0x3FDB];
	s0 =	simm.s32 @p2 $0x1  }
0x17: {  	s4 =	simm.s32 $0x1BF5;
	[smem:$0x3FBA] =	sst s0  }
0x18: {  	s0 =	sld [smem:$0x3F9D];
	_ =	swait.ge [sflag:s4], $0x0  }
0x19: {  	s7 =	sld [smem:$0x3F9E]  }
0x1a: {  	s8 =	sadd.s32 $0xFFFFE003, lr  }
0x1b: {  	s9 =	sadd.s32 $0xFFFFFEF7, lr;
	s5 =	simm.s32 $0xFFFFFFFF;
	p2 =	slt.u32 s8, $0xFFFFF086  }
0x1c: {  	p1 =	slt.u32 s9, $0xF7A;
	s5 =	simm.s32 @!p2 $0x0  }
0x1d: {  	s5 =	simm.s32 @p1 $0x1;
	p0 =	seq.s32 s7, s2  }
0x1e: {  	s7 =	smul.u32 @!p0 $0xF7A, s2;
	p2 =	seq.s32 @!p0 s5, $0x0  }
0x1f: {  	s9 =	smul.u32 $0xF7A, s1;
	s8 =	simm.s32 @!p0 $0x1BF5;
	p2 =	por !p2, p0  }
0x20: {  	[sflag:s8] =	ssyncset.s32 @!p0 $0xFFFFF086;
	s6 =	sadd.s32 @!p0 s3, s7;
	s7 =	simm.s32 @!p0 $0x108  }
0x21: {  	s3 =	sadd.s32 s3, s9;
	s6 =	sadd.s32 @!p0 $0x88, s6;
	s7 =	simm.s32 @p2 $0x1082  }
0x22: {  	[simem:s7], [sflag:s8] =	dma.local @!p0 [hbm:s6], $0xF7A  }
0x23: {  	s9 =	sor.u32 $0xD0000000, s2;
	s6 =	simm.s32 $0x108;
	_ =	swait.ge @!p0 [sflag:s8], $0x0  }
0x24: {  	s3 =	sadd.s32 $0x88, s3;
	s6 =	simm.s32 @!p1 $0x1082;
	[sflag:s4] =	ssyncset.s32 $0xFFFFF086  }
0x25: {  	[simem:s6], [sflag:s4] =	dma.local [hbm:s3], $0xF7A  }
0x26: {  	[smem:$0x3F9E] =	sst s1;
	(tag) =	ssettag s2;
	_ =	strace s9  }
0x27: {  	s1 =	sld [smem:$0x3FAE]  }
0x28: {  	s2 =	sld [smem:$0x3FAF]  }
0x29: {  	s4 =	sld [smem:$0x3FB1]  }
0x2a: {  	p0 =	seq.s32 s5, $0x0;
	s5 =	sld [smem:$0x3FB2]  }
0x2b: {  	s6 =	sld [smem:$0x3FB3]  }
0x2c: {  	s7 =	sld [smem:$0x3FB4]  }
0x2d: {  	s3 =	simm.s32 $0x108;
	s8 =	sld [smem:$0x3FB5]  }
0x2e: {  	s3 =	simm.s32 @!p0 $0x1082;
	s9 =	sld [smem:$0x3FB6]  }
0x2f: {  	lr =	sadd.s32 s0, s3;
	s0 =	sld [smem:$0x3FAD]  }
0x30: {  	s3 =	sld [smem:$0x3FB0]  }
0x31: {  	[smem:$0x3FB9] =	sst s10  }
0x32: {  	s10 =	sld [smem:$0x3FB7];
	_ =	sdelay $0x3  }
0x33: {  	p0 =	seq.s32 s10, $0x1;
	s10 =	sld [smem:$0x3FB9];
	_ =	sdelay $0x3  }
0x34: {  	[smem:$0x3FB9] =	sst s10  }
0x35: {  	s10 =	sld [smem:$0x3FB8];
	_ =	sdelay $0x3  }
0x36: {  	p1 =	seq.s32 s10, $0x1;
	s10 =	sld [smem:$0x3FB9];
	_ =	sdelay $0x3  }
0x37: {  	[smem:$0x3FB9] =	sst s10  }
0x38: {  	s10 =	sld [smem:$0x3FBA]  }
0x39: {  	_ = 	snop;
	(pc) =	sbr.ind lr, $3  }
0x3a: {  	_ = 	snop  }
0x3b: {  	_ = 	snop  }
0x3c: {  	p2 =	seq.s32 s10, $0x1;
	s10 =	sld [smem:$0x3FB9]  }
0x3d: {  	_ =	shalt  }
0x3e: {  	_ =	shalt  }
0x3f: {  	_ =	shalt  }
0x40: {  	_ =	shalt  }
0x41: {  	_ =	shalt  }
0x42: {  	_ =	shalt  }
0x43: {  	_ =	shalt  }
0x44: {  	_ =	shalt  }
0x45: {  	_ =	shalt  }
0x46: {  	_ =	shalt  }
0x47: {  	_ =	shalt  }
0x48: {  	_ =	shalt  }
0x49: {  	_ =	shalt  }
0x4a: {  	_ =	shalt  }
0x4b: {  	_ =	shalt  }
0x4c: {  	_ =	shalt  }
0x4d: {  	_ =	shalt  }
0x4e: {  	_ =	shalt  }
0x4f: {  	_ =	shalt  }
0x50: {  	_ =	shalt  }
0x51: {  	_ =	shalt  }
0x52: {  	_ =	shalt  }
0x53: {  	_ =	shalt  }
0x54: {  	_ =	shalt  }
0x55: {  	_ =	shalt  }
0x56: {  	_ =	shalt  }
0x57: {  	_ =	shalt  }
0x58: {  	_ =	shalt  }
0x59: {  	_ =	shalt  }
0x5a: {  	_ =	shalt  }
0x5b: {  	_ =	shalt  }
0x5c: {  	_ =	shalt  }
0x5d: {  	_ =	shalt  }
0x5e: {  	_ =	shalt  }
0x5f: {  	_ =	shalt  }
0x60: {  	_ =	shalt  }
0x61: {  	_ =	shalt  }
0x62: {  	_ =	shalt  }
0x63: {  	_ =	shalt  }
0x64: {  	_ =	shalt  }
0x65: {  	_ =	shalt  }
0x66: {  	_ =	shalt  }
0x67: {  	_ =	shalt  }
0x68: {  	_ =	shalt  }
0x69: {  	_ =	shalt  }
0x6a: {  	_ =	shalt  }
0x6b: {  	_ =	shalt  }
0x6c: {  	_ =	shalt  }
0x6d: {  	_ =	shalt  }
0x6e: {  	_ =	shalt  }
0x6f: {  	_ =	shalt  }
0x70: {  	_ =	shalt  }
0x71: {  	_ =	shalt  }
0x72: {  	_ =	shalt  }
0x73: {  	_ =	shalt  }
0x74: {  	_ =	shalt  }
0x75: {  	_ =	shalt  }
0x76: {  	_ =	shalt  }
0x77: {  	_ =	shalt  }
0x78: {  	_ =	shalt  }
0x79: {  	_ =	shalt  }
0x7a: {  	_ =	shalt  }
0x7b: {  	_ =	shalt  }
0x7c: {  	_ =	shalt  }
0x7d: {  	_ =	shalt  }
0x7e: {  	_ =	shalt  }
0x7f: {  	_ =	shalt  }
0x80: {  	_ =	shalt  }
0x81: {  	_ =	shalt  }
0x82: {  	_ =	shalt  }
0x83: {  	_ =	shalt  }
0x84: {  	_ =	shalt  }
0x85: {  	_ =	shalt  }
0x86: {  	_ =	shalt  }
0x87: {  	_ =	shalt  }
.Lfunc_end0:
.L_simem_size_0:
called_computation.5_lowered:
.L_overlay_start_0:
0x88: {  	s2 =	sld [smem:$0x3FD9]  }
0x89: {  	s3 =	sld [smem:$0x3FFE];
	_ =	sdelay $0x1  }
0x8a: {  	s1 =	srdreg.scid  }
0x8b: {  	s0 =	sand.u32 $0x1, s1  }
0x8c: {  	s17 =	sshll.u32 s0, $0xA;
	s2 =	sadd.s32 s3, s2  }
0x8d: {  	s2 =	sadd.s32 s2, s17  }
0x8e: {  	[smem:$0x3FC5] =	sst s2  }
0x8f: {  	_ = 	snop  }
0x90: {  	s18 =	sld [smem:$0x3FC9];
	(tm) =	ssettm $0x1  }
0x91: {  	s19 =	sld [smem:$0x3FFB];
	_ =	sdelay $0x3  }
0x92: {  	_ =	strace s19  }
0x93: {  	s2 =	sld [smem:$0x3FFC];
	_ =	sdelay $0x3  }
0x94: {  	_ =	strace s2  }
0x95: {  	s2 =	sld [smem:$0x3FFD];
	_ =	sdelay $0x3  }
0x96: {  	_ =	strace s2  }
0x97: {  	_ =	strace $0x8FFFFFFF  }
0x98: {  	s20 =	sld [smem:$0x3FDB];
	_ =	sdelay $0x1  }
0x99: {  	s4 =	simm.s32 $_scs_section_size  }
0x9a: {  	s5 =	simm.s32 $_size__tile_overlayer_lowered;
	s6 =	simm.s32 $_tile_overlayer_lowered  }
0x9b: {  	s7 =	simm.s32 $0x1BFF;
	s21 =	sshll.u32 s6, $0x1;
	s4 =	sadd.s32 s4, s20  }
0x9c: {  	s22 =	simm.s32 $0x0;
	s5 =	sshll.u32 s5, $0x1;
	s6 =	sadd.s32 s21, s4  }
0x9d: {  	[timem:s22], [sflag:s7] =	dma.local [hbm:s6], s5  }
0x9e: {  	_ =	swait.ge [sflag:s7], s5  }
0x9f: {  	s5 =	ssub.s32 $0x0, s5;
	[sflag:s7] =	ssyncset.done $0x0  }
0xa0: {  	[sflag:s7] =	ssyncadd.s32 s5;
	_ =	sdelay $0x1  }
0xa1: {  	s23 =	simm.s32 $0x1B8B  }
0xa2: {  	_ =	swait.ge [sflag:s23], $0x1  }
0xa3: {  	[sflag:s23] =	ssyncset.done $0x0  }
0xa4: {  	[sflag:s23] =	ssyncadd.s32 $0xFFFFFFFF  }
0xa5: {  	s5 =	sld [smem:$0x0]  }
0xa6: {  	s6 =	sand.u32 $0xFFFFFFFE, s1  }
0xa7: {  	p0 =	sne.s32 s1, s6  }
0xa8: {  	s6 =	sshll.u32 @p0 s6, $0xE  }
0xa9: {  	s6 =	sadd.s32 @p0 $0x11B8D, s6;
	s7 =	sshll.u32 @p0 s5, $0x11  }
0xaa: {  	s6 =	sor.u32 @p0 s7, s6  }
0xab: {  	[sflag:s6] =	ssyncadd.remote.s32 @p0 $0x1;
	_ =	sdelay $0x1  }
0xac: {  	s6 =	simm.s32 @p0 $0x1B8D  }
0xad: {  	_ =	swait.eq @p0 [sflag:s6], $0x1  }
0xae: {  	[sflag:s6] =	ssyncadd.s32 @p0 $0xFFFFFFFF  }
0xaf: {  	s7 =	sshll.u32 @!p0 s1, $0xE  }
0xb0: {  	s7 =	sor.u32 @!p0 $0x4000, s7;
	s6 =	simm.s32 @!p0 $0x1B8D  }
0xb1: {  	s5 =	sshll.u32 @!p0 s5, $0x11;
	s7 =	sadd.s32 @!p0 $0x11B8D, s7;
	_ =	swait.eq @!p0 [sflag:s6], $0x1  }
0xb2: {  	s5 =	sor.u32 @!p0 s5, s7;
	[sflag:s6] =	ssyncadd.s32 @!p0 $0xFFFFFFFF  }
0xb3: {  	s25 =	simm.s32 $0x1B8E;
	s24 =	sld [smem:$0x3FFE];
	[sflag:s5] =	ssyncadd.remote.s32 @!p0 $0x1  }
0xb4: {  	s26 =	simm.s32 $execute0_lowered;
	[smem:$0x3FD2] =	sst s25  }
0xb5: {  	s6 =	sshll.u32 s26, $0x1;
	_ =	strace $0x80000055;
	[dreg:$0x1] =	wrdreg $0xFFFFFFFF  }
0xb6: {  	s28 =	simm.s32 $_size_execute0_lowered;
	s4 =	sadd.s32 s4, s6;
	[dreg:$0x0] =	wrdreg $0x0  }
0xb7: {  	s6 =	sshll.u32 s28, $0x1;
	[dreg:$0x2] =	wrdreg s4  }
0xb8: {  	[dreg:$0x3] =	wrdreg s6  }
0xb9: {  	[dreg:$0x4] =	wrdreg $0xC0  }
0xba: {  	_ =	task [dreg:s22], $0x5FFFF  }
0xbb: {  	[dreg:$0x1] =	wrdreg $0xFFFFFFFF  }
0xbc: {  	[dreg:$0x0] =	wrdreg $0x60  }
0xbd: {  	[dreg:$0x2] =	wrdreg s18  }
0xbe: {  	[dreg:$0x3] =	wrdreg s24  }
0xbf: {  	[dreg:$0x4] =	wrdreg $0xE  }
0xc0: {  	_ =	task.clear_ibuf [dreg:s22], $0x5FFFF;
	_ =	strace $0x90000055  }
0xc1: {  	s29 =	simm.s32 $0xE;
	_ =	strace $0x80000057  }
0xc2: {  	_ =	swait.ge [sflag:s29], $0x1  }
0xc3: {  	[sflag:s29] =	ssyncadd.s32 $0xFFFFFFFF  }
0xc4: {  	_ =	strace $0x90000057  }
0xc5: {  	_ =	sfence  }
0xc6: {  	s30 =	sld [smem:$0x0];
	_ =	sdelay $0x2  }
0xc7: {  	s31 =	sshll.u32 s1, $0xD;
	s1 =	sshrl.u32 s1, $0x2  }
0xc8: {  	s4 =	sand.u32 $0x4000, s31;
	s1 =	sadd.s32 s1, s30  }
0xc9: {  	s0 =	sor.u32 s4, s0;
	s1 =	sshll.u32 s1, $0x11  }
0xca: {  	s0 =	sor.u32 s1, s0  }
0xcb: {  	s0 =	sadd.s32 $0x8F2B, s0  }
0xcc: {  	[sflag:s0] =	ssyncadd.remote.s32 $0x1  }
0xcd: {  	_ =	sfence.sel $0xFFFF  }
0xce: {  	[dreg:$0x0] =	wrdreg $0xFFFFFFFF;
	(pc) =	sbr.abs _section_cstart, $3  }
0xcf: {  	[dreg:$0x1] =	wrdreg $0xFFFFFFFF  }
0xd0: {  	_ =	task.clear_ibuf [dreg:s22], $0x2FFFF;
	_ =	strace $0x9FFFFFFF  }
0xd1: {  	(tm) =	ssettm $0x7FFFFFFF  }
tec
execute0_lowered:
.L_overlay_start_1:
0x0: {  	(tag) =	ssettag $0x1  }
0x1: {  	s1 =	srdreg.scid;
	s0 =	stileid.u32  }
0x2: {  	s16 =	sand.u32 $0x1, s1;
	s28 =	sshll.u32 s0, $0x1  }
0x3: {  	s17 =	sor.u32 s16, s28  }
0x4: {  	s2 =	rddreg [dreg:$0x0];
	s4 =	smul.u32 $0xA0, s17  }
0x5: {  	s13 =	rddreg [dreg:$0x1]  }
0x6: {  	s3 =	simm.s32 $0x0;
	s1 =	rddreg [dreg:$0x2];
	s14 =	sshrl.u32 s4, $0x3  }
0x7: {  	[smem:$0x7FF] =	sst s3;
	s15 =	sadd.s32 $0xE200, s13;
	s6 =	sadd.s32 $0x99C0, s14  }
0x8: {  	_ =	strace $0x80000056;
	s4 =	simm.s32 $0x2;
	s5 =	sadd.s32 s15, s6  }
0x9: {  	[tilespmem:s3], [sflag:$0x2] =	stream.linear.gather [hbm4b:s5+s3], $0x50, $0x38;
	[tilespmem:$0x5100] =	vst v63  }
0xa: {  	_ =	swait.ge [sflag:s4], $0x50  }
0xb: {  	s18 =	sadd.s32 $0x4400, s13;
	[sflag:s4] =	ssyncset.done $0x0  }
0xc: {  	s7 =	simm.s32 $0x80;
	s6 =	sadd.s32 s18, s6;
	[sflag:s4] =	ssyncadd.s32 $0xFFFFFFB0  }
0xd: {  	[tilespmem:s7], [sflag:$0x2] =	stream.linear.gather [hbm4b:s6+s3], $0x50, $0x38;
	[tilespmem:$0x5100] =	vst v63  }
0xe: {  	_ =	swait.ge [sflag:s4], $0x50  }
0xf: {  	s8 =	simm.s32 $0x50;
	[sflag:s4] =	ssyncset.done $0x0  }
0x10: {  	s9 =	simm.s32 $0x100;
	s10 =	simm.s32 $0x1;
	[sflag:s4] =	ssyncadd.s32 $0xFFFFFFB0  }
0x11: {  	[tilespmem:s9], [sflag:$0x1] =	stream.indirect.gather [hbm4b:s2+s8], $0x80, s3, s8, $0xb8;
	[tilespmem:$0x5100] =	vst v63  }
0x12: {  	_ =	swait.ge [sflag:s10], $0x2800  }
0x13: {  	[sflag:s10] =	ssyncset.done $0x0  }
0x14: {  	s11 =	simm.s32 $0x2900;
	[sflag:s10] =	ssyncadd.s32 $0xFFFFD800  }
0x15: {  	[tilespmem:s11], [sflag:$0x1] =	stream.indirect.gather [hbm4b:s2+s8], $0x80, s7, s8, $0xb8;
	[tilespmem:$0x5100] =	vst v63  }
0x16: {  	s19 =	smul.u32 $0xA00, s17;
	_ =	swait.ge [sflag:s10], $0x2800  }
0x17: {  	s20 =	sadd.s32 $0x9A0000, s13;
	[sflag:s10] =	ssyncset.done $0x0  }
0x18: {  	s12 =	sadd.s32 s20, s19;
	[sflag:s10] =	ssyncadd.s32 $0xFFFFD800  }
0x19: {  	[hbm4b:s12+s3] =	stream.linear.scatter [tilespmem:s9], [sflag:$0x2], $0x2800, $0x38;
	[tilespmem:$0x5100] =	vst v63  }
0x1a: {  	_ =	swait.ge [sflag:s4], $0x2800  }
0x1b: {  	s21 =	sadd.s32 $0x9B4000, s13;
	[sflag:s4] =	ssyncset.done $0x0  }
0x1c: {  	s13 =	sadd.s32 s21, s19;
	[sflag:s4] =	ssyncadd.s32 $0xFFFFD800  }
0x1d: {  	[hbm4b:s13+s3] =	stream.linear.scatter [tilespmem:s11], [sflag:$0x2], $0x2800, $0x38;
	[tilespmem:$0x5100] =	vst v63  }
0x1e: {  	_ =	swait.ge [sflag:s4], $0x2800  }
0x1f: {  	s29 =	sadd.s32 $0x99CA, s14;
	[sflag:s4] =	ssyncset.done $0x0  }
0x20: {  	s14 =	sadd.s32 s15, s29;
	[sflag:s4] =	ssyncadd.s32 $0xFFFFD800  }
0x21: {  	[tilespmem:s3], [sflag:$0x2] =	stream.linear.gather [hbm4b:s14+s3], $0x50, $0x38;
	[tilespmem:$0x5100] =	vst v63  }
0x22: {  	_ =	swait.ge [sflag:s4], $0x50  }
0x23: {  	[sflag:s4] =	ssyncset.done $0x0  }
0x24: {  	s15 =	sadd.s32 s18, s29;
	[sflag:s4] =	ssyncadd.s32 $0xFFFFFFB0  }
0x25: {  	[tilespmem:s7], [sflag:$0x2] =	stream.linear.gather [hbm4b:s15+s3], $0x50, $0x38;
	[tilespmem:$0x5100] =	vst v63  }
0x26: {  	_ =	swait.ge [sflag:s4], $0x50  }
0x27: {  	[sflag:s4] =	ssyncset.done $0x0  }
0x28: {  	[sflag:s4] =	ssyncadd.s32 $0xFFFFFFB0  }
0x29: {  	[tilespmem:s9], [sflag:$0x1] =	stream.indirect.gather [hbm4b:s2+s8], $0x80, s3, s8, $0xb8;
	[tilespmem:$0x5100] =	vst v63  }
0x2a: {  	_ =	swait.ge [sflag:s10], $0x2800  }
0x2b: {  	[sflag:s10] =	ssyncset.done $0x0  }
0x2c: {  	s30 =	ssub.s32 $0x2, s16;
	s17 =	smul.u32 $0x5000, s17;
	[sflag:s10] =	ssyncadd.s32 $0xFFFFD800  }
0x2d: {  	[tilespmem:s11], [sflag:$0x1] =	stream.indirect.gather [hbm4b:s2+s8], $0x80, s7, s8, $0xb8;
	[tilespmem:$0x5100] =	vst v63  }
0x2e: {  	s31 =	sshrl.u32 s30, $0x1;
	s17 =	sshrl.u32 s17, $0x3;
	_ =	swait.ge [sflag:s10], $0x2800  }
0x2f: {  	s17 =	sadd.s32 $0x500, s17;
	s18 =	ssub.s32 s30, s31;
	[sflag:s10] =	ssyncset.done $0x0  }
0x30: {  	s16 =	sadd.s32 s20, s17;
	s18 =	smax.u32 s18, $0x1;
	[sflag:s10] =	ssyncadd.s32 $0xFFFFD800  }
0x31: {  	[hbm4b:s16+s3] =	stream.linear.scatter [tilespmem:s9], [sflag:$0x2], $0x2800, $0x38;
	[tilespmem:$0x5100] =	vst v63  }
0x32: {  	p0 =	sne.s32 s18, $0x1;
	_ =	swait.ge [sflag:s4], $0x2800  }
.Ltmp0:
0x33: {  	[sflag:s4] =	ssyncset.done $0x0;
	(pc) =	sbr.rel @!p0 .LBB2_2-.Ltmp0, $4  }
0x34: {  	s17 =	sadd.s32 s21, s17;
	[sflag:s4] =	ssyncadd.s32 $0xFFFFD800  }
0x35: {  	[hbm4b:s17+s3] =	stream.linear.scatter [tilespmem:s11], [sflag:$0x2], $0x2800, $0x38;
	[tilespmem:$0x5100] =	vst v63  }
0x36: {  	_ =	swait.ge [sflag:s4], $0x2800  }
0x37: {  	s18 =	sadd.s32 $0xFFFFFFFF, s18;
	[sflag:s4] =	ssyncset.done $0x0  }
.LBB2_1:
0x38: {  	p0 =	sne.s32 s18, $0x1;
	s18 =	sadd.s32 $0xFFFFFFFF, s18;
	[sflag:s4] =	ssyncadd.s32 $0xFFFFD800  }
0x39: {  	[tilespmem:s3], [sflag:$0x2] =	stream.linear.gather [hbm4b:s5+s3], $0x50, $0x38;
	[tilespmem:$0x5100] =	vst v63  }
0x3a: {  	_ =	swait.ge [sflag:s4], $0x50  }
0x3b: {  	[sflag:s4] =	ssyncset.done $0x0  }
0x3c: {  	[sflag:s4] =	ssyncadd.s32 $0xFFFFFFB0  }
0x3d: {  	[tilespmem:s7], [sflag:$0x2] =	stream.linear.gather [hbm4b:s6+s3], $0x50, $0x38;
	[tilespmem:$0x5100] =	vst v63  }
0x3e: {  	_ =	swait.ge [sflag:s4], $0x50  }
0x3f: {  	[sflag:s4] =	ssyncset.done $0x0  }
0x40: {  	[sflag:s4] =	ssyncadd.s32 $0xFFFFFFB0  }
0x41: {  	[tilespmem:s9], [sflag:$0x1] =	stream.indirect.gather [hbm4b:s2+s8], $0x80, s3, s8, $0xb8;
	[tilespmem:$0x5100] =	vst v63  }
0x42: {  	_ =	swait.ge [sflag:s10], $0x2800  }
0x43: {  	[sflag:s10] =	ssyncset.done $0x0  }
0x44: {  	[sflag:s10] =	ssyncadd.s32 $0xFFFFD800  }
0x45: {  	[tilespmem:s11], [sflag:$0x1] =	stream.indirect.gather [hbm4b:s2+s8], $0x80, s7, s8, $0xb8;
	[tilespmem:$0x5100] =	vst v63  }
0x46: {  	_ =	swait.ge [sflag:s10], $0x2800  }
0x47: {  	[sflag:s10] =	ssyncset.done $0x0  }
0x48: {  	[sflag:s10] =	ssyncadd.s32 $0xFFFFD800  }
0x49: {  	[hbm4b:s12+s3] =	stream.linear.scatter [tilespmem:s9], [sflag:$0x2], $0x2800, $0x38;
	[tilespmem:$0x5100] =	vst v63  }
0x4a: {  	_ =	swait.ge [sflag:s4], $0x2800  }
0x4b: {  	[sflag:s4] =	ssyncset.done $0x0  }
0x4c: {  	[sflag:s4] =	ssyncadd.s32 $0xFFFFD800  }
0x4d: {  	[hbm4b:s13+s3] =	stream.linear.scatter [tilespmem:s11], [sflag:$0x2], $0x2800, $0x38;
	[tilespmem:$0x5100] =	vst v63  }
0x4e: {  	_ =	swait.ge [sflag:s4], $0x2800  }
0x4f: {  	[sflag:s4] =	ssyncset.done $0x0  }
0x50: {  	[sflag:s4] =	ssyncadd.s32 $0xFFFFD800  }
0x51: {  	[tilespmem:s3], [sflag:$0x2] =	stream.linear.gather [hbm4b:s14+s3], $0x50, $0x38;
	[tilespmem:$0x5100] =	vst v63  }
0x52: {  	_ =	swait.ge [sflag:s4], $0x50  }
0x53: {  	[sflag:s4] =	ssyncset.done $0x0  }
0x54: {  	[sflag:s4] =	ssyncadd.s32 $0xFFFFFFB0  }
0x55: {  	[tilespmem:s7], [sflag:$0x2] =	stream.linear.gather [hbm4b:s15+s3], $0x50, $0x38;
	[tilespmem:$0x5100] =	vst v63  }
0x56: {  	_ =	swait.ge [sflag:s4], $0x50  }
0x57: {  	[sflag:s4] =	ssyncset.done $0x0  }
0x58: {  	[sflag:s4] =	ssyncadd.s32 $0xFFFFFFB0  }
0x59: {  	[tilespmem:s9], [sflag:$0x1] =	stream.indirect.gather [hbm4b:s2+s8], $0x80, s3, s8, $0xb8;
	[tilespmem:$0x5100] =	vst v63  }
0x5a: {  	_ =	swait.ge [sflag:s10], $0x2800  }
0x5b: {  	[sflag:s10] =	ssyncset.done $0x0  }
0x5c: {  	[sflag:s10] =	ssyncadd.s32 $0xFFFFD800  }
0x5d: {  	[tilespmem:s11], [sflag:$0x1] =	stream.indirect.gather [hbm4b:s2+s8], $0x80, s7, s8, $0xb8;
	[tilespmem:$0x5100] =	vst v63  }
0x5e: {  	_ =	swait.ge [sflag:s10], $0x2800  }
0x5f: {  	[sflag:s10] =	ssyncset.done $0x0  }
0x60: {  	[sflag:s10] =	ssyncadd.s32 $0xFFFFD800  }
0x61: {  	[hbm4b:s16+s3] =	stream.linear.scatter [tilespmem:s9], [sflag:$0x2], $0x2800, $0x38;
	[tilespmem:$0x5100] =	vst v63  }
0x62: {  	_ =	swait.ge [sflag:s4], $0x2800  }
.Ltmp1:
0x63: {  	[sflag:s4] =	ssyncset.done $0x0;
	(pc) =	sbr.rel @p0 .LBB2_1-.Ltmp1, $4  }
0x64: {  	[sflag:s4] =	ssyncadd.s32 $0xFFFFD800  }
0x65: {  	[hbm4b:s17+s3] =	stream.linear.scatter [tilespmem:s11], [sflag:$0x2], $0x2800, $0x38;
	[tilespmem:$0x5100] =	vst v63  }
0x66: {  	_ =	swait.ge [sflag:s4], $0x2800  }
0x67: {  	[sflag:s4] =	ssyncset.done $0x0  }
.LBB2_2:
0x68: {  	[sflag:s4] =	ssyncadd.s32 $0xFFFFD800  }
0x69: {  	_ =	sfence.sel $0x180000  }
0x6a: {  	[bflag:$0x0] =	sbarrier.arrive $0xFFFF  }
0x6b: {  	p0 =	sne.s32 s0, $0x0;
	_ =	strace $0x90000056  }
0x6c: {  	s0 =	sadd.s32 @!p0 $0x100000, s1;
	[bflag:$0x2] =	sbarrier.arrive $0xFFFF  }
0x6d: {  	[sflag:s0] =	ssyncadd.tile.s32 @!p0 $0x1;
	_ =	shalt  }
.Lfunc_end2:
_tile_overlayer_lowered:
.L_overlay_start_2:
0x6e: {  	(tag) =	ssettag $0x2  }
0x6f: {  	s0 =	rddreg [dreg:$0x0];
	s2 =	stileid.u32  }
0x70: {  	s1 =	rddreg [dreg:$0x1];
	p0 =	sne.s32 s2, $0x0  }
0x71: {  	s3 =	rddreg [dreg:$0x2];
	[bflag:$0x3] =	sbarrier.arrive $0xFFFF;
	s2 =	simm.s32 @!p0 $0x1C02  }
0x72: {  	[timem:s3], [sflag:s2] =	dma.local @!p0 [hbm:s0], s1  }
0x73: {  	s0 =	simm.s32 @!p0 $0x2  }
0x74: {  	_ =	swait.ge @!p0 [sflag:s0], s1  }
0x75: {  	s1 =	ssub.s32 @!p0 $0x0, s1;
	[sflag:s0] =	ssyncset.done @!p0 $0x0  }
0x76: {  	[sflag:s0] =	ssyncadd.s32 @!p0 s1  }
0x77: {  	[bflag:$0x3] =	sbarrier.arrive $0xFFFF  }
0x78: {  	_ =	shalt  }

</sc_bundles>
